<compile_context>
chip_gen: v7x
topology: tpu7x:2x2x1
jax: 0.10.2.dev20260603
libtpu: 0.0.44.dev20260713+nightly
codegen_flags: <defaults>
</compile_context>

<pallas_src>
import functools

import jax
import jax.numpy as jnp
from jax import lax
from jax.experimental import pallas as pl
from jax.experimental.pallas import tpu as pltpu
from jax.experimental.pallas import tpu_sc as plsc

B = 2
N = 5000
NPAD = 5120
C = 20
K = 200
KPAD = 256
CONF_T = 0.01
IOU_T = 0.45
NEG = -1e9
BIGI = 2**30
IMG = 512.0
NTASK = B * C
NW = 32
NSC = 32


def _decode_body(yt_ref, s_o, x0_o, y0_o, x1_o, y1_o, a2_o):
    cx = yt_ref[21] * yt_ref[29] * yt_ref[27] + yt_ref[25]
    cy = yt_ref[22] * yt_ref[30] * yt_ref[28] + yt_ref[26]
    w = jnp.exp(yt_ref[23] * yt_ref[31]) * yt_ref[27]
    h = jnp.exp(yt_ref[24] * yt_ref[32]) * yt_ref[28]
    x0 = (cx - 0.5 * w) * IMG
    y0 = (cy - 0.5 * h) * IMG
    x1 = (cx + 0.5 * w) * IMG
    y1 = (cy + 0.5 * h) * IMG
    x0_o[...] = x0
    y0_o[...] = y0
    x1_o[...] = x1
    y1_o[...] = y1
    a2_o[...] = jnp.maximum(x1 - x0, 0.0) * jnp.maximum(y1 - y0, 0.0)
    for c in range(C):
        sc = yt_ref[1 + c]
        sc = jnp.where(sc > CONF_T, sc, NEG)
        for b in range(B):
            s_o[b * C + c:b * C + c + 1, :] = sc[b:b + 1, :]


def _decode(yt):
    f32 = jnp.float32
    return pl.pallas_call(
        _decode_body,
        out_shape=[jax.ShapeDtypeStruct((NTASK, NPAD), f32)] +
                  [jax.ShapeDtypeStruct((B, NPAD), f32) for _ in range(5)],
    )(yt)


def _nms_body(s_h, x0_h, y0_h, x1_h, y1_h, a2_h,
              selO, x0O, y0O, x1O, y1O,
              sc_v, idx_v, x0_v, y0_v, x1_v, y1_v, a2_v,
              sel_o, x0_o, y0_o, x1_o, y1_o):
    i32 = jnp.int32
    f32 = jnp.float32
    iota = lax.broadcasted_iota(i32, (16,), 0)
    lane0 = iota == 0
    negv = jnp.full((16,), NEG, f32)
    zerov = jnp.full((16,), 0.0, f32)
    zeroi = jnp.full((16,), 0, i32)
    truem = iota >= 0
    w = lax.axis_index("s") * 2 + lax.axis_index("c")

    def do_task(task):
        b = task // C
        pltpu.sync_copy(s_h.at[pl.ds(task * NPAD, NPAD)], sc_v)
        pltpu.sync_copy(x0_h.at[pl.ds(b * NPAD, NPAD)], x0_v)
        pltpu.sync_copy(y0_h.at[pl.ds(b * NPAD, NPAD)], y0_v)
        pltpu.sync_copy(x1_h.at[pl.ds(b * NPAD, NPAD)], x1_v)
        pltpu.sync_copy(y1_h.at[pl.ds(b * NPAD, NPAD)], y1_v)
        pltpu.sync_copy(a2_h.at[pl.ds(b * NPAD, NPAD)], a2_v)

        def initf(j, _):
            posv = j * 16 + iota
            sel_o[pl.ds(j * 16, 16)] = jnp.where(posv < K, 0.0, NEG)
            x0_o[pl.ds(j * 16, 16)] = zerov
            y0_o[pl.ds(j * 16, 16)] = zerov
            x1_o[pl.ds(j * 16, 16)] = zerov
            y1_o[pl.ds(j * 16, 16)] = zerov
            return 0
        lax.fori_loop(0, KPAD // 16, initf, 0, unroll=True)

        def iinit(j, carry):
            n, bv, bp = carry
            base = j * 64
            scs, masks, csl = [], [], []
            for u in range(4):
                sc = sc_v[pl.ds(base + u * 16, 16)]
                m = sc > CONF_T
                scs.append(sc)
                masks.append(m)
                csl.append(plsc.cumsum(m.astype(i32)))
            for u in range(4):
                sc, m, cs = scs[u], masks[u], csl[u]
                pos = n + cs - 1
                orig = base + u * 16 + iota
                plsc.store_scatter(sc_v, [pos], sc, mask=m)
                plsc.store_scatter(idx_v, [pos], orig, mask=m)
                n = n + plsc.all_reduce_population_count(m)
                cand = jnp.where(m, sc, negv)
                upd = cand > bv
                bv = jnp.maximum(bv, cand)
                bp = jnp.where(upd, pos, bp)
            return (n, bv, bp)

        n, bv, bp = plsc.parallel_loop(0, NPAD // 64, 1, unroll=2,
                                       carry=(zeroi, negv, zeroi))(
            lambda j, c: iinit(j, c))
        for u in range(4):
            plsc.store_scatter(sc_v, [n + u * 16 + iota], negv, mask=truem)
            plsc.store_scatter(idx_v, [n + u * 16 + iota], zeroi, mask=truem)
        m0 = jnp.max(bv)
        p0 = jnp.min(jnp.where(bv == m0, bp, BIGI))

        def cond(carry):
            t, n, m, p = carry
            return (t < K) & (m > CONF_T)

        def body(carry):
            t, n, m, p = carry
            bq_s = jnp.full((16,), p, i32)
            t_s = jnp.full((16,), t, i32)
            origp = plsc.load_gather(idx_v, [bq_s])
            plsc.store_scatter(sc_v, [bq_s], negv, mask=lane0)
            bx0 = plsc.load_gather(x0_v, [origp])
            by0 = plsc.load_gather(y0_v, [origp])
            bx1 = plsc.load_gather(x1_v, [origp])
            by1 = plsc.load_gather(y1_v, [origp])
            plsc.store_scatter(sel_o, [t_s], jnp.full((16,), m, f32), mask=lane0)
            plsc.store_scatter(x0_o, [t_s], bx0, mask=lane0)
            plsc.store_scatter(y0_o, [t_s], by0, mask=lane0)
            plsc.store_scatter(x1_o, [t_s], bx1, mask=lane0)
            plsc.store_scatter(y1_o, [t_s], by1, mask=lane0)
            a1 = (jnp.maximum(bx1 - bx0, 0.0) *
                  jnp.maximum(by1 - by0, 0.0))
            n_s = jnp.max(n)
            nch = (n_s + 63) // 64

            def ichunk(j, carry):
                n2, bv, bp = carry
                base = j * 64
                scs, idxs, keeps, csl = [], [], [], []
                for u in range(4):
                    sc = sc_v[pl.ds(base + u * 16, 16)]
                    idxc = idx_v[pl.ds(base + u * 16, 16)]
                    x0c = plsc.load_gather(x0_v, [idxc])
                    y0c = plsc.load_gather(y0_v, [idxc])
                    x1c = plsc.load_gather(x1_v, [idxc])
                    y1c = plsc.load_gather(y1_v, [idxc])
                    a2c = plsc.load_gather(a2_v, [idxc])
                    iw = jnp.maximum(jnp.minimum(bx1, x1c) -
                                     jnp.maximum(bx0, x0c), 0.0)
                    ih = jnp.maximum(jnp.minimum(by1, y1c) -
                                     jnp.maximum(by0, y0c), 0.0)
                    inter = iw * ih
                    union = a1 + a2c - inter
                    iou = inter / jnp.maximum(union, 1e-8)
                    keep = iou < IOU_T
                    scs.append(sc)
                    idxs.append(idxc)
                    keeps.append(keep)
                    csl.append(plsc.cumsum(keep.astype(i32)))
                nm = n2 - 1
                for u in range(4):
                    sc, idxc, keep, cs = scs[u], idxs[u], keeps[u], csl[u]
                    pos = nm + cs
                    plsc.store_scatter(sc_v, [pos], sc, mask=keep)
                    plsc.store_scatter(idx_v, [pos], idxc, mask=keep)
                    nm = nm + plsc.all_reduce_population_count(keep)
                    cand = jnp.where(keep, sc, negv)
                    upd = cand > bv
                    bv = jnp.maximum(bv, cand)
                    bp = jnp.where(upd, pos, bp)
                return (nm + 1, bv, bp)

            n2, bv, bp = plsc.parallel_loop(0, nch, 1, unroll=6,
                                            carry=(zeroi, negv, zeroi))(
                lambda j, c: ichunk(j, c))
            for u in range(4):
                plsc.store_scatter(sc_v, [n2 + u * 16 + iota], negv, mask=truem)
                plsc.store_scatter(idx_v, [n2 + u * 16 + iota], zeroi, mask=truem)
            m2 = jnp.max(bv)
            p2 = jnp.min(jnp.where(bv == m2, bp, BIGI))
            return (t + 1, n2, m2, p2)

        lax.while_loop(cond, body, (jnp.int32(0), n, m0, p0))

        pltpu.sync_copy(sel_o, selO.at[pl.ds(task * KPAD, KPAD)])
        pltpu.sync_copy(x0_o, x0O.at[pl.ds(task * KPAD, KPAD)])
        pltpu.sync_copy(y0_o, y0O.at[pl.ds(task * KPAD, KPAD)])
        pltpu.sync_copy(x1_o, x1O.at[pl.ds(task * KPAD, KPAD)])
        pltpu.sync_copy(y1_o, y1O.at[pl.ds(task * KPAD, KPAD)])

    do_task(w)


def _nms_sc(s, x0, y0, x1, y1, a2):
    f32 = jnp.float32
    i32 = jnp.int32
    mesh = plsc.VectorSubcoreMesh(core_axis_name="c", subcore_axis_name="s")
    fn = functools.partial(
        pl.kernel, mesh=mesh,
        compiler_params=pltpu.CompilerParams(needs_layout_passes=False),
        out_type=[jax.ShapeDtypeStruct((NSC * KPAD,), f32) for _ in range(5)],
        scratch_types=[
            pltpu.VMEM((NPAD,), f32),
            pltpu.VMEM((NPAD,), i32),
            pltpu.VMEM((NPAD,), f32),
            pltpu.VMEM((NPAD,), f32),
            pltpu.VMEM((NPAD,), f32),
            pltpu.VMEM((NPAD,), f32),
            pltpu.VMEM((NPAD,), f32),
            pltpu.VMEM((KPAD,), f32),
            pltpu.VMEM((KPAD,), f32),
            pltpu.VMEM((KPAD,), f32),
            pltpu.VMEM((KPAD,), f32),
            pltpu.VMEM((KPAD,), f32),
        ],
    )(_nms_body)
    return fn(s, x0, y0, x1, y1, a2)


def _merge_body(selO, x0O, y0O, x1O, y1O,
                clsF, selF, x0F, y0F, x1F, y1F,
                sel2d, x02d, y02d, x12d, y12d,
                cls_o, sel_o, x0_o, y0_o, x1_o, y1_o):
    i32 = jnp.int32
    f32 = jnp.float32
    iota = lax.broadcasted_iota(i32, (16,), 0)
    lane0 = iota == 0
    negv = jnp.full((16,), NEG, f32)
    w = lax.axis_index("s") * 2 + lax.axis_index("c")

    @pl.when(w < B)
    def _():
        b = w
        pltpu.sync_copy(selO.at[pl.ds(b * C * KPAD, C * KPAD)], sel2d)
        pltpu.sync_copy(x0O.at[pl.ds(b * C * KPAD, C * KPAD)], x02d)
        pltpu.sync_copy(y0O.at[pl.ds(b * C * KPAD, C * KPAD)], y02d)
        pltpu.sync_copy(x1O.at[pl.ds(b * C * KPAD, C * KPAD)], x12d)
        pltpu.sync_copy(y1O.at[pl.ds(b * C * KPAD, C * KPAD)], y12d)

        rowA = iota
        laneB = iota < (C - 16)
        rowB = jnp.where(laneB, iota + 16, C - 1)

        def step(t, carry):
            hA, hB = carry
            hvA = plsc.load_gather(sel2d, [rowA * KPAD + hA])
            hvB = plsc.load_gather(sel2d, [rowB * KPAD + hB])
            hvB = jnp.where(laneB, hvB, negv)
            m = jnp.maximum(jnp.max(hvA), jnp.max(hvB))
            fA = jnp.where(hvA == m, rowA * K + hA, BIGI)
            fB = jnp.where((hvB == m) & laneB, rowB * K + hB, BIGI)
            f = jnp.minimum(jnp.min(fA), jnp.min(fB))
            cstar = f // K
            kstar = f - cstar * K
            valid = m > CONF_T
            cs_s = jnp.full((16,), cstar, i32)
            ks_s = jnp.full((16,), kstar, i32)
            t_s = jnp.full((16,), t, i32)
            vf = jnp.where(valid, 1.0, 0.0)
            pk_s = cs_s * KPAD + ks_s
            x0p = plsc.load_gather(x02d, [pk_s]) * vf
            y0p = plsc.load_gather(y02d, [pk_s]) * vf
            x1p = plsc.load_gather(x12d, [pk_s]) * vf
            y1p = plsc.load_gather(y12d, [pk_s]) * vf
            clsv = jnp.where(valid, (cstar + 1).astype(f32), 0.0)
            selv = jnp.where(valid, m, 0.0)
            plsc.store_scatter(cls_o, [t_s], jnp.full((16,), clsv, f32), mask=lane0)
            plsc.store_scatter(sel_o, [t_s], jnp.full((16,), selv, f32), mask=lane0)
            plsc.store_scatter(x0_o, [t_s], x0p, mask=lane0)
            plsc.store_scatter(y0_o, [t_s], y0p, mask=lane0)
            plsc.store_scatter(x1_o, [t_s], x1p, mask=lane0)
            plsc.store_scatter(y1_o, [t_s], y1p, mask=lane0)
            hA2 = hA + jnp.where(rowA == cstar, 1, 0)
            hB2 = hB + jnp.where((rowB == cstar) & laneB, 1, 0)
            return (hA2, hB2)

        zi = jnp.full((16,), 0, i32)
        lax.fori_loop(0, K, step, (zi, zi))

        pltpu.sync_copy(cls_o, clsF.at[pl.ds(b * KPAD, KPAD)])
        pltpu.sync_copy(sel_o, selF.at[pl.ds(b * KPAD, KPAD)])
        pltpu.sync_copy(x0_o, x0F.at[pl.ds(b * KPAD, KPAD)])
        pltpu.sync_copy(y0_o, y0F.at[pl.ds(b * KPAD, KPAD)])
        pltpu.sync_copy(x1_o, x1F.at[pl.ds(b * KPAD, KPAD)])
        pltpu.sync_copy(y1_o, y1F.at[pl.ds(b * KPAD, KPAD)])


def _merge_sc(selO, x0O, y0O, x1O, y1O):
    f32 = jnp.float32
    mesh = plsc.VectorSubcoreMesh(core_axis_name="c", subcore_axis_name="s")
    fn = functools.partial(
        pl.kernel, mesh=mesh,
        compiler_params=pltpu.CompilerParams(needs_layout_passes=False),
        out_type=[jax.ShapeDtypeStruct((B * KPAD,), f32) for _ in range(6)],
        scratch_types=[
            pltpu.VMEM((C * KPAD,), f32),
            pltpu.VMEM((C * KPAD,), f32),
            pltpu.VMEM((C * KPAD,), f32),
            pltpu.VMEM((C * KPAD,), f32),
            pltpu.VMEM((C * KPAD,), f32),
            pltpu.VMEM((KPAD,), f32),
            pltpu.VMEM((KPAD,), f32),
            pltpu.VMEM((KPAD,), f32),
            pltpu.VMEM((KPAD,), f32),
            pltpu.VMEM((KPAD,), f32),
            pltpu.VMEM((KPAD,), f32),
        ],
    )(_merge_body)
    return fn(selO, x0O, y0O, x1O, y1O)


RTC = NTASK - NSC


def _tcnms_body(s_ref, x0_ref, y0_ref, x1_ref, y1_ref, a2_ref,
                sel_o, bx0_o, by0_o, bx1_o, by1_o, S):
    i32 = jnp.int32
    lane = lax.broadcasted_iota(i32, (1, NPAD), 1)
    col = lax.broadcasted_iota(i32, (1, KPAD), 1)
    S[...] = s_ref[...]
    negrow = jnp.where(col < K, 0.0, NEG)
    sel_o[...] = jnp.broadcast_to(negrow, (RTC, KPAD))
    z = jnp.zeros((RTC, KPAD), jnp.float32)
    bx0_o[...] = z
    by0_o[...] = z
    bx1_o[...] = z
    by1_o[...] = z
    x0a = x0_ref[...]
    y0a = y0_ref[...]
    x1a = x1_ref[...]
    y1a = y1_ref[...]
    a2a = a2_ref[...]

    def step(t, _):
        s = S[...]
        m = jnp.max(s, axis=1, keepdims=True)
        keep = m > CONF_T
        eq = s == m
        bidx = jnp.min(jnp.where(eq, lane, BIGI), axis=1, keepdims=True)
        oh = lane == bidx
        bx0 = jnp.sum(jnp.where(oh, x0a, 0.0), axis=1, keepdims=True)
        by0 = jnp.sum(jnp.where(oh, y0a, 0.0), axis=1, keepdims=True)
        bx1 = jnp.sum(jnp.where(oh, x1a, 0.0), axis=1, keepdims=True)
        by1 = jnp.sum(jnp.where(oh, y1a, 0.0), axis=1, keepdims=True)
        iw = jnp.maximum(jnp.minimum(bx1, x1a) - jnp.maximum(bx0, x0a), 0.0)
        ih = jnp.maximum(jnp.minimum(by1, y1a) - jnp.maximum(by0, y0a), 0.0)
        inter = iw * ih
        a1 = jnp.maximum(bx1 - bx0, 0.0) * jnp.maximum(by1 - by0, 0.0)
        union = a1 + a2a - inter
        iou = inter / jnp.maximum(union, 1e-8)
        ns = jnp.where(iou >= IOU_T, NEG, s)
        ns = jnp.where(oh, NEG, ns)
        S[...] = jnp.where(keep, ns, s)
        cm = (col == t) & keep
        sel_o[...] += jnp.where(cm, m, 0.0)
        bx0_o[...] += jnp.where(cm, bx0, 0.0)
        by0_o[...] += jnp.where(cm, by0, 0.0)
        bx1_o[...] += jnp.where(cm, bx1, 0.0)
        by1_o[...] += jnp.where(cm, by1, 0.0)
        return 0

    lax.fori_loop(0, K, step, 0)


def _tcnms(s8, x0, y0, x1, y1, a2):
    f32 = jnp.float32
    return pl.pallas_call(
        _tcnms_body,
        out_shape=[jax.ShapeDtypeStruct((RTC, KPAD), f32) for _ in range(5)],
        scratch_shapes=[pltpu.VMEM((RTC, NPAD), f32)],
    )(s8, x0, y0, x1, y1, a2)


def kernel(y_pred):
    yt = jnp.transpose(y_pred, (2, 0, 1))
    yt = jnp.pad(yt, ((0, 0), (0, 0), (0, NPAD - N)))
    s, x0, y0, x1, y1, a2 = _decode(yt)
    sc_outs = _nms_sc(s[:NSC].reshape(-1), x0.reshape(-1), y0.reshape(-1),
                      x1.reshape(-1), y1.reshape(-1), a2.reshape(-1))
    tc_outs = _tcnms(s[NSC:], x0[1:2], y0[1:2], x1[1:2], y1[1:2], a2[1:2])
    full = [jnp.concatenate([a, b.reshape(-1)])
            for a, b in zip(sc_outs, tc_outs)]
    fin = _merge_sc(*full)
    fin = [f.reshape(B, KPAD) for f in fin]
    det = jnp.stack(fin, axis=-1)
    return det[:, :K, :]

# --- scband reference (transcript-rebuilt; emitter-appended) ---
"""Pipeline reference for scband-decode-detections-12747462934797 (READ-ONLY COPY).

The authoritative reference and input builder live on the scoring server;
editing this copy changes nothing except your own understanding.
"""

import jax, jax.numpy as jnp
import numpy as np

CONF_THRESH = 0.01
IOU_THRESH = 0.45
TOP_K = 200
NMS_MAX = 200
IMG_H = 512.0
IMG_W = 512.0
NEG = -1e9


def setup_inputs(seed: int = 0) -> dict:
    key = jax.random.key(seed)
    y_pred = jax.random.uniform(key, (2, 5000, 33), dtype=jnp.float32)
    return {"y_pred": y_pred}


def _iou(box, boxes):
    ixmin = jnp.maximum(box[0], boxes[:, 0])
    iymin = jnp.maximum(box[1], boxes[:, 1])
    ixmax = jnp.minimum(box[2], boxes[:, 2])
    iymax = jnp.minimum(box[3], boxes[:, 3])
    iw = jnp.maximum(ixmax - ixmin, 0.0)
    ih = jnp.maximum(iymax - iymin, 0.0)
    inter = iw * ih
    area1 = jnp.maximum(box[2] - box[0], 0.0) * jnp.maximum(box[3] - box[1], 0.0)
    area2 = jnp.maximum(boxes[:, 2] - boxes[:, 0], 0.0) * jnp.maximum(boxes[:, 3] - boxes[:, 1], 0.0)
    union = area1 + area2 - inter
    return inter / jnp.maximum(union, 1e-8)


def _nms(boxes, scores):
    # boxes: [N,4] (xmin,ymin,xmax,ymax); scores: [N]
    sc0 = jnp.where(scores > CONF_THRESH, scores, NEG)

    def step(sc, _):
        best = jnp.argmax(sc)
        bs = sc[best]
        keep = bs > CONF_THRESH
        bbox = boxes[best]
        iou = _iou(bbox, boxes)
        sc_new = jnp.where(iou >= IOU_THRESH, NEG, sc)
        sc_new = sc_new.at[best].set(NEG)
        sc_new = jnp.where(keep, sc_new, sc)
        out = (jnp.where(keep, best, 0).astype(jnp.int32),
               jnp.where(keep, bs, 0.0),
               keep.astype(jnp.float32))
        return sc_new, out

    _, (idxs, sels, valids) = jax.lax.scan(jax.checkpoint(step), sc0, None, length=NMS_MAX)
    return idxs, sels, valids


def _decode_detections(y_pred):
    cx = y_pred[..., -12] * y_pred[..., -4] * y_pred[..., -6] + y_pred[..., -8]
    cy = y_pred[..., -11] * y_pred[..., -3] * y_pred[..., -5] + y_pred[..., -7]
    w = jnp.exp(y_pred[..., -10] * y_pred[..., -2]) * y_pred[..., -6]
    h = jnp.exp(y_pred[..., -9] * y_pred[..., -1]) * y_pred[..., -5]
    xmin = (cx - 0.5 * w) * IMG_W
    ymin = (cy - 0.5 * h) * IMG_H
    xmax = (cx + 0.5 * w) * IMG_W
    ymax = (cy + 0.5 * h) * IMG_H
    boxes = jnp.stack([xmin, ymin, xmax, ymax], axis=-1)  # [B,N,4]
    conf = y_pred[..., :-12]  # [B,N,n_classes]
    n_classes = conf.shape[-1]

    def per_item(boxes_b, conf_b):
        scores_cls = conf_b[:, 1:].T  # [C-1, N], skip background class 0
        idxs, sels, valids = jax.vmap(_nms, in_axes=(None, 0))(boxes_b, scores_cls)
        cls_ids = jnp.arange(1, n_classes, dtype=jnp.float32)[:, None] * jnp.ones_like(sels)
        coords = boxes_b[idxs]  # [C-1, K, 4]
        dets = jnp.concatenate([cls_ids[..., None], sels[..., None], coords], axis=-1)
        dets = dets * valids[..., None]  # zero out invalid (padding) rows
        flat = dets.reshape(-1, 6)
        _, topi = jax.lax.top_k(flat[:, 1], TOP_K)
        return flat[topi]

    return jax.vmap(per_item)(boxes, conf)


def reference(y_pred):
    # Returns [batch, top_k, 6] with rows [class_id, confidence, xmin, ymin, xmax, ymax]
    return _decode_detections(y_pred)

if __name__ == "__main__":
    import jax
    _d = setup_inputs()
    print(jax.jit(kernel)(*tuple(_d.values())))

</pallas_src>

<mosaic_0001>
#map = affine_map<(d0, d1) -> (0)>
module attributes {stable_mosaic.version = 14 : i64} {
  func.func @_nms_body(%arg0: i32, %arg1: i32, %arg2: memref<163840xf32, #tpu.memory_space<hbm>>, %arg3: memref<10240xf32, #tpu.memory_space<hbm>>, %arg4: memref<10240xf32, #tpu.memory_space<hbm>>, %arg5: memref<10240xf32, #tpu.memory_space<hbm>>, %arg6: memref<10240xf32, #tpu.memory_space<hbm>>, %arg7: memref<10240xf32, #tpu.memory_space<hbm>>, %arg8: memref<8192xf32, #tpu.memory_space<hbm>>, %arg9: memref<8192xf32, #tpu.memory_space<hbm>>, %arg10: memref<8192xf32, #tpu.memory_space<hbm>>, %arg11: memref<8192xf32, #tpu.memory_space<hbm>>, %arg12: memref<8192xf32, #tpu.memory_space<hbm>>, %arg13: memref<5120xf32, #tpu.memory_space<vmem>>, %arg14: memref<5120xi32, #tpu.memory_space<vmem>>, %arg15: memref<5120xf32, #tpu.memory_space<vmem>>, %arg16: memref<5120xf32, #tpu.memory_space<vmem>>, %arg17: memref<5120xf32, #tpu.memory_space<vmem>>, %arg18: memref<5120xf32, #tpu.memory_space<vmem>>, %arg19: memref<5120xf32, #tpu.memory_space<vmem>>, %arg20: memref<256xf32, #tpu.memory_space<vmem>>, %arg21: memref<256xf32, #tpu.memory_space<vmem>>, %arg22: memref<256xf32, #tpu.memory_space<vmem>>, %arg23: memref<256xf32, #tpu.memory_space<vmem>>, %arg24: memref<256xf32, #tpu.memory_space<vmem>>) attributes {dimension_semantics = [#tpu.dimension_semantics<core_parallel>, #tpu.dimension_semantics<subcore_parallel>], iteration_bounds = array<i64: 2, 16>, scalar_prefetch = 0 : i64, scratch_operands = 12 : i64, tpu.core_type = #tpu.core_type<sc_vector_subcore>, window_params = [{transform_indices = #map}, {transform_indices = #map}, {transform_indices = #map}, {transform_indices = #map}, {transform_indices = #map}, {transform_indices = #map}, {transform_indices = #map}, {transform_indices = #map}, {transform_indices = #map}, {transform_indices = #map}, {transform_indices = #map}]} {
    %iota3A = tpu.iota {dimensions = array<i32: 0>} : vector<16xi32>
    %eq3A = arith.constant 0 : i32
    %eq3A_0 = vector.broadcast %eq3A : i32 to vector<16xi32>
    %eq3A_1 = arith.cmpi eq, %iota3A, %eq3A_0 : vector<16xi32>
    %broadcast_in_dim3A = arith.constant -1.000000e+09 : f32
    %broadcast_in_dim3A_2 = vector.broadcast %broadcast_in_dim3A : f32 to vector<16xf32>
    %broadcast_in_dim3A_3 = arith.constant 0.000000e+00 : f32
    %broadcast_in_dim3A_4 = vector.broadcast %broadcast_in_dim3A_3 : f32 to vector<16xf32>
    %broadcast_in_dim3A_5 = arith.constant 0 : i32
    %broadcast_in_dim3A_6 = vector.broadcast %broadcast_in_dim3A_5 : i32 to vector<16xi32>
    %ge3A = arith.constant 0 : i32
    %ge3A_7 = vector.broadcast %ge3A : i32 to vector<16xi32>
    %ge3A_8 = arith.cmpi sge, %iota3A, %ge3A_7 : vector<16xi32>
    %mul3A = arith.constant 2 : i32
    %mul3A_9 = arith.muli %arg1, %mul3A : i32
    %add3A = arith.addi %mul3A_9, %arg0 : i32
    %jit3A = arith.constant 20 : i32
    %div3A = arith.divsi %add3A, %jit3A : i32
    %sign3A = arith.constant 0 : i32
    %sign3A_10 = arith.cmpi sgt, %add3A, %sign3A : i32
    %sign3A_11 = arith.extui %sign3A_10 : i1 to i32
    %sign3A_12 = arith.constant 0 : i32
    %sign3A_13 = arith.cmpi slt, %add3A, %sign3A_12 : i32
    %sign3A_14 = arith.extui %sign3A_13 : i1 to i32
    %sign3A_15 = arith.subi %sign3A_11, %sign3A_14 : i32
    %sign3A_16 = arith.constant 0 : i32
    %sign3A_17 = arith.cmpi sgt, %jit3A, %sign3A_16 : i32
    %sign3A_18 = arith.extui %sign3A_17 : i1 to i32
    %sign3A_19 = arith.constant 0 : i32
    %sign3A_20 = arith.cmpi slt, %jit3A, %sign3A_19 : i32
    %sign3A_21 = arith.extui %sign3A_20 : i1 to i32
    %sign3A_22 = arith.subi %sign3A_18, %sign3A_21 : i32
    %ne3A = arith.cmpi ne, %sign3A_15, %sign3A_22 : i32
    %rem3A = arith.remsi %add3A, %jit3A : i32
    %ne3A_23 = arith.constant 0 : i32
    %ne3A_24 = arith.cmpi ne, %rem3A, %ne3A_23 : i32
    %and3A = arith.andi %ne3A, %ne3A_24 : i1
    %sub3A = arith.constant 1 : i32
    %sub3A_25 = arith.subi %div3A, %sub3A : i32
    %select_n3A = arith.select %and3A, %sub3A_25, %div3A : i32
    %mul3A_26 = arith.constant 5120 : i32
    %mul3A_27 = arith.muli %add3A, %mul3A_26 : i32
    "tpu.region"() ({
      %run_scoped3A = tpu.sem_alloc : memref<!tpu.dma_semaphore, #tpu.memory_space<semaphore_mem>>
      %dma_start3A = tpu.memref_slice %arg2[%mul3A_27] : memref<163840xf32, #tpu.memory_space<hbm>> -> memref<5120xf32, #tpu.memory_space<hbm>>
      %dma_start3A_642 = tpu.memref_slice %arg2[%mul3A_27] : memref<163840xf32, #tpu.memory_space<hbm>> -> memref<5120xf32, #tpu.memory_space<hbm>>
      tpu.enqueue_dma source(%dma_start3A_642 : memref<5120xf32, #tpu.memory_space<hbm>>) target(%arg13 : memref<5120xf32, #tpu.memory_space<vmem>>) target_semaphore(%run_scoped3A : memref<!tpu.dma_semaphore, #tpu.memory_space<semaphore_mem>>)
      %dma_wait3A = tpu.memref_slice %arg2[%mul3A_27] : memref<163840xf32, #tpu.memory_space<hbm>> -> memref<5120xf32, #tpu.memory_space<hbm>>
      %dma_wait3A_643 = tpu.memref_slice %arg2[%mul3A_27] : memref<163840xf32, #tpu.memory_space<hbm>> -> memref<5120xf32, #tpu.memory_space<hbm>>
      tpu.wait_dma2 semaphore(%run_scoped3A : memref<!tpu.dma_semaphore, #tpu.memory_space<semaphore_mem>>) src(%dma_wait3A_643 : memref<5120xf32, #tpu.memory_space<hbm>>) dst(%arg13 : memref<5120xf32, #tpu.memory_space<vmem>>)
      tpu.yield
    }) : () -> ()
    %mul3A_28 = arith.constant 5120 : i32
    %mul3A_29 = arith.muli %select_n3A, %mul3A_28 : i32
    "tpu.region"() ({
      %run_scoped3A = tpu.sem_alloc : memref<!tpu.dma_semaphore, #tpu.memory_space<semaphore_mem>>
      %dma_start3A = tpu.memref_slice %arg3[%mul3A_29] : memref<10240xf32, #tpu.memory_space<hbm>> -> memref<5120xf32, #tpu.memory_space<hbm>>
      %dma_start3A_642 = tpu.memref_slice %arg3[%mul3A_29] : memref<10240xf32, #tpu.memory_space<hbm>> -> memref<5120xf32, #tpu.memory_space<hbm>>
      tpu.enqueue_dma source(%dma_start3A_642 : memref<5120xf32, #tpu.memory_space<hbm>>) target(%arg15 : memref<5120xf32, #tpu.memory_space<vmem>>) target_semaphore(%run_scoped3A : memref<!tpu.dma_semaphore, #tpu.memory_space<semaphore_mem>>)
      %dma_wait3A = tpu.memref_slice %arg3[%mul3A_29] : memref<10240xf32, #tpu.memory_space<hbm>> -> memref<5120xf32, #tpu.memory_space<hbm>>
      %dma_wait3A_643 = tpu.memref_slice %arg3[%mul3A_29] : memref<10240xf32, #tpu.memory_space<hbm>> -> memref<5120xf32, #tpu.memory_space<hbm>>
      tpu.wait_dma2 semaphore(%run_scoped3A : memref<!tpu.dma_semaphore, #tpu.memory_space<semaphore_mem>>) src(%dma_wait3A_643 : memref<5120xf32, #tpu.memory_space<hbm>>) dst(%arg15 : memref<5120xf32, #tpu.memory_space<vmem>>)
      tpu.yield
    }) : () -> ()
    %mul3A_30 = arith.constant 5120 : i32
    %mul3A_31 = arith.muli %select_n3A, %mul3A_30 : i32
    "tpu.region"() ({
      %run_scoped3A = tpu.sem_alloc : memref<!tpu.dma_semaphore, #tpu.memory_space<semaphore_mem>>
      %dma_start3A = tpu.memref_slice %arg4[%mul3A_31] : memref<10240xf32, #tpu.memory_space<hbm>> -> memref<5120xf32, #tpu.memory_space<hbm>>
      %dma_start3A_642 = tpu.memref_slice %arg4[%mul3A_31] : memref<10240xf32, #tpu.memory_space<hbm>> -> memref<5120xf32, #tpu.memory_space<hbm>>
      tpu.enqueue_dma source(%dma_start3A_642 : memref<5120xf32, #tpu.memory_space<hbm>>) target(%arg16 : memref<5120xf32, #tpu.memory_space<vmem>>) target_semaphore(%run_scoped3A : memref<!tpu.dma_semaphore, #tpu.memory_space<semaphore_mem>>)
      %dma_wait3A = tpu.memref_slice %arg4[%mul3A_31] : memref<10240xf32, #tpu.memory_space<hbm>> -> memref<5120xf32, #tpu.memory_space<hbm>>
      %dma_wait3A_643 = tpu.memref_slice %arg4[%mul3A_31] : memref<10240xf32, #tpu.memory_space<hbm>> -> memref<5120xf32, #tpu.memory_space<hbm>>
      tpu.wait_dma2 semaphore(%run_scoped3A : memref<!tpu.dma_semaphore, #tpu.memory_space<semaphore_mem>>) src(%dma_wait3A_643 : memref<5120xf32, #tpu.memory_space<hbm>>) dst(%arg16 : memref<5120xf32, #tpu.memory_space<vmem>>)
      tpu.yield
    }) : () -> ()
    %mul3A_32 = arith.constant 5120 : i32
    %mul3A_33 = arith.muli %select_n3A, %mul3A_32 : i32
    "tpu.region"() ({
      %run_scoped3A = tpu.sem_alloc : memref<!tpu.dma_semaphore, #tpu.memory_space<semaphore_mem>>
      %dma_start3A = tpu.memref_slice %arg5[%mul3A_33] : memref<10240xf32, #tpu.memory_space<hbm>> -> memref<5120xf32, #tpu.memory_space<hbm>>
      %dma_start3A_642 = tpu.memref_slice %arg5[%mul3A_33] : memref<10240xf32, #tpu.memory_space<hbm>> -> memref<5120xf32, #tpu.memory_space<hbm>>
      tpu.enqueue_dma source(%dma_start3A_642 : memref<5120xf32, #tpu.memory_space<hbm>>) target(%arg17 : memref<5120xf32, #tpu.memory_space<vmem>>) target_semaphore(%run_scoped3A : memref<!tpu.dma_semaphore, #tpu.memory_space<semaphore_mem>>)
      %dma_wait3A = tpu.memref_slice %arg5[%mul3A_33] : memref<10240xf32, #tpu.memory_space<hbm>> -> memref<5120xf32, #tpu.memory_space<hbm>>
      %dma_wait3A_643 = tpu.memref_slice %arg5[%mul3A_33] : memref<10240xf32, #tpu.memory_space<hbm>> -> memref<5120xf32, #tpu.memory_space<hbm>>
      tpu.wait_dma2 semaphore(%run_scoped3A : memref<!tpu.dma_semaphore, #tpu.memory_space<semaphore_mem>>) src(%dma_wait3A_643 : memref<5120xf32, #tpu.memory_space<hbm>>) dst(%arg17 : memref<5120xf32, #tpu.memory_space<vmem>>)
      tpu.yield
    }) : () -> ()
    %mul3A_34 = arith.constant 5120 : i32
    %mul3A_35 = arith.muli %select_n3A, %mul3A_34 : i32
    "tpu.region"() ({
      %run_scoped3A = tpu.sem_alloc : memref<!tpu.dma_semaphore, #tpu.memory_space<semaphore_mem>>
      %dma_start3A = tpu.memref_slice %arg6[%mul3A_35] : memref<10240xf32, #tpu.memory_space<hbm>> -> memref<5120xf32, #tpu.memory_space<hbm>>
      %dma_start3A_642 = tpu.memref_slice %arg6[%mul3A_35] : memref<10240xf32, #tpu.memory_space<hbm>> -> memref<5120xf32, #tpu.memory_space<hbm>>
      tpu.enqueue_dma source(%dma_start3A_642 : memref<5120xf32, #tpu.memory_space<hbm>>) target(%arg18 : memref<5120xf32, #tpu.memory_space<vmem>>) target_semaphore(%run_scoped3A : memref<!tpu.dma_semaphore, #tpu.memory_space<semaphore_mem>>)
      %dma_wait3A = tpu.memref_slice %arg6[%mul3A_35] : memref<10240xf32, #tpu.memory_space<hbm>> -> memref<5120xf32, #tpu.memory_space<hbm>>
      %dma_wait3A_643 = tpu.memref_slice %arg6[%mul3A_35] : memref<10240xf32, #tpu.memory_space<hbm>> -> memref<5120xf32, #tpu.memory_space<hbm>>
      tpu.wait_dma2 semaphore(%run_scoped3A : memref<!tpu.dma_semaphore, #tpu.memory_space<semaphore_mem>>) src(%dma_wait3A_643 : memref<5120xf32, #tpu.memory_space<hbm>>) dst(%arg18 : memref<5120xf32, #tpu.memory_space<vmem>>)
      tpu.yield
    }) : () -> ()
    %mul3A_36 = arith.constant 5120 : i32
    %mul3A_37 = arith.muli %select_n3A, %mul3A_36 : i32
    "tpu.region"() ({
      %run_scoped3A = tpu.sem_alloc : memref<!tpu.dma_semaphore, #tpu.memory_space<semaphore_mem>>
      %dma_start3A = tpu.memref_slice %arg7[%mul3A_37] : memref<10240xf32, #tpu.memory_space<hbm>> -> memref<5120xf32, #tpu.memory_space<hbm>>
      %dma_start3A_642 = tpu.memref_slice %arg7[%mul3A_37] : memref<10240xf32, #tpu.memory_space<hbm>> -> memref<5120xf32, #tpu.memory_space<hbm>>
      tpu.enqueue_dma source(%dma_start3A_642 : memref<5120xf32, #tpu.memory_space<hbm>>) target(%arg19 : memref<5120xf32, #tpu.memory_space<vmem>>) target_semaphore(%run_scoped3A : memref<!tpu.dma_semaphore, #tpu.memory_space<semaphore_mem>>)
      %dma_wait3A = tpu.memref_slice %arg7[%mul3A_37] : memref<10240xf32, #tpu.memory_space<hbm>> -> memref<5120xf32, #tpu.memory_space<hbm>>
      %dma_wait3A_643 = tpu.memref_slice %arg7[%mul3A_37] : memref<10240xf32, #tpu.memory_space<hbm>> -> memref<5120xf32, #tpu.memory_space<hbm>>
      tpu.wait_dma2 semaphore(%run_scoped3A : memref<!tpu.dma_semaphore, #tpu.memory_space<semaphore_mem>>) src(%dma_wait3A_643 : memref<5120xf32, #tpu.memory_space<hbm>>) dst(%arg19 : memref<5120xf32, #tpu.memory_space<vmem>>)
      tpu.yield
    }) : () -> ()
    %scan3A = arith.constant 0 : i32
    %scan3A_38 = arith.constant 0 : i32
    %mul3A_39 = arith.constant 16 : i32
    %mul3A_40 = arith.muli %scan3A_38, %mul3A_39 : i32
    %add3A_41 = vector.broadcast %mul3A_40 : i32 to vector<16xi32>
    %add3A_42 = arith.addi %add3A_41, %iota3A : vector<16xi32>
    %lt3A = arith.constant 200 : i32
    %lt3A_43 = vector.broadcast %lt3A : i32 to vector<16xi32>
    %lt3A_44 = arith.cmpi slt, %add3A_42, %lt3A_43 : vector<16xi32>
    %jit3A_45 = arith.constant 0.000000e+00 : f32
    %jit3A_46 = arith.constant -1.000000e+09 : f32
    %broadcast_in_dim3A_47 = vector.broadcast %jit3A_45 : f32 to vector<16xf32>
    %broadcast_in_dim3A_48 = vector.broadcast %jit3A_46 : f32 to vector<16xf32>
    %select_n3A_49 = arith.select %lt3A_44, %broadcast_in_dim3A_47, %broadcast_in_dim3A_48 : vector<16xi1>, vector<16xf32>
    %mul3A_50 = arith.constant 16 : i32
    %mul3A_51 = arith.muli %scan3A_38, %mul3A_50 : i32
    %swap3A = arith.index_cast %mul3A_51 : i32 to index
    %swap3A_52 = tpu.vector_load %arg20[%swap3A] {strides = array<i32>} : memref<256xf32, #tpu.memory_space<vmem>>, vector<16xf32>,
    tpu.vector_store %arg20[%swap3A], %select_n3A_49 {strides = array<i32>} : memref<256xf32, #tpu.memory_space<vmem>>, vector<16xf32>,
    %mul3A_53 = arith.constant 16 : i32
    %mul3A_54 = arith.muli %scan3A_38, %mul3A_53 : i32
    %swap3A_55 = arith.index_cast %mul3A_54 : i32 to index
    %swap3A_56 = tpu.vector_load %arg21[%swap3A_55] {strides = array<i32>} : memref<256xf32, #tpu.memory_space<vmem>>, vector<16xf32>,
    tpu.vector_store %arg21[%swap3A_55], %broadcast_in_dim3A_4 {strides = array<i32>} : memref<256xf32, #tpu.memory_space<vmem>>, vector<16xf32>,
    %mul3A_57 = arith.constant 16 : i32
    %mul3A_58 = arith.muli %scan3A_38, %mul3A_57 : i32
    %swap3A_59 = arith.index_cast %mul3A_58 : i32 to index
    %swap3A_60 = tpu.vector_load %arg22[%swap3A_59] {strides = array<i32>} : memref<256xf32, #tpu.memory_space<vmem>>, vector<16xf32>,
    tpu.vector_store %arg22[%swap3A_59], %broadcast_in_dim3A_4 {strides = array<i32>} : memref<256xf32, #tpu.memory_space<vmem>>, vector<16xf32>,
    %mul3A_61 = arith.constant 16 : i32
    %mul3A_62 = arith.muli %scan3A_38, %mul3A_61 : i32
    %swap3A_63 = arith.index_cast %mul3A_62 : i32 to index
    %swap3A_64 = tpu.vector_load %arg23[%swap3A_63] {strides = array<i32>} : memref<256xf32, #tpu.memory_space<vmem>>, vector<16xf32>,
    tpu.vector_store %arg23[%swap3A_63], %broadcast_in_dim3A_4 {strides = array<i32>} : memref<256xf32, #tpu.memory_space<vmem>>, vector<16xf32>,
    %mul3A_65 = arith.constant 16 : i32
    %mul3A_66 = arith.muli %scan3A_38, %mul3A_65 : i32
    %swap3A_67 = arith.index_cast %mul3A_66 : i32 to index
    %swap3A_68 = tpu.vector_load %arg24[%swap3A_67] {strides = array<i32>} : memref<256xf32, #tpu.memory_space<vmem>>, vector<16xf32>,
    tpu.vector_store %arg24[%swap3A_67], %broadcast_in_dim3A_4 {strides = array<i32>} : memref<256xf32, #tpu.memory_space<vmem>>, vector<16xf32>,
    %scan3A_69 = arith.constant 0 : i32
    %scan3A_70 = arith.constant 1 : i32
    %mul3A_71 = arith.constant 16 : i32
    %mul3A_72 = arith.muli %scan3A_70, %mul3A_71 : i32
    %add3A_73 = vector.broadcast %mul3A_72 : i32 to vector<16xi32>
    %add3A_74 = arith.addi %add3A_73, %iota3A : vector<16xi32>
    %lt3A_75 = arith.constant 200 : i32
    %lt3A_76 = vector.broadcast %lt3A_75 : i32 to vector<16xi32>
    %lt3A_77 = arith.cmpi slt, %add3A_74, %lt3A_76 : vector<16xi32>
    %jit3A_78 = arith.constant 0.000000e+00 : f32
    %jit3A_79 = arith.constant -1.000000e+09 : f32
    %broadcast_in_dim3A_80 = vector.broadcast %jit3A_78 : f32 to vector<16xf32>
    %broadcast_in_dim3A_81 = vector.broadcast %jit3A_79 : f32 to vector<16xf32>
    %select_n3A_82 = arith.select %lt3A_77, %broadcast_in_dim3A_80, %broadcast_in_dim3A_81 : vector<16xi1>, vector<16xf32>
    %mul3A_83 = arith.constant 16 : i32
    %mul3A_84 = arith.muli %scan3A_70, %mul3A_83 : i32
    %swap3A_85 = arith.index_cast %mul3A_84 : i32 to index
    %swap3A_86 = tpu.vector_load %arg20[%swap3A_85] {strides = array<i32>} : memref<256xf32, #tpu.memory_space<vmem>>, vector<16xf32>,
    tpu.vector_store %arg20[%swap3A_85], %select_n3A_82 {strides = array<i32>} : memref<256xf32, #tpu.memory_space<vmem>>, vector<16xf32>,
    %mul3A_87 = arith.constant 16 : i32
    %mul3A_88 = arith.muli %scan3A_70, %mul3A_87 : i32
    %swap3A_89 = arith.index_cast %mul3A_88 : i32 to index
    %swap3A_90 = tpu.vector_load %arg21[%swap3A_89] {strides = array<i32>} : memref<256xf32, #tpu.memory_space<vmem>>, vector<16xf32>,
    tpu.vector_store %arg21[%swap3A_89], %broadcast_in_dim3A_4 {strides = array<i32>} : memref<256xf32, #tpu.memory_space<vmem>>, vector<16xf32>,
    %mul3A_91 = arith.constant 16 : i32
    %mul3A_92 = arith.muli %scan3A_70, %mul3A_91 : i32
    %swap3A_93 = arith.index_cast %mul3A_92 : i32 to index
    %swap3A_94 = tpu.vector_load %arg22[%swap3A_93] {strides = array<i32>} : memref<256xf32, #tpu.memory_space<vmem>>, vector<16xf32>,
    tpu.vector_store %arg22[%swap3A_93], %broadcast_in_dim3A_4 {strides = array<i32>} : memref<256xf32, #tpu.memory_space<vmem>>, vector<16xf32>,
    %mul3A_95 = arith.constant 16 : i32
    %mul3A_96 = arith.muli %scan3A_70, %mul3A_95 : i32
    %swap3A_97 = arith.index_cast %mul3A_96 : i32 to index
    %swap3A_98 = tpu.vector_load %arg23[%swap3A_97] {strides = array<i32>} : memref<256xf32, #tpu.memory_space<vmem>>, vector<16xf32>,
    tpu.vector_store %arg23[%swap3A_97], %broadcast_in_dim3A_4 {strides = array<i32>} : memref<256xf32, #tpu.memory_space<vmem>>, vector<16xf32>,
    %mul3A_99 = arith.constant 16 : i32
    %mul3A_100 = arith.muli %scan3A_70, %mul3A_99 : i32
    %swap3A_101 = arith.index_cast %mul3A_100 : i32 to index
    %swap3A_102 = tpu.vector_load %arg24[%swap3A_101] {strides = array<i32>} : memref<256xf32, #tpu.memory_space<vmem>>, vector<16xf32>,
    tpu.vector_store %arg24[%swap3A_101], %broadcast_in_dim3A_4 {strides = array<i32>} : memref<256xf32, #tpu.memory_space<vmem>>, vector<16xf32>,
    %scan3A_103 = arith.constant 0 : i32
    %scan3A_104 = arith.constant 2 : i32
    %mul3A_105 = arith.constant 16 : i32
    %mul3A_106 = arith.muli %scan3A_104, %mul3A_105 : i32
    %add3A_107 = vector.broadcast %mul3A_106 : i32 to vector<16xi32>
    %add3A_108 = arith.addi %add3A_107, %iota3A : vector<16xi32>
    %lt3A_109 = arith.constant 200 : i32
    %lt3A_110 = vector.broadcast %lt3A_109 : i32 to vector<16xi32>
    %lt3A_111 = arith.cmpi slt, %add3A_108, %lt3A_110 : vector<16xi32>
    %jit3A_112 = arith.constant 0.000000e+00 : f32
    %jit3A_113 = arith.constant -1.000000e+09 : f32
    %broadcast_in_dim3A_114 = vector.broadcast %jit3A_112 : f32 to vector<16xf32>
    %broadcast_in_dim3A_115 = vector.broadcast %jit3A_113 : f32 to vector<16xf32>
    %select_n3A_116 = arith.select %lt3A_111, %broadcast_in_dim3A_114, %broadcast_in_dim3A_115 : vector<16xi1>, vector<16xf32>
    %mul3A_117 = arith.constant 16 : i32
    %mul3A_118 = arith.muli %scan3A_104, %mul3A_117 : i32
    %swap3A_119 = arith.index_cast %mul3A_118 : i32 to index
    %swap3A_120 = tpu.vector_load %arg20[%swap3A_119] {strides = array<i32>} : memref<256xf32, #tpu.memory_space<vmem>>, vector<16xf32>,
    tpu.vector_store %arg20[%swap3A_119], %select_n3A_116 {strides = array<i32>} : memref<256xf32, #tpu.memory_space<vmem>>, vector<16xf32>,
    %mul3A_121 = arith.constant 16 : i32
    %mul3A_122 = arith.muli %scan3A_104, %mul3A_121 : i32
    %swap3A_123 = arith.index_cast %mul3A_122 : i32 to index
    %swap3A_124 = tpu.vector_load %arg21[%swap3A_123] {strides = array<i32>} : memref<256xf32, #tpu.memory_space<vmem>>, vector<16xf32>,
    tpu.vector_store %arg21[%swap3A_123], %broadcast_in_dim3A_4 {strides = array<i32>} : memref<256xf32, #tpu.memory_space<vmem>>, vector<16xf32>,
    %mul3A_125 = arith.constant 16 : i32
    %mul3A_126 = arith.muli %scan3A_104, %mul3A_125 : i32
    %swap3A_127 = arith.index_cast %mul3A_126 : i32 to index
    %swap3A_128 = tpu.vector_load %arg22[%swap3A_127] {strides = array<i32>} : memref<256xf32, #tpu.memory_space<vmem>>, vector<16xf32>,
    tpu.vector_store %arg22[%swap3A_127], %broadcast_in_dim3A_4 {strides = array<i32>} : memref<256xf32, #tpu.memory_space<vmem>>, vector<16xf32>,
    %mul3A_129 = arith.constant 16 : i32
    %mul3A_130 = arith.muli %scan3A_104, %mul3A_129 : i32
    %swap3A_131 = arith.index_cast %mul3A_130 : i32 to index
    %swap3A_132 = tpu.vector_load %arg23[%swap3A_131] {strides = array<i32>} : memref<256xf32, #tpu.memory_space<vmem>>, vector<16xf32>,
    tpu.vector_store %arg23[%swap3A_131], %broadcast_in_dim3A_4 {strides = array<i32>} : memref<256xf32, #tpu.memory_space<vmem>>, vector<16xf32>,
    %mul3A_133 = arith.constant 16 : i32
    %mul3A_134 = arith.muli %scan3A_104, %mul3A_133 : i32
    %swap3A_135 = arith.index_cast %mul3A_134 : i32 to index
    %swap3A_136 = tpu.vector_load %arg24[%swap3A_135] {strides = array<i32>} : memref<256xf32, #tpu.memory_space<vmem>>, vector<16xf32>,
    tpu.vector_store %arg24[%swap3A_135], %broadcast_in_dim3A_4 {strides = array<i32>} : memref<256xf32, #tpu.memory_space<vmem>>, vector<16xf32>,
    %scan3A_137 = arith.constant 0 : i32
    %scan3A_138 = arith.constant 3 : i32
    %mul3A_139 = arith.constant 16 : i32
    %mul3A_140 = arith.muli %scan3A_138, %mul3A_139 : i32
    %add3A_141 = vector.broadcast %mul3A_140 : i32 to vector<16xi32>
    %add3A_142 = arith.addi %add3A_141, %iota3A : vector<16xi32>
    %lt3A_143 = arith.constant 200 : i32
    %lt3A_144 = vector.broadcast %lt3A_143 : i32 to vector<16xi32>
    %lt3A_145 = arith.cmpi slt, %add3A_142, %lt3A_144 : vector<16xi32>
    %jit3A_146 = arith.constant 0.000000e+00 : f32
    %jit3A_147 = arith.constant -1.000000e+09 : f32
    %broadcast_in_dim3A_148 = vector.broadcast %jit3A_146 : f32 to vector<16xf32>
    %broadcast_in_dim3A_149 = vector.broadcast %jit3A_147 : f32 to vector<16xf32>
    %select_n3A_150 = arith.select %lt3A_145, %broadcast_in_dim3A_148, %broadcast_in_dim3A_149 : vector<16xi1>, vector<16xf32>
    %mul3A_151 = arith.constant 16 : i32
    %mul3A_152 = arith.muli %scan3A_138, %mul3A_151 : i32
    %swap3A_153 = arith.index_cast %mul3A_152 : i32 to index
    %swap3A_154 = tpu.vector_load %arg20[%swap3A_153] {strides = array<i32>} : memref<256xf32, #tpu.memory_space<vmem>>, vector<16xf32>,
    tpu.vector_store %arg20[%swap3A_153], %select_n3A_150 {strides = array<i32>} : memref<256xf32, #tpu.memory_space<vmem>>, vector<16xf32>,
    %mul3A_155 = arith.constant 16 : i32
    %mul3A_156 = arith.muli %scan3A_138, %mul3A_155 : i32
    %swap3A_157 = arith.index_cast %mul3A_156 : i32 to index
    %swap3A_158 = tpu.vector_load %arg21[%swap3A_157] {strides = array<i32>} : memref<256xf32, #tpu.memory_space<vmem>>, vector<16xf32>,
    tpu.vector_store %arg21[%swap3A_157], %broadcast_in_dim3A_4 {strides = array<i32>} : memref<256xf32, #tpu.memory_space<vmem>>, vector<16xf32>,
    %mul3A_159 = arith.constant 16 : i32
    %mul3A_160 = arith.muli %scan3A_138, %mul3A_159 : i32
    %swap3A_161 = arith.index_cast %mul3A_160 : i32 to index
    %swap3A_162 = tpu.vector_load %arg22[%swap3A_161] {strides = array<i32>} : memref<256xf32, #tpu.memory_space<vmem>>, vector<16xf32>,
    tpu.vector_store %arg22[%swap3A_161], %broadcast_in_dim3A_4 {strides = array<i32>} : memref<256xf32, #tpu.memory_space<vmem>>, vector<16xf32>,
    %mul3A_163 = arith.constant 16 : i32
    %mul3A_164 = arith.muli %scan3A_138, %mul3A_163 : i32
    %swap3A_165 = arith.index_cast %mul3A_164 : i32 to index
    %swap3A_166 = tpu.vector_load %arg23[%swap3A_165] {strides = array<i32>} : memref<256xf32, #tpu.memory_space<vmem>>, vector<16xf32>,
    tpu.vector_store %arg23[%swap3A_165], %broadcast_in_dim3A_4 {strides = array<i32>} : memref<256xf32, #tpu.memory_space<vmem>>, vector<16xf32>,
    %mul3A_167 = arith.constant 16 : i32
    %mul3A_168 = arith.muli %scan3A_138, %mul3A_167 : i32
    %swap3A_169 = arith.index_cast %mul3A_168 : i32 to index
    %swap3A_170 = tpu.vector_load %arg24[%swap3A_169] {strides = array<i32>} : memref<256xf32, #tpu.memory_space<vmem>>, vector<16xf32>,
    tpu.vector_store %arg24[%swap3A_169], %broadcast_in_dim3A_4 {strides = array<i32>} : memref<256xf32, #tpu.memory_space<vmem>>, vector<16xf32>,
    %scan3A_171 = arith.constant 0 : i32
    %scan3A_172 = arith.constant 4 : i32
    %mul3A_173 = arith.constant 16 : i32
    %mul3A_174 = arith.muli %scan3A_172, %mul3A_173 : i32
    %add3A_175 = vector.broadcast %mul3A_174 : i32 to vector<16xi32>
    %add3A_176 = arith.addi %add3A_175, %iota3A : vector<16xi32>
    %lt3A_177 = arith.constant 200 : i32
    %lt3A_178 = vector.broadcast %lt3A_177 : i32 to vector<16xi32>
    %lt3A_179 = arith.cmpi slt, %add3A_176, %lt3A_178 : vector<16xi32>
    %jit3A_180 = arith.constant 0.000000e+00 : f32
    %jit3A_181 = arith.constant -1.000000e+09 : f32
    %broadcast_in_dim3A_182 = vector.broadcast %jit3A_180 : f32 to vector<16xf32>
    %broadcast_in_dim3A_183 = vector.broadcast %jit3A_181 : f32 to vector<16xf32>
    %select_n3A_184 = arith.select %lt3A_179, %broadcast_in_dim3A_182, %broadcast_in_dim3A_183 : vector<16xi1>, vector<16xf32>
    %mul3A_185 = arith.constant 16 : i32
    %mul3A_186 = arith.muli %scan3A_172, %mul3A_185 : i32
    %swap3A_187 = arith.index_cast %mul3A_186 : i32 to index
    %swap3A_188 = tpu.vector_load %arg20[%swap3A_187] {strides = array<i32>} : memref<256xf32, #tpu.memory_space<vmem>>, vector<16xf32>,
    tpu.vector_store %arg20[%swap3A_187], %select_n3A_184 {strides = array<i32>} : memref<256xf32, #tpu.memory_space<vmem>>, vector<16xf32>,
    %mul3A_189 = arith.constant 16 : i32
    %mul3A_190 = arith.muli %scan3A_172, %mul3A_189 : i32
    %swap3A_191 = arith.index_cast %mul3A_190 : i32 to index
    %swap3A_192 = tpu.vector_load %arg21[%swap3A_191] {strides = array<i32>} : memref<256xf32, #tpu.memory_space<vmem>>, vector<16xf32>,
    tpu.vector_store %arg21[%swap3A_191], %broadcast_in_dim3A_4 {strides = array<i32>} : memref<256xf32, #tpu.memory_space<vmem>>, vector<16xf32>,
    %mul3A_193 = arith.constant 16 : i32
    %mul3A_194 = arith.muli %scan3A_172, %mul3A_193 : i32
    %swap3A_195 = arith.index_cast %mul3A_194 : i32 to index
    %swap3A_196 = tpu.vector_load %arg22[%swap3A_195] {strides = array<i32>} : memref<256xf32, #tpu.memory_space<vmem>>, vector<16xf32>,
    tpu.vector_store %arg22[%swap3A_195], %broadcast_in_dim3A_4 {strides = array<i32>} : memref<256xf32, #tpu.memory_space<vmem>>, vector<16xf32>,
    %mul3A_197 = arith.constant 16 : i32
    %mul3A_198 = arith.muli %scan3A_172, %mul3A_197 : i32
    %swap3A_199 = arith.index_cast %mul3A_198 : i32 to index
    %swap3A_200 = tpu.vector_load %arg23[%swap3A_199] {strides = array<i32>} : memref<256xf32, #tpu.memory_space<vmem>>, vector<16xf32>,
    tpu.vector_store %arg23[%swap3A_199], %broadcast_in_dim3A_4 {strides = array<i32>} : memref<256xf32, #tpu.memory_space<vmem>>, vector<16xf32>,
    %mul3A_201 = arith.constant 16 : i32
    %mul3A_202 = arith.muli %scan3A_172, %mul3A_201 : i32
    %swap3A_203 = arith.index_cast %mul3A_202 : i32 to index
    %swap3A_204 = tpu.vector_load %arg24[%swap3A_203] {strides = array<i32>} : memref<256xf32, #tpu.memory_space<vmem>>, vector<16xf32>,
    tpu.vector_store %arg24[%swap3A_203], %broadcast_in_dim3A_4 {strides = array<i32>} : memref<256xf32, #tpu.memory_space<vmem>>, vector<16xf32>,
    %scan3A_205 = arith.constant 0 : i32
    %scan3A_206 = arith.constant 5 : i32
    %mul3A_207 = arith.constant 16 : i32
    %mul3A_208 = arith.muli %scan3A_206, %mul3A_207 : i32
    %add3A_209 = vector.broadcast %mul3A_208 : i32 to vector<16xi32>
    %add3A_210 = arith.addi %add3A_209, %iota3A : vector<16xi32>
    %lt3A_211 = arith.constant 200 : i32
    %lt3A_212 = vector.broadcast %lt3A_211 : i32 to vector<16xi32>
    %lt3A_213 = arith.cmpi slt, %add3A_210, %lt3A_212 : vector<16xi32>
    %jit3A_214 = arith.constant 0.000000e+00 : f32
    %jit3A_215 = arith.constant -1.000000e+09 : f32
    %broadcast_in_dim3A_216 = vector.broadcast %jit3A_214 : f32 to vector<16xf32>
    %broadcast_in_dim3A_217 = vector.broadcast %jit3A_215 : f32 to vector<16xf32>
    %select_n3A_218 = arith.select %lt3A_213, %broadcast_in_dim3A_216, %broadcast_in_dim3A_217 : vector<16xi1>, vector<16xf32>
    %mul3A_219 = arith.constant 16 : i32
    %mul3A_220 = arith.muli %scan3A_206, %mul3A_219 : i32
    %swap3A_221 = arith.index_cast %mul3A_220 : i32 to index
    %swap3A_222 = tpu.vector_load %arg20[%swap3A_221] {strides = array<i32>} : memref<256xf32, #tpu.memory_space<vmem>>, vector<16xf32>,
    tpu.vector_store %arg20[%swap3A_221], %select_n3A_218 {strides = array<i32>} : memref<256xf32, #tpu.memory_space<vmem>>, vector<16xf32>,
    %mul3A_223 = arith.constant 16 : i32
    %mul3A_224 = arith.muli %scan3A_206, %mul3A_223 : i32
    %swap3A_225 = arith.index_cast %mul3A_224 : i32 to index
    %swap3A_226 = tpu.vector_load %arg21[%swap3A_225] {strides = array<i32>} : memref<256xf32, #tpu.memory_space<vmem>>, vector<16xf32>,
    tpu.vector_store %arg21[%swap3A_225], %broadcast_in_dim3A_4 {strides = array<i32>} : memref<256xf32, #tpu.memory_space<vmem>>, vector<16xf32>,
    %mul3A_227 = arith.constant 16 : i32
    %mul3A_228 = arith.muli %scan3A_206, %mul3A_227 : i32
    %swap3A_229 = arith.index_cast %mul3A_228 : i32 to index
    %swap3A_230 = tpu.vector_load %arg22[%swap3A_229] {strides = array<i32>} : memref<256xf32, #tpu.memory_space<vmem>>, vector<16xf32>,
    tpu.vector_store %arg22[%swap3A_229], %broadcast_in_dim3A_4 {strides = array<i32>} : memref<256xf32, #tpu.memory_space<vmem>>, vector<16xf32>,
    %mul3A_231 = arith.constant 16 : i32
    %mul3A_232 = arith.muli %scan3A_206, %mul3A_231 : i32
    %swap3A_233 = arith.index_cast %mul3A_232 : i32 to index
    %swap3A_234 = tpu.vector_load %arg23[%swap3A_233] {strides = array<i32>} : memref<256xf32, #tpu.memory_space<vmem>>, vector<16xf32>,
    tpu.vector_store %arg23[%swap3A_233], %broadcast_in_dim3A_4 {strides = array<i32>} : memref<256xf32, #tpu.memory_space<vmem>>, vector<16xf32>,
    %mul3A_235 = arith.constant 16 : i32
    %mul3A_236 = arith.muli %scan3A_206, %mul3A_235 : i32
    %swap3A_237 = arith.index_cast %mul3A_236 : i32 to index
    %swap3A_238 = tpu.vector_load %arg24[%swap3A_237] {strides = array<i32>} : memref<256xf32, #tpu.memory_space<vmem>>, vector<16xf32>,
    tpu.vector_store %arg24[%swap3A_237], %broadcast_in_dim3A_4 {strides = array<i32>} : memref<256xf32, #tpu.memory_space<vmem>>, vector<16xf32>,
    %scan3A_239 = arith.constant 0 : i32
    %scan3A_240 = arith.constant 6 : i32
    %mul3A_241 = arith.constant 16 : i32
    %mul3A_242 = arith.muli %scan3A_240, %mul3A_241 : i32
    %add3A_243 = vector.broadcast %mul3A_242 : i32 to vector<16xi32>
    %add3A_244 = arith.addi %add3A_243, %iota3A : vector<16xi32>
    %lt3A_245 = arith.constant 200 : i32
    %lt3A_246 = vector.broadcast %lt3A_245 : i32 to vector<16xi32>
    %lt3A_247 = arith.cmpi slt, %add3A_244, %lt3A_246 : vector<16xi32>
    %jit3A_248 = arith.constant 0.000000e+00 : f32
    %jit3A_249 = arith.constant -1.000000e+09 : f32
    %broadcast_in_dim3A_250 = vector.broadcast %jit3A_248 : f32 to vector<16xf32>
    %broadcast_in_dim3A_251 = vector.broadcast %jit3A_249 : f32 to vector<16xf32>
    %select_n3A_252 = arith.select %lt3A_247, %broadcast_in_dim3A_250, %broadcast_in_dim3A_251 : vector<16xi1>, vector<16xf32>
    %mul3A_253 = arith.constant 16 : i32
    %mul3A_254 = arith.muli %scan3A_240, %mul3A_253 : i32
    %swap3A_255 = arith.index_cast %mul3A_254 : i32 to index
    %swap3A_256 = tpu.vector_load %arg20[%swap3A_255] {strides = array<i32>} : memref<256xf32, #tpu.memory_space<vmem>>, vector<16xf32>,
    tpu.vector_store %arg20[%swap3A_255], %select_n3A_252 {strides = array<i32>} : memref<256xf32, #tpu.memory_space<vmem>>, vector<16xf32>,
    %mul3A_257 = arith.constant 16 : i32
    %mul3A_258 = arith.muli %scan3A_240, %mul3A_257 : i32
    %swap3A_259 = arith.index_cast %mul3A_258 : i32 to index
    %swap3A_260 = tpu.vector_load %arg21[%swap3A_259] {strides = array<i32>} : memref<256xf32, #tpu.memory_space<vmem>>, vector<16xf32>,
    tpu.vector_store %arg21[%swap3A_259], %broadcast_in_dim3A_4 {strides = array<i32>} : memref<256xf32, #tpu.memory_space<vmem>>, vector<16xf32>,
    %mul3A_261 = arith.constant 16 : i32
    %mul3A_262 = arith.muli %scan3A_240, %mul3A_261 : i32
    %swap3A_263 = arith.index_cast %mul3A_262 : i32 to index
    %swap3A_264 = tpu.vector_load %arg22[%swap3A_263] {strides = array<i32>} : memref<256xf32, #tpu.memory_space<vmem>>, vector<16xf32>,
    tpu.vector_store %arg22[%swap3A_263], %broadcast_in_dim3A_4 {strides = array<i32>} : memref<256xf32, #tpu.memory_space<vmem>>, vector<16xf32>,
    %mul3A_265 = arith.constant 16 : i32
    %mul3A_266 = arith.muli %scan3A_240, %mul3A_265 : i32
    %swap3A_267 = arith.index_cast %mul3A_266 : i32 to index
    %swap3A_268 = tpu.vector_load %arg23[%swap3A_267] {strides = array<i32>} : memref<256xf32, #tpu.memory_space<vmem>>, vector<16xf32>,
    tpu.vector_store %arg23[%swap3A_267], %broadcast_in_dim3A_4 {strides = array<i32>} : memref<256xf32, #tpu.memory_space<vmem>>, vector<16xf32>,
    %mul3A_269 = arith.constant 16 : i32
    %mul3A_270 = arith.muli %scan3A_240, %mul3A_269 : i32
    %swap3A_271 = arith.index_cast %mul3A_270 : i32 to index
    %swap3A_272 = tpu.vector_load %arg24[%swap3A_271] {strides = array<i32>} : memref<256xf32, #tpu.memory_space<vmem>>, vector<16xf32>,
    tpu.vector_store %arg24[%swap3A_271], %broadcast_in_dim3A_4 {strides = array<i32>} : memref<256xf32, #tpu.memory_space<vmem>>, vector<16xf32>,
    %scan3A_273 = arith.constant 0 : i32
    %scan3A_274 = arith.constant 7 : i32
    %mul3A_275 = arith.constant 16 : i32
    %mul3A_276 = arith.muli %scan3A_274, %mul3A_275 : i32
    %add3A_277 = vector.broadcast %mul3A_276 : i32 to vector<16xi32>
    %add3A_278 = arith.addi %add3A_277, %iota3A : vector<16xi32>
    %lt3A_279 = arith.constant 200 : i32
    %lt3A_280 = vector.broadcast %lt3A_279 : i32 to vector<16xi32>
    %lt3A_281 = arith.cmpi slt, %add3A_278, %lt3A_280 : vector<16xi32>
    %jit3A_282 = arith.constant 0.000000e+00 : f32
    %jit3A_283 = arith.constant -1.000000e+09 : f32
    %broadcast_in_dim3A_284 = vector.broadcast %jit3A_282 : f32 to vector<16xf32>
    %broadcast_in_dim3A_285 = vector.broadcast %jit3A_283 : f32 to vector<16xf32>
    %select_n3A_286 = arith.select %lt3A_281, %broadcast_in_dim3A_284, %broadcast_in_dim3A_285 : vector<16xi1>, vector<16xf32>
    %mul3A_287 = arith.constant 16 : i32
    %mul3A_288 = arith.muli %scan3A_274, %mul3A_287 : i32
    %swap3A_289 = arith.index_cast %mul3A_288 : i32 to index
    %swap3A_290 = tpu.vector_load %arg20[%swap3A_289] {strides = array<i32>} : memref<256xf32, #tpu.memory_space<vmem>>, vector<16xf32>,
    tpu.vector_store %arg20[%swap3A_289], %select_n3A_286 {strides = array<i32>} : memref<256xf32, #tpu.memory_space<vmem>>, vector<16xf32>,
    %mul3A_291 = arith.constant 16 : i32
    %mul3A_292 = arith.muli %scan3A_274, %mul3A_291 : i32
    %swap3A_293 = arith.index_cast %mul3A_292 : i32 to index
    %swap3A_294 = tpu.vector_load %arg21[%swap3A_293] {strides = array<i32>} : memref<256xf32, #tpu.memory_space<vmem>>, vector<16xf32>,
    tpu.vector_store %arg21[%swap3A_293], %broadcast_in_dim3A_4 {strides = array<i32>} : memref<256xf32, #tpu.memory_space<vmem>>, vector<16xf32>,
    %mul3A_295 = arith.constant 16 : i32
    %mul3A_296 = arith.muli %scan3A_274, %mul3A_295 : i32
    %swap3A_297 = arith.index_cast %mul3A_296 : i32 to index
    %swap3A_298 = tpu.vector_load %arg22[%swap3A_297] {strides = array<i32>} : memref<256xf32, #tpu.memory_space<vmem>>, vector<16xf32>,
    tpu.vector_store %arg22[%swap3A_297], %broadcast_in_dim3A_4 {strides = array<i32>} : memref<256xf32, #tpu.memory_space<vmem>>, vector<16xf32>,
    %mul3A_299 = arith.constant 16 : i32
    %mul3A_300 = arith.muli %scan3A_274, %mul3A_299 : i32
    %swap3A_301 = arith.index_cast %mul3A_300 : i32 to index
    %swap3A_302 = tpu.vector_load %arg23[%swap3A_301] {strides = array<i32>} : memref<256xf32, #tpu.memory_space<vmem>>, vector<16xf32>,
    tpu.vector_store %arg23[%swap3A_301], %broadcast_in_dim3A_4 {strides = array<i32>} : memref<256xf32, #tpu.memory_space<vmem>>, vector<16xf32>,
    %mul3A_303 = arith.constant 16 : i32
    %mul3A_304 = arith.muli %scan3A_274, %mul3A_303 : i32
    %swap3A_305 = arith.index_cast %mul3A_304 : i32 to index
    %swap3A_306 = tpu.vector_load %arg24[%swap3A_305] {strides = array<i32>} : memref<256xf32, #tpu.memory_space<vmem>>, vector<16xf32>,
    tpu.vector_store %arg24[%swap3A_305], %broadcast_in_dim3A_4 {strides = array<i32>} : memref<256xf32, #tpu.memory_space<vmem>>, vector<16xf32>,
    %scan3A_307 = arith.constant 0 : i32
    %scan3A_308 = arith.constant 8 : i32
    %mul3A_309 = arith.constant 16 : i32
    %mul3A_310 = arith.muli %scan3A_308, %mul3A_309 : i32
    %add3A_311 = vector.broadcast %mul3A_310 : i32 to vector<16xi32>
    %add3A_312 = arith.addi %add3A_311, %iota3A : vector<16xi32>
    %lt3A_313 = arith.constant 200 : i32
    %lt3A_314 = vector.broadcast %lt3A_313 : i32 to vector<16xi32>
    %lt3A_315 = arith.cmpi slt, %add3A_312, %lt3A_314 : vector<16xi32>
    %jit3A_316 = arith.constant 0.000000e+00 : f32
    %jit3A_317 = arith.constant -1.000000e+09 : f32
    %broadcast_in_dim3A_318 = vector.broadcast %jit3A_316 : f32 to vector<16xf32>
    %broadcast_in_dim3A_319 = vector.broadcast %jit3A_317 : f32 to vector<16xf32>
    %select_n3A_320 = arith.select %lt3A_315, %broadcast_in_dim3A_318, %broadcast_in_dim3A_319 : vector<16xi1>, vector<16xf32>
    %mul3A_321 = arith.constant 16 : i32
    %mul3A_322 = arith.muli %scan3A_308, %mul3A_321 : i32
    %swap3A_323 = arith.index_cast %mul3A_322 : i32 to index
    %swap3A_324 = tpu.vector_load %arg20[%swap3A_323] {strides = array<i32>} : memref<256xf32, #tpu.memory_space<vmem>>, vector<16xf32>,
    tpu.vector_store %arg20[%swap3A_323], %select_n3A_320 {strides = array<i32>} : memref<256xf32, #tpu.memory_space<vmem>>, vector<16xf32>,
    %mul3A_325 = arith.constant 16 : i32
    %mul3A_326 = arith.muli %scan3A_308, %mul3A_325 : i32
    %swap3A_327 = arith.index_cast %mul3A_326 : i32 to index
    %swap3A_328 = tpu.vector_load %arg21[%swap3A_327] {strides = array<i32>} : memref<256xf32, #tpu.memory_space<vmem>>, vector<16xf32>,
    tpu.vector_store %arg21[%swap3A_327], %broadcast_in_dim3A_4 {strides = array<i32>} : memref<256xf32, #tpu.memory_space<vmem>>, vector<16xf32>,
    %mul3A_329 = arith.constant 16 : i32
    %mul3A_330 = arith.muli %scan3A_308, %mul3A_329 : i32
    %swap3A_331 = arith.index_cast %mul3A_330 : i32 to index
    %swap3A_332 = tpu.vector_load %arg22[%swap3A_331] {strides = array<i32>} : memref<256xf32, #tpu.memory_space<vmem>>, vector<16xf32>,
    tpu.vector_store %arg22[%swap3A_331], %broadcast_in_dim3A_4 {strides = array<i32>} : memref<256xf32, #tpu.memory_space<vmem>>, vector<16xf32>,
    %mul3A_333 = arith.constant 16 : i32
    %mul3A_334 = arith.muli %scan3A_308, %mul3A_333 : i32
    %swap3A_335 = arith.index_cast %mul3A_334 : i32 to index
    %swap3A_336 = tpu.vector_load %arg23[%swap3A_335] {strides = array<i32>} : memref<256xf32, #tpu.memory_space<vmem>>, vector<16xf32>,
    tpu.vector_store %arg23[%swap3A_335], %broadcast_in_dim3A_4 {strides = array<i32>} : memref<256xf32, #tpu.memory_space<vmem>>, vector<16xf32>,
    %mul3A_337 = arith.constant 16 : i32
    %mul3A_338 = arith.muli %scan3A_308, %mul3A_337 : i32
    %swap3A_339 = arith.index_cast %mul3A_338 : i32 to index
    %swap3A_340 = tpu.vector_load %arg24[%swap3A_339] {strides = array<i32>} : memref<256xf32, #tpu.memory_space<vmem>>, vector<16xf32>,
    tpu.vector_store %arg24[%swap3A_339], %broadcast_in_dim3A_4 {strides = array<i32>} : memref<256xf32, #tpu.memory_space<vmem>>, vector<16xf32>,
    %scan3A_341 = arith.constant 0 : i32
    %scan3A_342 = arith.constant 9 : i32
    %mul3A_343 = arith.constant 16 : i32
    %mul3A_344 = arith.muli %scan3A_342, %mul3A_343 : i32
    %add3A_345 = vector.broadcast %mul3A_344 : i32 to vector<16xi32>
    %add3A_346 = arith.addi %add3A_345, %iota3A : vector<16xi32>
    %lt3A_347 = arith.constant 200 : i32
    %lt3A_348 = vector.broadcast %lt3A_347 : i32 to vector<16xi32>
    %lt3A_349 = arith.cmpi slt, %add3A_346, %lt3A_348 : vector<16xi32>
    %jit3A_350 = arith.constant 0.000000e+00 : f32
    %jit3A_351 = arith.constant -1.000000e+09 : f32
    %broadcast_in_dim3A_352 = vector.broadcast %jit3A_350 : f32 to vector<16xf32>
    %broadcast_in_dim3A_353 = vector.broadcast %jit3A_351 : f32 to vector<16xf32>
    %select_n3A_354 = arith.select %lt3A_349, %broadcast_in_dim3A_352, %broadcast_in_dim3A_353 : vector<16xi1>, vector<16xf32>
    %mul3A_355 = arith.constant 16 : i32
    %mul3A_356 = arith.muli %scan3A_342, %mul3A_355 : i32
    %swap3A_357 = arith.index_cast %mul3A_356 : i32 to index
    %swap3A_358 = tpu.vector_load %arg20[%swap3A_357] {strides = array<i32>} : memref<256xf32, #tpu.memory_space<vmem>>, vector<16xf32>,
    tpu.vector_store %arg20[%swap3A_357], %select_n3A_354 {strides = array<i32>} : memref<256xf32, #tpu.memory_space<vmem>>, vector<16xf32>,
    %mul3A_359 = arith.constant 16 : i32
    %mul3A_360 = arith.muli %scan3A_342, %mul3A_359 : i32
    %swap3A_361 = arith.index_cast %mul3A_360 : i32 to index
    %swap3A_362 = tpu.vector_load %arg21[%swap3A_361] {strides = array<i32>} : memref<256xf32, #tpu.memory_space<vmem>>, vector<16xf32>,
    tpu.vector_store %arg21[%swap3A_361], %broadcast_in_dim3A_4 {strides = array<i32>} : memref<256xf32, #tpu.memory_space<vmem>>, vector<16xf32>,
    %mul3A_363 = arith.constant 16 : i32
    %mul3A_364 = arith.muli %scan3A_342, %mul3A_363 : i32
    %swap3A_365 = arith.index_cast %mul3A_364 : i32 to index
    %swap3A_366 = tpu.vector_load %arg22[%swap3A_365] {strides = array<i32>} : memref<256xf32, #tpu.memory_space<vmem>>, vector<16xf32>,
    tpu.vector_store %arg22[%swap3A_365], %broadcast_in_dim3A_4 {strides = array<i32>} : memref<256xf32, #tpu.memory_space<vmem>>, vector<16xf32>,
    %mul3A_367 = arith.constant 16 : i32
    %mul3A_368 = arith.muli %scan3A_342, %mul3A_367 : i32
    %swap3A_369 = arith.index_cast %mul3A_368 : i32 to index
    %swap3A_370 = tpu.vector_load %arg23[%swap3A_369] {strides = array<i32>} : memref<256xf32, #tpu.memory_space<vmem>>, vector<16xf32>,
    tpu.vector_store %arg23[%swap3A_369], %broadcast_in_dim3A_4 {strides = array<i32>} : memref<256xf32, #tpu.memory_space<vmem>>, vector<16xf32>,
    %mul3A_371 = arith.constant 16 : i32
    %mul3A_372 = arith.muli %scan3A_342, %mul3A_371 : i32
    %swap3A_373 = arith.index_cast %mul3A_372 : i32 to index
    %swap3A_374 = tpu.vector_load %arg24[%swap3A_373] {strides = array<i32>} : memref<256xf32, #tpu.memory_space<vmem>>, vector<16xf32>,
    tpu.vector_store %arg24[%swap3A_373], %broadcast_in_dim3A_4 {strides = array<i32>} : memref<256xf32, #tpu.memory_space<vmem>>, vector<16xf32>,
    %scan3A_375 = arith.constant 0 : i32
    %scan3A_376 = arith.constant 10 : i32
    %mul3A_377 = arith.constant 16 : i32
    %mul3A_378 = arith.muli %scan3A_376, %mul3A_377 : i32
    %add3A_379 = vector.broadcast %mul3A_378 : i32 to vector<16xi32>
    %add3A_380 = arith.addi %add3A_379, %iota3A : vector<16xi32>
    %lt3A_381 = arith.constant 200 : i32
    %lt3A_382 = vector.broadcast %lt3A_381 : i32 to vector<16xi32>
    %lt3A_383 = arith.cmpi slt, %add3A_380, %lt3A_382 : vector<16xi32>
    %jit3A_384 = arith.constant 0.000000e+00 : f32
    %jit3A_385 = arith.constant -1.000000e+09 : f32
    %broadcast_in_dim3A_386 = vector.broadcast %jit3A_384 : f32 to vector<16xf32>
    %broadcast_in_dim3A_387 = vector.broadcast %jit3A_385 : f32 to vector<16xf32>
    %select_n3A_388 = arith.select %lt3A_383, %broadcast_in_dim3A_386, %broadcast_in_dim3A_387 : vector<16xi1>, vector<16xf32>
    %mul3A_389 = arith.constant 16 : i32
    %mul3A_390 = arith.muli %scan3A_376, %mul3A_389 : i32
    %swap3A_391 = arith.index_cast %mul3A_390 : i32 to index
    %swap3A_392 = tpu.vector_load %arg20[%swap3A_391] {strides = array<i32>} : memref<256xf32, #tpu.memory_space<vmem>>, vector<16xf32>,
    tpu.vector_store %arg20[%swap3A_391], %select_n3A_388 {strides = array<i32>} : memref<256xf32, #tpu.memory_space<vmem>>, vector<16xf32>,
    %mul3A_393 = arith.constant 16 : i32
    %mul3A_394 = arith.muli %scan3A_376, %mul3A_393 : i32
    %swap3A_395 = arith.index_cast %mul3A_394 : i32 to index
    %swap3A_396 = tpu.vector_load %arg21[%swap3A_395] {strides = array<i32>} : memref<256xf32, #tpu.memory_space<vmem>>, vector<16xf32>,
    tpu.vector_store %arg21[%swap3A_395], %broadcast_in_dim3A_4 {strides = array<i32>} : memref<256xf32, #tpu.memory_space<vmem>>, vector<16xf32>,
    %mul3A_397 = arith.constant 16 : i32
    %mul3A_398 = arith.muli %scan3A_376, %mul3A_397 : i32
    %swap3A_399 = arith.index_cast %mul3A_398 : i32 to index
    %swap3A_400 = tpu.vector_load %arg22[%swap3A_399] {strides = array<i32>} : memref<256xf32, #tpu.memory_space<vmem>>, vector<16xf32>,
    tpu.vector_store %arg22[%swap3A_399], %broadcast_in_dim3A_4 {strides = array<i32>} : memref<256xf32, #tpu.memory_space<vmem>>, vector<16xf32>,
    %mul3A_401 = arith.constant 16 : i32
    %mul3A_402 = arith.muli %scan3A_376, %mul3A_401 : i32
    %swap3A_403 = arith.index_cast %mul3A_402 : i32 to index
    %swap3A_404 = tpu.vector_load %arg23[%swap3A_403] {strides = array<i32>} : memref<256xf32, #tpu.memory_space<vmem>>, vector<16xf32>,
    tpu.vector_store %arg23[%swap3A_403], %broadcast_in_dim3A_4 {strides = array<i32>} : memref<256xf32, #tpu.memory_space<vmem>>, vector<16xf32>,
    %mul3A_405 = arith.constant 16 : i32
    %mul3A_406 = arith.muli %scan3A_376, %mul3A_405 : i32
    %swap3A_407 = arith.index_cast %mul3A_406 : i32 to index
    %swap3A_408 = tpu.vector_load %arg24[%swap3A_407] {strides = array<i32>} : memref<256xf32, #tpu.memory_space<vmem>>, vector<16xf32>,
    tpu.vector_store %arg24[%swap3A_407], %broadcast_in_dim3A_4 {strides = array<i32>} : memref<256xf32, #tpu.memory_space<vmem>>, vector<16xf32>,
    %scan3A_409 = arith.constant 0 : i32
    %scan3A_410 = arith.constant 11 : i32
    %mul3A_411 = arith.constant 16 : i32
    %mul3A_412 = arith.muli %scan3A_410, %mul3A_411 : i32
    %add3A_413 = vector.broadcast %mul3A_412 : i32 to vector<16xi32>
    %add3A_414 = arith.addi %add3A_413, %iota3A : vector<16xi32>
    %lt3A_415 = arith.constant 200 : i32
    %lt3A_416 = vector.broadcast %lt3A_415 : i32 to vector<16xi32>
    %lt3A_417 = arith.cmpi slt, %add3A_414, %lt3A_416 : vector<16xi32>
    %jit3A_418 = arith.constant 0.000000e+00 : f32
    %jit3A_419 = arith.constant -1.000000e+09 : f32
    %broadcast_in_dim3A_420 = vector.broadcast %jit3A_418 : f32 to vector<16xf32>
    %broadcast_in_dim3A_421 = vector.broadcast %jit3A_419 : f32 to vector<16xf32>
    %select_n3A_422 = arith.select %lt3A_417, %broadcast_in_dim3A_420, %broadcast_in_dim3A_421 : vector<16xi1>, vector<16xf32>
    %mul3A_423 = arith.constant 16 : i32
    %mul3A_424 = arith.muli %scan3A_410, %mul3A_423 : i32
    %swap3A_425 = arith.index_cast %mul3A_424 : i32 to index
    %swap3A_426 = tpu.vector_load %arg20[%swap3A_425] {strides = array<i32>} : memref<256xf32, #tpu.memory_space<vmem>>, vector<16xf32>,
    tpu.vector_store %arg20[%swap3A_425], %select_n3A_422 {strides = array<i32>} : memref<256xf32, #tpu.memory_space<vmem>>, vector<16xf32>,
    %mul3A_427 = arith.constant 16 : i32
    %mul3A_428 = arith.muli %scan3A_410, %mul3A_427 : i32
    %swap3A_429 = arith.index_cast %mul3A_428 : i32 to index
    %swap3A_430 = tpu.vector_load %arg21[%swap3A_429] {strides = array<i32>} : memref<256xf32, #tpu.memory_space<vmem>>, vector<16xf32>,
    tpu.vector_store %arg21[%swap3A_429], %broadcast_in_dim3A_4 {strides = array<i32>} : memref<256xf32, #tpu.memory_space<vmem>>, vector<16xf32>,
    %mul3A_431 = arith.constant 16 : i32
    %mul3A_432 = arith.muli %scan3A_410, %mul3A_431 : i32
    %swap3A_433 = arith.index_cast %mul3A_432 : i32 to index
    %swap3A_434 = tpu.vector_load %arg22[%swap3A_433] {strides = array<i32>} : memref<256xf32, #tpu.memory_space<vmem>>, vector<16xf32>,
    tpu.vector_store %arg22[%swap3A_433], %broadcast_in_dim3A_4 {strides = array<i32>} : memref<256xf32, #tpu.memory_space<vmem>>, vector<16xf32>,
    %mul3A_435 = arith.constant 16 : i32
    %mul3A_436 = arith.muli %scan3A_410, %mul3A_435 : i32
    %swap3A_437 = arith.index_cast %mul3A_436 : i32 to index
    %swap3A_438 = tpu.vector_load %arg23[%swap3A_437] {strides = array<i32>} : memref<256xf32, #tpu.memory_space<vmem>>, vector<16xf32>,
    tpu.vector_store %arg23[%swap3A_437], %broadcast_in_dim3A_4 {strides = array<i32>} : memref<256xf32, #tpu.memory_space<vmem>>, vector<16xf32>,
    %mul3A_439 = arith.constant 16 : i32
    %mul3A_440 = arith.muli %scan3A_410, %mul3A_439 : i32
    %swap3A_441 = arith.index_cast %mul3A_440 : i32 to index
    %swap3A_442 = tpu.vector_load %arg24[%swap3A_441] {strides = array<i32>} : memref<256xf32, #tpu.memory_space<vmem>>, vector<16xf32>,
    tpu.vector_store %arg24[%swap3A_441], %broadcast_in_dim3A_4 {strides = array<i32>} : memref<256xf32, #tpu.memory_space<vmem>>, vector<16xf32>,
    %scan3A_443 = arith.constant 0 : i32
    %scan3A_444 = arith.constant 12 : i32
    %mul3A_445 = arith.constant 16 : i32
    %mul3A_446 = arith.muli %scan3A_444, %mul3A_445 : i32
    %add3A_447 = vector.broadcast %mul3A_446 : i32 to vector<16xi32>
    %add3A_448 = arith.addi %add3A_447, %iota3A : vector<16xi32>
    %lt3A_449 = arith.constant 200 : i32
    %lt3A_450 = vector.broadcast %lt3A_449 : i32 to vector<16xi32>
    %lt3A_451 = arith.cmpi slt, %add3A_448, %lt3A_450 : vector<16xi32>
    %jit3A_452 = arith.constant 0.000000e+00 : f32
    %jit3A_453 = arith.constant -1.000000e+09 : f32
    %broadcast_in_dim3A_454 = vector.broadcast %jit3A_452 : f32 to vector<16xf32>
    %broadcast_in_dim3A_455 = vector.broadcast %jit3A_453 : f32 to vector<16xf32>
    %select_n3A_456 = arith.select %lt3A_451, %broadcast_in_dim3A_454, %broadcast_in_dim3A_455 : vector<16xi1>, vector<16xf32>
    %mul3A_457 = arith.constant 16 : i32
    %mul3A_458 = arith.muli %scan3A_444, %mul3A_457 : i32
    %swap3A_459 = arith.index_cast %mul3A_458 : i32 to index
    %swap3A_460 = tpu.vector_load %arg20[%swap3A_459] {strides = array<i32>} : memref<256xf32, #tpu.memory_space<vmem>>, vector<16xf32>,
    tpu.vector_store %arg20[%swap3A_459], %select_n3A_456 {strides = array<i32>} : memref<256xf32, #tpu.memory_space<vmem>>, vector<16xf32>,
    %mul3A_461 = arith.constant 16 : i32
    %mul3A_462 = arith.muli %scan3A_444, %mul3A_461 : i32
    %swap3A_463 = arith.index_cast %mul3A_462 : i32 to index
    %swap3A_464 = tpu.vector_load %arg21[%swap3A_463] {strides = array<i32>} : memref<256xf32, #tpu.memory_space<vmem>>, vector<16xf32>,
    tpu.vector_store %arg21[%swap3A_463], %broadcast_in_dim3A_4 {strides = array<i32>} : memref<256xf32, #tpu.memory_space<vmem>>, vector<16xf32>,
    %mul3A_465 = arith.constant 16 : i32
    %mul3A_466 = arith.muli %scan3A_444, %mul3A_465 : i32
    %swap3A_467 = arith.index_cast %mul3A_466 : i32 to index
    %swap3A_468 = tpu.vector_load %arg22[%swap3A_467] {strides = array<i32>} : memref<256xf32, #tpu.memory_space<vmem>>, vector<16xf32>,
    tpu.vector_store %arg22[%swap3A_467], %broadcast_in_dim3A_4 {strides = array<i32>} : memref<256xf32, #tpu.memory_space<vmem>>, vector<16xf32>,
    %mul3A_469 = arith.constant 16 : i32
    %mul3A_470 = arith.muli %scan3A_444, %mul3A_469 : i32
    %swap3A_471 = arith.index_cast %mul3A_470 : i32 to index
    %swap3A_472 = tpu.vector_load %arg23[%swap3A_471] {strides = array<i32>} : memref<256xf32, #tpu.memory_space<vmem>>, vector<16xf32>,
    tpu.vector_store %arg23[%swap3A_471], %broadcast_in_dim3A_4 {strides = array<i32>} : memref<256xf32, #tpu.memory_space<vmem>>, vector<16xf32>,
    %mul3A_473 = arith.constant 16 : i32
    %mul3A_474 = arith.muli %scan3A_444, %mul3A_473 : i32
    %swap3A_475 = arith.index_cast %mul3A_474 : i32 to index
    %swap3A_476 = tpu.vector_load %arg24[%swap3A_475] {strides = array<i32>} : memref<256xf32, #tpu.memory_space<vmem>>, vector<16xf32>,
    tpu.vector_store %arg24[%swap3A_475], %broadcast_in_dim3A_4 {strides = array<i32>} : memref<256xf32, #tpu.memory_space<vmem>>, vector<16xf32>,
    %scan3A_477 = arith.constant 0 : i32
    %scan3A_478 = arith.constant 13 : i32
    %mul3A_479 = arith.constant 16 : i32
    %mul3A_480 = arith.muli %scan3A_478, %mul3A_479 : i32
    %add3A_481 = vector.broadcast %mul3A_480 : i32 to vector<16xi32>
    %add3A_482 = arith.addi %add3A_481, %iota3A : vector<16xi32>
    %lt3A_483 = arith.constant 200 : i32
    %lt3A_484 = vector.broadcast %lt3A_483 : i32 to vector<16xi32>
    %lt3A_485 = arith.cmpi slt, %add3A_482, %lt3A_484 : vector<16xi32>
    %jit3A_486 = arith.constant 0.000000e+00 : f32
    %jit3A_487 = arith.constant -1.000000e+09 : f32
    %broadcast_in_dim3A_488 = vector.broadcast %jit3A_486 : f32 to vector<16xf32>
    %broadcast_in_dim3A_489 = vector.broadcast %jit3A_487 : f32 to vector<16xf32>
    %select_n3A_490 = arith.select %lt3A_485, %broadcast_in_dim3A_488, %broadcast_in_dim3A_489 : vector<16xi1>, vector<16xf32>
    %mul3A_491 = arith.constant 16 : i32
    %mul3A_492 = arith.muli %scan3A_478, %mul3A_491 : i32
    %swap3A_493 = arith.index_cast %mul3A_492 : i32 to index
    %swap3A_494 = tpu.vector_load %arg20[%swap3A_493] {strides = array<i32>} : memref<256xf32, #tpu.memory_space<vmem>>, vector<16xf32>,
    tpu.vector_store %arg20[%swap3A_493], %select_n3A_490 {strides = array<i32>} : memref<256xf32, #tpu.memory_space<vmem>>, vector<16xf32>,
    %mul3A_495 = arith.constant 16 : i32
    %mul3A_496 = arith.muli %scan3A_478, %mul3A_495 : i32
    %swap3A_497 = arith.index_cast %mul3A_496 : i32 to index
    %swap3A_498 = tpu.vector_load %arg21[%swap3A_497] {strides = array<i32>} : memref<256xf32, #tpu.memory_space<vmem>>, vector<16xf32>,
    tpu.vector_store %arg21[%swap3A_497], %broadcast_in_dim3A_4 {strides = array<i32>} : memref<256xf32, #tpu.memory_space<vmem>>, vector<16xf32>,
    %mul3A_499 = arith.constant 16 : i32
    %mul3A_500 = arith.muli %scan3A_478, %mul3A_499 : i32
    %swap3A_501 = arith.index_cast %mul3A_500 : i32 to index
    %swap3A_502 = tpu.vector_load %arg22[%swap3A_501] {strides = array<i32>} : memref<256xf32, #tpu.memory_space<vmem>>, vector<16xf32>,
    tpu.vector_store %arg22[%swap3A_501], %broadcast_in_dim3A_4 {strides = array<i32>} : memref<256xf32, #tpu.memory_space<vmem>>, vector<16xf32>,
    %mul3A_503 = arith.constant 16 : i32
    %mul3A_504 = arith.muli %scan3A_478, %mul3A_503 : i32
    %swap3A_505 = arith.index_cast %mul3A_504 : i32 to index
    %swap3A_506 = tpu.vector_load %arg23[%swap3A_505] {strides = array<i32>} : memref<256xf32, #tpu.memory_space<vmem>>, vector<16xf32>,
    tpu.vector_store %arg23[%swap3A_505], %broadcast_in_dim3A_4 {strides = array<i32>} : memref<256xf32, #tpu.memory_space<vmem>>, vector<16xf32>,
    %mul3A_507 = arith.constant 16 : i32
    %mul3A_508 = arith.muli %scan3A_478, %mul3A_507 : i32
    %swap3A_509 = arith.index_cast %mul3A_508 : i32 to index
    %swap3A_510 = tpu.vector_load %arg24[%swap3A_509] {strides = array<i32>} : memref<256xf32, #tpu.memory_space<vmem>>, vector<16xf32>,
    tpu.vector_store %arg24[%swap3A_509], %broadcast_in_dim3A_4 {strides = array<i32>} : memref<256xf32, #tpu.memory_space<vmem>>, vector<16xf32>,
    %scan3A_511 = arith.constant 0 : i32
    %scan3A_512 = arith.constant 14 : i32
    %mul3A_513 = arith.constant 16 : i32
    %mul3A_514 = arith.muli %scan3A_512, %mul3A_513 : i32
    %add3A_515 = vector.broadcast %mul3A_514 : i32 to vector<16xi32>
    %add3A_516 = arith.addi %add3A_515, %iota3A : vector<16xi32>
    %lt3A_517 = arith.constant 200 : i32
    %lt3A_518 = vector.broadcast %lt3A_517 : i32 to vector<16xi32>
    %lt3A_519 = arith.cmpi slt, %add3A_516, %lt3A_518 : vector<16xi32>
    %jit3A_520 = arith.constant 0.000000e+00 : f32
    %jit3A_521 = arith.constant -1.000000e+09 : f32
    %broadcast_in_dim3A_522 = vector.broadcast %jit3A_520 : f32 to vector<16xf32>
    %broadcast_in_dim3A_523 = vector.broadcast %jit3A_521 : f32 to vector<16xf32>
    %select_n3A_524 = arith.select %lt3A_519, %broadcast_in_dim3A_522, %broadcast_in_dim3A_523 : vector<16xi1>, vector<16xf32>
    %mul3A_525 = arith.constant 16 : i32
    %mul3A_526 = arith.muli %scan3A_512, %mul3A_525 : i32
    %swap3A_527 = arith.index_cast %mul3A_526 : i32 to index
    %swap3A_528 = tpu.vector_load %arg20[%swap3A_527] {strides = array<i32>} : memref<256xf32, #tpu.memory_space<vmem>>, vector<16xf32>,
    tpu.vector_store %arg20[%swap3A_527], %select_n3A_524 {strides = array<i32>} : memref<256xf32, #tpu.memory_space<vmem>>, vector<16xf32>,
    %mul3A_529 = arith.constant 16 : i32
    %mul3A_530 = arith.muli %scan3A_512, %mul3A_529 : i32
    %swap3A_531 = arith.index_cast %mul3A_530 : i32 to index
    %swap3A_532 = tpu.vector_load %arg21[%swap3A_531] {strides = array<i32>} : memref<256xf32, #tpu.memory_space<vmem>>, vector<16xf32>,
    tpu.vector_store %arg21[%swap3A_531], %broadcast_in_dim3A_4 {strides = array<i32>} : memref<256xf32, #tpu.memory_space<vmem>>, vector<16xf32>,
    %mul3A_533 = arith.constant 16 : i32
    %mul3A_534 = arith.muli %scan3A_512, %mul3A_533 : i32
    %swap3A_535 = arith.index_cast %mul3A_534 : i32 to index
    %swap3A_536 = tpu.vector_load %arg22[%swap3A_535] {strides = array<i32>} : memref<256xf32, #tpu.memory_space<vmem>>, vector<16xf32>,
    tpu.vector_store %arg22[%swap3A_535], %broadcast_in_dim3A_4 {strides = array<i32>} : memref<256xf32, #tpu.memory_space<vmem>>, vector<16xf32>,
    %mul3A_537 = arith.constant 16 : i32
    %mul3A_538 = arith.muli %scan3A_512, %mul3A_537 : i32
    %swap3A_539 = arith.index_cast %mul3A_538 : i32 to index
    %swap3A_540 = tpu.vector_load %arg23[%swap3A_539] {strides = array<i32>} : memref<256xf32, #tpu.memory_space<vmem>>, vector<16xf32>,
    tpu.vector_store %arg23[%swap3A_539], %broadcast_in_dim3A_4 {strides = array<i32>} : memref<256xf32, #tpu.memory_space<vmem>>, vector<16xf32>,
    %mul3A_541 = arith.constant 16 : i32
    %mul3A_542 = arith.muli %scan3A_512, %mul3A_541 : i32
    %swap3A_543 = arith.index_cast %mul3A_542 : i32 to index
    %swap3A_544 = tpu.vector_load %arg24[%swap3A_543] {strides = array<i32>} : memref<256xf32, #tpu.memory_space<vmem>>, vector<16xf32>,
    tpu.vector_store %arg24[%swap3A_543], %broadcast_in_dim3A_4 {strides = array<i32>} : memref<256xf32, #tpu.memory_space<vmem>>, vector<16xf32>,
    %scan3A_545 = arith.constant 0 : i32
    %scan3A_546 = arith.constant 15 : i32
    %mul3A_547 = arith.constant 16 : i32
    %mul3A_548 = arith.muli %scan3A_546, %mul3A_547 : i32
    %add3A_549 = vector.broadcast %mul3A_548 : i32 to vector<16xi32>
    %add3A_550 = arith.addi %add3A_549, %iota3A : vector<16xi32>
    %lt3A_551 = arith.constant 200 : i32
    %lt3A_552 = vector.broadcast %lt3A_551 : i32 to vector<16xi32>
    %lt3A_553 = arith.cmpi slt, %add3A_550, %lt3A_552 : vector<16xi32>
    %jit3A_554 = arith.constant 0.000000e+00 : f32
    %jit3A_555 = arith.constant -1.000000e+09 : f32
    %broadcast_in_dim3A_556 = vector.broadcast %jit3A_554 : f32 to vector<16xf32>
    %broadcast_in_dim3A_557 = vector.broadcast %jit3A_555 : f32 to vector<16xf32>
    %select_n3A_558 = arith.select %lt3A_553, %broadcast_in_dim3A_556, %broadcast_in_dim3A_557 : vector<16xi1>, vector<16xf32>
    %mul3A_559 = arith.constant 16 : i32
    %mul3A_560 = arith.muli %scan3A_546, %mul3A_559 : i32
    %swap3A_561 = arith.index_cast %mul3A_560 : i32 to index
    %swap3A_562 = tpu.vector_load %arg20[%swap3A_561] {strides = array<i32>} : memref<256xf32, #tpu.memory_space<vmem>>, vector<16xf32>,
    tpu.vector_store %arg20[%swap3A_561], %select_n3A_558 {strides = array<i32>} : memref<256xf32, #tpu.memory_space<vmem>>, vector<16xf32>,
    %mul3A_563 = arith.constant 16 : i32
    %mul3A_564 = arith.muli %scan3A_546, %mul3A_563 : i32
    %swap3A_565 = arith.index_cast %mul3A_564 : i32 to index
    %swap3A_566 = tpu.vector_load %arg21[%swap3A_565] {strides = array<i32>} : memref<256xf32, #tpu.memory_space<vmem>>, vector<16xf32>,
    tpu.vector_store %arg21[%swap3A_565], %broadcast_in_dim3A_4 {strides = array<i32>} : memref<256xf32, #tpu.memory_space<vmem>>, vector<16xf32>,
    %mul3A_567 = arith.constant 16 : i32
    %mul3A_568 = arith.muli %scan3A_546, %mul3A_567 : i32
    %swap3A_569 = arith.index_cast %mul3A_568 : i32 to index
    %swap3A_570 = tpu.vector_load %arg22[%swap3A_569] {strides = array<i32>} : memref<256xf32, #tpu.memory_space<vmem>>, vector<16xf32>,
    tpu.vector_store %arg22[%swap3A_569], %broadcast_in_dim3A_4 {strides = array<i32>} : memref<256xf32, #tpu.memory_space<vmem>>, vector<16xf32>,
    %mul3A_571 = arith.constant 16 : i32
    %mul3A_572 = arith.muli %scan3A_546, %mul3A_571 : i32
    %swap3A_573 = arith.index_cast %mul3A_572 : i32 to index
    %swap3A_574 = tpu.vector_load %arg23[%swap3A_573] {strides = array<i32>} : memref<256xf32, #tpu.memory_space<vmem>>, vector<16xf32>,
    tpu.vector_store %arg23[%swap3A_573], %broadcast_in_dim3A_4 {strides = array<i32>} : memref<256xf32, #tpu.memory_space<vmem>>, vector<16xf32>,
    %mul3A_575 = arith.constant 16 : i32
    %mul3A_576 = arith.muli %scan3A_546, %mul3A_575 : i32
    %swap3A_577 = arith.index_cast %mul3A_576 : i32 to index
    %swap3A_578 = tpu.vector_load %arg24[%swap3A_577] {strides = array<i32>} : memref<256xf32, #tpu.memory_space<vmem>>, vector<16xf32>,
    tpu.vector_store %arg24[%swap3A_577], %broadcast_in_dim3A_4 {strides = array<i32>} : memref<256xf32, #tpu.memory_space<vmem>>, vector<16xf32>,
    %scan3A_579 = arith.constant 0 : i32
    %scan3A_580 = arith.constant 16 : i32
    %parallel_loop3A = arith.constant 0 : i32
    %parallel_loop3A_581 = arith.constant 80 : i32
    %parallel_loop3A_582 = arith.constant 1 : i32
    %parallel_loop3A_583:3 = scf.for %parallel_loop3A_642 = %parallel_loop3A to %parallel_loop3A_581 step %parallel_loop3A_582 iter_args(%parallel_loop3A_643 = %broadcast_in_dim3A_6, %parallel_loop3A_644 = %broadcast_in_dim3A_2, %parallel_loop3A_645 = %broadcast_in_dim3A_6) -> (vector<16xi32>, vector<16xf32>, vector<16xi32>)  : i32 {
      %parallel_loop3A_646 = arith.constant 64 : i32
      %parallel_loop3A_647 = arith.muli %parallel_loop3A_642, %parallel_loop3A_646 : i32
      %parallel_loop3A_648 = arith.constant 0 : i32
      %parallel_loop3A_649 = arith.addi %parallel_loop3A_647, %parallel_loop3A_648 : i32
      %parallel_loop3A_650 = arith.index_cast %parallel_loop3A_649 : i32 to index
      %parallel_loop3A_651 = tpu.vector_load %arg13[%parallel_loop3A_650] {strides = array<i32>} : memref<5120xf32, #tpu.memory_space<vmem>>, vector<16xf32>,
      %parallel_loop3A_652 = arith.constant 0.00999999977 : f32
      %parallel_loop3A_653 = vector.broadcast %parallel_loop3A_652 : f32 to vector<16xf32>
      %parallel_loop3A_654 = arith.cmpf ogt, %parallel_loop3A_651, %parallel_loop3A_653 : vector<16xf32>
      %parallel_loop3A_655 = arith.extui %parallel_loop3A_654 : vector<16xi1> to vector<16xi32>
      %parallel_loop3A_656 = arith.constant true
      %parallel_loop3A_657 = vector.broadcast %parallel_loop3A_656 : i1 to vector<16xi1>
      %parallel_loop3A_658 = tpu.scan <sum>, %parallel_loop3A_655 masked %parallel_loop3A_657 : vector<16xi32>, vector<16xi1> -> vector<16xi32>
      %parallel_loop3A_659 = arith.constant 16 : i32
      %parallel_loop3A_660 = arith.addi %parallel_loop3A_647, %parallel_loop3A_659 : i32
      %parallel_loop3A_661 = arith.index_cast %parallel_loop3A_660 : i32 to index
      %parallel_loop3A_662 = tpu.vector_load %arg13[%parallel_loop3A_661] {strides = array<i32>} : memref<5120xf32, #tpu.memory_space<vmem>>, vector<16xf32>,
      %parallel_loop3A_663 = arith.constant 0.00999999977 : f32
      %parallel_loop3A_664 = vector.broadcast %parallel_loop3A_663 : f32 to vector<16xf32>
      %parallel_loop3A_665 = arith.cmpf ogt, %parallel_loop3A_662, %parallel_loop3A_664 : vector<16xf32>
      %parallel_loop3A_666 = arith.extui %parallel_loop3A_665 : vector<16xi1> to vector<16xi32>
      %parallel_loop3A_667 = arith.constant true
      %parallel_loop3A_668 = vector.broadcast %parallel_loop3A_667 : i1 to vector<16xi1>
      %parallel_loop3A_669 = tpu.scan <sum>, %parallel_loop3A_666 masked %parallel_loop3A_668 : vector<16xi32>, vector<16xi1> -> vector<16xi32>
      %parallel_loop3A_670 = arith.constant 32 : i32
      %parallel_loop3A_671 = arith.addi %parallel_loop3A_647, %parallel_loop3A_670 : i32
      %parallel_loop3A_672 = arith.index_cast %parallel_loop3A_671 : i32 to index
      %parallel_loop3A_673 = tpu.vector_load %arg13[%parallel_loop3A_672] {strides = array<i32>} : memref<5120xf32, #tpu.memory_space<vmem>>, vector<16xf32>,
      %parallel_loop3A_674 = arith.constant 0.00999999977 : f32
      %parallel_loop3A_675 = vector.broadcast %parallel_loop3A_674 : f32 to vector<16xf32>
      %parallel_loop3A_676 = arith.cmpf ogt, %parallel_loop3A_673, %parallel_loop3A_675 : vector<16xf32>
      %parallel_loop3A_677 = arith.extui %parallel_loop3A_676 : vector<16xi1> to vector<16xi32>
      %parallel_loop3A_678 = arith.constant true
      %parallel_loop3A_679 = vector.broadcast %parallel_loop3A_678 : i1 to vector<16xi1>
      %parallel_loop3A_680 = tpu.scan <sum>, %parallel_loop3A_677 masked %parallel_loop3A_679 : vector<16xi32>, vector<16xi1> -> vector<16xi32>
      %parallel_loop3A_681 = arith.constant 48 : i32
      %parallel_loop3A_682 = arith.addi %parallel_loop3A_647, %parallel_loop3A_681 : i32
      %parallel_loop3A_683 = arith.index_cast %parallel_loop3A_682 : i32 to index
      %parallel_loop3A_684 = tpu.vector_load %arg13[%parallel_loop3A_683] {strides = array<i32>} : memref<5120xf32, #tpu.memory_space<vmem>>, vector<16xf32>,
      %parallel_loop3A_685 = arith.constant 0.00999999977 : f32
      %parallel_loop3A_686 = vector.broadcast %parallel_loop3A_685 : f32 to vector<16xf32>
      %parallel_loop3A_687 = arith.cmpf ogt, %parallel_loop3A_684, %parallel_loop3A_686 : vector<16xf32>
      %parallel_loop3A_688 = arith.extui %parallel_loop3A_687 : vector<16xi1> to vector<16xi32>
      %parallel_loop3A_689 = arith.constant true
      %parallel_loop3A_690 = vector.broadcast %parallel_loop3A_689 : i1 to vector<16xi1>
      %parallel_loop3A_691 = tpu.scan <sum>, %parallel_loop3A_688 masked %parallel_loop3A_690 : vector<16xi32>, vector<16xi1> -> vector<16xi32>
      %parallel_loop3A_692 = arith.addi %parallel_loop3A_643, %parallel_loop3A_658 : vector<16xi32>
      %parallel_loop3A_693 = arith.constant 1 : i32
      %parallel_loop3A_694 = vector.broadcast %parallel_loop3A_693 : i32 to vector<16xi32>
      %parallel_loop3A_695 = arith.subi %parallel_loop3A_692, %parallel_loop3A_694 : vector<16xi32>
      %parallel_loop3A_696 = arith.constant 0 : i32
      %parallel_loop3A_697 = arith.addi %parallel_loop3A_647, %parallel_loop3A_696 : i32
      %parallel_loop3A_698 = vector.broadcast %parallel_loop3A_697 : i32 to vector<16xi32>
      %parallel_loop3A_699 = arith.addi %parallel_loop3A_698, %iota3A : vector<16xi32>
      tpu.vector_store_idx %arg13[%parallel_loop3A_695], %parallel_loop3A_651 masked %parallel_loop3A_654 : memref<5120xf32, #tpu.memory_space<vmem>>[vector<16xi32>], vector<16xf32>, vector<16xi1>
      tpu.vector_store_idx %arg14[%parallel_loop3A_695], %parallel_loop3A_699 masked %parallel_loop3A_654 : memref<5120xi32, #tpu.memory_space<vmem>>[vector<16xi32>], vector<16xi32>, vector<16xi1>
      %parallel_loop3A_700 = tpu.all_reduce %parallel_loop3A_654 {dim = 0 : i64, kind = #tpu.reduction_kind<sum>} : vector<16xi1> -> vector<16xi32>
      %parallel_loop3A_701 = arith.addi %parallel_loop3A_643, %parallel_loop3A_700 : vector<16xi32>
      %parallel_loop3A_702 = arith.select %parallel_loop3A_654, %parallel_loop3A_651, %broadcast_in_dim3A_2 : vector<16xi1>, vector<16xf32>
      %parallel_loop3A_703 = arith.cmpf ogt, %parallel_loop3A_702, %parallel_loop3A_644 : vector<16xf32>
      %parallel_loop3A_704 = arith.maximumf %parallel_loop3A_644, %parallel_loop3A_702 : vector<16xf32>
      %parallel_loop3A_705 = arith.select %parallel_loop3A_703, %parallel_loop3A_695, %parallel_loop3A_645 : vector<16xi1>, vector<16xi32>
      %parallel_loop3A_706 = arith.addi %parallel_loop3A_701, %parallel_loop3A_669 : vector<16xi32>
      %parallel_loop3A_707 = arith.constant 1 : i32
      %parallel_loop3A_708 = vector.broadcast %parallel_loop3A_707 : i32 to vector<16xi32>
      %parallel_loop3A_709 = arith.subi %parallel_loop3A_706, %parallel_loop3A_708 : vector<16xi32>
      %parallel_loop3A_710 = arith.constant 16 : i32
      %parallel_loop3A_711 = arith.addi %parallel_loop3A_647, %parallel_loop3A_710 : i32
      %parallel_loop3A_712 = vector.broadcast %parallel_loop3A_711 : i32 to vector<16xi32>
      %parallel_loop3A_713 = arith.addi %parallel_loop3A_712, %iota3A : vector<16xi32>
      tpu.vector_store_idx %arg13[%parallel_loop3A_709], %parallel_loop3A_662 masked %parallel_loop3A_665 : memref<5120xf32, #tpu.memory_space<vmem>>[vector<16xi32>], vector<16xf32>, vector<16xi1>
      tpu.vector_store_idx %arg14[%parallel_loop3A_709], %parallel_loop3A_713 masked %parallel_loop3A_665 : memref<5120xi32, #tpu.memory_space<vmem>>[vector<16xi32>], vector<16xi32>, vector<16xi1>
      %parallel_loop3A_714 = tpu.all_reduce %parallel_loop3A_665 {dim = 0 : i64, kind = #tpu.reduction_kind<sum>} : vector<16xi1> -> vector<16xi32>
      %parallel_loop3A_715 = arith.addi %parallel_loop3A_701, %parallel_loop3A_714 : vector<16xi32>
      %parallel_loop3A_716 = arith.select %parallel_loop3A_665, %parallel_loop3A_662, %broadcast_in_dim3A_2 : vector<16xi1>, vector<16xf32>
      %parallel_loop3A_717 = arith.cmpf ogt, %parallel_loop3A_716, %parallel_loop3A_704 : vector<16xf32>
      %parallel_loop3A_718 = arith.maximumf %parallel_loop3A_704, %parallel_loop3A_716 : vector<16xf32>
      %parallel_loop3A_719 = arith.select %parallel_loop3A_717, %parallel_loop3A_709, %parallel_loop3A_705 : vector<16xi1>, vector<16xi32>
      %parallel_loop3A_720 = arith.addi %parallel_loop3A_715, %parallel_loop3A_680 : vector<16xi32>
      %parallel_loop3A_721 = arith.constant 1 : i32
      %parallel_loop3A_722 = vector.broadcast %parallel_loop3A_721 : i32 to vector<16xi32>
      %parallel_loop3A_723 = arith.subi %parallel_loop3A_720, %parallel_loop3A_722 : vector<16xi32>
      %parallel_loop3A_724 = arith.constant 32 : i32
      %parallel_loop3A_725 = arith.addi %parallel_loop3A_647, %parallel_loop3A_724 : i32
      %parallel_loop3A_726 = vector.broadcast %parallel_loop3A_725 : i32 to vector<16xi32>
      %parallel_loop3A_727 = arith.addi %parallel_loop3A_726, %iota3A : vector<16xi32>
      tpu.vector_store_idx %arg13[%parallel_loop3A_723], %parallel_loop3A_673 masked %parallel_loop3A_676 : memref<5120xf32, #tpu.memory_space<vmem>>[vector<16xi32>], vector<16xf32>, vector<16xi1>
      tpu.vector_store_idx %arg14[%parallel_loop3A_723], %parallel_loop3A_727 masked %parallel_loop3A_676 : memref<5120xi32, #tpu.memory_space<vmem>>[vector<16xi32>], vector<16xi32>, vector<16xi1>
      %parallel_loop3A_728 = tpu.all_reduce %parallel_loop3A_676 {dim = 0 : i64, kind = #tpu.reduction_kind<sum>} : vector<16xi1> -> vector<16xi32>
      %parallel_loop3A_729 = arith.addi %parallel_loop3A_715, %parallel_loop3A_728 : vector<16xi32>
      %parallel_loop3A_730 = arith.select %parallel_loop3A_676, %parallel_loop3A_673, %broadcast_in_dim3A_2 : vector<16xi1>, vector<16xf32>
      %parallel_loop3A_731 = arith.cmpf ogt, %parallel_loop3A_730, %parallel_loop3A_718 : vector<16xf32>
      %parallel_loop3A_732 = arith.maximumf %parallel_loop3A_718, %parallel_loop3A_730 : vector<16xf32>
      %parallel_loop3A_733 = arith.select %parallel_loop3A_731, %parallel_loop3A_723, %parallel_loop3A_719 : vector<16xi1>, vector<16xi32>
      %parallel_loop3A_734 = arith.addi %parallel_loop3A_729, %parallel_loop3A_691 : vector<16xi32>
      %parallel_loop3A_735 = arith.constant 1 : i32
      %parallel_loop3A_736 = vector.broadcast %parallel_loop3A_735 : i32 to vector<16xi32>
      %parallel_loop3A_737 = arith.subi %parallel_loop3A_734, %parallel_loop3A_736 : vector<16xi32>
      %parallel_loop3A_738 = arith.constant 48 : i32
      %parallel_loop3A_739 = arith.addi %parallel_loop3A_647, %parallel_loop3A_738 : i32
      %parallel_loop3A_740 = vector.broadcast %parallel_loop3A_739 : i32 to vector<16xi32>
      %parallel_loop3A_741 = arith.addi %parallel_loop3A_740, %iota3A : vector<16xi32>
      tpu.vector_store_idx %arg13[%parallel_loop3A_737], %parallel_loop3A_684 masked %parallel_loop3A_687 : memref<5120xf32, #tpu.memory_space<vmem>>[vector<16xi32>], vector<16xf32>, vector<16xi1>
      tpu.vector_store_idx %arg14[%parallel_loop3A_737], %parallel_loop3A_741 masked %parallel_loop3A_687 : memref<5120xi32, #tpu.memory_space<vmem>>[vector<16xi32>], vector<16xi32>, vector<16xi1>
      %parallel_loop3A_742 = tpu.all_reduce %parallel_loop3A_687 {dim = 0 : i64, kind = #tpu.reduction_kind<sum>} : vector<16xi1> -> vector<16xi32>
      %parallel_loop3A_743 = arith.addi %parallel_loop3A_729, %parallel_loop3A_742 : vector<16xi32>
      %parallel_loop3A_744 = arith.select %parallel_loop3A_687, %parallel_loop3A_684, %broadcast_in_dim3A_2 : vector<16xi1>, vector<16xf32>
      %parallel_loop3A_745 = arith.cmpf ogt, %parallel_loop3A_744, %parallel_loop3A_732 : vector<16xf32>
      %parallel_loop3A_746 = arith.maximumf %parallel_loop3A_732, %parallel_loop3A_744 : vector<16xf32>
      %parallel_loop3A_747 = arith.select %parallel_loop3A_745, %parallel_loop3A_737, %parallel_loop3A_733 : vector<16xi1>, vector<16xi32>
      scf.yield %parallel_loop3A_743, %parallel_loop3A_746, %parallel_loop3A_747 : vector<16xi32>, vector<16xf32>, vector<16xi32>
    } {sc.loop_unroll_factor = 2 : i64, sc.parallel_access}
    %add3A_584 = arith.constant 0 : i32
    %add3A_585 = vector.broadcast %add3A_584 : i32 to vector<16xi32>
    %add3A_586 = arith.addi %parallel_loop3A_583#0, %add3A_585 : vector<16xi32>
    %add3A_587 = arith.addi %add3A_586, %iota3A : vector<16xi32>
    tpu.vector_store_idx %arg13[%add3A_587], %broadcast_in_dim3A_2 masked %ge3A_8 : memref<5120xf32, #tpu.memory_space<vmem>>[vector<16xi32>], vector<16xf32>, vector<16xi1>
    %add3A_588 = arith.constant 0 : i32
    %add3A_589 = vector.broadcast %add3A_588 : i32 to vector<16xi32>
    %add3A_590 = arith.addi %parallel_loop3A_583#0, %add3A_589 : vector<16xi32>
    %add3A_591 = arith.addi %add3A_590, %iota3A : vector<16xi32>
    tpu.vector_store_idx %arg14[%add3A_591], %broadcast_in_dim3A_6 masked %ge3A_8 : memref<5120xi32, #tpu.memory_space<vmem>>[vector<16xi32>], vector<16xi32>, vector<16xi1>
    %add3A_592 = arith.constant 16 : i32
    %add3A_593 = vector.broadcast %add3A_592 : i32 to vector<16xi32>
    %add3A_594 = arith.addi %parallel_loop3A_583#0, %add3A_593 : vector<16xi32>
    %add3A_595 = arith.addi %add3A_594, %iota3A : vector<16xi32>
    tpu.vector_store_idx %arg13[%add3A_595], %broadcast_in_dim3A_2 masked %ge3A_8 : memref<5120xf32, #tpu.memory_space<vmem>>[vector<16xi32>], vector<16xf32>, vector<16xi1>
    %add3A_596 = arith.constant 16 : i32
    %add3A_597 = vector.broadcast %add3A_596 : i32 to vector<16xi32>
    %add3A_598 = arith.addi %parallel_loop3A_583#0, %add3A_597 : vector<16xi32>
    %add3A_599 = arith.addi %add3A_598, %iota3A : vector<16xi32>
    tpu.vector_store_idx %arg14[%add3A_599], %broadcast_in_dim3A_6 masked %ge3A_8 : memref<5120xi32, #tpu.memory_space<vmem>>[vector<16xi32>], vector<16xi32>, vector<16xi1>
    %add3A_600 = arith.constant 32 : i32
    %add3A_601 = vector.broadcast %add3A_600 : i32 to vector<16xi32>
    %add3A_602 = arith.addi %parallel_loop3A_583#0, %add3A_601 : vector<16xi32>
    %add3A_603 = arith.addi %add3A_602, %iota3A : vector<16xi32>
    tpu.vector_store_idx %arg13[%add3A_603], %broadcast_in_dim3A_2 masked %ge3A_8 : memref<5120xf32, #tpu.memory_space<vmem>>[vector<16xi32>], vector<16xf32>, vector<16xi1>
    %add3A_604 = arith.constant 32 : i32
    %add3A_605 = vector.broadcast %add3A_604 : i32 to vector<16xi32>
    %add3A_606 = arith.addi %parallel_loop3A_583#0, %add3A_605 : vector<16xi32>
    %add3A_607 = arith.addi %add3A_606, %iota3A : vector<16xi32>
    tpu.vector_store_idx %arg14[%add3A_607], %broadcast_in_dim3A_6 masked %ge3A_8 : memref<5120xi32, #tpu.memory_space<vmem>>[vector<16xi32>], vector<16xi32>, vector<16xi1>
    %add3A_608 = arith.constant 48 : i32
    %add3A_609 = vector.broadcast %add3A_608 : i32 to vector<16xi32>
    %add3A_610 = arith.addi %parallel_loop3A_583#0, %add3A_609 : vector<16xi32>
    %add3A_611 = arith.addi %add3A_610, %iota3A : vector<16xi32>
    tpu.vector_store_idx %arg13[%add3A_611], %broadcast_in_dim3A_2 masked %ge3A_8 : memref<5120xf32, #tpu.memory_space<vmem>>[vector<16xi32>], vector<16xf32>, vector<16xi1>
    %add3A_612 = arith.constant 48 : i32
    %add3A_613 = vector.broadcast %add3A_612 : i32 to vector<16xi32>
    %add3A_614 = arith.addi %parallel_loop3A_583#0, %add3A_613 : vector<16xi32>
    %add3A_615 = arith.addi %add3A_614, %iota3A : vector<16xi32>
    tpu.vector_store_idx %arg14[%add3A_615], %broadcast_in_dim3A_6 masked %ge3A_8 : memref<5120xi32, #tpu.memory_space<vmem>>[vector<16xi32>], vector<16xi32>, vector<16xi1>
    %reduce_max3A = arith.constant true
    %reduce_max3A_616 = vector.broadcast %reduce_max3A : i1 to vector<16xi1>
    %reduce_max3A_617 = tpu.scan <max>, %parallel_loop3A_583#1 masked %reduce_max3A_616 : vector<16xf32>, vector<16xi1> -> vector<16xf32>
    %reduce_max3A_618 = vector.extract %reduce_max3A_617[15] : f32 from vector<16xf32>
    %eq3A_619 = vector.broadcast %reduce_max3A_618 : f32 to vector<16xf32>
    %eq3A_620 = arith.cmpf oeq, %parallel_loop3A_583#1, %eq3A_619 : vector<16xf32>
    %jit3A_621 = arith.constant 1073741824 : i32
    %broadcast_in_dim3A_622 = vector.broadcast %jit3A_621 : i32 to vector<16xi32>
    %select_n3A_623 = arith.select %eq3A_620, %parallel_loop3A_583#2, %broadcast_in_dim3A_622 : vector<16xi1>, vector<16xi32>
    %reduce_min3A = arith.constant true
    %reduce_min3A_624 = vector.broadcast %reduce_min3A : i1 to vector<16xi1>
    %reduce_min3A_625 = arith.constant -2147483648 : i32
    %reduce_min3A_626 = vector.broadcast %reduce_min3A_625 : i32 to vector<16xi32>
    %reduce_min3A_627 = arith.xori %select_n3A_623, %reduce_min3A_626 : vector<16xi32>
    %reduce_min3A_628 = tpu.scan <min>, %reduce_min3A_627 masked %reduce_min3A_624 : vector<16xi32>, vector<16xi1> -> vector<16xi32>
    %reduce_min3A_629 = arith.xori %reduce_min3A_628, %reduce_min3A_626 : vector<16xi32>
    %reduce_min3A_630 = vector.extract %reduce_min3A_629[15] : i32 from vector<16xi32>
    %while3A = arith.constant 0 : i32
    %while3A_631:4 = scf.while (%while3A_642 = %while3A, %while3A_643 = %parallel_loop3A_583#0, %while3A_644 = %reduce_max3A_618, %while3A_645 = %reduce_min3A_630) : (i32, vector<16xi32>, f32, i32) -> (i32, vector<16xi32>, f32, i32) {
      %lt3A_646 = arith.constant 200 : i32
      %lt3A_647 = arith.cmpi slt, %while3A_642, %lt3A_646 : i32
      %gt3A = arith.constant 0.00999999977 : f32
      %gt3A_648 = arith.cmpf ogt, %while3A_644, %gt3A : f32
      %and3A_649 = arith.andi %lt3A_647, %gt3A_648 : i1
      scf.condition(%and3A_649) %while3A_642, %while3A_643, %while3A_644, %while3A_645 : i32, vector<16xi32>, f32, i32
    } do {
    ^bb0(%while3A_642: i32, %while3A_643: vector<16xi32>, %while3A_644: f32, %while3A_645: i32):
      %broadcast_in_dim3A_646 = vector.broadcast %while3A_645 : i32 to vector<16xi32>
      %broadcast_in_dim3A_647 = vector.broadcast %while3A_642 : i32 to vector<16xi32>
      %gather3A = tpu.vector_load_idx %arg14[%broadcast_in_dim3A_646] : memref<5120xi32, #tpu.memory_space<vmem>>[vector<16xi32>], vector<16xi32>,
      tpu.vector_store_idx %arg13[%broadcast_in_dim3A_646], %broadcast_in_dim3A_2 masked %eq3A_1 : memref<5120xf32, #tpu.memory_space<vmem>>[vector<16xi32>], vector<16xf32>, vector<16xi1>
      %gather3A_648 = tpu.vector_load_idx %arg15[%gather3A] : memref<5120xf32, #tpu.memory_space<vmem>>[vector<16xi32>], vector<16xf32>,
      %gather3A_649 = tpu.vector_load_idx %arg16[%gather3A] : memref<5120xf32, #tpu.memory_space<vmem>>[vector<16xi32>], vector<16xf32>,
      %gather3A_650 = tpu.vector_load_idx %arg17[%gather3A] : memref<5120xf32, #tpu.memory_space<vmem>>[vector<16xi32>], vector<16xf32>,
      %gather3A_651 = tpu.vector_load_idx %arg18[%gather3A] : memref<5120xf32, #tpu.memory_space<vmem>>[vector<16xi32>], vector<16xf32>,
      %broadcast_in_dim3A_652 = vector.broadcast %while3A_644 : f32 to vector<16xf32>
      tpu.vector_store_idx %arg20[%broadcast_in_dim3A_647], %broadcast_in_dim3A_652 masked %eq3A_1 : memref<256xf32, #tpu.memory_space<vmem>>[vector<16xi32>], vector<16xf32>, vector<16xi1>
      tpu.vector_store_idx %arg21[%broadcast_in_dim3A_647], %gather3A_648 masked %eq3A_1 : memref<256xf32, #tpu.memory_space<vmem>>[vector<16xi32>], vector<16xf32>, vector<16xi1>
      tpu.vector_store_idx %arg22[%broadcast_in_dim3A_647], %gather3A_649 masked %eq3A_1 : memref<256xf32, #tpu.memory_space<vmem>>[vector<16xi32>], vector<16xf32>, vector<16xi1>
      tpu.vector_store_idx %arg23[%broadcast_in_dim3A_647], %gather3A_650 masked %eq3A_1 : memref<256xf32, #tpu.memory_space<vmem>>[vector<16xi32>], vector<16xf32>, vector<16xi1>
      tpu.vector_store_idx %arg24[%broadcast_in_dim3A_647], %gather3A_651 masked %eq3A_1 : memref<256xf32, #tpu.memory_space<vmem>>[vector<16xi32>], vector<16xf32>, vector<16xi1>
      %sub3A_653 = arith.subf %gather3A_650, %gather3A_648 : vector<16xf32>
      %max3A = arith.constant 0.000000e+00 : f32
      %max3A_654 = vector.broadcast %max3A : f32 to vector<16xf32>
      %max3A_655 = arith.maximumf %sub3A_653, %max3A_654 : vector<16xf32>
      %sub3A_656 = arith.subf %gather3A_651, %gather3A_649 : vector<16xf32>
      %max3A_657 = arith.constant 0.000000e+00 : f32
      %max3A_658 = vector.broadcast %max3A_657 : f32 to vector<16xf32>
      %max3A_659 = arith.maximumf %sub3A_656, %max3A_658 : vector<16xf32>
      %mul3A_660 = arith.mulf %max3A_655, %max3A_659 : vector<16xf32>
      %reduce_max3A_661 = arith.constant true
      %reduce_max3A_662 = vector.broadcast %reduce_max3A_661 : i1 to vector<16xi1>
      %reduce_max3A_663 = arith.constant -2147483648 : i32
      %reduce_max3A_664 = vector.broadcast %reduce_max3A_663 : i32 to vector<16xi32>
      %reduce_max3A_665 = arith.xori %while3A_643, %reduce_max3A_664 : vector<16xi32>
      %reduce_max3A_666 = tpu.scan <max>, %reduce_max3A_665 masked %reduce_max3A_662 : vector<16xi32>, vector<16xi1> -> vector<16xi32>
      %reduce_max3A_667 = arith.xori %reduce_max3A_666, %reduce_max3A_664 : vector<16xi32>
      %reduce_max3A_668 = vector.extract %reduce_max3A_667[15] : i32 from vector<16xi32>
      %add3A_669 = arith.constant 63 : i32
      %add3A_670 = arith.addi %reduce_max3A_668, %add3A_669 : i32
      %jit3A_671 = arith.constant 64 : i32
      %div3A_672 = arith.divsi %add3A_670, %jit3A_671 : i32
      %sign3A_673 = arith.constant 0 : i32
      %sign3A_674 = arith.cmpi sgt, %add3A_670, %sign3A_673 : i32
      %sign3A_675 = arith.extui %sign3A_674 : i1 to i32
      %sign3A_676 = arith.constant 0 : i32
      %sign3A_677 = arith.cmpi slt, %add3A_670, %sign3A_676 : i32
      %sign3A_678 = arith.extui %sign3A_677 : i1 to i32
      %sign3A_679 = arith.subi %sign3A_675, %sign3A_678 : i32
      %sign3A_680 = arith.constant 0 : i32
      %sign3A_681 = arith.cmpi sgt, %jit3A_671, %sign3A_680 : i32
      %sign3A_682 = arith.extui %sign3A_681 : i1 to i32
      %sign3A_683 = arith.constant 0 : i32
      %sign3A_684 = arith.cmpi slt, %jit3A_671, %sign3A_683 : i32
      %sign3A_685 = arith.extui %sign3A_684 : i1 to i32
      %sign3A_686 = arith.subi %sign3A_682, %sign3A_685 : i32
      %ne3A_687 = arith.cmpi ne, %sign3A_679, %sign3A_686 : i32
      %rem3A_688 = arith.remsi %add3A_670, %jit3A_671 : i32
      %ne3A_689 = arith.constant 0 : i32
      %ne3A_690 = arith.cmpi ne, %rem3A_688, %ne3A_689 : i32
      %and3A_691 = arith.andi %ne3A_687, %ne3A_690 : i1
      %sub3A_692 = arith.constant 1 : i32
      %sub3A_693 = arith.subi %div3A_672, %sub3A_692 : i32
      %select_n3A_694 = arith.select %and3A_691, %sub3A_693, %div3A_672 : i32
      %parallel_loop3A_695 = arith.constant 0 : i32
      %parallel_loop3A_696 = arith.constant 1 : i32
      %parallel_loop3A_697:3 = scf.for %parallel_loop3A_749 = %parallel_loop3A_695 to %select_n3A_694 step %parallel_loop3A_696 iter_args(%parallel_loop3A_750 = %broadcast_in_dim3A_6, %parallel_loop3A_751 = %broadcast_in_dim3A_2, %parallel_loop3A_752 = %broadcast_in_dim3A_6) -> (vector<16xi32>, vector<16xf32>, vector<16xi32>)  : i32 {
        %parallel_loop3A_753 = arith.constant 64 : i32
        %parallel_loop3A_754 = arith.muli %parallel_loop3A_749, %parallel_loop3A_753 : i32
        %parallel_loop3A_755 = arith.constant 0 : i32
        %parallel_loop3A_756 = arith.addi %parallel_loop3A_754, %parallel_loop3A_755 : i32
        %parallel_loop3A_757 = arith.index_cast %parallel_loop3A_756 : i32 to index
        %parallel_loop3A_758 = tpu.vector_load %arg13[%parallel_loop3A_757] {strides = array<i32>} : memref<5120xf32, #tpu.memory_space<vmem>>, vector<16xf32>,
        %parallel_loop3A_759 = arith.constant 0 : i32
        %parallel_loop3A_760 = arith.addi %parallel_loop3A_754, %parallel_loop3A_759 : i32
        %parallel_loop3A_761 = arith.index_cast %parallel_loop3A_760 : i32 to index
        %parallel_loop3A_762 = tpu.vector_load %arg14[%parallel_loop3A_761] {strides = array<i32>} : memref<5120xi32, #tpu.memory_space<vmem>>, vector<16xi32>,
        %parallel_loop3A_763 = tpu.vector_load_idx %arg15[%parallel_loop3A_762] : memref<5120xf32, #tpu.memory_space<vmem>>[vector<16xi32>], vector<16xf32>,
        %parallel_loop3A_764 = tpu.vector_load_idx %arg16[%parallel_loop3A_762] : memref<5120xf32, #tpu.memory_space<vmem>>[vector<16xi32>], vector<16xf32>,
        %parallel_loop3A_765 = tpu.vector_load_idx %arg17[%parallel_loop3A_762] : memref<5120xf32, #tpu.memory_space<vmem>>[vector<16xi32>], vector<16xf32>,
        %parallel_loop3A_766 = tpu.vector_load_idx %arg18[%parallel_loop3A_762] : memref<5120xf32, #tpu.memory_space<vmem>>[vector<16xi32>], vector<16xf32>,
        %parallel_loop3A_767 = tpu.vector_load_idx %arg19[%parallel_loop3A_762] : memref<5120xf32, #tpu.memory_space<vmem>>[vector<16xi32>], vector<16xf32>,
        %parallel_loop3A_768 = arith.minimumf %gather3A_650, %parallel_loop3A_765 : vector<16xf32>
        %parallel_loop3A_769 = arith.maximumf %gather3A_648, %parallel_loop3A_763 : vector<16xf32>
        %parallel_loop3A_770 = arith.subf %parallel_loop3A_768, %parallel_loop3A_769 : vector<16xf32>
        %parallel_loop3A_771 = arith.constant 0.000000e+00 : f32
        %parallel_loop3A_772 = vector.broadcast %parallel_loop3A_771 : f32 to vector<16xf32>
        %parallel_loop3A_773 = arith.maximumf %parallel_loop3A_770, %parallel_loop3A_772 : vector<16xf32>
        %parallel_loop3A_774 = arith.minimumf %gather3A_651, %parallel_loop3A_766 : vector<16xf32>
        %parallel_loop3A_775 = arith.maximumf %gather3A_649, %parallel_loop3A_764 : vector<16xf32>
        %parallel_loop3A_776 = arith.subf %parallel_loop3A_774, %parallel_loop3A_775 : vector<16xf32>
        %parallel_loop3A_777 = arith.constant 0.000000e+00 : f32
        %parallel_loop3A_778 = vector.broadcast %parallel_loop3A_777 : f32 to vector<16xf32>
        %parallel_loop3A_779 = arith.maximumf %parallel_loop3A_776, %parallel_loop3A_778 : vector<16xf32>
        %parallel_loop3A_780 = arith.mulf %parallel_loop3A_773, %parallel_loop3A_779 : vector<16xf32>
        %parallel_loop3A_781 = arith.addf %mul3A_660, %parallel_loop3A_767 : vector<16xf32>
        %parallel_loop3A_782 = arith.subf %parallel_loop3A_781, %parallel_loop3A_780 : vector<16xf32>
        %parallel_loop3A_783 = arith.constant 9.99999993E-9 : f32
        %parallel_loop3A_784 = vector.broadcast %parallel_loop3A_783 : f32 to vector<16xf32>
        %parallel_loop3A_785 = arith.maximumf %parallel_loop3A_782, %parallel_loop3A_784 : vector<16xf32>
        %parallel_loop3A_786 = arith.divf %parallel_loop3A_780, %parallel_loop3A_785 : vector<16xf32>
        %parallel_loop3A_787 = arith.constant 4.500000e-01 : f32
        %parallel_loop3A_788 = vector.broadcast %parallel_loop3A_787 : f32 to vector<16xf32>
        %parallel_loop3A_789 = arith.cmpf olt, %parallel_loop3A_786, %parallel_loop3A_788 : vector<16xf32>
        %parallel_loop3A_790 = arith.extui %parallel_loop3A_789 : vector<16xi1> to vector<16xi32>
        %parallel_loop3A_791 = arith.constant true
        %parallel_loop3A_792 = vector.broadcast %parallel_loop3A_791 : i1 to vector<16xi1>
        %parallel_loop3A_793 = tpu.scan <sum>, %parallel_loop3A_790 masked %parallel_loop3A_792 : vector<16xi32>, vector<16xi1> -> vector<16xi32>
        %parallel_loop3A_794 = arith.constant 16 : i32
        %parallel_loop3A_795 = arith.addi %parallel_loop3A_754, %parallel_loop3A_794 : i32
        %parallel_loop3A_796 = arith.index_cast %parallel_loop3A_795 : i32 to index
        %parallel_loop3A_797 = tpu.vector_load %arg13[%parallel_loop3A_796] {strides = array<i32>} : memref<5120xf32, #tpu.memory_space<vmem>>, vector<16xf32>,
        %parallel_loop3A_798 = arith.constant 16 : i32
        %parallel_loop3A_799 = arith.addi %parallel_loop3A_754, %parallel_loop3A_798 : i32
        %parallel_loop3A_800 = arith.index_cast %parallel_loop3A_799 : i32 to index
        %parallel_loop3A_801 = tpu.vector_load %arg14[%parallel_loop3A_800] {strides = array<i32>} : memref<5120xi32, #tpu.memory_space<vmem>>, vector<16xi32>,
        %parallel_loop3A_802 = tpu.vector_load_idx %arg15[%parallel_loop3A_801] : memref<5120xf32, #tpu.memory_space<vmem>>[vector<16xi32>], vector<16xf32>,
        %parallel_loop3A_803 = tpu.vector_load_idx %arg16[%parallel_loop3A_801] : memref<5120xf32, #tpu.memory_space<vmem>>[vector<16xi32>], vector<16xf32>,
        %parallel_loop3A_804 = tpu.vector_load_idx %arg17[%parallel_loop3A_801] : memref<5120xf32, #tpu.memory_space<vmem>>[vector<16xi32>], vector<16xf32>,
        %parallel_loop3A_805 = tpu.vector_load_idx %arg18[%parallel_loop3A_801] : memref<5120xf32, #tpu.memory_space<vmem>>[vector<16xi32>], vector<16xf32>,
        %parallel_loop3A_806 = tpu.vector_load_idx %arg19[%parallel_loop3A_801] : memref<5120xf32, #tpu.memory_space<vmem>>[vector<16xi32>], vector<16xf32>,
        %parallel_loop3A_807 = arith.minimumf %gather3A_650, %parallel_loop3A_804 : vector<16xf32>
        %parallel_loop3A_808 = arith.maximumf %gather3A_648, %parallel_loop3A_802 : vector<16xf32>
        %parallel_loop3A_809 = arith.subf %parallel_loop3A_807, %parallel_loop3A_808 : vector<16xf32>
        %parallel_loop3A_810 = arith.constant 0.000000e+00 : f32
        %parallel_loop3A_811 = vector.broadcast %parallel_loop3A_810 : f32 to vector<16xf32>
        %parallel_loop3A_812 = arith.maximumf %parallel_loop3A_809, %parallel_loop3A_811 : vector<16xf32>
        %parallel_loop3A_813 = arith.minimumf %gather3A_651, %parallel_loop3A_805 : vector<16xf32>
        %parallel_loop3A_814 = arith.maximumf %gather3A_649, %parallel_loop3A_803 : vector<16xf32>
        %parallel_loop3A_815 = arith.subf %parallel_loop3A_813, %parallel_loop3A_814 : vector<16xf32>
        %parallel_loop3A_816 = arith.constant 0.000000e+00 : f32
        %parallel_loop3A_817 = vector.broadcast %parallel_loop3A_816 : f32 to vector<16xf32>
        %parallel_loop3A_818 = arith.maximumf %parallel_loop3A_815, %parallel_loop3A_817 : vector<16xf32>
        %parallel_loop3A_819 = arith.mulf %parallel_loop3A_812, %parallel_loop3A_818 : vector<16xf32>
        %parallel_loop3A_820 = arith.addf %mul3A_660, %parallel_loop3A_806 : vector<16xf32>
        %parallel_loop3A_821 = arith.subf %parallel_loop3A_820, %parallel_loop3A_819 : vector<16xf32>
        %parallel_loop3A_822 = arith.constant 9.99999993E-9 : f32
        %parallel_loop3A_823 = vector.broadcast %parallel_loop3A_822 : f32 to vector<16xf32>
        %parallel_loop3A_824 = arith.maximumf %parallel_loop3A_821, %parallel_loop3A_823 : vector<16xf32>
        %parallel_loop3A_825 = arith.divf %parallel_loop3A_819, %parallel_loop3A_824 : vector<16xf32>
        %parallel_loop3A_826 = arith.constant 4.500000e-01 : f32
        %parallel_loop3A_827 = vector.broadcast %parallel_loop3A_826 : f32 to vector<16xf32>
        %parallel_loop3A_828 = arith.cmpf olt, %parallel_loop3A_825, %parallel_loop3A_827 : vector<16xf32>
        %parallel_loop3A_829 = arith.extui %parallel_loop3A_828 : vector<16xi1> to vector<16xi32>
        %parallel_loop3A_830 = arith.constant true
        %parallel_loop3A_831 = vector.broadcast %parallel_loop3A_830 : i1 to vector<16xi1>
        %parallel_loop3A_832 = tpu.scan <sum>, %parallel_loop3A_829 masked %parallel_loop3A_831 : vector<16xi32>, vector<16xi1> -> vector<16xi32>
        %parallel_loop3A_833 = arith.constant 32 : i32
        %parallel_loop3A_834 = arith.addi %parallel_loop3A_754, %parallel_loop3A_833 : i32
        %parallel_loop3A_835 = arith.index_cast %parallel_loop3A_834 : i32 to index
        %parallel_loop3A_836 = tpu.vector_load %arg13[%parallel_loop3A_835] {strides = array<i32>} : memref<5120xf32, #tpu.memory_space<vmem>>, vector<16xf32>,
        %parallel_loop3A_837 = arith.constant 32 : i32
        %parallel_loop3A_838 = arith.addi %parallel_loop3A_754, %parallel_loop3A_837 : i32
        %parallel_loop3A_839 = arith.index_cast %parallel_loop3A_838 : i32 to index
        %parallel_loop3A_840 = tpu.vector_load %arg14[%parallel_loop3A_839] {strides = array<i32>} : memref<5120xi32, #tpu.memory_space<vmem>>, vector<16xi32>,
        %parallel_loop3A_841 = tpu.vector_load_idx %arg15[%parallel_loop3A_840] : memref<5120xf32, #tpu.memory_space<vmem>>[vector<16xi32>], vector<16xf32>,
        %parallel_loop3A_842 = tpu.vector_load_idx %arg16[%parallel_loop3A_840] : memref<5120xf32, #tpu.memory_space<vmem>>[vector<16xi32>], vector<16xf32>,
        %parallel_loop3A_843 = tpu.vector_load_idx %arg17[%parallel_loop3A_840] : memref<5120xf32, #tpu.memory_space<vmem>>[vector<16xi32>], vector<16xf32>,
        %parallel_loop3A_844 = tpu.vector_load_idx %arg18[%parallel_loop3A_840] : memref<5120xf32, #tpu.memory_space<vmem>>[vector<16xi32>], vector<16xf32>,
        %parallel_loop3A_845 = tpu.vector_load_idx %arg19[%parallel_loop3A_840] : memref<5120xf32, #tpu.memory_space<vmem>>[vector<16xi32>], vector<16xf32>,
        %parallel_loop3A_846 = arith.minimumf %gather3A_650, %parallel_loop3A_843 : vector<16xf32>
        %parallel_loop3A_847 = arith.maximumf %gather3A_648, %parallel_loop3A_841 : vector<16xf32>
        %parallel_loop3A_848 = arith.subf %parallel_loop3A_846, %parallel_loop3A_847 : vector<16xf32>
        %parallel_loop3A_849 = arith.constant 0.000000e+00 : f32
        %parallel_loop3A_850 = vector.broadcast %parallel_loop3A_849 : f32 to vector<16xf32>
        %parallel_loop3A_851 = arith.maximumf %parallel_loop3A_848, %parallel_loop3A_850 : vector<16xf32>
        %parallel_loop3A_852 = arith.minimumf %gather3A_651, %parallel_loop3A_844 : vector<16xf32>
        %parallel_loop3A_853 = arith.maximumf %gather3A_649, %parallel_loop3A_842 : vector<16xf32>
        %parallel_loop3A_854 = arith.subf %parallel_loop3A_852, %parallel_loop3A_853 : vector<16xf32>
        %parallel_loop3A_855 = arith.constant 0.000000e+00 : f32
        %parallel_loop3A_856 = vector.broadcast %parallel_loop3A_855 : f32 to vector<16xf32>
        %parallel_loop3A_857 = arith.maximumf %parallel_loop3A_854, %parallel_loop3A_856 : vector<16xf32>
        %parallel_loop3A_858 = arith.mulf %parallel_loop3A_851, %parallel_loop3A_857 : vector<16xf32>
        %parallel_loop3A_859 = arith.addf %mul3A_660, %parallel_loop3A_845 : vector<16xf32>
        %parallel_loop3A_860 = arith.subf %parallel_loop3A_859, %parallel_loop3A_858 : vector<16xf32>
        %parallel_loop3A_861 = arith.constant 9.99999993E-9 : f32
        %parallel_loop3A_862 = vector.broadcast %parallel_loop3A_861 : f32 to vector<16xf32>
        %parallel_loop3A_863 = arith.maximumf %parallel_loop3A_860, %parallel_loop3A_862 : vector<16xf32>
        %parallel_loop3A_864 = arith.divf %parallel_loop3A_858, %parallel_loop3A_863 : vector<16xf32>
        %parallel_loop3A_865 = arith.constant 4.500000e-01 : f32
        %parallel_loop3A_866 = vector.broadcast %parallel_loop3A_865 : f32 to vector<16xf32>
        %parallel_loop3A_867 = arith.cmpf olt, %parallel_loop3A_864, %parallel_loop3A_866 : vector<16xf32>
        %parallel_loop3A_868 = arith.extui %parallel_loop3A_867 : vector<16xi1> to vector<16xi32>
        %parallel_loop3A_869 = arith.constant true
        %parallel_loop3A_870 = vector.broadcast %parallel_loop3A_869 : i1 to vector<16xi1>
        %parallel_loop3A_871 = tpu.scan <sum>, %parallel_loop3A_868 masked %parallel_loop3A_870 : vector<16xi32>, vector<16xi1> -> vector<16xi32>
        %parallel_loop3A_872 = arith.constant 48 : i32
        %parallel_loop3A_873 = arith.addi %parallel_loop3A_754, %parallel_loop3A_872 : i32
        %parallel_loop3A_874 = arith.index_cast %parallel_loop3A_873 : i32 to index
        %parallel_loop3A_875 = tpu.vector_load %arg13[%parallel_loop3A_874] {strides = array<i32>} : memref<5120xf32, #tpu.memory_space<vmem>>, vector<16xf32>,
        %parallel_loop3A_876 = arith.constant 48 : i32
        %parallel_loop3A_877 = arith.addi %parallel_loop3A_754, %parallel_loop3A_876 : i32
        %parallel_loop3A_878 = arith.index_cast %parallel_loop3A_877 : i32 to index
        %parallel_loop3A_879 = tpu.vector_load %arg14[%parallel_loop3A_878] {strides = array<i32>} : memref<5120xi32, #tpu.memory_space<vmem>>, vector<16xi32>,
        %parallel_loop3A_880 = tpu.vector_load_idx %arg15[%parallel_loop3A_879] : memref<5120xf32, #tpu.memory_space<vmem>>[vector<16xi32>], vector<16xf32>,
        %parallel_loop3A_881 = tpu.vector_load_idx %arg16[%parallel_loop3A_879] : memref<5120xf32, #tpu.memory_space<vmem>>[vector<16xi32>], vector<16xf32>,
        %parallel_loop3A_882 = tpu.vector_load_idx %arg17[%parallel_loop3A_879] : memref<5120xf32, #tpu.memory_space<vmem>>[vector<16xi32>], vector<16xf32>,
        %parallel_loop3A_883 = tpu.vector_load_idx %arg18[%parallel_loop3A_879] : memref<5120xf32, #tpu.memory_space<vmem>>[vector<16xi32>], vector<16xf32>,
        %parallel_loop3A_884 = tpu.vector_load_idx %arg19[%parallel_loop3A_879] : memref<5120xf32, #tpu.memory_space<vmem>>[vector<16xi32>], vector<16xf32>,
        %parallel_loop3A_885 = arith.minimumf %gather3A_650, %parallel_loop3A_882 : vector<16xf32>
        %parallel_loop3A_886 = arith.maximumf %gather3A_648, %parallel_loop3A_880 : vector<16xf32>
        %parallel_loop3A_887 = arith.subf %parallel_loop3A_885, %parallel_loop3A_886 : vector<16xf32>
        %parallel_loop3A_888 = arith.constant 0.000000e+00 : f32
        %parallel_loop3A_889 = vector.broadcast %parallel_loop3A_888 : f32 to vector<16xf32>
        %parallel_loop3A_890 = arith.maximumf %parallel_loop3A_887, %parallel_loop3A_889 : vector<16xf32>
        %parallel_loop3A_891 = arith.minimumf %gather3A_651, %parallel_loop3A_883 : vector<16xf32>
        %parallel_loop3A_892 = arith.maximumf %gather3A_649, %parallel_loop3A_881 : vector<16xf32>
        %parallel_loop3A_893 = arith.subf %parallel_loop3A_891, %parallel_loop3A_892 : vector<16xf32>
        %parallel_loop3A_894 = arith.constant 0.000000e+00 : f32
        %parallel_loop3A_895 = vector.broadcast %parallel_loop3A_894 : f32 to vector<16xf32>
        %parallel_loop3A_896 = arith.maximumf %parallel_loop3A_893, %parallel_loop3A_895 : vector<16xf32>
        %parallel_loop3A_897 = arith.mulf %parallel_loop3A_890, %parallel_loop3A_896 : vector<16xf32>
        %parallel_loop3A_898 = arith.addf %mul3A_660, %parallel_loop3A_884 : vector<16xf32>
        %parallel_loop3A_899 = arith.subf %parallel_loop3A_898, %parallel_loop3A_897 : vector<16xf32>
        %parallel_loop3A_900 = arith.constant 9.99999993E-9 : f32
        %parallel_loop3A_901 = vector.broadcast %parallel_loop3A_900 : f32 to vector<16xf32>
        %parallel_loop3A_902 = arith.maximumf %parallel_loop3A_899, %parallel_loop3A_901 : vector<16xf32>
        %parallel_loop3A_903 = arith.divf %parallel_loop3A_897, %parallel_loop3A_902 : vector<16xf32>
        %parallel_loop3A_904 = arith.constant 4.500000e-01 : f32
        %parallel_loop3A_905 = vector.broadcast %parallel_loop3A_904 : f32 to vector<16xf32>
        %parallel_loop3A_906 = arith.cmpf olt, %parallel_loop3A_903, %parallel_loop3A_905 : vector<16xf32>
        %parallel_loop3A_907 = arith.extui %parallel_loop3A_906 : vector<16xi1> to vector<16xi32>
        %parallel_loop3A_908 = arith.constant true
        %parallel_loop3A_909 = vector.broadcast %parallel_loop3A_908 : i1 to vector<16xi1>
        %parallel_loop3A_910 = tpu.scan <sum>, %parallel_loop3A_907 masked %parallel_loop3A_909 : vector<16xi32>, vector<16xi1> -> vector<16xi32>
        %parallel_loop3A_911 = arith.constant 1 : i32
        %parallel_loop3A_912 = vector.broadcast %parallel_loop3A_911 : i32 to vector<16xi32>
        %parallel_loop3A_913 = arith.subi %parallel_loop3A_750, %parallel_loop3A_912 : vector<16xi32>
        %parallel_loop3A_914 = arith.addi %parallel_loop3A_913, %parallel_loop3A_793 : vector<16xi32>
        tpu.vector_store_idx %arg13[%parallel_loop3A_914], %parallel_loop3A_758 masked %parallel_loop3A_789 : memref<5120xf32, #tpu.memory_space<vmem>>[vector<16xi32>], vector<16xf32>, vector<16xi1>
        tpu.vector_store_idx %arg14[%parallel_loop3A_914], %parallel_loop3A_762 masked %parallel_loop3A_789 : memref<5120xi32, #tpu.memory_space<vmem>>[vector<16xi32>], vector<16xi32>, vector<16xi1>
        %parallel_loop3A_915 = tpu.all_reduce %parallel_loop3A_789 {dim = 0 : i64, kind = #tpu.reduction_kind<sum>} : vector<16xi1> -> vector<16xi32>
        %parallel_loop3A_916 = arith.addi %parallel_loop3A_913, %parallel_loop3A_915 : vector<16xi32>
        %parallel_loop3A_917 = arith.select %parallel_loop3A_789, %parallel_loop3A_758, %broadcast_in_dim3A_2 : vector<16xi1>, vector<16xf32>
        %parallel_loop3A_918 = arith.cmpf ogt, %parallel_loop3A_917, %parallel_loop3A_751 : vector<16xf32>
        %parallel_loop3A_919 = arith.maximumf %parallel_loop3A_751, %parallel_loop3A_917 : vector<16xf32>
        %parallel_loop3A_920 = arith.select %parallel_loop3A_918, %parallel_loop3A_914, %parallel_loop3A_752 : vector<16xi1>, vector<16xi32>
        %parallel_loop3A_921 = arith.addi %parallel_loop3A_916, %parallel_loop3A_832 : vector<16xi32>
        tpu.vector_store_idx %arg13[%parallel_loop3A_921], %parallel_loop3A_797 masked %parallel_loop3A_828 : memref<5120xf32, #tpu.memory_space<vmem>>[vector<16xi32>], vector<16xf32>, vector<16xi1>
        tpu.vector_store_idx %arg14[%parallel_loop3A_921], %parallel_loop3A_801 masked %parallel_loop3A_828 : memref<5120xi32, #tpu.memory_space<vmem>>[vector<16xi32>], vector<16xi32>, vector<16xi1>
        %parallel_loop3A_922 = tpu.all_reduce %parallel_loop3A_828 {dim = 0 : i64, kind = #tpu.reduction_kind<sum>} : vector<16xi1> -> vector<16xi32>
        %parallel_loop3A_923 = arith.addi %parallel_loop3A_916, %parallel_loop3A_922 : vector<16xi32>
        %parallel_loop3A_924 = arith.select %parallel_loop3A_828, %parallel_loop3A_797, %broadcast_in_dim3A_2 : vector<16xi1>, vector<16xf32>
        %parallel_loop3A_925 = arith.cmpf ogt, %parallel_loop3A_924, %parallel_loop3A_919 : vector<16xf32>
        %parallel_loop3A_926 = arith.maximumf %parallel_loop3A_919, %parallel_loop3A_924 : vector<16xf32>
        %parallel_loop3A_927 = arith.select %parallel_loop3A_925, %parallel_loop3A_921, %parallel_loop3A_920 : vector<16xi1>, vector<16xi32>
        %parallel_loop3A_928 = arith.addi %parallel_loop3A_923, %parallel_loop3A_871 : vector<16xi32>
        tpu.vector_store_idx %arg13[%parallel_loop3A_928], %parallel_loop3A_836 masked %parallel_loop3A_867 : memref<5120xf32, #tpu.memory_space<vmem>>[vector<16xi32>], vector<16xf32>, vector<16xi1>
        tpu.vector_store_idx %arg14[%parallel_loop3A_928], %parallel_loop3A_840 masked %parallel_loop3A_867 : memref<5120xi32, #tpu.memory_space<vmem>>[vector<16xi32>], vector<16xi32>, vector<16xi1>
        %parallel_loop3A_929 = tpu.all_reduce %parallel_loop3A_867 {dim = 0 : i64, kind = #tpu.reduction_kind<sum>} : vector<16xi1> -> vector<16xi32>
        %parallel_loop3A_930 = arith.addi %parallel_loop3A_923, %parallel_loop3A_929 : vector<16xi32>
        %parallel_loop3A_931 = arith.select %parallel_loop3A_867, %parallel_loop3A_836, %broadcast_in_dim3A_2 : vector<16xi1>, vector<16xf32>
        %parallel_loop3A_932 = arith.cmpf ogt, %parallel_loop3A_931, %parallel_loop3A_926 : vector<16xf32>
        %parallel_loop3A_933 = arith.maximumf %parallel_loop3A_926, %parallel_loop3A_931 : vector<16xf32>
        %parallel_loop3A_934 = arith.select %parallel_loop3A_932, %parallel_loop3A_928, %parallel_loop3A_927 : vector<16xi1>, vector<16xi32>
        %parallel_loop3A_935 = arith.addi %parallel_loop3A_930, %parallel_loop3A_910 : vector<16xi32>
        tpu.vector_store_idx %arg13[%parallel_loop3A_935], %parallel_loop3A_875 masked %parallel_loop3A_906 : memref<5120xf32, #tpu.memory_space<vmem>>[vector<16xi32>], vector<16xf32>, vector<16xi1>
        tpu.vector_store_idx %arg14[%parallel_loop3A_935], %parallel_loop3A_879 masked %parallel_loop3A_906 : memref<5120xi32, #tpu.memory_space<vmem>>[vector<16xi32>], vector<16xi32>, vector<16xi1>
        %parallel_loop3A_936 = tpu.all_reduce %parallel_loop3A_906 {dim = 0 : i64, kind = #tpu.reduction_kind<sum>} : vector<16xi1> -> vector<16xi32>
        %parallel_loop3A_937 = arith.addi %parallel_loop3A_930, %parallel_loop3A_936 : vector<16xi32>
        %parallel_loop3A_938 = arith.select %parallel_loop3A_906, %parallel_loop3A_875, %broadcast_in_dim3A_2 : vector<16xi1>, vector<16xf32>
        %parallel_loop3A_939 = arith.cmpf ogt, %parallel_loop3A_938, %parallel_loop3A_933 : vector<16xf32>
        %parallel_loop3A_940 = arith.maximumf %parallel_loop3A_933, %parallel_loop3A_938 : vector<16xf32>
        %parallel_loop3A_941 = arith.select %parallel_loop3A_939, %parallel_loop3A_935, %parallel_loop3A_934 : vector<16xi1>, vector<16xi32>
        %parallel_loop3A_942 = arith.constant 1 : i32
        %parallel_loop3A_943 = vector.broadcast %parallel_loop3A_942 : i32 to vector<16xi32>
        %parallel_loop3A_944 = arith.addi %parallel_loop3A_937, %parallel_loop3A_943 : vector<16xi32>
        scf.yield %parallel_loop3A_944, %parallel_loop3A_940, %parallel_loop3A_941 : vector<16xi32>, vector<16xf32>, vector<16xi32>
      } {sc.loop_unroll_factor = 6 : i64, sc.parallel_access}
      %add3A_698 = arith.constant 0 : i32
      %add3A_699 = vector.broadcast %add3A_698 : i32 to vector<16xi32>
      %add3A_700 = arith.addi %parallel_loop3A_697#0, %add3A_699 : vector<16xi32>
      %add3A_701 = arith.addi %add3A_700, %iota3A : vector<16xi32>
      tpu.vector_store_idx %arg13[%add3A_701], %broadcast_in_dim3A_2 masked %ge3A_8 : memref<5120xf32, #tpu.memory_space<vmem>>[vector<16xi32>], vector<16xf32>, vector<16xi1>
      %add3A_702 = arith.constant 0 : i32
      %add3A_703 = vector.broadcast %add3A_702 : i32 to vector<16xi32>
      %add3A_704 = arith.addi %parallel_loop3A_697#0, %add3A_703 : vector<16xi32>
      %add3A_705 = arith.addi %add3A_704, %iota3A : vector<16xi32>
      tpu.vector_store_idx %arg14[%add3A_705], %broadcast_in_dim3A_6 masked %ge3A_8 : memref<5120xi32, #tpu.memory_space<vmem>>[vector<16xi32>], vector<16xi32>, vector<16xi1>
      %add3A_706 = arith.constant 16 : i32
      %add3A_707 = vector.broadcast %add3A_706 : i32 to vector<16xi32>
      %add3A_708 = arith.addi %parallel_loop3A_697#0, %add3A_707 : vector<16xi32>
      %add3A_709 = arith.addi %add3A_708, %iota3A : vector<16xi32>
      tpu.vector_store_idx %arg13[%add3A_709], %broadcast_in_dim3A_2 masked %ge3A_8 : memref<5120xf32, #tpu.memory_space<vmem>>[vector<16xi32>], vector<16xf32>, vector<16xi1>
      %add3A_710 = arith.constant 16 : i32
      %add3A_711 = vector.broadcast %add3A_710 : i32 to vector<16xi32>
      %add3A_712 = arith.addi %parallel_loop3A_697#0, %add3A_711 : vector<16xi32>
      %add3A_713 = arith.addi %add3A_712, %iota3A : vector<16xi32>
      tpu.vector_store_idx %arg14[%add3A_713], %broadcast_in_dim3A_6 masked %ge3A_8 : memref<5120xi32, #tpu.memory_space<vmem>>[vector<16xi32>], vector<16xi32>, vector<16xi1>
      %add3A_714 = arith.constant 32 : i32
      %add3A_715 = vector.broadcast %add3A_714 : i32 to vector<16xi32>
      %add3A_716 = arith.addi %parallel_loop3A_697#0, %add3A_715 : vector<16xi32>
      %add3A_717 = arith.addi %add3A_716, %iota3A : vector<16xi32>
      tpu.vector_store_idx %arg13[%add3A_717], %broadcast_in_dim3A_2 masked %ge3A_8 : memref<5120xf32, #tpu.memory_space<vmem>>[vector<16xi32>], vector<16xf32>, vector<16xi1>
      %add3A_718 = arith.constant 32 : i32
      %add3A_719 = vector.broadcast %add3A_718 : i32 to vector<16xi32>
      %add3A_720 = arith.addi %parallel_loop3A_697#0, %add3A_719 : vector<16xi32>
      %add3A_721 = arith.addi %add3A_720, %iota3A : vector<16xi32>
      tpu.vector_store_idx %arg14[%add3A_721], %broadcast_in_dim3A_6 masked %ge3A_8 : memref<5120xi32, #tpu.memory_space<vmem>>[vector<16xi32>], vector<16xi32>, vector<16xi1>
      %add3A_722 = arith.constant 48 : i32
      %add3A_723 = vector.broadcast %add3A_722 : i32 to vector<16xi32>
      %add3A_724 = arith.addi %parallel_loop3A_697#0, %add3A_723 : vector<16xi32>
      %add3A_725 = arith.addi %add3A_724, %iota3A : vector<16xi32>
      tpu.vector_store_idx %arg13[%add3A_725], %broadcast_in_dim3A_2 masked %ge3A_8 : memref<5120xf32, #tpu.memory_space<vmem>>[vector<16xi32>], vector<16xf32>, vector<16xi1>
      %add3A_726 = arith.constant 48 : i32
      %add3A_727 = vector.broadcast %add3A_726 : i32 to vector<16xi32>
      %add3A_728 = arith.addi %parallel_loop3A_697#0, %add3A_727 : vector<16xi32>
      %add3A_729 = arith.addi %add3A_728, %iota3A : vector<16xi32>
      tpu.vector_store_idx %arg14[%add3A_729], %broadcast_in_dim3A_6 masked %ge3A_8 : memref<5120xi32, #tpu.memory_space<vmem>>[vector<16xi32>], vector<16xi32>, vector<16xi1>
      %reduce_max3A_730 = arith.constant true
      %reduce_max3A_731 = vector.broadcast %reduce_max3A_730 : i1 to vector<16xi1>
      %reduce_max3A_732 = tpu.scan <max>, %parallel_loop3A_697#1 masked %reduce_max3A_731 : vector<16xf32>, vector<16xi1> -> vector<16xf32>
      %reduce_max3A_733 = vector.extract %reduce_max3A_732[15] : f32 from vector<16xf32>
      %eq3A_734 = vector.broadcast %reduce_max3A_733 : f32 to vector<16xf32>
      %eq3A_735 = arith.cmpf oeq, %parallel_loop3A_697#1, %eq3A_734 : vector<16xf32>
      %jit3A_736 = arith.constant 1073741824 : i32
      %broadcast_in_dim3A_737 = vector.broadcast %jit3A_736 : i32 to vector<16xi32>
      %select_n3A_738 = arith.select %eq3A_735, %parallel_loop3A_697#2, %broadcast_in_dim3A_737 : vector<16xi1>, vector<16xi32>
      %reduce_min3A_739 = arith.constant true
      %reduce_min3A_740 = vector.broadcast %reduce_min3A_739 : i1 to vector<16xi1>
      %reduce_min3A_741 = arith.constant -2147483648 : i32
      %reduce_min3A_742 = vector.broadcast %reduce_min3A_741 : i32 to vector<16xi32>
      %reduce_min3A_743 = arith.xori %select_n3A_738, %reduce_min3A_742 : vector<16xi32>
      %reduce_min3A_744 = tpu.scan <min>, %reduce_min3A_743 masked %reduce_min3A_740 : vector<16xi32>, vector<16xi1> -> vector<16xi32>
      %reduce_min3A_745 = arith.xori %reduce_min3A_744, %reduce_min3A_742 : vector<16xi32>
      %reduce_min3A_746 = vector.extract %reduce_min3A_745[15] : i32 from vector<16xi32>
      %add3A_747 = arith.constant 1 : i32
      %add3A_748 = arith.addi %while3A_642, %add3A_747 : i32
      scf.yield %add3A_748, %parallel_loop3A_697#0, %reduce_max3A_733, %reduce_min3A_746 : i32, vector<16xi32>, f32, i32
    }
    %mul3A_632 = arith.constant 256 : i32
    %mul3A_633 = arith.muli %add3A, %mul3A_632 : i32
    "tpu.region"() ({
      %run_scoped3A = tpu.sem_alloc : memref<!tpu.dma_semaphore, #tpu.memory_space<semaphore_mem>>
      %dma_start3A = tpu.memref_slice %arg8[%mul3A_633] : memref<8192xf32, #tpu.memory_space<hbm>> -> memref<256xf32, #tpu.memory_space<hbm>>
      %dma_start3A_642 = tpu.memref_slice %arg8[%mul3A_633] : memref<8192xf32, #tpu.memory_space<hbm>> -> memref<256xf32, #tpu.memory_space<hbm>>
      tpu.enqueue_dma source(%arg20 : memref<256xf32, #tpu.memory_space<vmem>>) target(%dma_start3A_642 : memref<256xf32, #tpu.memory_space<hbm>>) target_semaphore(%run_scoped3A : memref<!tpu.dma_semaphore, #tpu.memory_space<semaphore_mem>>)
      %dma_wait3A = tpu.memref_slice %arg8[%mul3A_633] : memref<8192xf32, #tpu.memory_space<hbm>> -> memref<256xf32, #tpu.memory_space<hbm>>
      %dma_wait3A_643 = tpu.memref_slice %arg8[%mul3A_633] : memref<8192xf32, #tpu.memory_space<hbm>> -> memref<256xf32, #tpu.memory_space<hbm>>
      tpu.wait_dma2 semaphore(%run_scoped3A : memref<!tpu.dma_semaphore, #tpu.memory_space<semaphore_mem>>) src(%arg20 : memref<256xf32, #tpu.memory_space<vmem>>) dst(%dma_wait3A_643 : memref<256xf32, #tpu.memory_space<hbm>>)
      tpu.yield
    }) : () -> ()
    %mul3A_634 = arith.constant 256 : i32
    %mul3A_635 = arith.muli %add3A, %mul3A_634 : i32
    "tpu.region"() ({
      %run_scoped3A = tpu.sem_alloc : memref<!tpu.dma_semaphore, #tpu.memory_space<semaphore_mem>>
      %dma_start3A = tpu.memref_slice %arg9[%mul3A_635] : memref<8192xf32, #tpu.memory_space<hbm>> -> memref<256xf32, #tpu.memory_space<hbm>>
      %dma_start3A_642 = tpu.memref_slice %arg9[%mul3A_635] : memref<8192xf32, #tpu.memory_space<hbm>> -> memref<256xf32, #tpu.memory_space<hbm>>
      tpu.enqueue_dma source(%arg21 : memref<256xf32, #tpu.memory_space<vmem>>) target(%dma_start3A_642 : memref<256xf32, #tpu.memory_space<hbm>>) target_semaphore(%run_scoped3A : memref<!tpu.dma_semaphore, #tpu.memory_space<semaphore_mem>>)
      %dma_wait3A = tpu.memref_slice %arg9[%mul3A_635] : memref<8192xf32, #tpu.memory_space<hbm>> -> memref<256xf32, #tpu.memory_space<hbm>>
      %dma_wait3A_643 = tpu.memref_slice %arg9[%mul3A_635] : memref<8192xf32, #tpu.memory_space<hbm>> -> memref<256xf32, #tpu.memory_space<hbm>>
      tpu.wait_dma2 semaphore(%run_scoped3A : memref<!tpu.dma_semaphore, #tpu.memory_space<semaphore_mem>>) src(%arg21 : memref<256xf32, #tpu.memory_space<vmem>>) dst(%dma_wait3A_643 : memref<256xf32, #tpu.memory_space<hbm>>)
      tpu.yield
    }) : () -> ()
    %mul3A_636 = arith.constant 256 : i32
    %mul3A_637 = arith.muli %add3A, %mul3A_636 : i32
    "tpu.region"() ({
      %run_scoped3A = tpu.sem_alloc : memref<!tpu.dma_semaphore, #tpu.memory_space<semaphore_mem>>
      %dma_start3A = tpu.memref_slice %arg10[%mul3A_637] : memref<8192xf32, #tpu.memory_space<hbm>> -> memref<256xf32, #tpu.memory_space<hbm>>
      %dma_start3A_642 = tpu.memref_slice %arg10[%mul3A_637] : memref<8192xf32, #tpu.memory_space<hbm>> -> memref<256xf32, #tpu.memory_space<hbm>>
      tpu.enqueue_dma source(%arg22 : memref<256xf32, #tpu.memory_space<vmem>>) target(%dma_start3A_642 : memref<256xf32, #tpu.memory_space<hbm>>) target_semaphore(%run_scoped3A : memref<!tpu.dma_semaphore, #tpu.memory_space<semaphore_mem>>)
      %dma_wait3A = tpu.memref_slice %arg10[%mul3A_637] : memref<8192xf32, #tpu.memory_space<hbm>> -> memref<256xf32, #tpu.memory_space<hbm>>
      %dma_wait3A_643 = tpu.memref_slice %arg10[%mul3A_637] : memref<8192xf32, #tpu.memory_space<hbm>> -> memref<256xf32, #tpu.memory_space<hbm>>
      tpu.wait_dma2 semaphore(%run_scoped3A : memref<!tpu.dma_semaphore, #tpu.memory_space<semaphore_mem>>) src(%arg22 : memref<256xf32, #tpu.memory_space<vmem>>) dst(%dma_wait3A_643 : memref<256xf32, #tpu.memory_space<hbm>>)
      tpu.yield
    }) : () -> ()
    %mul3A_638 = arith.constant 256 : i32
    %mul3A_639 = arith.muli %add3A, %mul3A_638 : i32
    "tpu.region"() ({
      %run_scoped3A = tpu.sem_alloc : memref<!tpu.dma_semaphore, #tpu.memory_space<semaphore_mem>>
      %dma_start3A = tpu.memref_slice %arg11[%mul3A_639] : memref<8192xf32, #tpu.memory_space<hbm>> -> memref<256xf32, #tpu.memory_space<hbm>>
      %dma_start3A_642 = tpu.memref_slice %arg11[%mul3A_639] : memref<8192xf32, #tpu.memory_space<hbm>> -> memref<256xf32, #tpu.memory_space<hbm>>
      tpu.enqueue_dma source(%arg23 : memref<256xf32, #tpu.memory_space<vmem>>) target(%dma_start3A_642 : memref<256xf32, #tpu.memory_space<hbm>>) target_semaphore(%run_scoped3A : memref<!tpu.dma_semaphore, #tpu.memory_space<semaphore_mem>>)
      %dma_wait3A = tpu.memref_slice %arg11[%mul3A_639] : memref<8192xf32, #tpu.memory_space<hbm>> -> memref<256xf32, #tpu.memory_space<hbm>>
      %dma_wait3A_643 = tpu.memref_slice %arg11[%mul3A_639] : memref<8192xf32, #tpu.memory_space<hbm>> -> memref<256xf32, #tpu.memory_space<hbm>>
      tpu.wait_dma2 semaphore(%run_scoped3A : memref<!tpu.dma_semaphore, #tpu.memory_space<semaphore_mem>>) src(%arg23 : memref<256xf32, #tpu.memory_space<vmem>>) dst(%dma_wait3A_643 : memref<256xf32, #tpu.memory_space<hbm>>)
      tpu.yield
    }) : () -> ()
    %mul3A_640 = arith.constant 256 : i32
    %mul3A_641 = arith.muli %add3A, %mul3A_640 : i32
    "tpu.region"() ({
      %run_scoped3A = tpu.sem_alloc : memref<!tpu.dma_semaphore, #tpu.memory_space<semaphore_mem>>
      %dma_start3A = tpu.memref_slice %arg12[%mul3A_641] : memref<8192xf32, #tpu.memory_space<hbm>> -> memref<256xf32, #tpu.memory_space<hbm>>
      %dma_start3A_642 = tpu.memref_slice %arg12[%mul3A_641] : memref<8192xf32, #tpu.memory_space<hbm>> -> memref<256xf32, #tpu.memory_space<hbm>>
      tpu.enqueue_dma source(%arg24 : memref<256xf32, #tpu.memory_space<vmem>>) target(%dma_start3A_642 : memref<256xf32, #tpu.memory_space<hbm>>) target_semaphore(%run_scoped3A : memref<!tpu.dma_semaphore, #tpu.memory_space<semaphore_mem>>)
      %dma_wait3A = tpu.memref_slice %arg12[%mul3A_641] : memref<8192xf32, #tpu.memory_space<hbm>> -> memref<256xf32, #tpu.memory_space<hbm>>
      %dma_wait3A_643 = tpu.memref_slice %arg12[%mul3A_641] : memref<8192xf32, #tpu.memory_space<hbm>> -> memref<256xf32, #tpu.memory_space<hbm>>
      tpu.wait_dma2 semaphore(%run_scoped3A : memref<!tpu.dma_semaphore, #tpu.memory_space<semaphore_mem>>) src(%arg24 : memref<256xf32, #tpu.memory_space<vmem>>) dst(%dma_wait3A_643 : memref<256xf32, #tpu.memory_space<hbm>>)
      tpu.yield
    }) : () -> ()
    return
  }
}

#map = affine_map<(d0, d1) -> (0)>
module attributes {stable_mosaic.version = 14 : i64} {
  func.func @_merge_body(%arg0: i32, %arg1: i32, %arg2: memref<10240xf32, #tpu.memory_space<hbm>>, %arg3: memref<10240xf32, #tpu.memory_space<hbm>>, %arg4: memref<10240xf32, #tpu.memory_space<hbm>>, %arg5: memref<10240xf32, #tpu.memory_space<hbm>>, %arg6: memref<10240xf32, #tpu.memory_space<hbm>>, %arg7: memref<512xf32, #tpu.memory_space<hbm>>, %arg8: memref<512xf32, #tpu.memory_space<hbm>>, %arg9: memref<512xf32, #tpu.memory_space<hbm>>, %arg10: memref<512xf32, #tpu.memory_space<hbm>>, %arg11: memref<512xf32, #tpu.memory_space<hbm>>, %arg12: memref<512xf32, #tpu.memory_space<hbm>>, %arg13: memref<5120xf32, #tpu.memory_space<vmem>>, %arg14: memref<5120xf32, #tpu.memory_space<vmem>>, %arg15: memref<5120xf32, #tpu.memory_space<vmem>>, %arg16: memref<5120xf32, #tpu.memory_space<vmem>>, %arg17: memref<5120xf32, #tpu.memory_space<vmem>>, %arg18: memref<256xf32, #tpu.memory_space<vmem>>, %arg19: memref<256xf32, #tpu.memory_space<vmem>>, %arg20: memref<256xf32, #tpu.memory_space<vmem>>, %arg21: memref<256xf32, #tpu.memory_space<vmem>>, %arg22: memref<256xf32, #tpu.memory_space<vmem>>, %arg23: memref<256xf32, #tpu.memory_space<vmem>>) attributes {dimension_semantics = [#tpu.dimension_semantics<core_parallel>, #tpu.dimension_semantics<subcore_parallel>], iteration_bounds = array<i64: 2, 16>, scalar_prefetch = 0 : i64, scratch_operands = 11 : i64, tpu.core_type = #tpu.core_type<sc_vector_subcore>, window_params = [{transform_indices = #map}, {transform_indices = #map}, {transform_indices = #map}, {transform_indices = #map}, {transform_indices = #map}, {transform_indices = #map}, {transform_indices = #map}, {transform_indices = #map}, {transform_indices = #map}, {transform_indices = #map}, {transform_indices = #map}]} {
    %iota3A = tpu.iota {dimensions = array<i32: 0>} : vector<16xi32>
    %eq3A = arith.constant 0 : i32
    %eq3A_0 = vector.broadcast %eq3A : i32 to vector<16xi32>
    %eq3A_1 = arith.cmpi eq, %iota3A, %eq3A_0 : vector<16xi32>
    %broadcast_in_dim3A = arith.constant -1.000000e+09 : f32
    %broadcast_in_dim3A_2 = vector.broadcast %broadcast_in_dim3A : f32 to vector<16xf32>
    %mul3A = arith.constant 2 : i32
    %mul3A_3 = arith.muli %arg1, %mul3A : i32
    %add3A = arith.addi %mul3A_3, %arg0 : i32
    %lt3A = arith.constant 2 : i32
    %lt3A_4 = arith.cmpi slt, %add3A, %lt3A : i32
    %convert_element_type3A = arith.extui %lt3A_4 : i1 to i32
    %cond3A = arith.constant 0 : i32
    %cond3A_5 = arith.cmpi ne, %convert_element_type3A, %cond3A : i32
    scf.if %cond3A_5 {
      %mul3A_6 = arith.constant 20 : i32
      %mul3A_7 = arith.muli %add3A, %mul3A_6 : i32
      %mul3A_8 = arith.constant 256 : i32
      %mul3A_9 = arith.muli %mul3A_7, %mul3A_8 : i32
      "tpu.region"() ({
        %run_scoped3A = tpu.sem_alloc : memref<!tpu.dma_semaphore, #tpu.memory_space<semaphore_mem>>
        %dma_start3A = tpu.memref_slice %arg2[%mul3A_9] : memref<10240xf32, #tpu.memory_space<hbm>> -> memref<5120xf32, #tpu.memory_space<hbm>>
        %dma_start3A_52 = tpu.memref_slice %arg2[%mul3A_9] : memref<10240xf32, #tpu.memory_space<hbm>> -> memref<5120xf32, #tpu.memory_space<hbm>>
        tpu.enqueue_dma source(%dma_start3A_52 : memref<5120xf32, #tpu.memory_space<hbm>>) target(%arg13 : memref<5120xf32, #tpu.memory_space<vmem>>) target_semaphore(%run_scoped3A : memref<!tpu.dma_semaphore, #tpu.memory_space<semaphore_mem>>)
        %dma_wait3A = tpu.memref_slice %arg2[%mul3A_9] : memref<10240xf32, #tpu.memory_space<hbm>> -> memref<5120xf32, #tpu.memory_space<hbm>>
        %dma_wait3A_53 = tpu.memref_slice %arg2[%mul3A_9] : memref<10240xf32, #tpu.memory_space<hbm>> -> memref<5120xf32, #tpu.memory_space<hbm>>
        tpu.wait_dma2 semaphore(%run_scoped3A : memref<!tpu.dma_semaphore, #tpu.memory_space<semaphore_mem>>) src(%dma_wait3A_53 : memref<5120xf32, #tpu.memory_space<hbm>>) dst(%arg13 : memref<5120xf32, #tpu.memory_space<vmem>>)
        tpu.yield
      }) : () -> ()
      %mul3A_10 = arith.constant 20 : i32
      %mul3A_11 = arith.muli %add3A, %mul3A_10 : i32
      %mul3A_12 = arith.constant 256 : i32
      %mul3A_13 = arith.muli %mul3A_11, %mul3A_12 : i32
      "tpu.region"() ({
        %run_scoped3A = tpu.sem_alloc : memref<!tpu.dma_semaphore, #tpu.memory_space<semaphore_mem>>
        %dma_start3A = tpu.memref_slice %arg3[%mul3A_13] : memref<10240xf32, #tpu.memory_space<hbm>> -> memref<5120xf32, #tpu.memory_space<hbm>>
        %dma_start3A_52 = tpu.memref_slice %arg3[%mul3A_13] : memref<10240xf32, #tpu.memory_space<hbm>> -> memref<5120xf32, #tpu.memory_space<hbm>>
        tpu.enqueue_dma source(%dma_start3A_52 : memref<5120xf32, #tpu.memory_space<hbm>>) target(%arg14 : memref<5120xf32, #tpu.memory_space<vmem>>) target_semaphore(%run_scoped3A : memref<!tpu.dma_semaphore, #tpu.memory_space<semaphore_mem>>)
        %dma_wait3A = tpu.memref_slice %arg3[%mul3A_13] : memref<10240xf32, #tpu.memory_space<hbm>> -> memref<5120xf32, #tpu.memory_space<hbm>>
        %dma_wait3A_53 = tpu.memref_slice %arg3[%mul3A_13] : memref<10240xf32, #tpu.memory_space<hbm>> -> memref<5120xf32, #tpu.memory_space<hbm>>
        tpu.wait_dma2 semaphore(%run_scoped3A : memref<!tpu.dma_semaphore, #tpu.memory_space<semaphore_mem>>) src(%dma_wait3A_53 : memref<5120xf32, #tpu.memory_space<hbm>>) dst(%arg14 : memref<5120xf32, #tpu.memory_space<vmem>>)
        tpu.yield
      }) : () -> ()
      %mul3A_14 = arith.constant 20 : i32
      %mul3A_15 = arith.muli %add3A, %mul3A_14 : i32
      %mul3A_16 = arith.constant 256 : i32
      %mul3A_17 = arith.muli %mul3A_15, %mul3A_16 : i32
      "tpu.region"() ({
        %run_scoped3A = tpu.sem_alloc : memref<!tpu.dma_semaphore, #tpu.memory_space<semaphore_mem>>
        %dma_start3A = tpu.memref_slice %arg4[%mul3A_17] : memref<10240xf32, #tpu.memory_space<hbm>> -> memref<5120xf32, #tpu.memory_space<hbm>>
        %dma_start3A_52 = tpu.memref_slice %arg4[%mul3A_17] : memref<10240xf32, #tpu.memory_space<hbm>> -> memref<5120xf32, #tpu.memory_space<hbm>>
        tpu.enqueue_dma source(%dma_start3A_52 : memref<5120xf32, #tpu.memory_space<hbm>>) target(%arg15 : memref<5120xf32, #tpu.memory_space<vmem>>) target_semaphore(%run_scoped3A : memref<!tpu.dma_semaphore, #tpu.memory_space<semaphore_mem>>)
        %dma_wait3A = tpu.memref_slice %arg4[%mul3A_17] : memref<10240xf32, #tpu.memory_space<hbm>> -> memref<5120xf32, #tpu.memory_space<hbm>>
        %dma_wait3A_53 = tpu.memref_slice %arg4[%mul3A_17] : memref<10240xf32, #tpu.memory_space<hbm>> -> memref<5120xf32, #tpu.memory_space<hbm>>
        tpu.wait_dma2 semaphore(%run_scoped3A : memref<!tpu.dma_semaphore, #tpu.memory_space<semaphore_mem>>) src(%dma_wait3A_53 : memref<5120xf32, #tpu.memory_space<hbm>>) dst(%arg15 : memref<5120xf32, #tpu.memory_space<vmem>>)
        tpu.yield
      }) : () -> ()
      %mul3A_18 = arith.constant 20 : i32
      %mul3A_19 = arith.muli %add3A, %mul3A_18 : i32
      %mul3A_20 = arith.constant 256 : i32
      %mul3A_21 = arith.muli %mul3A_19, %mul3A_20 : i32
      "tpu.region"() ({
        %run_scoped3A = tpu.sem_alloc : memref<!tpu.dma_semaphore, #tpu.memory_space<semaphore_mem>>
        %dma_start3A = tpu.memref_slice %arg5[%mul3A_21] : memref<10240xf32, #tpu.memory_space<hbm>> -> memref<5120xf32, #tpu.memory_space<hbm>>
        %dma_start3A_52 = tpu.memref_slice %arg5[%mul3A_21] : memref<10240xf32, #tpu.memory_space<hbm>> -> memref<5120xf32, #tpu.memory_space<hbm>>
        tpu.enqueue_dma source(%dma_start3A_52 : memref<5120xf32, #tpu.memory_space<hbm>>) target(%arg16 : memref<5120xf32, #tpu.memory_space<vmem>>) target_semaphore(%run_scoped3A : memref<!tpu.dma_semaphore, #tpu.memory_space<semaphore_mem>>)
        %dma_wait3A = tpu.memref_slice %arg5[%mul3A_21] : memref<10240xf32, #tpu.memory_space<hbm>> -> memref<5120xf32, #tpu.memory_space<hbm>>
        %dma_wait3A_53 = tpu.memref_slice %arg5[%mul3A_21] : memref<10240xf32, #tpu.memory_space<hbm>> -> memref<5120xf32, #tpu.memory_space<hbm>>
        tpu.wait_dma2 semaphore(%run_scoped3A : memref<!tpu.dma_semaphore, #tpu.memory_space<semaphore_mem>>) src(%dma_wait3A_53 : memref<5120xf32, #tpu.memory_space<hbm>>) dst(%arg16 : memref<5120xf32, #tpu.memory_space<vmem>>)
        tpu.yield
      }) : () -> ()
      %mul3A_22 = arith.constant 20 : i32
      %mul3A_23 = arith.muli %add3A, %mul3A_22 : i32
      %mul3A_24 = arith.constant 256 : i32
      %mul3A_25 = arith.muli %mul3A_23, %mul3A_24 : i32
      "tpu.region"() ({
        %run_scoped3A = tpu.sem_alloc : memref<!tpu.dma_semaphore, #tpu.memory_space<semaphore_mem>>
        %dma_start3A = tpu.memref_slice %arg6[%mul3A_25] : memref<10240xf32, #tpu.memory_space<hbm>> -> memref<5120xf32, #tpu.memory_space<hbm>>
        %dma_start3A_52 = tpu.memref_slice %arg6[%mul3A_25] : memref<10240xf32, #tpu.memory_space<hbm>> -> memref<5120xf32, #tpu.memory_space<hbm>>
        tpu.enqueue_dma source(%dma_start3A_52 : memref<5120xf32, #tpu.memory_space<hbm>>) target(%arg17 : memref<5120xf32, #tpu.memory_space<vmem>>) target_semaphore(%run_scoped3A : memref<!tpu.dma_semaphore, #tpu.memory_space<semaphore_mem>>)
        %dma_wait3A = tpu.memref_slice %arg6[%mul3A_25] : memref<10240xf32, #tpu.memory_space<hbm>> -> memref<5120xf32, #tpu.memory_space<hbm>>
        %dma_wait3A_53 = tpu.memref_slice %arg6[%mul3A_25] : memref<10240xf32, #tpu.memory_space<hbm>> -> memref<5120xf32, #tpu.memory_space<hbm>>
        tpu.wait_dma2 semaphore(%run_scoped3A : memref<!tpu.dma_semaphore, #tpu.memory_space<semaphore_mem>>) src(%dma_wait3A_53 : memref<5120xf32, #tpu.memory_space<hbm>>) dst(%arg17 : memref<5120xf32, #tpu.memory_space<vmem>>)
        tpu.yield
      }) : () -> ()
      %lt3A_26 = arith.constant 4 : i32
      %lt3A_27 = vector.broadcast %lt3A_26 : i32 to vector<16xi32>
      %lt3A_28 = arith.cmpi slt, %iota3A, %lt3A_27 : vector<16xi32>
      %add3A_29 = arith.constant 16 : i32
      %add3A_30 = vector.broadcast %add3A_29 : i32 to vector<16xi32>
      %add3A_31 = arith.addi %iota3A, %add3A_30 : vector<16xi32>
      %jit3A = arith.constant 19 : i32
      %broadcast_in_dim3A_32 = vector.broadcast %jit3A : i32 to vector<16xi32>
      %select_n3A = arith.select %lt3A_28, %add3A_31, %broadcast_in_dim3A_32 : vector<16xi1>, vector<16xi32>
      %broadcast_in_dim3A_33 = arith.constant 0 : i32
      %broadcast_in_dim3A_34 = vector.broadcast %broadcast_in_dim3A_33 : i32 to vector<16xi32>
      %scan3A = arith.constant 0 : i32
      %scan3A_35 = arith.constant 200 : i32
      %scan3A_36 = arith.addi %scan3A, %scan3A_35 : i32
      %scan3A_37 = arith.constant 1 : i32
      %scan3A_38:2 = scf.for %scan3A_52 = %scan3A to %scan3A_36 step %scan3A_37 iter_args(%scan3A_53 = %broadcast_in_dim3A_34, %scan3A_54 = %broadcast_in_dim3A_34) -> (vector<16xi32>, vector<16xi32>)  : i32 {
        %mul3A_55 = arith.constant 256 : i32
        %mul3A_56 = vector.broadcast %mul3A_55 : i32 to vector<16xi32>
        %mul3A_57 = arith.muli %iota3A, %mul3A_56 : vector<16xi32>
        %add3A_58 = arith.addi %mul3A_57, %scan3A_53 : vector<16xi32>
        %gather3A = tpu.vector_load_idx %arg13[%add3A_58] : memref<5120xf32, #tpu.memory_space<vmem>>[vector<16xi32>], vector<16xf32>,
        %mul3A_59 = arith.constant 256 : i32
        %mul3A_60 = vector.broadcast %mul3A_59 : i32 to vector<16xi32>
        %mul3A_61 = arith.muli %select_n3A, %mul3A_60 : vector<16xi32>
        %add3A_62 = arith.addi %mul3A_61, %scan3A_54 : vector<16xi32>
        %gather3A_63 = tpu.vector_load_idx %arg13[%add3A_62] : memref<5120xf32, #tpu.memory_space<vmem>>[vector<16xi32>], vector<16xf32>,
        %select_n3A_64 = arith.select %lt3A_28, %gather3A_63, %broadcast_in_dim3A_2 : vector<16xi1>, vector<16xf32>
        %reduce_max3A = arith.constant true
        %reduce_max3A_65 = vector.broadcast %reduce_max3A : i1 to vector<16xi1>
        %reduce_max3A_66 = tpu.scan <max>, %gather3A masked %reduce_max3A_65 : vector<16xf32>, vector<16xi1> -> vector<16xf32>
        %reduce_max3A_67 = vector.extract %reduce_max3A_66[15] : f32 from vector<16xf32>
        %reduce_max3A_68 = arith.constant true
        %reduce_max3A_69 = vector.broadcast %reduce_max3A_68 : i1 to vector<16xi1>
        %reduce_max3A_70 = tpu.scan <max>, %select_n3A_64 masked %reduce_max3A_69 : vector<16xf32>, vector<16xi1> -> vector<16xf32>
        %reduce_max3A_71 = vector.extract %reduce_max3A_70[15] : f32 from vector<16xf32>
        %max3A = arith.maximumf %reduce_max3A_67, %reduce_max3A_71 : f32
        %eq3A_72 = vector.broadcast %max3A : f32 to vector<16xf32>
        %eq3A_73 = arith.cmpf oeq, %gather3A, %eq3A_72 : vector<16xf32>
        %mul3A_74 = arith.constant 200 : i32
        %mul3A_75 = vector.broadcast %mul3A_74 : i32 to vector<16xi32>
        %mul3A_76 = arith.muli %iota3A, %mul3A_75 : vector<16xi32>
        %add3A_77 = arith.addi %mul3A_76, %scan3A_53 : vector<16xi32>
        %jit3A_78 = arith.constant 1073741824 : i32
        %broadcast_in_dim3A_79 = vector.broadcast %jit3A_78 : i32 to vector<16xi32>
        %select_n3A_80 = arith.select %eq3A_73, %add3A_77, %broadcast_in_dim3A_79 : vector<16xi1>, vector<16xi32>
        %eq3A_81 = vector.broadcast %max3A : f32 to vector<16xf32>
        %eq3A_82 = arith.cmpf oeq, %select_n3A_64, %eq3A_81 : vector<16xf32>
        %and3A = arith.andi %eq3A_82, %lt3A_28 : vector<16xi1>
        %mul3A_83 = arith.constant 200 : i32
        %mul3A_84 = vector.broadcast %mul3A_83 : i32 to vector<16xi32>
        %mul3A_85 = arith.muli %select_n3A, %mul3A_84 : vector<16xi32>
        %add3A_86 = arith.addi %mul3A_85, %scan3A_54 : vector<16xi32>
        %jit3A_87 = arith.constant 1073741824 : i32
        %broadcast_in_dim3A_88 = vector.broadcast %jit3A_87 : i32 to vector<16xi32>
        %select_n3A_89 = arith.select %and3A, %add3A_86, %broadcast_in_dim3A_88 : vector<16xi1>, vector<16xi32>
        %reduce_min3A = arith.constant true
        %reduce_min3A_90 = vector.broadcast %reduce_min3A : i1 to vector<16xi1>
        %reduce_min3A_91 = arith.constant -2147483648 : i32
        %reduce_min3A_92 = vector.broadcast %reduce_min3A_91 : i32 to vector<16xi32>
        %reduce_min3A_93 = arith.xori %select_n3A_80, %reduce_min3A_92 : vector<16xi32>
        %reduce_min3A_94 = tpu.scan <min>, %reduce_min3A_93 masked %reduce_min3A_90 : vector<16xi32>, vector<16xi1> -> vector<16xi32>
        %reduce_min3A_95 = arith.xori %reduce_min3A_94, %reduce_min3A_92 : vector<16xi32>
        %reduce_min3A_96 = vector.extract %reduce_min3A_95[15] : i32 from vector<16xi32>
        %reduce_min3A_97 = arith.constant true
        %reduce_min3A_98 = vector.broadcast %reduce_min3A_97 : i1 to vector<16xi1>
        %reduce_min3A_99 = arith.constant -2147483648 : i32
        %reduce_min3A_100 = vector.broadcast %reduce_min3A_99 : i32 to vector<16xi32>
        %reduce_min3A_101 = arith.xori %select_n3A_89, %reduce_min3A_100 : vector<16xi32>
        %reduce_min3A_102 = tpu.scan <min>, %reduce_min3A_101 masked %reduce_min3A_98 : vector<16xi32>, vector<16xi1> -> vector<16xi32>
        %reduce_min3A_103 = arith.xori %reduce_min3A_102, %reduce_min3A_100 : vector<16xi32>
        %reduce_min3A_104 = vector.extract %reduce_min3A_103[15] : i32 from vector<16xi32>
        %min3A = arith.minsi %reduce_min3A_96, %reduce_min3A_104 : i32
        %jit3A_105 = arith.constant 200 : i32
        %div3A = arith.divsi %min3A, %jit3A_105 : i32
        %sign3A = arith.constant 0 : i32
        %sign3A_106 = arith.cmpi sgt, %min3A, %sign3A : i32
        %sign3A_107 = arith.extui %sign3A_106 : i1 to i32
        %sign3A_108 = arith.constant 0 : i32
        %sign3A_109 = arith.cmpi slt, %min3A, %sign3A_108 : i32
        %sign3A_110 = arith.extui %sign3A_109 : i1 to i32
        %sign3A_111 = arith.subi %sign3A_107, %sign3A_110 : i32
        %sign3A_112 = arith.constant 0 : i32
        %sign3A_113 = arith.cmpi sgt, %jit3A_105, %sign3A_112 : i32
        %sign3A_114 = arith.extui %sign3A_113 : i1 to i32
        %sign3A_115 = arith.constant 0 : i32
        %sign3A_116 = arith.cmpi slt, %jit3A_105, %sign3A_115 : i32
        %sign3A_117 = arith.extui %sign3A_116 : i1 to i32
        %sign3A_118 = arith.subi %sign3A_114, %sign3A_117 : i32
        %ne3A = arith.cmpi ne, %sign3A_111, %sign3A_118 : i32
        %rem3A = arith.remsi %min3A, %jit3A_105 : i32
        %ne3A_119 = arith.constant 0 : i32
        %ne3A_120 = arith.cmpi ne, %rem3A, %ne3A_119 : i32
        %and3A_121 = arith.andi %ne3A, %ne3A_120 : i1
        %sub3A = arith.constant 1 : i32
        %sub3A_122 = arith.subi %div3A, %sub3A : i32
        %select_n3A_123 = arith.select %and3A_121, %sub3A_122, %div3A : i32
        %mul3A_124 = arith.constant 200 : i32
        %mul3A_125 = arith.muli %select_n3A_123, %mul3A_124 : i32
        %sub3A_126 = arith.subi %min3A, %mul3A_125 : i32
        %gt3A = arith.constant 0.00999999977 : f32
        %gt3A_127 = arith.cmpf ogt, %max3A, %gt3A : f32
        %broadcast_in_dim3A_128 = vector.broadcast %select_n3A_123 : i32 to vector<16xi32>
        %broadcast_in_dim3A_129 = vector.broadcast %sub3A_126 : i32 to vector<16xi32>
        %broadcast_in_dim3A_130 = vector.broadcast %scan3A_52 : i32 to vector<16xi32>
        %jit3A_131 = arith.constant 1.000000e+00 : f32
        %jit3A_132 = arith.constant 0.000000e+00 : f32
        %select_n3A_133 = arith.select %gt3A_127, %jit3A_131, %jit3A_132 : f32
        %mul3A_134 = arith.constant 256 : i32
        %mul3A_135 = vector.broadcast %mul3A_134 : i32 to vector<16xi32>
        %mul3A_136 = arith.muli %broadcast_in_dim3A_128, %mul3A_135 : vector<16xi32>
        %add3A_137 = arith.addi %mul3A_136, %broadcast_in_dim3A_129 : vector<16xi32>
        %gather3A_138 = tpu.vector_load_idx %arg14[%add3A_137] : memref<5120xf32, #tpu.memory_space<vmem>>[vector<16xi32>], vector<16xf32>,
        %mul3A_139 = vector.broadcast %select_n3A_133 : f32 to vector<16xf32>
        %mul3A_140 = arith.mulf %gather3A_138, %mul3A_139 : vector<16xf32>
        %gather3A_141 = tpu.vector_load_idx %arg15[%add3A_137] : memref<5120xf32, #tpu.memory_space<vmem>>[vector<16xi32>], vector<16xf32>,
        %mul3A_142 = vector.broadcast %select_n3A_133 : f32 to vector<16xf32>
        %mul3A_143 = arith.mulf %gather3A_141, %mul3A_142 : vector<16xf32>
        %gather3A_144 = tpu.vector_load_idx %arg16[%add3A_137] : memref<5120xf32, #tpu.memory_space<vmem>>[vector<16xi32>], vector<16xf32>,
        %mul3A_145 = vector.broadcast %select_n3A_133 : f32 to vector<16xf32>
        %mul3A_146 = arith.mulf %gather3A_144, %mul3A_145 : vector<16xf32>
        %gather3A_147 = tpu.vector_load_idx %arg17[%add3A_137] : memref<5120xf32, #tpu.memory_space<vmem>>[vector<16xi32>], vector<16xf32>,
        %mul3A_148 = vector.broadcast %select_n3A_133 : f32 to vector<16xf32>
        %mul3A_149 = arith.mulf %gather3A_147, %mul3A_148 : vector<16xf32>
        %add3A_150 = arith.constant 1 : i32
        %add3A_151 = arith.addi %select_n3A_123, %add3A_150 : i32
        %convert_element_type3A_152 = arith.sitofp %add3A_151 : i32 to f32
        %jit3A_153 = arith.constant 0.000000e+00 : f32
        %select_n3A_154 = arith.select %gt3A_127, %convert_element_type3A_152, %jit3A_153 : f32
        %jit3A_155 = arith.constant 0.000000e+00 : f32
        %select_n3A_156 = arith.select %gt3A_127, %max3A, %jit3A_155 : f32
        %broadcast_in_dim3A_157 = vector.broadcast %select_n3A_154 : f32 to vector<16xf32>
        tpu.vector_store_idx %arg18[%broadcast_in_dim3A_130], %broadcast_in_dim3A_157 masked %eq3A_1 : memref<256xf32, #tpu.memory_space<vmem>>[vector<16xi32>], vector<16xf32>, vector<16xi1>
        %broadcast_in_dim3A_158 = vector.broadcast %select_n3A_156 : f32 to vector<16xf32>
        tpu.vector_store_idx %arg19[%broadcast_in_dim3A_130], %broadcast_in_dim3A_158 masked %eq3A_1 : memref<256xf32, #tpu.memory_space<vmem>>[vector<16xi32>], vector<16xf32>, vector<16xi1>
        tpu.vector_store_idx %arg20[%broadcast_in_dim3A_130], %mul3A_140 masked %eq3A_1 : memref<256xf32, #tpu.memory_space<vmem>>[vector<16xi32>], vector<16xf32>, vector<16xi1>
        tpu.vector_store_idx %arg21[%broadcast_in_dim3A_130], %mul3A_143 masked %eq3A_1 : memref<256xf32, #tpu.memory_space<vmem>>[vector<16xi32>], vector<16xf32>, vector<16xi1>
        tpu.vector_store_idx %arg22[%broadcast_in_dim3A_130], %mul3A_146 masked %eq3A_1 : memref<256xf32, #tpu.memory_space<vmem>>[vector<16xi32>], vector<16xf32>, vector<16xi1>
        tpu.vector_store_idx %arg23[%broadcast_in_dim3A_130], %mul3A_149 masked %eq3A_1 : memref<256xf32, #tpu.memory_space<vmem>>[vector<16xi32>], vector<16xf32>, vector<16xi1>
        %eq3A_159 = vector.broadcast %select_n3A_123 : i32 to vector<16xi32>
        %eq3A_160 = arith.cmpi eq, %iota3A, %eq3A_159 : vector<16xi32>
        %jit3A_161 = arith.constant 1 : i32
        %jit3A_162 = arith.constant 0 : i32
        %broadcast_in_dim3A_163 = vector.broadcast %jit3A_161 : i32 to vector<16xi32>
        %broadcast_in_dim3A_164 = vector.broadcast %jit3A_162 : i32 to vector<16xi32>
        %select_n3A_165 = arith.select %eq3A_160, %broadcast_in_dim3A_163, %broadcast_in_dim3A_164 : vector<16xi1>, vector<16xi32>
        %add3A_166 = arith.addi %scan3A_53, %select_n3A_165 : vector<16xi32>
        %eq3A_167 = vector.broadcast %select_n3A_123 : i32 to vector<16xi32>
        %eq3A_168 = arith.cmpi eq, %select_n3A, %eq3A_167 : vector<16xi32>
        %and3A_169 = arith.andi %eq3A_168, %lt3A_28 : vector<16xi1>
        %jit3A_170 = arith.constant 1 : i32
        %jit3A_171 = arith.constant 0 : i32
        %broadcast_in_dim3A_172 = vector.broadcast %jit3A_170 : i32 to vector<16xi32>
        %broadcast_in_dim3A_173 = vector.broadcast %jit3A_171 : i32 to vector<16xi32>
        %select_n3A_174 = arith.select %and3A_169, %broadcast_in_dim3A_172, %broadcast_in_dim3A_173 : vector<16xi1>, vector<16xi32>
        %add3A_175 = arith.addi %scan3A_54, %select_n3A_174 : vector<16xi32>
        scf.yield %add3A_166, %add3A_175 : vector<16xi32>, vector<16xi32>
      }
      %scan3A_39 = arith.constant 200 : i32
      %mul3A_40 = arith.constant 256 : i32
      %mul3A_41 = arith.muli %add3A, %mul3A_40 : i32
      "tpu.region"() ({
        %run_scoped3A = tpu.sem_alloc : memref<!tpu.dma_semaphore, #tpu.memory_space<semaphore_mem>>
        %dma_start3A = tpu.memref_slice %arg7[%mul3A_41] : memref<512xf32, #tpu.memory_space<hbm>> -> memref<256xf32, #tpu.memory_space<hbm>>
        %dma_start3A_52 = tpu.memref_slice %arg7[%mul3A_41] : memref<512xf32, #tpu.memory_space<hbm>> -> memref<256xf32, #tpu.memory_space<hbm>>
        tpu.enqueue_dma source(%arg18 : memref<256xf32, #tpu.memory_space<vmem>>) target(%dma_start3A_52 : memref<256xf32, #tpu.memory_space<hbm>>) target_semaphore(%run_scoped3A : memref<!tpu.dma_semaphore, #tpu.memory_space<semaphore_mem>>)
        %dma_wait3A = tpu.memref_slice %arg7[%mul3A_41] : memref<512xf32, #tpu.memory_space<hbm>> -> memref<256xf32, #tpu.memory_space<hbm>>
        %dma_wait3A_53 = tpu.memref_slice %arg7[%mul3A_41] : memref<512xf32, #tpu.memory_space<hbm>> -> memref<256xf32, #tpu.memory_space<hbm>>
        tpu.wait_dma2 semaphore(%run_scoped3A : memref<!tpu.dma_semaphore, #tpu.memory_space<semaphore_mem>>) src(%arg18 : memref<256xf32, #tpu.memory_space<vmem>>) dst(%dma_wait3A_53 : memref<256xf32, #tpu.memory_space<hbm>>)
        tpu.yield
      }) : () -> ()
      %mul3A_42 = arith.constant 256 : i32
      %mul3A_43 = arith.muli %add3A, %mul3A_42 : i32
      "tpu.region"() ({
        %run_scoped3A = tpu.sem_alloc : memref<!tpu.dma_semaphore, #tpu.memory_space<semaphore_mem>>
        %dma_start3A = tpu.memref_slice %arg8[%mul3A_43] : memref<512xf32, #tpu.memory_space<hbm>> -> memref<256xf32, #tpu.memory_space<hbm>>
        %dma_start3A_52 = tpu.memref_slice %arg8[%mul3A_43] : memref<512xf32, #tpu.memory_space<hbm>> -> memref<256xf32, #tpu.memory_space<hbm>>
        tpu.enqueue_dma source(%arg19 : memref<256xf32, #tpu.memory_space<vmem>>) target(%dma_start3A_52 : memref<256xf32, #tpu.memory_space<hbm>>) target_semaphore(%run_scoped3A : memref<!tpu.dma_semaphore, #tpu.memory_space<semaphore_mem>>)
        %dma_wait3A = tpu.memref_slice %arg8[%mul3A_43] : memref<512xf32, #tpu.memory_space<hbm>> -> memref<256xf32, #tpu.memory_space<hbm>>
        %dma_wait3A_53 = tpu.memref_slice %arg8[%mul3A_43] : memref<512xf32, #tpu.memory_space<hbm>> -> memref<256xf32, #tpu.memory_space<hbm>>
        tpu.wait_dma2 semaphore(%run_scoped3A : memref<!tpu.dma_semaphore, #tpu.memory_space<semaphore_mem>>) src(%arg19 : memref<256xf32, #tpu.memory_space<vmem>>) dst(%dma_wait3A_53 : memref<256xf32, #tpu.memory_space<hbm>>)
        tpu.yield
      }) : () -> ()
      %mul3A_44 = arith.constant 256 : i32
      %mul3A_45 = arith.muli %add3A, %mul3A_44 : i32
      "tpu.region"() ({
        %run_scoped3A = tpu.sem_alloc : memref<!tpu.dma_semaphore, #tpu.memory_space<semaphore_mem>>
        %dma_start3A = tpu.memref_slice %arg9[%mul3A_45] : memref<512xf32, #tpu.memory_space<hbm>> -> memref<256xf32, #tpu.memory_space<hbm>>
        %dma_start3A_52 = tpu.memref_slice %arg9[%mul3A_45] : memref<512xf32, #tpu.memory_space<hbm>> -> memref<256xf32, #tpu.memory_space<hbm>>
        tpu.enqueue_dma source(%arg20 : memref<256xf32, #tpu.memory_space<vmem>>) target(%dma_start3A_52 : memref<256xf32, #tpu.memory_space<hbm>>) target_semaphore(%run_scoped3A : memref<!tpu.dma_semaphore, #tpu.memory_space<semaphore_mem>>)
        %dma_wait3A = tpu.memref_slice %arg9[%mul3A_45] : memref<512xf32, #tpu.memory_space<hbm>> -> memref<256xf32, #tpu.memory_space<hbm>>
        %dma_wait3A_53 = tpu.memref_slice %arg9[%mul3A_45] : memref<512xf32, #tpu.memory_space<hbm>> -> memref<256xf32, #tpu.memory_space<hbm>>
        tpu.wait_dma2 semaphore(%run_scoped3A : memref<!tpu.dma_semaphore, #tpu.memory_space<semaphore_mem>>) src(%arg20 : memref<256xf32, #tpu.memory_space<vmem>>) dst(%dma_wait3A_53 : memref<256xf32, #tpu.memory_space<hbm>>)
        tpu.yield
      }) : () -> ()
      %mul3A_46 = arith.constant 256 : i32
      %mul3A_47 = arith.muli %add3A, %mul3A_46 : i32
      "tpu.region"() ({
        %run_scoped3A = tpu.sem_alloc : memref<!tpu.dma_semaphore, #tpu.memory_space<semaphore_mem>>
        %dma_start3A = tpu.memref_slice %arg10[%mul3A_47] : memref<512xf32, #tpu.memory_space<hbm>> -> memref<256xf32, #tpu.memory_space<hbm>>
        %dma_start3A_52 = tpu.memref_slice %arg10[%mul3A_47] : memref<512xf32, #tpu.memory_space<hbm>> -> memref<256xf32, #tpu.memory_space<hbm>>
        tpu.enqueue_dma source(%arg21 : memref<256xf32, #tpu.memory_space<vmem>>) target(%dma_start3A_52 : memref<256xf32, #tpu.memory_space<hbm>>) target_semaphore(%run_scoped3A : memref<!tpu.dma_semaphore, #tpu.memory_space<semaphore_mem>>)
        %dma_wait3A = tpu.memref_slice %arg10[%mul3A_47] : memref<512xf32, #tpu.memory_space<hbm>> -> memref<256xf32, #tpu.memory_space<hbm>>
        %dma_wait3A_53 = tpu.memref_slice %arg10[%mul3A_47] : memref<512xf32, #tpu.memory_space<hbm>> -> memref<256xf32, #tpu.memory_space<hbm>>
        tpu.wait_dma2 semaphore(%run_scoped3A : memref<!tpu.dma_semaphore, #tpu.memory_space<semaphore_mem>>) src(%arg21 : memref<256xf32, #tpu.memory_space<vmem>>) dst(%dma_wait3A_53 : memref<256xf32, #tpu.memory_space<hbm>>)
        tpu.yield
      }) : () -> ()
      %mul3A_48 = arith.constant 256 : i32
      %mul3A_49 = arith.muli %add3A, %mul3A_48 : i32
      "tpu.region"() ({
        %run_scoped3A = tpu.sem_alloc : memref<!tpu.dma_semaphore, #tpu.memory_space<semaphore_mem>>
        %dma_start3A = tpu.memref_slice %arg11[%mul3A_49] : memref<512xf32, #tpu.memory_space<hbm>> -> memref<256xf32, #tpu.memory_space<hbm>>
        %dma_start3A_52 = tpu.memref_slice %arg11[%mul3A_49] : memref<512xf32, #tpu.memory_space<hbm>> -> memref<256xf32, #tpu.memory_space<hbm>>
        tpu.enqueue_dma source(%arg22 : memref<256xf32, #tpu.memory_space<vmem>>) target(%dma_start3A_52 : memref<256xf32, #tpu.memory_space<hbm>>) target_semaphore(%run_scoped3A : memref<!tpu.dma_semaphore, #tpu.memory_space<semaphore_mem>>)
        %dma_wait3A = tpu.memref_slice %arg11[%mul3A_49] : memref<512xf32, #tpu.memory_space<hbm>> -> memref<256xf32, #tpu.memory_space<hbm>>
        %dma_wait3A_53 = tpu.memref_slice %arg11[%mul3A_49] : memref<512xf32, #tpu.memory_space<hbm>> -> memref<256xf32, #tpu.memory_space<hbm>>
        tpu.wait_dma2 semaphore(%run_scoped3A : memref<!tpu.dma_semaphore, #tpu.memory_space<semaphore_mem>>) src(%arg22 : memref<256xf32, #tpu.memory_space<vmem>>) dst(%dma_wait3A_53 : memref<256xf32, #tpu.memory_space<hbm>>)
        tpu.yield
      }) : () -> ()
      %mul3A_50 = arith.constant 256 : i32
      %mul3A_51 = arith.muli %add3A, %mul3A_50 : i32
      "tpu.region"() ({
        %run_scoped3A = tpu.sem_alloc : memref<!tpu.dma_semaphore, #tpu.memory_space<semaphore_mem>>
        %dma_start3A = tpu.memref_slice %arg12[%mul3A_51] : memref<512xf32, #tpu.memory_space<hbm>> -> memref<256xf32, #tpu.memory_space<hbm>>
        %dma_start3A_52 = tpu.memref_slice %arg12[%mul3A_51] : memref<512xf32, #tpu.memory_space<hbm>> -> memref<256xf32, #tpu.memory_space<hbm>>
        tpu.enqueue_dma source(%arg23 : memref<256xf32, #tpu.memory_space<vmem>>) target(%dma_start3A_52 : memref<256xf32, #tpu.memory_space<hbm>>) target_semaphore(%run_scoped3A : memref<!tpu.dma_semaphore, #tpu.memory_space<semaphore_mem>>)
        %dma_wait3A = tpu.memref_slice %arg12[%mul3A_51] : memref<512xf32, #tpu.memory_space<hbm>> -> memref<256xf32, #tpu.memory_space<hbm>>
        %dma_wait3A_53 = tpu.memref_slice %arg12[%mul3A_51] : memref<512xf32, #tpu.memory_space<hbm>> -> memref<256xf32, #tpu.memory_space<hbm>>
        tpu.wait_dma2 semaphore(%run_scoped3A : memref<!tpu.dma_semaphore, #tpu.memory_space<semaphore_mem>>) src(%arg23 : memref<256xf32, #tpu.memory_space<vmem>>) dst(%dma_wait3A_53 : memref<256xf32, #tpu.memory_space<hbm>>)
        tpu.yield
      }) : () -> ()
    } else {
    }
    return
  }
}

module attributes {stable_mosaic.version = 14 : i64} {
  func.func @_decode_body(%arg0: memref<33x2x5120xf32, #tpu.memory_space<vmem>>, %arg1: memref<40x5120xf32, #tpu.memory_space<vmem>>, %arg2: memref<2x5120xf32, #tpu.memory_space<vmem>>, %arg3: memref<2x5120xf32, #tpu.memory_space<vmem>>, %arg4: memref<2x5120xf32, #tpu.memory_space<vmem>>, %arg5: memref<2x5120xf32, #tpu.memory_space<vmem>>, %arg6: memref<2x5120xf32, #tpu.memory_space<vmem>>) attributes {dimension_semantics = [], scalar_prefetch = 0 : i64, scratch_operands = 0 : i64, tpu.core_type = #tpu.core_type<tc>} {
    %get3A = arith.constant 21 : index
    %get3A_0 = arith.constant 0 : index
    %get3A_1 = arith.constant 0 : index
    %get3A_2 = vector.load %arg0[%get3A, %get3A_0, %get3A_1] : memref<33x2x5120xf32, #tpu.memory_space<vmem>>, vector<1x2x5120xf32>
    %get3A_3 = vector.shape_cast %get3A_2 : vector<1x2x5120xf32> to vector<2x5120xf32>
    %get3A_4 = arith.constant 29 : index
    %get3A_5 = arith.constant 0 : index
    %get3A_6 = arith.constant 0 : index
    %get3A_7 = vector.load %arg0[%get3A_4, %get3A_5, %get3A_6] : memref<33x2x5120xf32, #tpu.memory_space<vmem>>, vector<1x2x5120xf32>
    %get3A_8 = vector.shape_cast %get3A_7 : vector<1x2x5120xf32> to vector<2x5120xf32>
    %mul3A = arith.mulf %get3A_3, %get3A_8 : vector<2x5120xf32>
    %get3A_9 = arith.constant 27 : index
    %get3A_10 = arith.constant 0 : index
    %get3A_11 = arith.constant 0 : index
    %get3A_12 = vector.load %arg0[%get3A_9, %get3A_10, %get3A_11] : memref<33x2x5120xf32, #tpu.memory_space<vmem>>, vector<1x2x5120xf32>
    %get3A_13 = vector.shape_cast %get3A_12 : vector<1x2x5120xf32> to vector<2x5120xf32>
    %mul3A_14 = arith.mulf %mul3A, %get3A_13 : vector<2x5120xf32>
    %get3A_15 = arith.constant 25 : index
    %get3A_16 = arith.constant 0 : index
    %get3A_17 = arith.constant 0 : index
    %get3A_18 = vector.load %arg0[%get3A_15, %get3A_16, %get3A_17] : memref<33x2x5120xf32, #tpu.memory_space<vmem>>, vector<1x2x5120xf32>
    %get3A_19 = vector.shape_cast %get3A_18 : vector<1x2x5120xf32> to vector<2x5120xf32>
    %add3A = arith.addf %mul3A_14, %get3A_19 : vector<2x5120xf32>
    %get3A_20 = arith.constant 22 : index
    %get3A_21 = arith.constant 0 : index
    %get3A_22 = arith.constant 0 : index
    %get3A_23 = vector.load %arg0[%get3A_20, %get3A_21, %get3A_22] : memref<33x2x5120xf32, #tpu.memory_space<vmem>>, vector<1x2x5120xf32>
    %get3A_24 = vector.shape_cast %get3A_23 : vector<1x2x5120xf32> to vector<2x5120xf32>
    %get3A_25 = arith.constant 30 : index
    %get3A_26 = arith.constant 0 : index
    %get3A_27 = arith.constant 0 : index
    %get3A_28 = vector.load %arg0[%get3A_25, %get3A_26, %get3A_27] : memref<33x2x5120xf32, #tpu.memory_space<vmem>>, vector<1x2x5120xf32>
    %get3A_29 = vector.shape_cast %get3A_28 : vector<1x2x5120xf32> to vector<2x5120xf32>
    %mul3A_30 = arith.mulf %get3A_24, %get3A_29 : vector<2x5120xf32>
    %get3A_31 = arith.constant 28 : index
    %get3A_32 = arith.constant 0 : index
    %get3A_33 = arith.constant 0 : index
    %get3A_34 = vector.load %arg0[%get3A_31, %get3A_32, %get3A_33] : memref<33x2x5120xf32, #tpu.memory_space<vmem>>, vector<1x2x5120xf32>
    %get3A_35 = vector.shape_cast %get3A_34 : vector<1x2x5120xf32> to vector<2x5120xf32>
    %mul3A_36 = arith.mulf %mul3A_30, %get3A_35 : vector<2x5120xf32>
    %get3A_37 = arith.constant 26 : index
    %get3A_38 = arith.constant 0 : index
    %get3A_39 = arith.constant 0 : index
    %get3A_40 = vector.load %arg0[%get3A_37, %get3A_38, %get3A_39] : memref<33x2x5120xf32, #tpu.memory_space<vmem>>, vector<1x2x5120xf32>
    %get3A_41 = vector.shape_cast %get3A_40 : vector<1x2x5120xf32> to vector<2x5120xf32>
    %add3A_42 = arith.addf %mul3A_36, %get3A_41 : vector<2x5120xf32>
    %get3A_43 = arith.constant 23 : index
    %get3A_44 = arith.constant 0 : index
    %get3A_45 = arith.constant 0 : index
    %get3A_46 = vector.load %arg0[%get3A_43, %get3A_44, %get3A_45] : memref<33x2x5120xf32, #tpu.memory_space<vmem>>, vector<1x2x5120xf32>
    %get3A_47 = vector.shape_cast %get3A_46 : vector<1x2x5120xf32> to vector<2x5120xf32>
    %get3A_48 = arith.constant 31 : index
    %get3A_49 = arith.constant 0 : index
    %get3A_50 = arith.constant 0 : index
    %get3A_51 = vector.load %arg0[%get3A_48, %get3A_49, %get3A_50] : memref<33x2x5120xf32, #tpu.memory_space<vmem>>, vector<1x2x5120xf32>
    %get3A_52 = vector.shape_cast %get3A_51 : vector<1x2x5120xf32> to vector<2x5120xf32>
    %mul3A_53 = arith.mulf %get3A_47, %get3A_52 : vector<2x5120xf32>
    %exp3A = math.exp %mul3A_53 : vector<2x5120xf32>
    %get3A_54 = arith.constant 27 : index
    %get3A_55 = arith.constant 0 : index
    %get3A_56 = arith.constant 0 : index
    %get3A_57 = vector.load %arg0[%get3A_54, %get3A_55, %get3A_56] : memref<33x2x5120xf32, #tpu.memory_space<vmem>>, vector<1x2x5120xf32>
    %get3A_58 = vector.shape_cast %get3A_57 : vector<1x2x5120xf32> to vector<2x5120xf32>
    %mul3A_59 = arith.mulf %exp3A, %get3A_58 : vector<2x5120xf32>
    %get3A_60 = arith.constant 24 : index
    %get3A_61 = arith.constant 0 : index
    %get3A_62 = arith.constant 0 : index
    %get3A_63 = vector.load %arg0[%get3A_60, %get3A_61, %get3A_62] : memref<33x2x5120xf32, #tpu.memory_space<vmem>>, vector<1x2x5120xf32>
    %get3A_64 = vector.shape_cast %get3A_63 : vector<1x2x5120xf32> to vector<2x5120xf32>
    %get3A_65 = arith.constant 32 : index
    %get3A_66 = arith.constant 0 : index
    %get3A_67 = arith.constant 0 : index
    %get3A_68 = vector.load %arg0[%get3A_65, %get3A_66, %get3A_67] : memref<33x2x5120xf32, #tpu.memory_space<vmem>>, vector<1x2x5120xf32>
    %get3A_69 = vector.shape_cast %get3A_68 : vector<1x2x5120xf32> to vector<2x5120xf32>
    %mul3A_70 = arith.mulf %get3A_64, %get3A_69 : vector<2x5120xf32>
    %exp3A_71 = math.exp %mul3A_70 : vector<2x5120xf32>
    %get3A_72 = arith.constant 28 : index
    %get3A_73 = arith.constant 0 : index
    %get3A_74 = arith.constant 0 : index
    %get3A_75 = vector.load %arg0[%get3A_72, %get3A_73, %get3A_74] : memref<33x2x5120xf32, #tpu.memory_space<vmem>>, vector<1x2x5120xf32>
    %get3A_76 = vector.shape_cast %get3A_75 : vector<1x2x5120xf32> to vector<2x5120xf32>
    %mul3A_77 = arith.mulf %exp3A_71, %get3A_76 : vector<2x5120xf32>
    %mul3A_78 = arith.constant 5.000000e-01 : f32
    %mul3A_79 = vector.broadcast %mul3A_78 : f32 to vector<2x5120xf32>
    %mul3A_80 = arith.mulf %mul3A_79, %mul3A_59 : vector<2x5120xf32>
    %sub3A = arith.subf %add3A, %mul3A_80 : vector<2x5120xf32>
    %mul3A_81 = arith.constant 5.120000e+02 : f32
    %mul3A_82 = vector.broadcast %mul3A_81 : f32 to vector<2x5120xf32>
    %mul3A_83 = arith.mulf %sub3A, %mul3A_82 : vector<2x5120xf32>
    %mul3A_84 = arith.constant 5.000000e-01 : f32
    %mul3A_85 = vector.broadcast %mul3A_84 : f32 to vector<2x5120xf32>
    %mul3A_86 = arith.mulf %mul3A_85, %mul3A_77 : vector<2x5120xf32>
    %sub3A_87 = arith.subf %add3A_42, %mul3A_86 : vector<2x5120xf32>
    %mul3A_88 = arith.constant 5.120000e+02 : f32
    %mul3A_89 = vector.broadcast %mul3A_88 : f32 to vector<2x5120xf32>
    %mul3A_90 = arith.mulf %sub3A_87, %mul3A_89 : vector<2x5120xf32>
    %mul3A_91 = arith.constant 5.000000e-01 : f32
    %mul3A_92 = vector.broadcast %mul3A_91 : f32 to vector<2x5120xf32>
    %mul3A_93 = arith.mulf %mul3A_92, %mul3A_59 : vector<2x5120xf32>
    %add3A_94 = arith.addf %add3A, %mul3A_93 : vector<2x5120xf32>
    %mul3A_95 = arith.constant 5.120000e+02 : f32
    %mul3A_96 = vector.broadcast %mul3A_95 : f32 to vector<2x5120xf32>
    %mul3A_97 = arith.mulf %add3A_94, %mul3A_96 : vector<2x5120xf32>
    %mul3A_98 = arith.constant 5.000000e-01 : f32
    %mul3A_99 = vector.broadcast %mul3A_98 : f32 to vector<2x5120xf32>
    %mul3A_100 = arith.mulf %mul3A_99, %mul3A_77 : vector<2x5120xf32>
    %add3A_101 = arith.addf %add3A_42, %mul3A_100 : vector<2x5120xf32>
    %mul3A_102 = arith.constant 5.120000e+02 : f32
    %mul3A_103 = vector.broadcast %mul3A_102 : f32 to vector<2x5120xf32>
    %mul3A_104 = arith.mulf %add3A_101, %mul3A_103 : vector<2x5120xf32>
    %swap3A = arith.constant 0 : index
    %swap3A_105 = arith.constant 0 : index
    %swap3A_106 = vector.load %arg2[%swap3A, %swap3A_105] : memref<2x5120xf32, #tpu.memory_space<vmem>>, vector<2x5120xf32>
    tpu.vector_store %arg2[%swap3A, %swap3A_105], %mul3A_83 {strides = array<i32>} : memref<2x5120xf32, #tpu.memory_space<vmem>>, vector<2x5120xf32>,
    %swap3A_107 = arith.constant 0 : index
    %swap3A_108 = arith.constant 0 : index
    %swap3A_109 = vector.load %arg3[%swap3A_107, %swap3A_108] : memref<2x5120xf32, #tpu.memory_space<vmem>>, vector<2x5120xf32>
    tpu.vector_store %arg3[%swap3A_107, %swap3A_108], %mul3A_90 {strides = array<i32>} : memref<2x5120xf32, #tpu.memory_space<vmem>>, vector<2x5120xf32>,
    %swap3A_110 = arith.constant 0 : index
    %swap3A_111 = arith.constant 0 : index
    %swap3A_112 = vector.load %arg4[%swap3A_110, %swap3A_111] : memref<2x5120xf32, #tpu.memory_space<vmem>>, vector<2x5120xf32>
    tpu.vector_store %arg4[%swap3A_110, %swap3A_111], %mul3A_97 {strides = array<i32>} : memref<2x5120xf32, #tpu.memory_space<vmem>>, vector<2x5120xf32>,
    %swap3A_113 = arith.constant 0 : index
    %swap3A_114 = arith.constant 0 : index
    %swap3A_115 = vector.load %arg5[%swap3A_113, %swap3A_114] : memref<2x5120xf32, #tpu.memory_space<vmem>>, vector<2x5120xf32>
    tpu.vector_store %arg5[%swap3A_113, %swap3A_114], %mul3A_104 {strides = array<i32>} : memref<2x5120xf32, #tpu.memory_space<vmem>>, vector<2x5120xf32>,
    %sub3A_116 = arith.subf %mul3A_97, %mul3A_83 : vector<2x5120xf32>
    %max3A = arith.constant 0.000000e+00 : f32
    %max3A_117 = vector.broadcast %max3A : f32 to vector<2x5120xf32>
    %max3A_118 = arith.maximumf %sub3A_116, %max3A_117 : vector<2x5120xf32>
    %sub3A_119 = arith.subf %mul3A_104, %mul3A_90 : vector<2x5120xf32>
    %max3A_120 = arith.constant 0.000000e+00 : f32
    %max3A_121 = vector.broadcast %max3A_120 : f32 to vector<2x5120xf32>
    %max3A_122 = arith.maximumf %sub3A_119, %max3A_121 : vector<2x5120xf32>
    %mul3A_123 = arith.mulf %max3A_118, %max3A_122 : vector<2x5120xf32>
    %swap3A_124 = arith.constant 0 : index
    %swap3A_125 = arith.constant 0 : index
    %swap3A_126 = vector.load %arg6[%swap3A_124, %swap3A_125] : memref<2x5120xf32, #tpu.memory_space<vmem>>, vector<2x5120xf32>
    tpu.vector_store %arg6[%swap3A_124, %swap3A_125], %mul3A_123 {strides = array<i32>} : memref<2x5120xf32, #tpu.memory_space<vmem>>, vector<2x5120xf32>,
    %get3A_127 = arith.constant 1 : index
    %get3A_128 = arith.constant 0 : index
    %get3A_129 = arith.constant 0 : index
    %get3A_130 = vector.load %arg0[%get3A_127, %get3A_128, %get3A_129] : memref<33x2x5120xf32, #tpu.memory_space<vmem>>, vector<1x2x5120xf32>
    %get3A_131 = vector.shape_cast %get3A_130 : vector<1x2x5120xf32> to vector<2x5120xf32>
    %gt3A = arith.constant 0.00999999977 : f32
    %gt3A_132 = vector.broadcast %gt3A : f32 to vector<2x5120xf32>
    %gt3A_133 = arith.cmpf ogt, %get3A_131, %gt3A_132 : vector<2x5120xf32>
    %jit3A = arith.constant -1.000000e+09 : f32
    %broadcast_in_dim3A = vector.broadcast %jit3A : f32 to vector<2x5120xf32>
    %select_n3A = arith.select %gt3A_133, %get3A_131, %broadcast_in_dim3A : vector<2x5120xi1>, vector<2x5120xf32>
    %slice3A = vector.extract_strided_slice %select_n3A {offsets = [0, 0], sizes = [1, 5120], strides = [1, 1]} : vector<2x5120xf32> to vector<1x5120xf32>
    %swap3A_134 = arith.constant 0 : index
    %swap3A_135 = arith.constant 0 : index
    %swap3A_136 = vector.load %arg1[%swap3A_134, %swap3A_135] : memref<40x5120xf32, #tpu.memory_space<vmem>>, vector<1x5120xf32>
    tpu.vector_store %arg1[%swap3A_134, %swap3A_135], %slice3A {strides = array<i32>} : memref<40x5120xf32, #tpu.memory_space<vmem>>, vector<1x5120xf32>,
    %slice3A_137 = vector.extract_strided_slice %select_n3A {offsets = [1, 0], sizes = [1, 5120], strides = [1, 1]} : vector<2x5120xf32> to vector<1x5120xf32>
    %swap3A_138 = arith.constant 20 : index
    %swap3A_139 = arith.constant 0 : index
    %swap3A_140 = vector.load %arg1[%swap3A_138, %swap3A_139] : memref<40x5120xf32, #tpu.memory_space<vmem>>, vector<1x5120xf32>
    tpu.vector_store %arg1[%swap3A_138, %swap3A_139], %slice3A_137 {strides = array<i32>} : memref<40x5120xf32, #tpu.memory_space<vmem>>, vector<1x5120xf32>,
    %get3A_141 = arith.constant 2 : index
    %get3A_142 = arith.constant 0 : index
    %get3A_143 = arith.constant 0 : index
    %get3A_144 = vector.load %arg0[%get3A_141, %get3A_142, %get3A_143] : memref<33x2x5120xf32, #tpu.memory_space<vmem>>, vector<1x2x5120xf32>
    %get3A_145 = vector.shape_cast %get3A_144 : vector<1x2x5120xf32> to vector<2x5120xf32>
    %gt3A_146 = arith.constant 0.00999999977 : f32
    %gt3A_147 = vector.broadcast %gt3A_146 : f32 to vector<2x5120xf32>
    %gt3A_148 = arith.cmpf ogt, %get3A_145, %gt3A_147 : vector<2x5120xf32>
    %jit3A_149 = arith.constant -1.000000e+09 : f32
    %broadcast_in_dim3A_150 = vector.broadcast %jit3A_149 : f32 to vector<2x5120xf32>
    %select_n3A_151 = arith.select %gt3A_148, %get3A_145, %broadcast_in_dim3A_150 : vector<2x5120xi1>, vector<2x5120xf32>
    %slice3A_152 = vector.extract_strided_slice %select_n3A_151 {offsets = [0, 0], sizes = [1, 5120], strides = [1, 1]} : vector<2x5120xf32> to vector<1x5120xf32>
    %swap3A_153 = arith.constant 1 : index
    %swap3A_154 = arith.constant 0 : index
    %swap3A_155 = vector.load %arg1[%swap3A_153, %swap3A_154] : memref<40x5120xf32, #tpu.memory_space<vmem>>, vector<1x5120xf32>
    tpu.vector_store %arg1[%swap3A_153, %swap3A_154], %slice3A_152 {strides = array<i32>} : memref<40x5120xf32, #tpu.memory_space<vmem>>, vector<1x5120xf32>,
    %slice3A_156 = vector.extract_strided_slice %select_n3A_151 {offsets = [1, 0], sizes = [1, 5120], strides = [1, 1]} : vector<2x5120xf32> to vector<1x5120xf32>
    %swap3A_157 = arith.constant 21 : index
    %swap3A_158 = arith.constant 0 : index
    %swap3A_159 = vector.load %arg1[%swap3A_157, %swap3A_158] : memref<40x5120xf32, #tpu.memory_space<vmem>>, vector<1x5120xf32>
    tpu.vector_store %arg1[%swap3A_157, %swap3A_158], %slice3A_156 {strides = array<i32>} : memref<40x5120xf32, #tpu.memory_space<vmem>>, vector<1x5120xf32>,
    %get3A_160 = arith.constant 3 : index
    %get3A_161 = arith.constant 0 : index
    %get3A_162 = arith.constant 0 : index
    %get3A_163 = vector.load %arg0[%get3A_160, %get3A_161, %get3A_162] : memref<33x2x5120xf32, #tpu.memory_space<vmem>>, vector<1x2x5120xf32>
    %get3A_164 = vector.shape_cast %get3A_163 : vector<1x2x5120xf32> to vector<2x5120xf32>
    %gt3A_165 = arith.constant 0.00999999977 : f32
    %gt3A_166 = vector.broadcast %gt3A_165 : f32 to vector<2x5120xf32>
    %gt3A_167 = arith.cmpf ogt, %get3A_164, %gt3A_166 : vector<2x5120xf32>
    %jit3A_168 = arith.constant -1.000000e+09 : f32
    %broadcast_in_dim3A_169 = vector.broadcast %jit3A_168 : f32 to vector<2x5120xf32>
    %select_n3A_170 = arith.select %gt3A_167, %get3A_164, %broadcast_in_dim3A_169 : vector<2x5120xi1>, vector<2x5120xf32>
    %slice3A_171 = vector.extract_strided_slice %select_n3A_170 {offsets = [0, 0], sizes = [1, 5120], strides = [1, 1]} : vector<2x5120xf32> to vector<1x5120xf32>
    %swap3A_172 = arith.constant 2 : index
    %swap3A_173 = arith.constant 0 : index
    %swap3A_174 = vector.load %arg1[%swap3A_172, %swap3A_173] : memref<40x5120xf32, #tpu.memory_space<vmem>>, vector<1x5120xf32>
    tpu.vector_store %arg1[%swap3A_172, %swap3A_173], %slice3A_171 {strides = array<i32>} : memref<40x5120xf32, #tpu.memory_space<vmem>>, vector<1x5120xf32>,
    %slice3A_175 = vector.extract_strided_slice %select_n3A_170 {offsets = [1, 0], sizes = [1, 5120], strides = [1, 1]} : vector<2x5120xf32> to vector<1x5120xf32>
    %swap3A_176 = arith.constant 22 : index
    %swap3A_177 = arith.constant 0 : index
    %swap3A_178 = vector.load %arg1[%swap3A_176, %swap3A_177] : memref<40x5120xf32, #tpu.memory_space<vmem>>, vector<1x5120xf32>
    tpu.vector_store %arg1[%swap3A_176, %swap3A_177], %slice3A_175 {strides = array<i32>} : memref<40x5120xf32, #tpu.memory_space<vmem>>, vector<1x5120xf32>,
    %get3A_179 = arith.constant 4 : index
    %get3A_180 = arith.constant 0 : index
    %get3A_181 = arith.constant 0 : index
    %get3A_182 = vector.load %arg0[%get3A_179, %get3A_180, %get3A_181] : memref<33x2x5120xf32, #tpu.memory_space<vmem>>, vector<1x2x5120xf32>
    %get3A_183 = vector.shape_cast %get3A_182 : vector<1x2x5120xf32> to vector<2x5120xf32>
    %gt3A_184 = arith.constant 0.00999999977 : f32
    %gt3A_185 = vector.broadcast %gt3A_184 : f32 to vector<2x5120xf32>
    %gt3A_186 = arith.cmpf ogt, %get3A_183, %gt3A_185 : vector<2x5120xf32>
    %jit3A_187 = arith.constant -1.000000e+09 : f32
    %broadcast_in_dim3A_188 = vector.broadcast %jit3A_187 : f32 to vector<2x5120xf32>
    %select_n3A_189 = arith.select %gt3A_186, %get3A_183, %broadcast_in_dim3A_188 : vector<2x5120xi1>, vector<2x5120xf32>
    %slice3A_190 = vector.extract_strided_slice %select_n3A_189 {offsets = [0, 0], sizes = [1, 5120], strides = [1, 1]} : vector<2x5120xf32> to vector<1x5120xf32>
    %swap3A_191 = arith.constant 3 : index
    %swap3A_192 = arith.constant 0 : index
    %swap3A_193 = vector.load %arg1[%swap3A_191, %swap3A_192] : memref<40x5120xf32, #tpu.memory_space<vmem>>, vector<1x5120xf32>
    tpu.vector_store %arg1[%swap3A_191, %swap3A_192], %slice3A_190 {strides = array<i32>} : memref<40x5120xf32, #tpu.memory_space<vmem>>, vector<1x5120xf32>,
    %slice3A_194 = vector.extract_strided_slice %select_n3A_189 {offsets = [1, 0], sizes = [1, 5120], strides = [1, 1]} : vector<2x5120xf32> to vector<1x5120xf32>
    %swap3A_195 = arith.constant 23 : index
    %swap3A_196 = arith.constant 0 : index
    %swap3A_197 = vector.load %arg1[%swap3A_195, %swap3A_196] : memref<40x5120xf32, #tpu.memory_space<vmem>>, vector<1x5120xf32>
    tpu.vector_store %arg1[%swap3A_195, %swap3A_196], %slice3A_194 {strides = array<i32>} : memref<40x5120xf32, #tpu.memory_space<vmem>>, vector<1x5120xf32>,
    %get3A_198 = arith.constant 5 : index
    %get3A_199 = arith.constant 0 : index
    %get3A_200 = arith.constant 0 : index
    %get3A_201 = vector.load %arg0[%get3A_198, %get3A_199, %get3A_200] : memref<33x2x5120xf32, #tpu.memory_space<vmem>>, vector<1x2x5120xf32>
    %get3A_202 = vector.shape_cast %get3A_201 : vector<1x2x5120xf32> to vector<2x5120xf32>
    %gt3A_203 = arith.constant 0.00999999977 : f32
    %gt3A_204 = vector.broadcast %gt3A_203 : f32 to vector<2x5120xf32>
    %gt3A_205 = arith.cmpf ogt, %get3A_202, %gt3A_204 : vector<2x5120xf32>
    %jit3A_206 = arith.constant -1.000000e+09 : f32
    %broadcast_in_dim3A_207 = vector.broadcast %jit3A_206 : f32 to vector<2x5120xf32>
    %select_n3A_208 = arith.select %gt3A_205, %get3A_202, %broadcast_in_dim3A_207 : vector<2x5120xi1>, vector<2x5120xf32>
    %slice3A_209 = vector.extract_strided_slice %select_n3A_208 {offsets = [0, 0], sizes = [1, 5120], strides = [1, 1]} : vector<2x5120xf32> to vector<1x5120xf32>
    %swap3A_210 = arith.constant 4 : index
    %swap3A_211 = arith.constant 0 : index
    %swap3A_212 = vector.load %arg1[%swap3A_210, %swap3A_211] : memref<40x5120xf32, #tpu.memory_space<vmem>>, vector<1x5120xf32>
    tpu.vector_store %arg1[%swap3A_210, %swap3A_211], %slice3A_209 {strides = array<i32>} : memref<40x5120xf32, #tpu.memory_space<vmem>>, vector<1x5120xf32>,
    %slice3A_213 = vector.extract_strided_slice %select_n3A_208 {offsets = [1, 0], sizes = [1, 5120], strides = [1, 1]} : vector<2x5120xf32> to vector<1x5120xf32>
    %swap3A_214 = arith.constant 24 : index
    %swap3A_215 = arith.constant 0 : index
    %swap3A_216 = vector.load %arg1[%swap3A_214, %swap3A_215] : memref<40x5120xf32, #tpu.memory_space<vmem>>, vector<1x5120xf32>
    tpu.vector_store %arg1[%swap3A_214, %swap3A_215], %slice3A_213 {strides = array<i32>} : memref<40x5120xf32, #tpu.memory_space<vmem>>, vector<1x5120xf32>,
    %get3A_217 = arith.constant 6 : index
    %get3A_218 = arith.constant 0 : index
    %get3A_219 = arith.constant 0 : index
    %get3A_220 = vector.load %arg0[%get3A_217, %get3A_218, %get3A_219] : memref<33x2x5120xf32, #tpu.memory_space<vmem>>, vector<1x2x5120xf32>
    %get3A_221 = vector.shape_cast %get3A_220 : vector<1x2x5120xf32> to vector<2x5120xf32>
    %gt3A_222 = arith.constant 0.00999999977 : f32
    %gt3A_223 = vector.broadcast %gt3A_222 : f32 to vector<2x5120xf32>
    %gt3A_224 = arith.cmpf ogt, %get3A_221, %gt3A_223 : vector<2x5120xf32>
    %jit3A_225 = arith.constant -1.000000e+09 : f32
    %broadcast_in_dim3A_226 = vector.broadcast %jit3A_225 : f32 to vector<2x5120xf32>
    %select_n3A_227 = arith.select %gt3A_224, %get3A_221, %broadcast_in_dim3A_226 : vector<2x5120xi1>, vector<2x5120xf32>
    %slice3A_228 = vector.extract_strided_slice %select_n3A_227 {offsets = [0, 0], sizes = [1, 5120], strides = [1, 1]} : vector<2x5120xf32> to vector<1x5120xf32>
    %swap3A_229 = arith.constant 5 : index
    %swap3A_230 = arith.constant 0 : index
    %swap3A_231 = vector.load %arg1[%swap3A_229, %swap3A_230] : memref<40x5120xf32, #tpu.memory_space<vmem>>, vector<1x5120xf32>
    tpu.vector_store %arg1[%swap3A_229, %swap3A_230], %slice3A_228 {strides = array<i32>} : memref<40x5120xf32, #tpu.memory_space<vmem>>, vector<1x5120xf32>,
    %slice3A_232 = vector.extract_strided_slice %select_n3A_227 {offsets = [1, 0], sizes = [1, 5120], strides = [1, 1]} : vector<2x5120xf32> to vector<1x5120xf32>
    %swap3A_233 = arith.constant 25 : index
    %swap3A_234 = arith.constant 0 : index
    %swap3A_235 = vector.load %arg1[%swap3A_233, %swap3A_234] : memref<40x5120xf32, #tpu.memory_space<vmem>>, vector<1x5120xf32>
    tpu.vector_store %arg1[%swap3A_233, %swap3A_234], %slice3A_232 {strides = array<i32>} : memref<40x5120xf32, #tpu.memory_space<vmem>>, vector<1x5120xf32>,
    %get3A_236 = arith.constant 7 : index
    %get3A_237 = arith.constant 0 : index
    %get3A_238 = arith.constant 0 : index
    %get3A_239 = vector.load %arg0[%get3A_236, %get3A_237, %get3A_238] : memref<33x2x5120xf32, #tpu.memory_space<vmem>>, vector<1x2x5120xf32>
    %get3A_240 = vector.shape_cast %get3A_239 : vector<1x2x5120xf32> to vector<2x5120xf32>
    %gt3A_241 = arith.constant 0.00999999977 : f32
    %gt3A_242 = vector.broadcast %gt3A_241 : f32 to vector<2x5120xf32>
    %gt3A_243 = arith.cmpf ogt, %get3A_240, %gt3A_242 : vector<2x5120xf32>
    %jit3A_244 = arith.constant -1.000000e+09 : f32
    %broadcast_in_dim3A_245 = vector.broadcast %jit3A_244 : f32 to vector<2x5120xf32>
    %select_n3A_246 = arith.select %gt3A_243, %get3A_240, %broadcast_in_dim3A_245 : vector<2x5120xi1>, vector<2x5120xf32>
    %slice3A_247 = vector.extract_strided_slice %select_n3A_246 {offsets = [0, 0], sizes = [1, 5120], strides = [1, 1]} : vector<2x5120xf32> to vector<1x5120xf32>
    %swap3A_248 = arith.constant 6 : index
    %swap3A_249 = arith.constant 0 : index
    %swap3A_250 = vector.load %arg1[%swap3A_248, %swap3A_249] : memref<40x5120xf32, #tpu.memory_space<vmem>>, vector<1x5120xf32>
    tpu.vector_store %arg1[%swap3A_248, %swap3A_249], %slice3A_247 {strides = array<i32>} : memref<40x5120xf32, #tpu.memory_space<vmem>>, vector<1x5120xf32>,
    %slice3A_251 = vector.extract_strided_slice %select_n3A_246 {offsets = [1, 0], sizes = [1, 5120], strides = [1, 1]} : vector<2x5120xf32> to vector<1x5120xf32>
    %swap3A_252 = arith.constant 26 : index
    %swap3A_253 = arith.constant 0 : index
    %swap3A_254 = vector.load %arg1[%swap3A_252, %swap3A_253] : memref<40x5120xf32, #tpu.memory_space<vmem>>, vector<1x5120xf32>
    tpu.vector_store %arg1[%swap3A_252, %swap3A_253], %slice3A_251 {strides = array<i32>} : memref<40x5120xf32, #tpu.memory_space<vmem>>, vector<1x5120xf32>,
    %get3A_255 = arith.constant 8 : index
    %get3A_256 = arith.constant 0 : index
    %get3A_257 = arith.constant 0 : index
    %get3A_258 = vector.load %arg0[%get3A_255, %get3A_256, %get3A_257] : memref<33x2x5120xf32, #tpu.memory_space<vmem>>, vector<1x2x5120xf32>
    %get3A_259 = vector.shape_cast %get3A_258 : vector<1x2x5120xf32> to vector<2x5120xf32>
    %gt3A_260 = arith.constant 0.00999999977 : f32
    %gt3A_261 = vector.broadcast %gt3A_260 : f32 to vector<2x5120xf32>
    %gt3A_262 = arith.cmpf ogt, %get3A_259, %gt3A_261 : vector<2x5120xf32>
    %jit3A_263 = arith.constant -1.000000e+09 : f32
    %broadcast_in_dim3A_264 = vector.broadcast %jit3A_263 : f32 to vector<2x5120xf32>
    %select_n3A_265 = arith.select %gt3A_262, %get3A_259, %broadcast_in_dim3A_264 : vector<2x5120xi1>, vector<2x5120xf32>
    %slice3A_266 = vector.extract_strided_slice %select_n3A_265 {offsets = [0, 0], sizes = [1, 5120], strides = [1, 1]} : vector<2x5120xf32> to vector<1x5120xf32>
    %swap3A_267 = arith.constant 7 : index
    %swap3A_268 = arith.constant 0 : index
    %swap3A_269 = vector.load %arg1[%swap3A_267, %swap3A_268] : memref<40x5120xf32, #tpu.memory_space<vmem>>, vector<1x5120xf32>
    tpu.vector_store %arg1[%swap3A_267, %swap3A_268], %slice3A_266 {strides = array<i32>} : memref<40x5120xf32, #tpu.memory_space<vmem>>, vector<1x5120xf32>,
    %slice3A_270 = vector.extract_strided_slice %select_n3A_265 {offsets = [1, 0], sizes = [1, 5120], strides = [1, 1]} : vector<2x5120xf32> to vector<1x5120xf32>
    %swap3A_271 = arith.constant 27 : index
    %swap3A_272 = arith.constant 0 : index
    %swap3A_273 = vector.load %arg1[%swap3A_271, %swap3A_272] : memref<40x5120xf32, #tpu.memory_space<vmem>>, vector<1x5120xf32>
    tpu.vector_store %arg1[%swap3A_271, %swap3A_272], %slice3A_270 {strides = array<i32>} : memref<40x5120xf32, #tpu.memory_space<vmem>>, vector<1x5120xf32>,
    %get3A_274 = arith.constant 9 : index
    %get3A_275 = arith.constant 0 : index
    %get3A_276 = arith.constant 0 : index
    %get3A_277 = vector.load %arg0[%get3A_274, %get3A_275, %get3A_276] : memref<33x2x5120xf32, #tpu.memory_space<vmem>>, vector<1x2x5120xf32>
    %get3A_278 = vector.shape_cast %get3A_277 : vector<1x2x5120xf32> to vector<2x5120xf32>
    %gt3A_279 = arith.constant 0.00999999977 : f32
    %gt3A_280 = vector.broadcast %gt3A_279 : f32 to vector<2x5120xf32>
    %gt3A_281 = arith.cmpf ogt, %get3A_278, %gt3A_280 : vector<2x5120xf32>
    %jit3A_282 = arith.constant -1.000000e+09 : f32
    %broadcast_in_dim3A_283 = vector.broadcast %jit3A_282 : f32 to vector<2x5120xf32>
    %select_n3A_284 = arith.select %gt3A_281, %get3A_278, %broadcast_in_dim3A_283 : vector<2x5120xi1>, vector<2x5120xf32>
    %slice3A_285 = vector.extract_strided_slice %select_n3A_284 {offsets = [0, 0], sizes = [1, 5120], strides = [1, 1]} : vector<2x5120xf32> to vector<1x5120xf32>
    %swap3A_286 = arith.constant 8 : index
    %swap3A_287 = arith.constant 0 : index
    %swap3A_288 = vector.load %arg1[%swap3A_286, %swap3A_287] : memref<40x5120xf32, #tpu.memory_space<vmem>>, vector<1x5120xf32>
    tpu.vector_store %arg1[%swap3A_286, %swap3A_287], %slice3A_285 {strides = array<i32>} : memref<40x5120xf32, #tpu.memory_space<vmem>>, vector<1x5120xf32>,
    %slice3A_289 = vector.extract_strided_slice %select_n3A_284 {offsets = [1, 0], sizes = [1, 5120], strides = [1, 1]} : vector<2x5120xf32> to vector<1x5120xf32>
    %swap3A_290 = arith.constant 28 : index
    %swap3A_291 = arith.constant 0 : index
    %swap3A_292 = vector.load %arg1[%swap3A_290, %swap3A_291] : memref<40x5120xf32, #tpu.memory_space<vmem>>, vector<1x5120xf32>
    tpu.vector_store %arg1[%swap3A_290, %swap3A_291], %slice3A_289 {strides = array<i32>} : memref<40x5120xf32, #tpu.memory_space<vmem>>, vector<1x5120xf32>,
    %get3A_293 = arith.constant 10 : index
    %get3A_294 = arith.constant 0 : index
    %get3A_295 = arith.constant 0 : index
    %get3A_296 = vector.load %arg0[%get3A_293, %get3A_294, %get3A_295] : memref<33x2x5120xf32, #tpu.memory_space<vmem>>, vector<1x2x5120xf32>
    %get3A_297 = vector.shape_cast %get3A_296 : vector<1x2x5120xf32> to vector<2x5120xf32>
    %gt3A_298 = arith.constant 0.00999999977 : f32
    %gt3A_299 = vector.broadcast %gt3A_298 : f32 to vector<2x5120xf32>
    %gt3A_300 = arith.cmpf ogt, %get3A_297, %gt3A_299 : vector<2x5120xf32>
    %jit3A_301 = arith.constant -1.000000e+09 : f32
    %broadcast_in_dim3A_302 = vector.broadcast %jit3A_301 : f32 to vector<2x5120xf32>
    %select_n3A_303 = arith.select %gt3A_300, %get3A_297, %broadcast_in_dim3A_302 : vector<2x5120xi1>, vector<2x5120xf32>
    %slice3A_304 = vector.extract_strided_slice %select_n3A_303 {offsets = [0, 0], sizes = [1, 5120], strides = [1, 1]} : vector<2x5120xf32> to vector<1x5120xf32>
    %swap3A_305 = arith.constant 9 : index
    %swap3A_306 = arith.constant 0 : index
    %swap3A_307 = vector.load %arg1[%swap3A_305, %swap3A_306] : memref<40x5120xf32, #tpu.memory_space<vmem>>, vector<1x5120xf32>
    tpu.vector_store %arg1[%swap3A_305, %swap3A_306], %slice3A_304 {strides = array<i32>} : memref<40x5120xf32, #tpu.memory_space<vmem>>, vector<1x5120xf32>,
    %slice3A_308 = vector.extract_strided_slice %select_n3A_303 {offsets = [1, 0], sizes = [1, 5120], strides = [1, 1]} : vector<2x5120xf32> to vector<1x5120xf32>
    %swap3A_309 = arith.constant 29 : index
    %swap3A_310 = arith.constant 0 : index
    %swap3A_311 = vector.load %arg1[%swap3A_309, %swap3A_310] : memref<40x5120xf32, #tpu.memory_space<vmem>>, vector<1x5120xf32>
    tpu.vector_store %arg1[%swap3A_309, %swap3A_310], %slice3A_308 {strides = array<i32>} : memref<40x5120xf32, #tpu.memory_space<vmem>>, vector<1x5120xf32>,
    %get3A_312 = arith.constant 11 : index
    %get3A_313 = arith.constant 0 : index
    %get3A_314 = arith.constant 0 : index
    %get3A_315 = vector.load %arg0[%get3A_312, %get3A_313, %get3A_314] : memref<33x2x5120xf32, #tpu.memory_space<vmem>>, vector<1x2x5120xf32>
    %get3A_316 = vector.shape_cast %get3A_315 : vector<1x2x5120xf32> to vector<2x5120xf32>
    %gt3A_317 = arith.constant 0.00999999977 : f32
    %gt3A_318 = vector.broadcast %gt3A_317 : f32 to vector<2x5120xf32>
    %gt3A_319 = arith.cmpf ogt, %get3A_316, %gt3A_318 : vector<2x5120xf32>
    %jit3A_320 = arith.constant -1.000000e+09 : f32
    %broadcast_in_dim3A_321 = vector.broadcast %jit3A_320 : f32 to vector<2x5120xf32>
    %select_n3A_322 = arith.select %gt3A_319, %get3A_316, %broadcast_in_dim3A_321 : vector<2x5120xi1>, vector<2x5120xf32>
    %slice3A_323 = vector.extract_strided_slice %select_n3A_322 {offsets = [0, 0], sizes = [1, 5120], strides = [1, 1]} : vector<2x5120xf32> to vector<1x5120xf32>
    %swap3A_324 = arith.constant 10 : index
    %swap3A_325 = arith.constant 0 : index
    %swap3A_326 = vector.load %arg1[%swap3A_324, %swap3A_325] : memref<40x5120xf32, #tpu.memory_space<vmem>>, vector<1x5120xf32>
    tpu.vector_store %arg1[%swap3A_324, %swap3A_325], %slice3A_323 {strides = array<i32>} : memref<40x5120xf32, #tpu.memory_space<vmem>>, vector<1x5120xf32>,
    %slice3A_327 = vector.extract_strided_slice %select_n3A_322 {offsets = [1, 0], sizes = [1, 5120], strides = [1, 1]} : vector<2x5120xf32> to vector<1x5120xf32>
    %swap3A_328 = arith.constant 30 : index
    %swap3A_329 = arith.constant 0 : index
    %swap3A_330 = vector.load %arg1[%swap3A_328, %swap3A_329] : memref<40x5120xf32, #tpu.memory_space<vmem>>, vector<1x5120xf32>
    tpu.vector_store %arg1[%swap3A_328, %swap3A_329], %slice3A_327 {strides = array<i32>} : memref<40x5120xf32, #tpu.memory_space<vmem>>, vector<1x5120xf32>,
    %get3A_331 = arith.constant 12 : index
    %get3A_332 = arith.constant 0 : index
    %get3A_333 = arith.constant 0 : index
    %get3A_334 = vector.load %arg0[%get3A_331, %get3A_332, %get3A_333] : memref<33x2x5120xf32, #tpu.memory_space<vmem>>, vector<1x2x5120xf32>
    %get3A_335 = vector.shape_cast %get3A_334 : vector<1x2x5120xf32> to vector<2x5120xf32>
    %gt3A_336 = arith.constant 0.00999999977 : f32
    %gt3A_337 = vector.broadcast %gt3A_336 : f32 to vector<2x5120xf32>
    %gt3A_338 = arith.cmpf ogt, %get3A_335, %gt3A_337 : vector<2x5120xf32>
    %jit3A_339 = arith.constant -1.000000e+09 : f32
    %broadcast_in_dim3A_340 = vector.broadcast %jit3A_339 : f32 to vector<2x5120xf32>
    %select_n3A_341 = arith.select %gt3A_338, %get3A_335, %broadcast_in_dim3A_340 : vector<2x5120xi1>, vector<2x5120xf32>
    %slice3A_342 = vector.extract_strided_slice %select_n3A_341 {offsets = [0, 0], sizes = [1, 5120], strides = [1, 1]} : vector<2x5120xf32> to vector<1x5120xf32>
    %swap3A_343 = arith.constant 11 : index
    %swap3A_344 = arith.constant 0 : index
    %swap3A_345 = vector.load %arg1[%swap3A_343, %swap3A_344] : memref<40x5120xf32, #tpu.memory_space<vmem>>, vector<1x5120xf32>
    tpu.vector_store %arg1[%swap3A_343, %swap3A_344], %slice3A_342 {strides = array<i32>} : memref<40x5120xf32, #tpu.memory_space<vmem>>, vector<1x5120xf32>,
    %slice3A_346 = vector.extract_strided_slice %select_n3A_341 {offsets = [1, 0], sizes = [1, 5120], strides = [1, 1]} : vector<2x5120xf32> to vector<1x5120xf32>
    %swap3A_347 = arith.constant 31 : index
    %swap3A_348 = arith.constant 0 : index
    %swap3A_349 = vector.load %arg1[%swap3A_347, %swap3A_348] : memref<40x5120xf32, #tpu.memory_space<vmem>>, vector<1x5120xf32>
    tpu.vector_store %arg1[%swap3A_347, %swap3A_348], %slice3A_346 {strides = array<i32>} : memref<40x5120xf32, #tpu.memory_space<vmem>>, vector<1x5120xf32>,
    %get3A_350 = arith.constant 13 : index
    %get3A_351 = arith.constant 0 : index
    %get3A_352 = arith.constant 0 : index
    %get3A_353 = vector.load %arg0[%get3A_350, %get3A_351, %get3A_352] : memref<33x2x5120xf32, #tpu.memory_space<vmem>>, vector<1x2x5120xf32>
    %get3A_354 = vector.shape_cast %get3A_353 : vector<1x2x5120xf32> to vector<2x5120xf32>
    %gt3A_355 = arith.constant 0.00999999977 : f32
    %gt3A_356 = vector.broadcast %gt3A_355 : f32 to vector<2x5120xf32>
    %gt3A_357 = arith.cmpf ogt, %get3A_354, %gt3A_356 : vector<2x5120xf32>
    %jit3A_358 = arith.constant -1.000000e+09 : f32
    %broadcast_in_dim3A_359 = vector.broadcast %jit3A_358 : f32 to vector<2x5120xf32>
    %select_n3A_360 = arith.select %gt3A_357, %get3A_354, %broadcast_in_dim3A_359 : vector<2x5120xi1>, vector<2x5120xf32>
    %slice3A_361 = vector.extract_strided_slice %select_n3A_360 {offsets = [0, 0], sizes = [1, 5120], strides = [1, 1]} : vector<2x5120xf32> to vector<1x5120xf32>
    %swap3A_362 = arith.constant 12 : index
    %swap3A_363 = arith.constant 0 : index
    %swap3A_364 = vector.load %arg1[%swap3A_362, %swap3A_363] : memref<40x5120xf32, #tpu.memory_space<vmem>>, vector<1x5120xf32>
    tpu.vector_store %arg1[%swap3A_362, %swap3A_363], %slice3A_361 {strides = array<i32>} : memref<40x5120xf32, #tpu.memory_space<vmem>>, vector<1x5120xf32>,
    %slice3A_365 = vector.extract_strided_slice %select_n3A_360 {offsets = [1, 0], sizes = [1, 5120], strides = [1, 1]} : vector<2x5120xf32> to vector<1x5120xf32>
    %swap3A_366 = arith.constant 32 : index
    %swap3A_367 = arith.constant 0 : index
    %swap3A_368 = vector.load %arg1[%swap3A_366, %swap3A_367] : memref<40x5120xf32, #tpu.memory_space<vmem>>, vector<1x5120xf32>
    tpu.vector_store %arg1[%swap3A_366, %swap3A_367], %slice3A_365 {strides = array<i32>} : memref<40x5120xf32, #tpu.memory_space<vmem>>, vector<1x5120xf32>,
    %get3A_369 = arith.constant 14 : index
    %get3A_370 = arith.constant 0 : index
    %get3A_371 = arith.constant 0 : index
    %get3A_372 = vector.load %arg0[%get3A_369, %get3A_370, %get3A_371] : memref<33x2x5120xf32, #tpu.memory_space<vmem>>, vector<1x2x5120xf32>
    %get3A_373 = vector.shape_cast %get3A_372 : vector<1x2x5120xf32> to vector<2x5120xf32>
    %gt3A_374 = arith.constant 0.00999999977 : f32
    %gt3A_375 = vector.broadcast %gt3A_374 : f32 to vector<2x5120xf32>
    %gt3A_376 = arith.cmpf ogt, %get3A_373, %gt3A_375 : vector<2x5120xf32>
    %jit3A_377 = arith.constant -1.000000e+09 : f32
    %broadcast_in_dim3A_378 = vector.broadcast %jit3A_377 : f32 to vector<2x5120xf32>
    %select_n3A_379 = arith.select %gt3A_376, %get3A_373, %broadcast_in_dim3A_378 : vector<2x5120xi1>, vector<2x5120xf32>
    %slice3A_380 = vector.extract_strided_slice %select_n3A_379 {offsets = [0, 0], sizes = [1, 5120], strides = [1, 1]} : vector<2x5120xf32> to vector<1x5120xf32>
    %swap3A_381 = arith.constant 13 : index
    %swap3A_382 = arith.constant 0 : index
    %swap3A_383 = vector.load %arg1[%swap3A_381, %swap3A_382] : memref<40x5120xf32, #tpu.memory_space<vmem>>, vector<1x5120xf32>
    tpu.vector_store %arg1[%swap3A_381, %swap3A_382], %slice3A_380 {strides = array<i32>} : memref<40x5120xf32, #tpu.memory_space<vmem>>, vector<1x5120xf32>,
    %slice3A_384 = vector.extract_strided_slice %select_n3A_379 {offsets = [1, 0], sizes = [1, 5120], strides = [1, 1]} : vector<2x5120xf32> to vector<1x5120xf32>
    %swap3A_385 = arith.constant 33 : index
    %swap3A_386 = arith.constant 0 : index
    %swap3A_387 = vector.load %arg1[%swap3A_385, %swap3A_386] : memref<40x5120xf32, #tpu.memory_space<vmem>>, vector<1x5120xf32>
    tpu.vector_store %arg1[%swap3A_385, %swap3A_386], %slice3A_384 {strides = array<i32>} : memref<40x5120xf32, #tpu.memory_space<vmem>>, vector<1x5120xf32>,
    %get3A_388 = arith.constant 15 : index
    %get3A_389 = arith.constant 0 : index
    %get3A_390 = arith.constant 0 : index
    %get3A_391 = vector.load %arg0[%get3A_388, %get3A_389, %get3A_390] : memref<33x2x5120xf32, #tpu.memory_space<vmem>>, vector<1x2x5120xf32>
    %get3A_392 = vector.shape_cast %get3A_391 : vector<1x2x5120xf32> to vector<2x5120xf32>
    %gt3A_393 = arith.constant 0.00999999977 : f32
    %gt3A_394 = vector.broadcast %gt3A_393 : f32 to vector<2x5120xf32>
    %gt3A_395 = arith.cmpf ogt, %get3A_392, %gt3A_394 : vector<2x5120xf32>
    %jit3A_396 = arith.constant -1.000000e+09 : f32
    %broadcast_in_dim3A_397 = vector.broadcast %jit3A_396 : f32 to vector<2x5120xf32>
    %select_n3A_398 = arith.select %gt3A_395, %get3A_392, %broadcast_in_dim3A_397 : vector<2x5120xi1>, vector<2x5120xf32>
    %slice3A_399 = vector.extract_strided_slice %select_n3A_398 {offsets = [0, 0], sizes = [1, 5120], strides = [1, 1]} : vector<2x5120xf32> to vector<1x5120xf32>
    %swap3A_400 = arith.constant 14 : index
    %swap3A_401 = arith.constant 0 : index
    %swap3A_402 = vector.load %arg1[%swap3A_400, %swap3A_401] : memref<40x5120xf32, #tpu.memory_space<vmem>>, vector<1x5120xf32>
    tpu.vector_store %arg1[%swap3A_400, %swap3A_401], %slice3A_399 {strides = array<i32>} : memref<40x5120xf32, #tpu.memory_space<vmem>>, vector<1x5120xf32>,
    %slice3A_403 = vector.extract_strided_slice %select_n3A_398 {offsets = [1, 0], sizes = [1, 5120], strides = [1, 1]} : vector<2x5120xf32> to vector<1x5120xf32>
    %swap3A_404 = arith.constant 34 : index
    %swap3A_405 = arith.constant 0 : index
    %swap3A_406 = vector.load %arg1[%swap3A_404, %swap3A_405] : memref<40x5120xf32, #tpu.memory_space<vmem>>, vector<1x5120xf32>
    tpu.vector_store %arg1[%swap3A_404, %swap3A_405], %slice3A_403 {strides = array<i32>} : memref<40x5120xf32, #tpu.memory_space<vmem>>, vector<1x5120xf32>,
    %get3A_407 = arith.constant 16 : index
    %get3A_408 = arith.constant 0 : index
    %get3A_409 = arith.constant 0 : index
    %get3A_410 = vector.load %arg0[%get3A_407, %get3A_408, %get3A_409] : memref<33x2x5120xf32, #tpu.memory_space<vmem>>, vector<1x2x5120xf32>
    %get3A_411 = vector.shape_cast %get3A_410 : vector<1x2x5120xf32> to vector<2x5120xf32>
    %gt3A_412 = arith.constant 0.00999999977 : f32
    %gt3A_413 = vector.broadcast %gt3A_412 : f32 to vector<2x5120xf32>
    %gt3A_414 = arith.cmpf ogt, %get3A_411, %gt3A_413 : vector<2x5120xf32>
    %jit3A_415 = arith.constant -1.000000e+09 : f32
    %broadcast_in_dim3A_416 = vector.broadcast %jit3A_415 : f32 to vector<2x5120xf32>
    %select_n3A_417 = arith.select %gt3A_414, %get3A_411, %broadcast_in_dim3A_416 : vector<2x5120xi1>, vector<2x5120xf32>
    %slice3A_418 = vector.extract_strided_slice %select_n3A_417 {offsets = [0, 0], sizes = [1, 5120], strides = [1, 1]} : vector<2x5120xf32> to vector<1x5120xf32>
    %swap3A_419 = arith.constant 15 : index
    %swap3A_420 = arith.constant 0 : index
    %swap3A_421 = vector.load %arg1[%swap3A_419, %swap3A_420] : memref<40x5120xf32, #tpu.memory_space<vmem>>, vector<1x5120xf32>
    tpu.vector_store %arg1[%swap3A_419, %swap3A_420], %slice3A_418 {strides = array<i32>} : memref<40x5120xf32, #tpu.memory_space<vmem>>, vector<1x5120xf32>,
    %slice3A_422 = vector.extract_strided_slice %select_n3A_417 {offsets = [1, 0], sizes = [1, 5120], strides = [1, 1]} : vector<2x5120xf32> to vector<1x5120xf32>
    %swap3A_423 = arith.constant 35 : index
    %swap3A_424 = arith.constant 0 : index
    %swap3A_425 = vector.load %arg1[%swap3A_423, %swap3A_424] : memref<40x5120xf32, #tpu.memory_space<vmem>>, vector<1x5120xf32>
    tpu.vector_store %arg1[%swap3A_423, %swap3A_424], %slice3A_422 {strides = array<i32>} : memref<40x5120xf32, #tpu.memory_space<vmem>>, vector<1x5120xf32>,
    %get3A_426 = arith.constant 17 : index
    %get3A_427 = arith.constant 0 : index
    %get3A_428 = arith.constant 0 : index
    %get3A_429 = vector.load %arg0[%get3A_426, %get3A_427, %get3A_428] : memref<33x2x5120xf32, #tpu.memory_space<vmem>>, vector<1x2x5120xf32>
    %get3A_430 = vector.shape_cast %get3A_429 : vector<1x2x5120xf32> to vector<2x5120xf32>
    %gt3A_431 = arith.constant 0.00999999977 : f32
    %gt3A_432 = vector.broadcast %gt3A_431 : f32 to vector<2x5120xf32>
    %gt3A_433 = arith.cmpf ogt, %get3A_430, %gt3A_432 : vector<2x5120xf32>
    %jit3A_434 = arith.constant -1.000000e+09 : f32
    %broadcast_in_dim3A_435 = vector.broadcast %jit3A_434 : f32 to vector<2x5120xf32>
    %select_n3A_436 = arith.select %gt3A_433, %get3A_430, %broadcast_in_dim3A_435 : vector<2x5120xi1>, vector<2x5120xf32>
    %slice3A_437 = vector.extract_strided_slice %select_n3A_436 {offsets = [0, 0], sizes = [1, 5120], strides = [1, 1]} : vector<2x5120xf32> to vector<1x5120xf32>
    %swap3A_438 = arith.constant 16 : index
    %swap3A_439 = arith.constant 0 : index
    %swap3A_440 = vector.load %arg1[%swap3A_438, %swap3A_439] : memref<40x5120xf32, #tpu.memory_space<vmem>>, vector<1x5120xf32>
    tpu.vector_store %arg1[%swap3A_438, %swap3A_439], %slice3A_437 {strides = array<i32>} : memref<40x5120xf32, #tpu.memory_space<vmem>>, vector<1x5120xf32>,
    %slice3A_441 = vector.extract_strided_slice %select_n3A_436 {offsets = [1, 0], sizes = [1, 5120], strides = [1, 1]} : vector<2x5120xf32> to vector<1x5120xf32>
    %swap3A_442 = arith.constant 36 : index
    %swap3A_443 = arith.constant 0 : index
    %swap3A_444 = vector.load %arg1[%swap3A_442, %swap3A_443] : memref<40x5120xf32, #tpu.memory_space<vmem>>, vector<1x5120xf32>
    tpu.vector_store %arg1[%swap3A_442, %swap3A_443], %slice3A_441 {strides = array<i32>} : memref<40x5120xf32, #tpu.memory_space<vmem>>, vector<1x5120xf32>,
    %get3A_445 = arith.constant 18 : index
    %get3A_446 = arith.constant 0 : index
    %get3A_447 = arith.constant 0 : index
    %get3A_448 = vector.load %arg0[%get3A_445, %get3A_446, %get3A_447] : memref<33x2x5120xf32, #tpu.memory_space<vmem>>, vector<1x2x5120xf32>
    %get3A_449 = vector.shape_cast %get3A_448 : vector<1x2x5120xf32> to vector<2x5120xf32>
    %gt3A_450 = arith.constant 0.00999999977 : f32
    %gt3A_451 = vector.broadcast %gt3A_450 : f32 to vector<2x5120xf32>
    %gt3A_452 = arith.cmpf ogt, %get3A_449, %gt3A_451 : vector<2x5120xf32>
    %jit3A_453 = arith.constant -1.000000e+09 : f32
    %broadcast_in_dim3A_454 = vector.broadcast %jit3A_453 : f32 to vector<2x5120xf32>
    %select_n3A_455 = arith.select %gt3A_452, %get3A_449, %broadcast_in_dim3A_454 : vector<2x5120xi1>, vector<2x5120xf32>
    %slice3A_456 = vector.extract_strided_slice %select_n3A_455 {offsets = [0, 0], sizes = [1, 5120], strides = [1, 1]} : vector<2x5120xf32> to vector<1x5120xf32>
    %swap3A_457 = arith.constant 17 : index
    %swap3A_458 = arith.constant 0 : index
    %swap3A_459 = vector.load %arg1[%swap3A_457, %swap3A_458] : memref<40x5120xf32, #tpu.memory_space<vmem>>, vector<1x5120xf32>
    tpu.vector_store %arg1[%swap3A_457, %swap3A_458], %slice3A_456 {strides = array<i32>} : memref<40x5120xf32, #tpu.memory_space<vmem>>, vector<1x5120xf32>,
    %slice3A_460 = vector.extract_strided_slice %select_n3A_455 {offsets = [1, 0], sizes = [1, 5120], strides = [1, 1]} : vector<2x5120xf32> to vector<1x5120xf32>
    %swap3A_461 = arith.constant 37 : index
    %swap3A_462 = arith.constant 0 : index
    %swap3A_463 = vector.load %arg1[%swap3A_461, %swap3A_462] : memref<40x5120xf32, #tpu.memory_space<vmem>>, vector<1x5120xf32>
    tpu.vector_store %arg1[%swap3A_461, %swap3A_462], %slice3A_460 {strides = array<i32>} : memref<40x5120xf32, #tpu.memory_space<vmem>>, vector<1x5120xf32>,
    %get3A_464 = arith.constant 19 : index
    %get3A_465 = arith.constant 0 : index
    %get3A_466 = arith.constant 0 : index
    %get3A_467 = vector.load %arg0[%get3A_464, %get3A_465, %get3A_466] : memref<33x2x5120xf32, #tpu.memory_space<vmem>>, vector<1x2x5120xf32>
    %get3A_468 = vector.shape_cast %get3A_467 : vector<1x2x5120xf32> to vector<2x5120xf32>
    %gt3A_469 = arith.constant 0.00999999977 : f32
    %gt3A_470 = vector.broadcast %gt3A_469 : f32 to vector<2x5120xf32>
    %gt3A_471 = arith.cmpf ogt, %get3A_468, %gt3A_470 : vector<2x5120xf32>
    %jit3A_472 = arith.constant -1.000000e+09 : f32
    %broadcast_in_dim3A_473 = vector.broadcast %jit3A_472 : f32 to vector<2x5120xf32>
    %select_n3A_474 = arith.select %gt3A_471, %get3A_468, %broadcast_in_dim3A_473 : vector<2x5120xi1>, vector<2x5120xf32>
    %slice3A_475 = vector.extract_strided_slice %select_n3A_474 {offsets = [0, 0], sizes = [1, 5120], strides = [1, 1]} : vector<2x5120xf32> to vector<1x5120xf32>
    %swap3A_476 = arith.constant 18 : index
    %swap3A_477 = arith.constant 0 : index
    %swap3A_478 = vector.load %arg1[%swap3A_476, %swap3A_477] : memref<40x5120xf32, #tpu.memory_space<vmem>>, vector<1x5120xf32>
    tpu.vector_store %arg1[%swap3A_476, %swap3A_477], %slice3A_475 {strides = array<i32>} : memref<40x5120xf32, #tpu.memory_space<vmem>>, vector<1x5120xf32>,
    %slice3A_479 = vector.extract_strided_slice %select_n3A_474 {offsets = [1, 0], sizes = [1, 5120], strides = [1, 1]} : vector<2x5120xf32> to vector<1x5120xf32>
    %swap3A_480 = arith.constant 38 : index
    %swap3A_481 = arith.constant 0 : index
    %swap3A_482 = vector.load %arg1[%swap3A_480, %swap3A_481] : memref<40x5120xf32, #tpu.memory_space<vmem>>, vector<1x5120xf32>
    tpu.vector_store %arg1[%swap3A_480, %swap3A_481], %slice3A_479 {strides = array<i32>} : memref<40x5120xf32, #tpu.memory_space<vmem>>, vector<1x5120xf32>,
    %get3A_483 = arith.constant 20 : index
    %get3A_484 = arith.constant 0 : index
    %get3A_485 = arith.constant 0 : index
    %get3A_486 = vector.load %arg0[%get3A_483, %get3A_484, %get3A_485] : memref<33x2x5120xf32, #tpu.memory_space<vmem>>, vector<1x2x5120xf32>
    %get3A_487 = vector.shape_cast %get3A_486 : vector<1x2x5120xf32> to vector<2x5120xf32>
    %gt3A_488 = arith.constant 0.00999999977 : f32
    %gt3A_489 = vector.broadcast %gt3A_488 : f32 to vector<2x5120xf32>
    %gt3A_490 = arith.cmpf ogt, %get3A_487, %gt3A_489 : vector<2x5120xf32>
    %jit3A_491 = arith.constant -1.000000e+09 : f32
    %broadcast_in_dim3A_492 = vector.broadcast %jit3A_491 : f32 to vector<2x5120xf32>
    %select_n3A_493 = arith.select %gt3A_490, %get3A_487, %broadcast_in_dim3A_492 : vector<2x5120xi1>, vector<2x5120xf32>
    %slice3A_494 = vector.extract_strided_slice %select_n3A_493 {offsets = [0, 0], sizes = [1, 5120], strides = [1, 1]} : vector<2x5120xf32> to vector<1x5120xf32>
    %swap3A_495 = arith.constant 19 : index
    %swap3A_496 = arith.constant 0 : index
    %swap3A_497 = vector.load %arg1[%swap3A_495, %swap3A_496] : memref<40x5120xf32, #tpu.memory_space<vmem>>, vector<1x5120xf32>
    tpu.vector_store %arg1[%swap3A_495, %swap3A_496], %slice3A_494 {strides = array<i32>} : memref<40x5120xf32, #tpu.memory_space<vmem>>, vector<1x5120xf32>,
    %slice3A_498 = vector.extract_strided_slice %select_n3A_493 {offsets = [1, 0], sizes = [1, 5120], strides = [1, 1]} : vector<2x5120xf32> to vector<1x5120xf32>
    %swap3A_499 = arith.constant 39 : index
    %swap3A_500 = arith.constant 0 : index
    %swap3A_501 = vector.load %arg1[%swap3A_499, %swap3A_500] : memref<40x5120xf32, #tpu.memory_space<vmem>>, vector<1x5120xf32>
    tpu.vector_store %arg1[%swap3A_499, %swap3A_500], %slice3A_498 {strides = array<i32>} : memref<40x5120xf32, #tpu.memory_space<vmem>>, vector<1x5120xf32>,
    return
  }
}

module attributes {stable_mosaic.version = 14 : i64} {
  func.func @_tcnms_body(%arg0: memref<8x5120xf32, #tpu.memory_space<vmem>>, %arg1: memref<1x5120xf32, #tpu.memory_space<vmem>>, %arg2: memref<1x5120xf32, #tpu.memory_space<vmem>>, %arg3: memref<1x5120xf32, #tpu.memory_space<vmem>>, %arg4: memref<1x5120xf32, #tpu.memory_space<vmem>>, %arg5: memref<1x5120xf32, #tpu.memory_space<vmem>>, %arg6: memref<8x256xf32, #tpu.memory_space<vmem>>, %arg7: memref<8x256xf32, #tpu.memory_space<vmem>>, %arg8: memref<8x256xf32, #tpu.memory_space<vmem>>, %arg9: memref<8x256xf32, #tpu.memory_space<vmem>>, %arg10: memref<8x256xf32, #tpu.memory_space<vmem>>, %arg11: memref<8x5120xf32, #tpu.memory_space<vmem>>) attributes {dimension_semantics = [], scalar_prefetch = 0 : i64, scratch_operands = 1 : i64, tpu.core_type = #tpu.core_type<tc>} {
    %iota3A = tpu.iota {dimensions = array<i32: 1>} : vector<1x5120xi32>
    %iota3A_0 = tpu.iota {dimensions = array<i32: 1>} : vector<1x256xi32>
    %get3A = arith.constant 0 : index
    %get3A_1 = arith.constant 0 : index
    %get3A_2 = vector.load %arg0[%get3A, %get3A_1] : memref<8x5120xf32, #tpu.memory_space<vmem>>, vector<8x5120xf32>
    %swap3A = arith.constant 0 : index
    %swap3A_3 = arith.constant 0 : index
    %swap3A_4 = vector.load %arg11[%swap3A, %swap3A_3] : memref<8x5120xf32, #tpu.memory_space<vmem>>, vector<8x5120xf32>
    tpu.vector_store %arg11[%swap3A, %swap3A_3], %get3A_2 {strides = array<i32>} : memref<8x5120xf32, #tpu.memory_space<vmem>>, vector<8x5120xf32>,
    %lt3A = arith.constant 200 : i32
    %lt3A_5 = vector.broadcast %lt3A : i32 to vector<1x256xi32>
    %lt3A_6 = arith.cmpi slt, %iota3A_0, %lt3A_5 : vector<1x256xi32>
    %jit3A = arith.constant 0.000000e+00 : f32
    %jit3A_7 = arith.constant -1.000000e+09 : f32
    %broadcast_in_dim3A = vector.broadcast %jit3A : f32 to vector<1x256xf32>
    %broadcast_in_dim3A_8 = vector.broadcast %jit3A_7 : f32 to vector<1x256xf32>
    %select_n3A = arith.select %lt3A_6, %broadcast_in_dim3A, %broadcast_in_dim3A_8 : vector<1x256xi1>, vector<1x256xf32>
    %broadcast_in_dim3A_9 = vector.shape_cast %select_n3A : vector<1x256xf32> to vector<1x256xf32>
    %broadcast_in_dim3A_10 = vector.broadcast %broadcast_in_dim3A_9 : vector<1x256xf32> to vector<8x256xf32>
    %swap3A_11 = arith.constant 0 : index
    %swap3A_12 = arith.constant 0 : index
    %swap3A_13 = vector.load %arg6[%swap3A_11, %swap3A_12] : memref<8x256xf32, #tpu.memory_space<vmem>>, vector<8x256xf32>
    tpu.vector_store %arg6[%swap3A_11, %swap3A_12], %broadcast_in_dim3A_10 {strides = array<i32>} : memref<8x256xf32, #tpu.memory_space<vmem>>, vector<8x256xf32>,
    %broadcast_in_dim3A_14 = arith.constant 0.000000e+00 : f32
    %broadcast_in_dim3A_15 = vector.broadcast %broadcast_in_dim3A_14 : f32 to vector<8x256xf32>
    %swap3A_16 = arith.constant 0 : index
    %swap3A_17 = arith.constant 0 : index
    %swap3A_18 = vector.load %arg7[%swap3A_16, %swap3A_17] : memref<8x256xf32, #tpu.memory_space<vmem>>, vector<8x256xf32>
    tpu.vector_store %arg7[%swap3A_16, %swap3A_17], %broadcast_in_dim3A_15 {strides = array<i32>} : memref<8x256xf32, #tpu.memory_space<vmem>>, vector<8x256xf32>,
    %swap3A_19 = arith.constant 0 : index
    %swap3A_20 = arith.constant 0 : index
    %swap3A_21 = vector.load %arg8[%swap3A_19, %swap3A_20] : memref<8x256xf32, #tpu.memory_space<vmem>>, vector<8x256xf32>
    tpu.vector_store %arg8[%swap3A_19, %swap3A_20], %broadcast_in_dim3A_15 {strides = array<i32>} : memref<8x256xf32, #tpu.memory_space<vmem>>, vector<8x256xf32>,
    %swap3A_22 = arith.constant 0 : index
    %swap3A_23 = arith.constant 0 : index
    %swap3A_24 = vector.load %arg9[%swap3A_22, %swap3A_23] : memref<8x256xf32, #tpu.memory_space<vmem>>, vector<8x256xf32>
    tpu.vector_store %arg9[%swap3A_22, %swap3A_23], %broadcast_in_dim3A_15 {strides = array<i32>} : memref<8x256xf32, #tpu.memory_space<vmem>>, vector<8x256xf32>,
    %swap3A_25 = arith.constant 0 : index
    %swap3A_26 = arith.constant 0 : index
    %swap3A_27 = vector.load %arg10[%swap3A_25, %swap3A_26] : memref<8x256xf32, #tpu.memory_space<vmem>>, vector<8x256xf32>
    tpu.vector_store %arg10[%swap3A_25, %swap3A_26], %broadcast_in_dim3A_15 {strides = array<i32>} : memref<8x256xf32, #tpu.memory_space<vmem>>, vector<8x256xf32>,
    %get3A_28 = arith.constant 0 : index
    %get3A_29 = arith.constant 0 : index
    %get3A_30 = vector.load %arg1[%get3A_28, %get3A_29] : memref<1x5120xf32, #tpu.memory_space<vmem>>, vector<1x5120xf32>
    %get3A_31 = arith.constant 0 : index
    %get3A_32 = arith.constant 0 : index
    %get3A_33 = vector.load %arg2[%get3A_31, %get3A_32] : memref<1x5120xf32, #tpu.memory_space<vmem>>, vector<1x5120xf32>
    %get3A_34 = arith.constant 0 : index
    %get3A_35 = arith.constant 0 : index
    %get3A_36 = vector.load %arg3[%get3A_34, %get3A_35] : memref<1x5120xf32, #tpu.memory_space<vmem>>, vector<1x5120xf32>
    %get3A_37 = arith.constant 0 : index
    %get3A_38 = arith.constant 0 : index
    %get3A_39 = vector.load %arg4[%get3A_37, %get3A_38] : memref<1x5120xf32, #tpu.memory_space<vmem>>, vector<1x5120xf32>
    %get3A_40 = arith.constant 0 : index
    %get3A_41 = arith.constant 0 : index
    %get3A_42 = vector.load %arg5[%get3A_40, %get3A_41] : memref<1x5120xf32, #tpu.memory_space<vmem>>, vector<1x5120xf32>
    %scan3A = arith.constant 0 : i32
    %scan3A_43 = arith.constant 200 : i32
    %scan3A_44 = arith.addi %scan3A, %scan3A_43 : i32
    %scan3A_45 = arith.constant 1 : i32
    scf.for %scan3A_47 = %scan3A to %scan3A_44 step %scan3A_45  : i32 {
      %get3A_48 = arith.constant 0 : index
      %get3A_49 = arith.constant 0 : index
      %get3A_50 = vector.load %arg11[%get3A_48, %get3A_49] : memref<8x5120xf32, #tpu.memory_space<vmem>>, vector<8x5120xf32>
      %reduce_max3A = arith.constant dense<0xFF800000> : vector<8xf32>
      %reduce_max3A_51 = vector.multi_reduction <maximumf>, %get3A_50, %reduce_max3A [1] : vector<8x5120xf32> to vector<8xf32>
      %broadcast_in_dim3A_52 = vector.shape_cast %reduce_max3A_51 : vector<8xf32> to vector<8x1xf32>
      %gt3A = arith.constant 0.00999999977 : f32
      %gt3A_53 = vector.broadcast %gt3A : f32 to vector<8x1xf32>
      %gt3A_54 = arith.cmpf ogt, %broadcast_in_dim3A_52, %gt3A_53 : vector<8x1xf32>
      %eq3A = vector.broadcast %broadcast_in_dim3A_52 : vector<8x1xf32> to vector<8x5120xf32>
      %eq3A_55 = arith.cmpf oeq, %get3A_50, %eq3A : vector<8x5120xf32>
      %jit3A_56 = arith.constant 1073741824 : i32
      %broadcast_in_dim3A_57 = vector.shape_cast %iota3A : vector<1x5120xi32> to vector<1x5120xi32>
      %broadcast_in_dim3A_58 = vector.broadcast %broadcast_in_dim3A_57 : vector<1x5120xi32> to vector<8x5120xi32>
      %broadcast_in_dim3A_59 = vector.broadcast %jit3A_56 : i32 to vector<8x5120xi32>
      %select_n3A_60 = arith.select %eq3A_55, %broadcast_in_dim3A_58, %broadcast_in_dim3A_59 : vector<8x5120xi1>, vector<8x5120xi32>
      %reduce_min3A = arith.constant dense<2147483647> : vector<8xi32>
      %reduce_min3A_61 = vector.multi_reduction <minsi>, %select_n3A_60, %reduce_min3A [1] : vector<8x5120xi32> to vector<8xi32>
      %broadcast_in_dim3A_62 = vector.shape_cast %reduce_min3A_61 : vector<8xi32> to vector<8x1xi32>
      %eq3A_63 = vector.broadcast %iota3A : vector<1x5120xi32> to vector<8x5120xi32>
      %eq3A_64 = vector.broadcast %broadcast_in_dim3A_62 : vector<8x1xi32> to vector<8x5120xi32>
      %eq3A_65 = arith.cmpi eq, %eq3A_63, %eq3A_64 : vector<8x5120xi32>
      %jit3A_66 = arith.constant 0.000000e+00 : f32
      %broadcast_in_dim3A_67 = vector.shape_cast %get3A_30 : vector<1x5120xf32> to vector<1x5120xf32>
      %broadcast_in_dim3A_68 = vector.broadcast %broadcast_in_dim3A_67 : vector<1x5120xf32> to vector<8x5120xf32>
      %broadcast_in_dim3A_69 = vector.broadcast %jit3A_66 : f32 to vector<8x5120xf32>
      %select_n3A_70 = arith.select %eq3A_65, %broadcast_in_dim3A_68, %broadcast_in_dim3A_69 : vector<8x5120xi1>, vector<8x5120xf32>
      %reduce_sum3A = arith.constant dense<0.000000e+00> : vector<8xf32>
      %reduce_sum3A_71 = vector.multi_reduction <add>, %select_n3A_70, %reduce_sum3A [1] : vector<8x5120xf32> to vector<8xf32>
      %broadcast_in_dim3A_72 = vector.shape_cast %reduce_sum3A_71 : vector<8xf32> to vector<8x1xf32>
      %jit3A_73 = arith.constant 0.000000e+00 : f32
      %broadcast_in_dim3A_74 = vector.shape_cast %get3A_33 : vector<1x5120xf32> to vector<1x5120xf32>
      %broadcast_in_dim3A_75 = vector.broadcast %broadcast_in_dim3A_74 : vector<1x5120xf32> to vector<8x5120xf32>
      %broadcast_in_dim3A_76 = vector.broadcast %jit3A_73 : f32 to vector<8x5120xf32>
      %select_n3A_77 = arith.select %eq3A_65, %broadcast_in_dim3A_75, %broadcast_in_dim3A_76 : vector<8x5120xi1>, vector<8x5120xf32>
      %reduce_sum3A_78 = arith.constant dense<0.000000e+00> : vector<8xf32>
      %reduce_sum3A_79 = vector.multi_reduction <add>, %select_n3A_77, %reduce_sum3A_78 [1] : vector<8x5120xf32> to vector<8xf32>
      %broadcast_in_dim3A_80 = vector.shape_cast %reduce_sum3A_79 : vector<8xf32> to vector<8x1xf32>
      %jit3A_81 = arith.constant 0.000000e+00 : f32
      %broadcast_in_dim3A_82 = vector.shape_cast %get3A_36 : vector<1x5120xf32> to vector<1x5120xf32>
      %broadcast_in_dim3A_83 = vector.broadcast %broadcast_in_dim3A_82 : vector<1x5120xf32> to vector<8x5120xf32>
      %broadcast_in_dim3A_84 = vector.broadcast %jit3A_81 : f32 to vector<8x5120xf32>
      %select_n3A_85 = arith.select %eq3A_65, %broadcast_in_dim3A_83, %broadcast_in_dim3A_84 : vector<8x5120xi1>, vector<8x5120xf32>
      %reduce_sum3A_86 = arith.constant dense<0.000000e+00> : vector<8xf32>
      %reduce_sum3A_87 = vector.multi_reduction <add>, %select_n3A_85, %reduce_sum3A_86 [1] : vector<8x5120xf32> to vector<8xf32>
      %broadcast_in_dim3A_88 = vector.shape_cast %reduce_sum3A_87 : vector<8xf32> to vector<8x1xf32>
      %jit3A_89 = arith.constant 0.000000e+00 : f32
      %broadcast_in_dim3A_90 = vector.shape_cast %get3A_39 : vector<1x5120xf32> to vector<1x5120xf32>
      %broadcast_in_dim3A_91 = vector.broadcast %broadcast_in_dim3A_90 : vector<1x5120xf32> to vector<8x5120xf32>
      %broadcast_in_dim3A_92 = vector.broadcast %jit3A_89 : f32 to vector<8x5120xf32>
      %select_n3A_93 = arith.select %eq3A_65, %broadcast_in_dim3A_91, %broadcast_in_dim3A_92 : vector<8x5120xi1>, vector<8x5120xf32>
      %reduce_sum3A_94 = arith.constant dense<0.000000e+00> : vector<8xf32>
      %reduce_sum3A_95 = vector.multi_reduction <add>, %select_n3A_93, %reduce_sum3A_94 [1] : vector<8x5120xf32> to vector<8xf32>
      %broadcast_in_dim3A_96 = vector.shape_cast %reduce_sum3A_95 : vector<8xf32> to vector<8x1xf32>
      %min3A = vector.broadcast %broadcast_in_dim3A_88 : vector<8x1xf32> to vector<8x5120xf32>
      %min3A_97 = vector.broadcast %get3A_36 : vector<1x5120xf32> to vector<8x5120xf32>
      %min3A_98 = arith.minimumf %min3A, %min3A_97 : vector<8x5120xf32>
      %max3A = vector.broadcast %broadcast_in_dim3A_72 : vector<8x1xf32> to vector<8x5120xf32>
      %max3A_99 = vector.broadcast %get3A_30 : vector<1x5120xf32> to vector<8x5120xf32>
      %max3A_100 = arith.maximumf %max3A, %max3A_99 : vector<8x5120xf32>
      %sub3A = arith.subf %min3A_98, %max3A_100 : vector<8x5120xf32>
      %max3A_101 = arith.constant 0.000000e+00 : f32
      %max3A_102 = vector.broadcast %max3A_101 : f32 to vector<8x5120xf32>
      %max3A_103 = arith.maximumf %sub3A, %max3A_102 : vector<8x5120xf32>
      %min3A_104 = vector.broadcast %broadcast_in_dim3A_96 : vector<8x1xf32> to vector<8x5120xf32>
      %min3A_105 = vector.broadcast %get3A_39 : vector<1x5120xf32> to vector<8x5120xf32>
      %min3A_106 = arith.minimumf %min3A_104, %min3A_105 : vector<8x5120xf32>
      %max3A_107 = vector.broadcast %broadcast_in_dim3A_80 : vector<8x1xf32> to vector<8x5120xf32>
      %max3A_108 = vector.broadcast %get3A_33 : vector<1x5120xf32> to vector<8x5120xf32>
      %max3A_109 = arith.maximumf %max3A_107, %max3A_108 : vector<8x5120xf32>
      %sub3A_110 = arith.subf %min3A_106, %max3A_109 : vector<8x5120xf32>
      %max3A_111 = arith.constant 0.000000e+00 : f32
      %max3A_112 = vector.broadcast %max3A_111 : f32 to vector<8x5120xf32>
      %max3A_113 = arith.maximumf %sub3A_110, %max3A_112 : vector<8x5120xf32>
      %mul3A = arith.mulf %max3A_103, %max3A_113 : vector<8x5120xf32>
      %sub3A_114 = arith.subf %broadcast_in_dim3A_88, %broadcast_in_dim3A_72 : vector<8x1xf32>
      %max3A_115 = arith.constant 0.000000e+00 : f32
      %max3A_116 = vector.broadcast %max3A_115 : f32 to vector<8x1xf32>
      %max3A_117 = arith.maximumf %sub3A_114, %max3A_116 : vector<8x1xf32>
      %sub3A_118 = arith.subf %broadcast_in_dim3A_96, %broadcast_in_dim3A_80 : vector<8x1xf32>
      %max3A_119 = arith.constant 0.000000e+00 : f32
      %max3A_120 = vector.broadcast %max3A_119 : f32 to vector<8x1xf32>
      %max3A_121 = arith.maximumf %sub3A_118, %max3A_120 : vector<8x1xf32>
      %mul3A_122 = arith.mulf %max3A_117, %max3A_121 : vector<8x1xf32>
      %add3A = vector.broadcast %mul3A_122 : vector<8x1xf32> to vector<8x5120xf32>
      %add3A_123 = vector.broadcast %get3A_42 : vector<1x5120xf32> to vector<8x5120xf32>
      %add3A_124 = arith.addf %add3A, %add3A_123 : vector<8x5120xf32>
      %sub3A_125 = arith.subf %add3A_124, %mul3A : vector<8x5120xf32>
      %max3A_126 = arith.constant 9.99999993E-9 : f32
      %max3A_127 = vector.broadcast %max3A_126 : f32 to vector<8x5120xf32>
      %max3A_128 = arith.maximumf %sub3A_125, %max3A_127 : vector<8x5120xf32>
      %div3A = arith.divf %mul3A, %max3A_128 : vector<8x5120xf32>
      %ge3A = arith.constant 4.500000e-01 : f32
      %ge3A_129 = vector.broadcast %ge3A : f32 to vector<8x5120xf32>
      %ge3A_130 = arith.cmpf oge, %div3A, %ge3A_129 : vector<8x5120xf32>
      %jit3A_131 = arith.constant -1.000000e+09 : f32
      %broadcast_in_dim3A_132 = vector.broadcast %jit3A_131 : f32 to vector<8x5120xf32>
      %select_n3A_133 = arith.select %ge3A_130, %broadcast_in_dim3A_132, %get3A_50 : vector<8x5120xi1>, vector<8x5120xf32>
      %jit3A_134 = arith.constant -1.000000e+09 : f32
      %broadcast_in_dim3A_135 = vector.broadcast %jit3A_134 : f32 to vector<8x5120xf32>
      %select_n3A_136 = arith.select %eq3A_65, %broadcast_in_dim3A_135, %select_n3A_133 : vector<8x5120xi1>, vector<8x5120xf32>
      %broadcast_in_dim3A_137 = vector.shape_cast %gt3A_54 : vector<8x1xi1> to vector<8x1xi1>
      %broadcast_in_dim3A_138 = vector.broadcast %broadcast_in_dim3A_137 : vector<8x1xi1> to vector<8x5120xi1>
      %select_n3A_139 = arith.select %broadcast_in_dim3A_138, %select_n3A_136, %get3A_50 : vector<8x5120xi1>, vector<8x5120xf32>
      %swap3A_140 = arith.constant 0 : index
      %swap3A_141 = arith.constant 0 : index
      %swap3A_142 = vector.load %arg11[%swap3A_140, %swap3A_141] : memref<8x5120xf32, #tpu.memory_space<vmem>>, vector<8x5120xf32>
      tpu.vector_store %arg11[%swap3A_140, %swap3A_141], %select_n3A_139 {strides = array<i32>} : memref<8x5120xf32, #tpu.memory_space<vmem>>, vector<8x5120xf32>,
      %eq3A_143 = vector.broadcast %scan3A_47 : i32 to vector<1x256xi32>
      %eq3A_144 = arith.cmpi eq, %iota3A_0, %eq3A_143 : vector<1x256xi32>
      %and3A = vector.broadcast %eq3A_144 : vector<1x256xi1> to vector<8x256xi1>
      %and3A_145 = vector.broadcast %gt3A_54 : vector<8x1xi1> to vector<8x256xi1>
      %and3A_146 = arith.andi %and3A, %and3A_145 : vector<8x256xi1>
      %get3A_147 = arith.constant 0 : index
      %get3A_148 = arith.constant 0 : index
      %get3A_149 = vector.load %arg6[%get3A_147, %get3A_148] : memref<8x256xf32, #tpu.memory_space<vmem>>, vector<8x256xf32>
      %jit3A_150 = arith.constant 0.000000e+00 : f32
      %broadcast_in_dim3A_151 = vector.shape_cast %broadcast_in_dim3A_52 : vector<8x1xf32> to vector<8x1xf32>
      %broadcast_in_dim3A_152 = vector.broadcast %broadcast_in_dim3A_151 : vector<8x1xf32> to vector<8x256xf32>
      %broadcast_in_dim3A_153 = vector.broadcast %jit3A_150 : f32 to vector<8x256xf32>
      %select_n3A_154 = arith.select %and3A_146, %broadcast_in_dim3A_152, %broadcast_in_dim3A_153 : vector<8x256xi1>, vector<8x256xf32>
      %add3A_155 = arith.addf %get3A_149, %select_n3A_154 : vector<8x256xf32>
      %swap3A_156 = arith.constant 0 : index
      %swap3A_157 = arith.constant 0 : index
      %swap3A_158 = vector.load %arg6[%swap3A_156, %swap3A_157] : memref<8x256xf32, #tpu.memory_space<vmem>>, vector<8x256xf32>
      tpu.vector_store %arg6[%swap3A_156, %swap3A_157], %add3A_155 {strides = array<i32>} : memref<8x256xf32, #tpu.memory_space<vmem>>, vector<8x256xf32>,
      %get3A_159 = arith.constant 0 : index
      %get3A_160 = arith.constant 0 : index
      %get3A_161 = vector.load %arg7[%get3A_159, %get3A_160] : memref<8x256xf32, #tpu.memory_space<vmem>>, vector<8x256xf32>
      %jit3A_162 = arith.constant 0.000000e+00 : f32
      %broadcast_in_dim3A_163 = vector.shape_cast %broadcast_in_dim3A_72 : vector<8x1xf32> to vector<8x1xf32>
      %broadcast_in_dim3A_164 = vector.broadcast %broadcast_in_dim3A_163 : vector<8x1xf32> to vector<8x256xf32>
      %broadcast_in_dim3A_165 = vector.broadcast %jit3A_162 : f32 to vector<8x256xf32>
      %select_n3A_166 = arith.select %and3A_146, %broadcast_in_dim3A_164, %broadcast_in_dim3A_165 : vector<8x256xi1>, vector<8x256xf32>
      %add3A_167 = arith.addf %get3A_161, %select_n3A_166 : vector<8x256xf32>
      %swap3A_168 = arith.constant 0 : index
      %swap3A_169 = arith.constant 0 : index
      %swap3A_170 = vector.load %arg7[%swap3A_168, %swap3A_169] : memref<8x256xf32, #tpu.memory_space<vmem>>, vector<8x256xf32>
      tpu.vector_store %arg7[%swap3A_168, %swap3A_169], %add3A_167 {strides = array<i32>} : memref<8x256xf32, #tpu.memory_space<vmem>>, vector<8x256xf32>,
      %get3A_171 = arith.constant 0 : index
      %get3A_172 = arith.constant 0 : index
      %get3A_173 = vector.load %arg8[%get3A_171, %get3A_172] : memref<8x256xf32, #tpu.memory_space<vmem>>, vector<8x256xf32>
      %jit3A_174 = arith.constant 0.000000e+00 : f32
      %broadcast_in_dim3A_175 = vector.shape_cast %broadcast_in_dim3A_80 : vector<8x1xf32> to vector<8x1xf32>
      %broadcast_in_dim3A_176 = vector.broadcast %broadcast_in_dim3A_175 : vector<8x1xf32> to vector<8x256xf32>
      %broadcast_in_dim3A_177 = vector.broadcast %jit3A_174 : f32 to vector<8x256xf32>
      %select_n3A_178 = arith.select %and3A_146, %broadcast_in_dim3A_176, %broadcast_in_dim3A_177 : vector<8x256xi1>, vector<8x256xf32>
      %add3A_179 = arith.addf %get3A_173, %select_n3A_178 : vector<8x256xf32>
      %swap3A_180 = arith.constant 0 : index
      %swap3A_181 = arith.constant 0 : index
      %swap3A_182 = vector.load %arg8[%swap3A_180, %swap3A_181] : memref<8x256xf32, #tpu.memory_space<vmem>>, vector<8x256xf32>
      tpu.vector_store %arg8[%swap3A_180, %swap3A_181], %add3A_179 {strides = array<i32>} : memref<8x256xf32, #tpu.memory_space<vmem>>, vector<8x256xf32>,
      %get3A_183 = arith.constant 0 : index
      %get3A_184 = arith.constant 0 : index
      %get3A_185 = vector.load %arg9[%get3A_183, %get3A_184] : memref<8x256xf32, #tpu.memory_space<vmem>>, vector<8x256xf32>
      %jit3A_186 = arith.constant 0.000000e+00 : f32
      %broadcast_in_dim3A_187 = vector.shape_cast %broadcast_in_dim3A_88 : vector<8x1xf32> to vector<8x1xf32>
      %broadcast_in_dim3A_188 = vector.broadcast %broadcast_in_dim3A_187 : vector<8x1xf32> to vector<8x256xf32>
      %broadcast_in_dim3A_189 = vector.broadcast %jit3A_186 : f32 to vector<8x256xf32>
      %select_n3A_190 = arith.select %and3A_146, %broadcast_in_dim3A_188, %broadcast_in_dim3A_189 : vector<8x256xi1>, vector<8x256xf32>
      %add3A_191 = arith.addf %get3A_185, %select_n3A_190 : vector<8x256xf32>
      %swap3A_192 = arith.constant 0 : index
      %swap3A_193 = arith.constant 0 : index
      %swap3A_194 = vector.load %arg9[%swap3A_192, %swap3A_193] : memref<8x256xf32, #tpu.memory_space<vmem>>, vector<8x256xf32>
      tpu.vector_store %arg9[%swap3A_192, %swap3A_193], %add3A_191 {strides = array<i32>} : memref<8x256xf32, #tpu.memory_space<vmem>>, vector<8x256xf32>,
      %get3A_195 = arith.constant 0 : index
      %get3A_196 = arith.constant 0 : index
      %get3A_197 = vector.load %arg10[%get3A_195, %get3A_196] : memref<8x256xf32, #tpu.memory_space<vmem>>, vector<8x256xf32>
      %jit3A_198 = arith.constant 0.000000e+00 : f32
      %broadcast_in_dim3A_199 = vector.shape_cast %broadcast_in_dim3A_96 : vector<8x1xf32> to vector<8x1xf32>
      %broadcast_in_dim3A_200 = vector.broadcast %broadcast_in_dim3A_199 : vector<8x1xf32> to vector<8x256xf32>
      %broadcast_in_dim3A_201 = vector.broadcast %jit3A_198 : f32 to vector<8x256xf32>
      %select_n3A_202 = arith.select %and3A_146, %broadcast_in_dim3A_200, %broadcast_in_dim3A_201 : vector<8x256xi1>, vector<8x256xf32>
      %add3A_203 = arith.addf %get3A_197, %select_n3A_202 : vector<8x256xf32>
      %swap3A_204 = arith.constant 0 : index
      %swap3A_205 = arith.constant 0 : index
      %swap3A_206 = vector.load %arg10[%swap3A_204, %swap3A_205] : memref<8x256xf32, #tpu.memory_space<vmem>>, vector<8x256xf32>
      tpu.vector_store %arg10[%swap3A_204, %swap3A_205], %add3A_203 {strides = array<i32>} : memref<8x256xf32, #tpu.memory_space<vmem>>, vector<8x256xf32>,
    }
    %scan3A_46 = arith.constant 200 : i32
    return
  }
}

</mosaic_0001>

<sc_bundles>
// kernel: kernel.6.cloned.1.call-start
scs
__scs_entry_jumppad:
0x0: {  	(pc) =	sbr.rel $0x88, $3  }
0x1: {  	(tag) =	ssettag $0x0;
	lr =	simm.s32 $0x1  }
0x2: {  	[smem:$0x3FA0] =	sst lr;
	_ =	strace $0xD0000000  }
0x3: {  	_ = 	snop  }
0x4: {  	_ = 	snop  }
0x5: {  	_ = 	snop  }
0x6: {  	_ = 	snop  }
0x7: {  	_ = 	snop  }
__scs_overlays_trampoline_lowered:
0x8: {  	[smem:$0x3FAF] =	sst s0  }
0x9: {  	[smem:$0x3FB0] =	sst s1  }
0xa: {  	[smem:$0x3FB1] =	sst s2  }
0xb: {  	[smem:$0x3FB2] =	sst s3  }
0xc: {  	[smem:$0x3FB3] =	sst s4  }
0xd: {  	[smem:$0x3FB4] =	sst s5  }
0xe: {  	[smem:$0x3FB5] =	sst s6  }
0xf: {  	[smem:$0x3FB6] =	sst s7  }
0x10: {  	[smem:$0x3FB7] =	sst s8  }
0x11: {  	[smem:$0x3FB8] =	sst s9;
	s0 =	simm.s32 @!p0 $0x0  }
0x12: {  	s1 =	sld [smem:$0x3F9E];
	s0 =	simm.s32 @p0 $0x1  }
0x13: {  	[smem:$0x3FB9] =	sst s0;
	s0 =	simm.s32 @!p1 $0x0  }
0x14: {  	s2 =	sld [smem:$0x3F9D];
	s0 =	simm.s32 @p1 $0x1  }
0x15: {  	[smem:$0x3FBA] =	sst s0;
	s0 =	simm.s32 @!p2 $0x0  }
0x16: {  	s3 =	sld [smem:$0x3FDB];
	s0 =	simm.s32 @p2 $0x1  }
0x17: {  	s4 =	simm.s32 $0x1BF5;
	[smem:$0x3FBC] =	sst s0  }
0x18: {  	s0 =	sld [smem:$0x3F9F];
	_ =	swait.ge [sflag:s4], $0x0  }
0x19: {  	s7 =	sld [smem:$0x3FA0]  }
0x1a: {  	s8 =	sadd.s32 $0xFFFFE003, lr  }
0x1b: {  	s9 =	sadd.s32 $0xFFFFFEF7, lr;
	s5 =	simm.s32 $0xFFFFFFFF;
	p2 =	slt.u32 s8, $0xFFFFF086  }
0x1c: {  	p1 =	slt.u32 s9, $0xF7A;
	s5 =	simm.s32 @!p2 $0x0  }
0x1d: {  	s5 =	simm.s32 @p1 $0x1;
	p0 =	seq.s32 s7, s2  }
0x1e: {  	s7 =	smul.u32 @!p0 $0xF7A, s2;
	p2 =	seq.s32 @!p0 s5, $0x0  }
0x1f: {  	s9 =	smul.u32 $0xF7A, s1;
	s8 =	simm.s32 @!p0 $0x1BF5;
	p2 =	por !p2, p0  }
0x20: {  	[sflag:s8] =	ssyncset.s32 @!p0 $0xFFFFF086;
	s6 =	sadd.s32 @!p0 s3, s7;
	s7 =	simm.s32 @!p0 $0x108  }
0x21: {  	s3 =	sadd.s32 s3, s9;
	s6 =	sadd.s32 @!p0 $0x88, s6;
	s7 =	simm.s32 @p2 $0x1082  }
0x22: {  	[simem:s7], [sflag:s8] =	dma.local @!p0 [hbm:s6], $0xF7A  }
0x23: {  	s9 =	sor.u32 $0xD0000000, s2;
	s6 =	simm.s32 $0x108;
	_ =	swait.ge @!p0 [sflag:s8], $0x0  }
0x24: {  	s3 =	sadd.s32 $0x88, s3;
	s6 =	simm.s32 @!p1 $0x1082;
	[sflag:s4] =	ssyncset.s32 $0xFFFFF086  }
0x25: {  	[simem:s6], [sflag:s4] =	dma.local [hbm:s3], $0xF7A  }
0x26: {  	[smem:$0x3FA0] =	sst s1;
	(tag) =	ssettag s2;
	_ =	strace s9  }
0x27: {  	s1 =	sld [smem:$0x3FB0]  }
0x28: {  	s2 =	sld [smem:$0x3FB1]  }
0x29: {  	s4 =	sld [smem:$0x3FB3]  }
0x2a: {  	p0 =	seq.s32 s5, $0x0;
	s5 =	sld [smem:$0x3FB4]  }
0x2b: {  	s6 =	sld [smem:$0x3FB5]  }
0x2c: {  	s7 =	sld [smem:$0x3FB6]  }
0x2d: {  	s3 =	simm.s32 $0x108;
	s8 =	sld [smem:$0x3FB7]  }
0x2e: {  	s3 =	simm.s32 @!p0 $0x1082;
	s9 =	sld [smem:$0x3FB8]  }
0x2f: {  	lr =	sadd.s32 s0, s3;
	s0 =	sld [smem:$0x3FAF]  }
0x30: {  	s3 =	sld [smem:$0x3FB2]  }
0x31: {  	[smem:$0x3FBB] =	sst s10  }
0x32: {  	s10 =	sld [smem:$0x3FB9];
	_ =	sdelay $0x3  }
0x33: {  	p0 =	seq.s32 s10, $0x1;
	s10 =	sld [smem:$0x3FBB];
	_ =	sdelay $0x3  }
0x34: {  	[smem:$0x3FBB] =	sst s10  }
0x35: {  	s10 =	sld [smem:$0x3FBA];
	_ =	sdelay $0x3  }
0x36: {  	p1 =	seq.s32 s10, $0x1;
	s10 =	sld [smem:$0x3FBB];
	_ =	sdelay $0x3  }
0x37: {  	[smem:$0x3FBB] =	sst s10  }
0x38: {  	s10 =	sld [smem:$0x3FBC]  }
0x39: {  	_ = 	snop;
	(pc) =	sbr.ind lr, $3  }
0x3a: {  	_ = 	snop  }
0x3b: {  	_ = 	snop  }
0x3c: {  	p2 =	seq.s32 s10, $0x1;
	s10 =	sld [smem:$0x3FBB]  }
0x3d: {  	_ =	shalt  }
0x3e: {  	_ =	shalt  }
0x3f: {  	_ =	shalt  }
0x40: {  	_ =	shalt  }
0x41: {  	_ =	shalt  }
0x42: {  	_ =	shalt  }
0x43: {  	_ =	shalt  }
0x44: {  	_ =	shalt  }
0x45: {  	_ =	shalt  }
0x46: {  	_ =	shalt  }
0x47: {  	_ =	shalt  }
0x48: {  	_ =	shalt  }
0x49: {  	_ =	shalt  }
0x4a: {  	_ =	shalt  }
0x4b: {  	_ =	shalt  }
0x4c: {  	_ =	shalt  }
0x4d: {  	_ =	shalt  }
0x4e: {  	_ =	shalt  }
0x4f: {  	_ =	shalt  }
0x50: {  	_ =	shalt  }
0x51: {  	_ =	shalt  }
0x52: {  	_ =	shalt  }
0x53: {  	_ =	shalt  }
0x54: {  	_ =	shalt  }
0x55: {  	_ =	shalt  }
0x56: {  	_ =	shalt  }
0x57: {  	_ =	shalt  }
0x58: {  	_ =	shalt  }
0x59: {  	_ =	shalt  }
0x5a: {  	_ =	shalt  }
0x5b: {  	_ =	shalt  }
0x5c: {  	_ =	shalt  }
0x5d: {  	_ =	shalt  }
0x5e: {  	_ =	shalt  }
0x5f: {  	_ =	shalt  }
0x60: {  	_ =	shalt  }
0x61: {  	_ =	shalt  }
0x62: {  	_ =	shalt  }
0x63: {  	_ =	shalt  }
0x64: {  	_ =	shalt  }
0x65: {  	_ =	shalt  }
0x66: {  	_ =	shalt  }
0x67: {  	_ =	shalt  }
0x68: {  	_ =	shalt  }
0x69: {  	_ =	shalt  }
0x6a: {  	_ =	shalt  }
0x6b: {  	_ =	shalt  }
0x6c: {  	_ =	shalt  }
0x6d: {  	_ =	shalt  }
0x6e: {  	_ =	shalt  }
0x6f: {  	_ =	shalt  }
0x70: {  	_ =	shalt  }
0x71: {  	_ =	shalt  }
0x72: {  	_ =	shalt  }
0x73: {  	_ =	shalt  }
0x74: {  	_ =	shalt  }
0x75: {  	_ =	shalt  }
0x76: {  	_ =	shalt  }
0x77: {  	_ =	shalt  }
0x78: {  	_ =	shalt  }
0x79: {  	_ =	shalt  }
0x7a: {  	_ =	shalt  }
0x7b: {  	_ =	shalt  }
0x7c: {  	_ =	shalt  }
0x7d: {  	_ =	shalt  }
0x7e: {  	_ =	shalt  }
0x7f: {  	_ =	shalt  }
0x80: {  	_ =	shalt  }
0x81: {  	_ =	shalt  }
0x82: {  	_ =	shalt  }
0x83: {  	_ =	shalt  }
0x84: {  	_ =	shalt  }
0x85: {  	_ =	shalt  }
0x86: {  	_ =	shalt  }
0x87: {  	_ =	shalt  }
.Lfunc_end0:
.L_simem_size_0:
called_computation_lowered:
.L_overlay_start_0:
0x88: {  	s2 =	sld [smem:$0x3FD9]  }
0x89: {  	s3 =	sld [smem:$0x3FFE];
	_ =	sdelay $0x1  }
0x8a: {  	s1 =	srdreg.scid  }
0x8b: {  	s0 =	sand.u32 $0x1, s1  }
0x8c: {  	s16 =	sshll.u32 s0, $0xA;
	s2 =	sadd.s32 s3, s2  }
0x8d: {  	s2 =	sadd.s32 s2, s16  }
0x8e: {  	[smem:$0x3FC7] =	sst s2  }
0x8f: {  	_ = 	snop  }
0x90: {  	(tm) =	ssettm $0x1  }
0x91: {  	s17 =	sld [smem:$0x3FFB];
	_ =	sdelay $0x3  }
0x92: {  	_ =	strace s17  }
0x93: {  	s2 =	sld [smem:$0x3FFC];
	_ =	sdelay $0x3  }
0x94: {  	_ =	strace s2  }
0x95: {  	s2 =	sld [smem:$0x3FFD];
	_ =	sdelay $0x3  }
0x96: {  	_ =	strace s2  }
0x97: {  	_ =	strace $0x8FFFFFFF  }
0x98: {  	s18 =	sld [smem:$0x3FDB];
	_ =	sdelay $0x1  }
0x99: {  	s19 =	simm.s32 $_scs_section_size  }
0x9a: {  	s4 =	simm.s32 $_size__tile_overlayer_lowered;
	s5 =	simm.s32 $_tile_overlayer_lowered  }
0x9b: {  	s22 =	simm.s32 $0x1BFF;
	s21 =	sshll.u32 s5, $0x1;
	s2 =	sadd.s32 s19, s18  }
0x9c: {  	s6 =	simm.s32 $0x0;
	s20 =	sshll.u32 s4, $0x1;
	s4 =	sadd.s32 s21, s2  }
0x9d: {  	[timem:s6], [sflag:s22] =	dma.local [hbm:s4], s20  }
0x9e: {  	_ =	swait.ge [sflag:s22], s20  }
0x9f: {  	s3 =	ssub.s32 $0x0, s20;
	[sflag:s22] =	ssyncset.done $0x0  }
0xa0: {  	[sflag:s22] =	ssyncadd.s32 s3;
	_ =	sdelay $0x1  }
0xa1: {  	s23 =	simm.s32 $0x1B8B  }
0xa2: {  	_ =	swait.ge [sflag:s23], $0x1  }
0xa3: {  	[sflag:s23] =	ssyncset.done $0x0  }
0xa4: {  	s25 =	simm.s32 $0x1B8E;
	s24 =	sld [smem:$0x3FFE];
	[sflag:s23] =	ssyncadd.s32 $0xFFFFFFFF  }
0xa5: {  	s26 =	simm.s32 $execute0_lowered;
	[smem:$0x3FD2] =	sst s25  }
0xa6: {  	s4 =	sshll.u32 s26, $0x1;
	_ =	strace $0x80000046;
	[dreg:$0x1] =	wrdreg $0xFFFFFFFF  }
0xa7: {  	s28 =	simm.s32 $_size_execute0_lowered;
	s2 =	sadd.s32 s2, s4;
	[dreg:$0x0] =	wrdreg $0x0  }
0xa8: {  	s4 =	sshll.u32 s28, $0x1;
	[dreg:$0x2] =	wrdreg s2  }
0xa9: {  	[dreg:$0x3] =	wrdreg s4  }
0xaa: {  	[dreg:$0x4] =	wrdreg $0xC0  }
0xab: {  	_ =	task [dreg:s6], $0x5FFFF  }
0xac: {  	[dreg:$0x1] =	wrdreg $0xFFFFFFFF  }
0xad: {  	[dreg:$0x0] =	wrdreg $0x60  }
0xae: {  	[dreg:$0x2] =	wrdreg s24  }
0xaf: {  	[dreg:$0x3] =	wrdreg $0x9  }
0xb0: {  	_ =	task.clear_ibuf [dreg:s6], $0x4FFFF;
	_ =	strace $0x90000046  }
0xb1: {  	s29 =	simm.s32 $0x9;
	_ =	strace $0x80000048  }
0xb2: {  	_ =	swait.ge [sflag:s29], $0x1  }
0xb3: {  	[sflag:s29] =	ssyncadd.s32 $0xFFFFFFFF  }
0xb4: {  	_ =	strace $0x90000048  }
0xb5: {  	_ =	sfence  }
0xb6: {  	s30 =	sld [smem:$0x0];
	_ =	sdelay $0x2  }
0xb7: {  	s31 =	sshll.u32 s1, $0xD;
	s1 =	sshrl.u32 s1, $0x2  }
0xb8: {  	s3 =	sand.u32 $0x4000, s31;
	s1 =	sadd.s32 s1, s30  }
0xb9: {  	s0 =	sor.u32 s3, s0;
	s1 =	sshll.u32 s1, $0x11  }
0xba: {  	s0 =	sor.u32 s1, s0  }
0xbb: {  	s0 =	sadd.s32 $0x8F2B, s0  }
0xbc: {  	[sflag:s0] =	ssyncadd.remote.s32 $0x1  }
0xbd: {  	_ =	sfence.sel $0xFFFF  }
0xbe: {  	[dreg:$0x0] =	wrdreg $0xFFFFFFFF;
	(pc) =	sbr.abs _section_cstart, $3  }
0xbf: {  	[dreg:$0x1] =	wrdreg $0xFFFFFFFF  }
0xc0: {  	_ =	task.clear_ibuf [dreg:s6], $0x2FFFF;
	_ =	strace $0x9FFFFFFF  }
0xc1: {  	(tm) =	ssettm $0x7FFFFFFF  }
tec
execute0_lowered:
.L_overlay_start_1:
0x0: {  	(tag) =	ssettag $0x1  }
0x1: {  	s0 =	srdreg.scid  }
0x2: {  	s5 =	stileid.u32;
	s1 =	rddreg [dreg:$0x0]  }
0x3: {  	s2 =	simm.s32 $0x0;
	s15 =	simm.s32 $0x1;
	s16 =	simm.s32 $0x2800  }
0x4: {  	s17 =	simm.s32 $0x3C00;
	s18 =	simm.s32 $0x5000;
	s19 =	simm.s32 $0x6400  }
0x5: {  	s20 =	simm.s32 $0x7800;
	s21 =	simm.s32 $0x1400;
	s22 =	simm.s32 $0x8C00  }
0x6: {  	s23 =	simm.s32 $0x8D00;
	s24 =	simm.s32 $0x8E00;
	s25 =	simm.s32 $0x8F00  }
0x7: {  	s26 =	simm.s32 $0x9000;
	s28 =	simm.s32 $0x0;
	s0 =	sand.u32 $0x1, s0  }
0x8: {  	s3 =	sshll.u32 s5, $0x1;
	[smem:$0x7FF] =	sst s2;
	p0 =	sgt.u32 s5, $0x9  }
0x9: {  	s5 =	simm.s32 $0x280;
	s3 =	sor.u32 s0, s3;
	_ =	strace $0x80000047  }
0xa: {  	s5 =	simm.s32 @!p0 $0x0;
	s0 =	ssub.s32 $0x2, s0;
	s4 =	smul.u32 $0x280, s3  }
0xb: {  	s8 =	sadd.s32 s5, s1;
	s3 =	sshll.u32 s3, $0x5;
	s29 =	sshrl.u32 s0, $0x1  }
0xc: {  	s0 =	ssub.s32 s0, s29;
	s31 =	sadd.s32 $0x3200, s8;
	s5 =	sadd.s32 $0x2C00, s8  }
.Ltmp0:
0xd: {  	s6 =	sadd.s32 $0x2600, s8;
	s7 =	sadd.s32 $0x2000, s8;
	(pc) =	sbr.rel .LBB2_1-.Ltmp0, $4  }
0xe: {  	s8 =	sadd.s32 $0x1A00, s8;
	s4 =	sadd.s32 s4, s1;
	s1 =	sadd.s32 s3, s1  }
0xf: {  	v0 =	vimm.f32 $0.0e+00;
	vm0 =	vcmask $0x1F00;
	[dreg:$0x3] =	wrdreg s31;
	s14 =	smax.u32 s0, $0x1;
	s30 =	sadd.s32 $0x3800, s4  }
0x10: {  	v1 =	vimm.s32 $0x0;
	v2 =	vlaneseq.u32;
	v3 =	vimm.f32 $-1.000000000e+09;
	s9 =	sadd.s32 $0x8C00, s1;
	s10 =	sadd.s32 $0x9000, s1;
	s11 =	sadd.s32 $0x9400, s1  }
0x11: {  	v4 =	vor.u32 $0x10, v2;
	v5 =	vor.u32 $0x20, v2;
	v6 =	vor.u32 $0x30, v2;
	s12 =	sadd.s32 $0x9800, s1;
	s13 =	sadd.s32 $0x8800, s1;
	[dreg:$0x2] =	wrdreg s30  }
.LBB2_11:
0x12: {  	[hbm4b:s9+s2] =	stream.linear.scatter [tilespmem:s22], [sflag:$0x1], $0x100, $0x38;
	[tilespmem:$0x9100] =	vst v63  }
0x13: {  	_ =	swait.ge [sflag:s15], $0x100  }
0x14: {  	[sflag:s15] =	ssyncset.done $0x0  }
0x15: {  	[sflag:s15] =	ssyncadd.s32 $0xFFFFFF00  }
0x16: {  	[hbm4b:s10+s2] =	stream.linear.scatter [tilespmem:s23], [sflag:$0x1], $0x100, $0x38;
	[tilespmem:$0x9100] =	vst v63  }
0x17: {  	_ =	swait.ge [sflag:s15], $0x100  }
0x18: {  	[sflag:s15] =	ssyncset.done $0x0  }
0x19: {  	[sflag:s15] =	ssyncadd.s32 $0xFFFFFF00  }
0x1a: {  	[hbm4b:s11+s2] =	stream.linear.scatter [tilespmem:s24], [sflag:$0x1], $0x100, $0x38;
	[tilespmem:$0x9100] =	vst v63  }
0x1b: {  	_ =	swait.ge [sflag:s15], $0x100  }
0x1c: {  	[sflag:s15] =	ssyncset.done $0x0  }
0x1d: {  	[sflag:s15] =	ssyncadd.s32 $0xFFFFFF00  }
0x1e: {  	[hbm4b:s12+s2] =	stream.linear.scatter [tilespmem:s25], [sflag:$0x1], $0x100, $0x38;
	[tilespmem:$0x9100] =	vst v63  }
0x1f: {  	s28 =	sadd.s32 $0x1, s28;
	_ =	swait.ge [sflag:s15], $0x100  }
0x20: {  	p0 =	sne.s32 s28, s14;
	[sflag:s15] =	ssyncset.done $0x0  }
.Ltmp1:
0x21: {  	[sflag:s15] =	ssyncadd.s32 $0xFFFFFF00;
	(pc) =	sbr.rel @!p0 .LBB2_12-.Ltmp1, $4  }
0x22: {  	[hbm4b:s13+s2] =	stream.linear.scatter [tilespmem:s26], [sflag:$0x1], $0x100, $0x38;
	[tilespmem:$0x9100] =	vst v63  }
0x23: {  	_ =	swait.ge [sflag:s15], $0x100  }
0x24: {  	[sflag:s15] =	ssyncset.done $0x0  }
0x25: {  	[sflag:s15] =	ssyncadd.s32 $0xFFFFFF00  }
.LBB2_1:
0x26: {  	s0 =	rddreg [dreg:$0x2]  }
0x27: {  	[tilespmem:s2], [sflag:$0x1] =	stream.linear.gather [hbm4b:s0+s2], $0x1400, $0x38;
	[tilespmem:$0x9100] =	vst v63  }
0x28: {  	_ =	swait.ge [sflag:s15], $0x1400  }
0x29: {  	[sflag:s15] =	ssyncset.done $0x0  }
0x2a: {  	s31 =	rddreg [dreg:$0x3];
	[sflag:s15] =	ssyncadd.s32 $0xFFFFEC00  }
0x2b: {  	[tilespmem:s16], [sflag:$0x1] =	stream.linear.gather [hbm4b:s31+s2], $0x1400, $0x38;
	[tilespmem:$0x9100] =	vst v63  }
0x2c: {  	_ =	swait.ge [sflag:s15], $0x1400  }
0x2d: {  	[sflag:s15] =	ssyncset.done $0x0  }
0x2e: {  	[sflag:s15] =	ssyncadd.s32 $0xFFFFEC00  }
0x2f: {  	[tilespmem:s17], [sflag:$0x1] =	stream.linear.gather [hbm4b:s5+s2], $0x1400, $0x38;
	[tilespmem:$0x9100] =	vst v63  }
0x30: {  	_ =	swait.ge [sflag:s15], $0x1400  }
0x31: {  	[sflag:s15] =	ssyncset.done $0x0  }
0x32: {  	[sflag:s15] =	ssyncadd.s32 $0xFFFFEC00  }
0x33: {  	[tilespmem:s18], [sflag:$0x1] =	stream.linear.gather [hbm4b:s6+s2], $0x1400, $0x38;
	[tilespmem:$0x9100] =	vst v63  }
0x34: {  	_ =	swait.ge [sflag:s15], $0x1400  }
0x35: {  	[sflag:s15] =	ssyncset.done $0x0  }
0x36: {  	[sflag:s15] =	ssyncadd.s32 $0xFFFFEC00  }
0x37: {  	[tilespmem:s19], [sflag:$0x1] =	stream.linear.gather [hbm4b:s7+s2], $0x1400, $0x38;
	[tilespmem:$0x9100] =	vst v63  }
0x38: {  	_ =	swait.ge [sflag:s15], $0x1400  }
0x39: {  	[sflag:s15] =	ssyncset.done $0x0  }
0x3a: {  	[sflag:s15] =	ssyncadd.s32 $0xFFFFEC00  }
0x3b: {  	[tilespmem:s20], [sflag:$0x1] =	stream.linear.gather [hbm4b:s8+s2], $0x1400, $0x38;
	[tilespmem:$0x9100] =	vst v63  }
0x3c: {  	_ =	swait.ge [sflag:s15], $0x1400  }
0x3d: {  	[sflag:s15] =	ssyncset.done $0x0  }
0x3e: {  	[sflag:s15] =	ssyncadd.s32 $0xFFFFEC00  }
0x3f: {  	[tilespmem:$0x8C00] =	vst v0  }
0x40: {  	[tilespmem:$0x8D00] =	vst v0  }
0x41: {  	[tilespmem:$0x8E00] =	vst v0  }
0x42: {  	[tilespmem:$0x8F00] =	vst v0  }
0x43: {  	[tilespmem:$0x9000] =	vst v0  }
0x44: {  	[tilespmem:$0x8C10] =	vst v0  }
0x45: {  	[tilespmem:$0x8D10] =	vst v0  }
0x46: {  	[tilespmem:$0x8E10] =	vst v0  }
0x47: {  	[tilespmem:$0x8F10] =	vst v0  }
0x48: {  	[tilespmem:$0x9010] =	vst v0  }
0x49: {  	[tilespmem:$0x8C20] =	vst v0  }
0x4a: {  	[tilespmem:$0x8D20] =	vst v0  }
0x4b: {  	[tilespmem:$0x8E20] =	vst v0  }
0x4c: {  	[tilespmem:$0x8F20] =	vst v0  }
0x4d: {  	[tilespmem:$0x9020] =	vst v0  }
0x4e: {  	[tilespmem:$0x8C30] =	vst v0  }
0x4f: {  	[tilespmem:$0x8D30] =	vst v0  }
0x50: {  	[tilespmem:$0x8E30] =	vst v0  }
0x51: {  	[tilespmem:$0x8F30] =	vst v0  }
0x52: {  	[tilespmem:$0x9030] =	vst v0  }
0x53: {  	[tilespmem:$0x8C40] =	vst v0  }
0x54: {  	[tilespmem:$0x8D40] =	vst v0  }
0x55: {  	[tilespmem:$0x8E40] =	vst v0  }
0x56: {  	[tilespmem:$0x8F40] =	vst v0  }
0x57: {  	[tilespmem:$0x9040] =	vst v0  }
0x58: {  	[tilespmem:$0x8C50] =	vst v0  }
0x59: {  	[tilespmem:$0x8D50] =	vst v0  }
0x5a: {  	[tilespmem:$0x8E50] =	vst v0  }
0x5b: {  	[tilespmem:$0x8F50] =	vst v0  }
0x5c: {  	[tilespmem:$0x9050] =	vst v0  }
0x5d: {  	[tilespmem:$0x8C60] =	vst v0  }
0x5e: {  	[tilespmem:$0x8D60] =	vst v0  }
0x5f: {  	[tilespmem:$0x8E60] =	vst v0  }
0x60: {  	[tilespmem:$0x8F60] =	vst v0  }
0x61: {  	[tilespmem:$0x9060] =	vst v0  }
0x62: {  	[tilespmem:$0x8C70] =	vst v0  }
0x63: {  	[tilespmem:$0x8D70] =	vst v0  }
0x64: {  	[tilespmem:$0x8E70] =	vst v0  }
0x65: {  	[tilespmem:$0x8F70] =	vst v0  }
0x66: {  	[tilespmem:$0x9070] =	vst v0  }
0x67: {  	[tilespmem:$0x8C80] =	vst v0  }
0x68: {  	[tilespmem:$0x8D80] =	vst v0  }
0x69: {  	[tilespmem:$0x8E80] =	vst v0  }
0x6a: {  	[tilespmem:$0x8F80] =	vst v0  }
0x6b: {  	[tilespmem:$0x9080] =	vst v0  }
0x6c: {  	[tilespmem:$0x8C90] =	vst v0  }
0x6d: {  	[tilespmem:$0x8D90] =	vst v0  }
0x6e: {  	[tilespmem:$0x8E90] =	vst v0  }
0x6f: {  	[tilespmem:$0x8F90] =	vst v0  }
0x70: {  	[tilespmem:$0x9090] =	vst v0  }
0x71: {  	[tilespmem:$0x8CA0] =	vst v0  }
0x72: {  	[tilespmem:$0x8DA0] =	vst v0  }
0x73: {  	[tilespmem:$0x8EA0] =	vst v0  }
0x74: {  	[tilespmem:$0x8FA0] =	vst v0  }
0x75: {  	[tilespmem:$0x90A0] =	vst v0  }
0x76: {  	[tilespmem:$0x8CB0] =	vst v0  }
0x77: {  	[tilespmem:$0x8DB0] =	vst v0  }
0x78: {  	[tilespmem:$0x8EB0] =	vst v0  }
0x79: {  	[tilespmem:$0x8FB0] =	vst v0  }
0x7a: {  	v7 =	vsel vm0, $0x0, v3;
	[tilespmem:$0x90B0] =	vst v0  }
0x7b: {  	[tilespmem:$0x8CC0] =	vst v7  }
0x7c: {  	[tilespmem:$0x8DC0] =	vst v0  }
0x7d: {  	[tilespmem:$0x8EC0] =	vst v0  }
0x7e: {  	[tilespmem:$0x8FC0] =	vst v0  }
0x7f: {  	[tilespmem:$0x90C0] =	vst v0  }
0x80: {  	[tilespmem:$0x8CD0] =	vst v3  }
0x81: {  	[tilespmem:$0x8DD0] =	vst v0  }
0x82: {  	[tilespmem:$0x8ED0] =	vst v0  }
0x83: {  	[tilespmem:$0x8FD0] =	vst v0  }
0x84: {  	[tilespmem:$0x90D0] =	vst v0  }
0x85: {  	[tilespmem:$0x8CE0] =	vst v3  }
0x86: {  	[tilespmem:$0x8DE0] =	vst v0  }
0x87: {  	[tilespmem:$0x8EE0] =	vst v0  }
0x88: {  	[tilespmem:$0x8FE0] =	vst v0  }
0x89: {  	[tilespmem:$0x90E0] =	vst v0  }
0x8a: {  	[tilespmem:$0x8CF0] =	vst v3  }
0x8b: {  	[tilespmem:$0x8DF0] =	vst v0  }
0x8c: {  	[tilespmem:$0x8EF0] =	vst v0  }
0x8d: {  	[tilespmem:$0x8FF0] =	vst v0  }
0x8e: {  	s0 =	simm.s32 $0x40;
	[tilespmem:$0x90F0] =	vst v0  }
0x8f: {  	v13 =	vld [tilespmem:s0+$0xFFFFFFC0]  }
0x90: {  	v7 =	vld [tilespmem:s0+$0x30]  }
0x91: {  	v14 =	vld [tilespmem:s0+$0x10]  }
0x92: {  	v8 =	vld [tilespmem:s0+$0xFFFFFFE0]  }
0x93: {  	v10 =	vld [tilespmem:s0+$0xFFFFFFF0]  }
0x94: {  	v11 =	vld [tilespmem:s0+$0xFFFFFFD0]  }
0x95: {  	v9 =	vld [tilespmem:s0+$0x20]  }
0x96: {  	s1 =	simm.s32 $0x0;
	v19 =	vld [tilespmem:s0+$0x0]  }
0x97: {  	v34 =	vor.u32 s1, v2;
	v23 =	vor.u32 s0, v2  }
0x98: {  	vm7 =	vgt.f32 v13, $9.999999770e-03;
	vm3 =	vgt.f32 v8, $9.999999770e-03;
	vm4 =	vgt.f32 v7, $9.999999770e-03  }
0x99: {  	vm1 =	vgt.f32 v10, $9.999999770e-03;
	vm6 =	vgt.f32 v14, $9.999999770e-03;
	v12 =	vsel vm7, $0x1, v1  }
0x9a: {  	vm5 =	vgt.f32 v11, $9.999999770e-03;
	vm2 =	vgt.f32 v9, $9.999999770e-03;
	v15 =	vmpcnt.ones.xlane vm7;
	(xrf0) =	vadd.scan.msk.s32 $0xffff, v12  }
0x9b: {  	vm9 =	vgt.f32 v19, $9.999999770e-03;
	v16 =	vnsel vm7, $0xCE6E6B28, v13;
	v18 =	vmpcnt.ones.xlane vm5  }
0x9c: {  	v24 =	vnsel vm6, $0xCE6E6B28, v14;
	v17 =	vadd.s32 v1, v15;
	v15 =	vsel vm6, $0x1, v1  }
0x9d: {  	v20 =	vnsel vm1, $0xCE6E6B28, v10;
	v21 =	vsel vm9, $0x1, v1;
	(xrf0) =	vadd.scan.msk.s32 $0xffff, v15;
	v15 =	vsel vm2, $0x1, v1  }
0x9e: {  	v25 =	vsel vm1, $0x1, v1;
	v26 =	vsel vm4, $0x1, v1;
	v27 =	vmpcnt.ones.xlane vm9;
	(xrf0) =	vadd.scan.msk.s32 $0xffff, v15  }
0x9f: {  	v28 =	vnsel vm9, $0xCE6E6B28, v19;
	v29 =	vmpcnt.ones.xlane vm2;
	v30 =	vsel vm5, $0x1, v1  }
0xa0: {  	v32 =	vmpcnt.ones.xlane vm6;
	vm10 =	vgt.f32 v16, v3;
	v18 =	vadd.s32 v17, v18;
	v22, _, _ =	vpop (xrf0);
	(xrf0) =	vadd.scan.msk.s32 $0xffff, v21  }
0xa1: {  	v15 =	vsel vm3, $0x1, v1;
	v22 =	vadd.s32 v22, v1;
	(xrf0) =	vadd.scan.msk.s32 $0xffff, v25;
	v25 =	vnsel vm5, $0xCE6E6B28, v11  }
0xa2: {  	v22 =	vadd.s32 $0xFFFFFFFF, v22;
	(xrf0) =	vadd.scan.msk.s32 $0xffff, v15;
	v15 =	vmax.f32 v3, v16;
	v16 =	vmpcnt.ones.xlane vm3  }
0xa3: {  	v21 =	vnsel vm3, $0xCE6E6B28, v8;
	v31, _, _ =	vpop (xrf0);
	vm8 =	vgt.f32 v25, v15;
	(xrf0) =	vadd.scan.msk.s32 $0xffff, v26;
	v26 =	vmpcnt.ones.xlane vm1  }
0xa4: {  	v33, _, _ =	vpop (xrf0);
	v15 =	vmax.f32 v15, v25;
	v25 =	vsel vm10, v22, v1;
	(xrf0) =	vadd.scan.msk.s32 $0xffff, v30;
	v16 =	vadd.s32 v18, v16  }
0xa5: {  	vm10 =	vgt.f32 v21, v15;
	v21 =	vmax.f32 v15, v21;
	v15 =	vadd.s32 v16, v26  }
0xa6: {  	v12 =	vnsel vm4, $0xCE6E6B28, v7;
	vm11 =	vgt.f32 v20, v21;
	v21 =	vmax.f32 v21, v20;
	v61, _, _ =	vpop (xrf0)  }
0xa7: {  	v27 =	vadd.s32 v15, v27;
	v26, _, _ =	vpop (xrf0);
	v30 =	vadd.s32 v61, v15;
	[tilespmem:v22+s2+$0x0] =	vst.idx.msk vm7, v13;
	v13 =	vmpcnt.ones.xlane vm4  }
0xa8: {  	v26 =	vadd.s32 v16, v26;
	v15, _, _ =	vpop (xrf0);
	v16 =	vadd.s32 $0xFFFFFFFF, v30;
	[tilespmem:v22+s21+$0x0] =	vst.idx.msk vm7, v34;
	vm7 =	vgt.f32 v28, v21  }
0xa9: {  	v35 =	vadd.s32 v18, v15;
	v15 =	vadd.s32 v27, v31;
	v27 =	vadd.s32 v27, v32;
	v62, _, _ =	vpop (xrf0)  }
0xaa: {  	v15 =	vadd.s32 $0xFFFFFFFF, v15;
	v20 =	vadd.s32 v27, v33;
	v27 =	vadd.s32 v27, v29;
	v63, _, _ =	vpop (xrf0)  }
0xab: {  	v18 =	vnsel vm2, $0xCE6E6B28, v9;
	v29 =	vadd.s32 v17, v63;
	v17 =	vadd.s32 v27, v62  }
0xac: {  	v13 =	vadd.s32 v27, v13;
	v27 =	vmax.f32 v21, v28;
	v22 =	vadd.s32 $0xFFFFFFFF, v29  }
0xad: {  	v21 =	vadd.s32 $0xFFFFFFFF, v35;
	v25 =	vsel vm8, v22, v25;
	[tilespmem:v16+s2+$0x0] =	vst.idx.msk vm9, v19;
	vm8 =	vgt.f32 v24, v27  }
0xae: {  	s29 =	simm.s32 $0x50;
	s3 =	simm.s32 $0x0;
	v19 =	vadd.s32 $0xFFFFFFFF, v26;
	v24 =	vmax.f32 v27, v24;
	v25 =	vsel vm10, v21, v25;
	[tilespmem:v16+s21+$0x0] =	vst.idx.msk vm9, v23  }
0xaf: {  	s30 =	simm.s32 $0xC0;
	s1 =	simm.s32 $0x10;
	vm9 =	vgt.f32 v18, v24;
	v23 =	vsel vm11, v19, v25;
	v25 =	vor.u32 s29, v2;
	[tilespmem:v15+s2+$0x0] =	vst.idx.msk vm6, v14;
	s29 =	simm.s32 $0xC0  }
.LBB2_2:
0xb0: {  	v26 =	vld [tilespmem:s30+$0xFFFFFFC0];
	s31 =	sadd.s32 $0xFFFFFFD0, s29;
	s3 =	sadd.s32 $0x2, s3;
	[tilespmem:v15+s21+$0x0] =	vst.idx.msk vm6, v25;
	v14 =	vmax.f32 v24, v18;
	vm10 =	vmmov vm4  }
0xb1: {  	v24 =	vor.u32 s1, v2;
	v18 =	vld [tilespmem:s30+$0x30];
	p0 =	slt.u32 s3, $0x4E;
	[tilespmem:v22+s2+$0x0] =	vst.idx.msk vm5, v11;
	vm4 =	vgt.f32 v12, v14;
	v25 =	vmax.f32 v14, v12;
	s1 =	smov.u32 s31  }
0xb2: {  	s31 =	sadd.s32 $0xFFFFFFE0, s0;
	v11 =	vsel vm7, v16, v23;
	v12 =	vadd.s32 $0xFFFFFFFF, v20;
	v14 =	vld [tilespmem:s30+$0x10];
	[tilespmem:v22+s21+$0x0] =	vst.idx.msk vm5, v24  }
0xb3: {  	v16 =	vor.u32 s31, v2;
	s31 =	sadd.s32 $0x30, s0;
	v11 =	vsel vm8, v15, v11;
	[tilespmem:v21+s2+$0x0] =	vst.idx.msk vm3, v8;
	v8 =	vld [tilespmem:s30+$0xFFFFFFE0]  }
0xb4: {  	s4 =	sadd.s32 $0xFFFFFFF0, s0;
	v17 =	vadd.s32 $0xFFFFFFFF, v17;
	v20 =	vor.u32 s31, v2;
	v15 =	vld [tilespmem:s30+$0xFFFFFFF0];
	[tilespmem:v21+s21+$0x0] =	vst.idx.msk vm3, v16;
	v16 =	vsel vm9, v12, v11  }
0xb5: {  	v21 =	vor.u32 s4, v2;
	s4 =	sadd.s32 $0x20, s0;
	s0 =	smov.u32 s29;
	vm7 =	vgt.f32 v26, $9.999999770e-03;
	v11 =	vld [tilespmem:s30+$0xFFFFFFD0];
	[tilespmem:v19+s2+$0x0] =	vst.idx.msk vm1, v10;
	v16 =	vsel vm4, v17, v16  }
0xb6: {  	v10 =	vsel vm7, $0x1, v1;
	v22 =	vmpcnt.ones.xlane vm7;
	v23 =	vld [tilespmem:s30+$0x20];
	[tilespmem:v19+s21+$0x0] =	vst.idx.msk vm1, v21;
	v19 =	vor.u32 s4, v2  }
0xb7: {  	v27 =	vor.u32 s29, v2;
	v21 =	vnsel vm7, $0xCE6E6B28, v26;
	v24 =	vld [tilespmem:s30+$0x0];
	(xrf0) =	vadd.scan.msk.s32 $0xffff, v10;
	[tilespmem:v12+s2+$0x0] =	vst.idx.msk vm2, v9  }
0xb8: {  	vm4 =	vgt.f32 v18, $9.999999770e-03;
	vm3 =	vgt.f32 v8, $9.999999770e-03;
	v22 =	vadd.s32 v13, v22;
	[tilespmem:v12+s21+$0x0] =	vst.idx.msk vm2, v19  }
0xb9: {  	vm6 =	vgt.f32 v14, $9.999999770e-03;
	v12 =	vnsel vm4, $0xCE6E6B28, v18;
	vm1 =	vgt.f32 v15, $9.999999770e-03;
	[tilespmem:v17+s2+$0x0] =	vst.idx.msk vm10, v7;
	v7 =	vmovc v18;
	v10 =	vmovc v15  }
0xba: {  	v28 =	vnsel vm6, $0xCE6E6B28, v14;
	v18 =	vsel vm6, $0x1, v1;
	vm5 =	vgt.f32 v11, $9.999999770e-03;
	[tilespmem:v17+s21+$0x0] =	vst.idx.msk vm10, v20  }
0xbb: {  	v17 =	vnsel vm1, $0xCE6E6B28, v10;
	v15 =	vmpcnt.ones.xlane vm5;
	vm2 =	vgt.f32 v23, $9.999999770e-03;
	(xrf0) =	vadd.scan.msk.s32 $0xffff, v18;
	v9 =	vmovc v23  }
0xbc: {  	v18 =	vsel vm3, $0x1, v1;
	vm9 =	vgt.f32 v24, $9.999999770e-03;
	v19 =	vsel vm2, $0x1, v1  }
0xbd: {  	v20 =	vnsel vm3, $0xCE6E6B28, v8;
	v23 =	vsel vm4, $0x1, v1;
	v15 =	vadd.s32 v22, v15;
	v29, _, _ =	vpop (xrf0)  }
0xbe: {  	v30 =	vsel vm9, $0x1, v1;
	v13 =	vadd.s32 v29, v13;
	v29 =	vnsel vm5, $0xCE6E6B28, v11;
	(xrf0) =	vadd.scan.msk.s32 $0xffff, v19  }
0xbf: {  	v31 =	vmpcnt.ones.xlane vm9;
	v19 =	vsel vm1, $0x1, v1;
	v13 =	vadd.s32 $0xFFFFFFFF, v13;
	(xrf0) =	vadd.scan.msk.s32 $0xffff, v30  }
0xc0: {  	v33 =	vmpcnt.ones.xlane vm2;
	v32 =	vnsel vm9, $0xCE6E6B28, v24;
	v30 =	vmax.f32 v25, v21;
	(xrf0) =	vadd.scan.msk.s32 $0xffff, v19  }
0xc1: {  	vm8 =	vgt.f32 v21, v25;
	v21 =	vmpcnt.ones.xlane vm6;
	v19 =	vsel vm5, $0x1, v1;
	(xrf0) =	vadd.scan.msk.s32 $0xffff, v18;
	v25, _, _ =	vpop (xrf0)  }
0xc2: {  	s4 =	sadd.s32 $0xFFFFFFC0, s29;
	v34 =	vsel vm8, v13, v16;
	vm8 =	vgt.f32 v29, v30;
	v16 =	vmpcnt.ones.xlane vm3;
	(xrf0) =	vadd.scan.msk.s32 $0xffff, v23  }
0xc3: {  	v18 =	vmax.f32 v30, v29;
	v30 =	vmpcnt.ones.xlane vm1;
	v23 =	vor.u32 s4, v2;
	(xrf0) =	vadd.scan.msk.s32 $0xffff, v19  }
0xc4: {  	v16 =	vadd.s32 v15, v16;
	vm10 =	vgt.f32 v20, v18;
	v19 =	vmax.f32 v18, v20;
	v20, _, _ =	vpop (xrf0)  }
0xc5: {  	v18 =	vnsel vm2, $0xCE6E6B28, v9;
	vm11 =	vgt.f32 v17, v19;
	[tilespmem:v13+s2+$0x0] =	vst.idx.msk vm7, v26;
	v26 =	vadd.s32 v16, v30;
	v29, _, _ =	vpop (xrf0)  }
0xc6: {  	[tilespmem:v13+s21+$0x0] =	vst.idx.msk vm7, v23;
	v13 =	vadd.s32 v29, v26;
	v23 =	vadd.s32 v26, v31;
	v26 =	vmpcnt.ones.xlane vm4;
	v29, _, _ =	vpop (xrf0)  }
0xc7: {  	v29 =	vadd.s32 v16, v29;
	v16 =	vadd.s32 $0xFFFFFFFF, v13;
	v13 =	vadd.s32 v23, v25;
	v25, _, _ =	vpop (xrf0)  }
0xc8: {  	v25 =	vadd.s32 v15, v25;
	v15 =	vadd.s32 $0xFFFFFFFF, v13;
	v13 =	vadd.s32 v23, v21;
	v21, _, _ =	vpop (xrf0)  }
0xc9: {  	v19 =	vmax.f32 v19, v17;
	v20 =	vadd.s32 v13, v20;
	v13 =	vadd.s32 v13, v33;
	v17, _, _ =	vpop (xrf0)  }
.Ltmp2:
0xca: {  	v22 =	vadd.s32 v22, v17;
	v17 =	vadd.s32 v13, v21;
	v13 =	vadd.s32 v13, v26;
	(pc) =	sbr.rel @p0 .LBB2_2-.Ltmp2, $4  }
0xcb: {  	vm7 =	vgt.f32 v32, v19;
	v23 =	vmax.f32 v19, v32;
	v22 =	vadd.s32 $0xFFFFFFFF, v22  }
0xcc: {  	v21 =	vadd.s32 $0xFFFFFFFF, v25;
	v19 =	vsel vm8, v22, v34;
	[tilespmem:v16+s2+$0x0] =	vst.idx.msk vm9, v24;
	vm8 =	vgt.f32 v28, v23  }
0xcd: {  	s4 =	sadd.s32 $0x10, s29;
	v24 =	vmax.f32 v23, v28;
	v25 =	vsel vm10, v21, v19;
	v19 =	vadd.s32 $0xFFFFFFFF, v29;
	[tilespmem:v16+s21+$0x0] =	vst.idx.msk vm9, v27  }
0xce: {  	s30 =	sadd.s32 $0x80, s30;
	s29 =	sadd.s32 $0x80, s29;
	vm9 =	vgt.f32 v18, v24;
	v23 =	vsel vm11, v19, v25;
	v25 =	vor.u32 s4, v2;
	[tilespmem:v15+s2+$0x0] =	vst.idx.msk vm6, v14  }
0xcf: {  	v24 =	vmax.f32 v24, v18  }
0xd0: {  	v14 =	vmax.f32 v24, v12  }
0xd1: {  	(xrf0) =	vmax.scan.msk.f32 $0xffff, v14;
	_ =	sdelay $0x5  }
0xd2: {  	v18, _, _ =	vpop (xrf0)  }
0xd3: {  	(v2sf) =	vpush v18, $0xF;
	_ =	sdelay $0x2  }
0xd4: {  	[tilespmem:v15+s21+$0x0] =	vst.idx.msk vm6, v25  }
0xd5: {  	[tilespmem:v22+s2+$0x0] =	vst.idx.msk vm5, v11;
	v58 =	vor.u32 s1, v2  }
0xd6: {  	s4 =	sadd.s32 $0xFFFFFFE0, s0;
	v59 =	vadd.s32 $0xFFFFFFFF, v20;
	[tilespmem:v22+s21+$0x0] =	vst.idx.msk vm5, v58  }
0xd7: {  	vm4 =	vmmov vm4;
	v20 =	vor.u32 s4, v2;
	[tilespmem:v21+s2+$0x0] =	vst.idx.msk vm3, v8  }
0xd8: {  	s29 =	sadd.s32 $0xFFFFFFF0, s0;
	v8 =	vadd.s32 $0xFFFFFFFF, v17;
	[tilespmem:v21+s21+$0x0] =	vst.idx.msk vm3, v20  }
0xd9: {  	v17 =	vor.u32 s29, v2;
	[tilespmem:v19+s2+$0x0] =	vst.idx.msk vm1, v10  }
0xda: {  	s30 =	sadd.s32 $0x20, s0;
	v60 =	vadd.s32 v2, v13;
	[tilespmem:v19+s21+$0x0] =	vst.idx.msk vm1, v17  }
0xdb: {  	v17 =	vor.u32 s30, v2;
	[tilespmem:v59+s2+$0x0] =	vst.idx.msk vm2, v9  }
0xdc: {  	s31 =	sadd.s32 $0x30, s0;
	v61 =	vadd.s32 v4, v13;
	[tilespmem:v59+s21+$0x0] =	vst.idx.msk vm2, v17  }
0xdd: {  	v17 =	vor.u32 s31, v2;
	[tilespmem:v8+s2+$0x0] =	vst.idx.msk vm4, v7  }
0xde: {  	v7 =	vadd.s32 v5, v13;
	[tilespmem:v8+s21+$0x0] =	vst.idx.msk vm4, v17  }
0xdf: {  	[tilespmem:v60+s2+$0x0] =	vst.idx.msk $0xffff, v3  }
0xe0: {  	v62 =	vadd.s32 v6, v13;
	[tilespmem:v60+s21+$0x0] =	vst.idx.msk $0xffff, v1;
	s0 =	spop (v2sf)  }
0xe1: {  	[tilespmem:v61+s2+$0x0] =	vst.idx.msk $0xffff, v3;
	p0 =	sgt.f32 s0, $9.999999770e-03  }
.Ltmp3:
0xe2: {  	[tilespmem:v61+s21+$0x0] =	vst.idx.msk $0xffff, v1;
	(pc) =	sbr.rel @!p0 .LBB2_11-.Ltmp3, $4  }
0xe3: {  	v63 =	vsel vm7, v16, v23;
	[tilespmem:v7+s2+$0x0] =	vst.idx.msk $0xffff, v3  }
0xe4: {  	v9 =	vsel vm8, v15, v63;
	[tilespmem:v7+s21+$0x0] =	vst.idx.msk $0xffff, v1  }
0xe5: {  	vm1 =	vgt.f32 v12, v24;
	v7 =	vsel vm9, v59, v9;
	[tilespmem:v62+s2+$0x0] =	vst.idx.msk $0xffff, v3  }
0xe6: {  	v7 =	vsel vm1, v8, v7;
	[tilespmem:v62+s21+$0x0] =	vst.idx.msk $0xffff, v1  }
0xe7: {  	v8 =	vbroadcast v18, $0xF;
	_ =	sdelay $0x1  }
0xe8: {  	v7 =	vxor.u32 $0x80000000, v7;
	vm1 =	veq.f32 v14, v8  }
0xe9: {  	v7 =	vnsel vm1, $0xC0000000, v7  }
0xea: {  	(xrf0) =	vmin.scan.msk.u32 $0xffff, v7;
	_ =	sdelay $0x5  }
0xeb: {  	v7, _, _ =	vpop (xrf0)  }
0xec: {  	(v2sf) =	vpush v7, $0xF;
	_ =	sdelay $0xa  }
.Ltmp4:
0xed: {  	_ = 	snop;
	(pc) =	sbr.rel .LBB2_5-.Ltmp4, $2  }
0xee: {  	_ =	sdelay $0x2  }
0xef: {  	s29 =	simm.s32 $0x0;
	s1 =	spop (v2sf)  }
.LBB2_10:
0xf0: {  	(xrf0) =	vmax.scan.msk.f32 $0xffff, v15;
	_ =	sdelay $0x5  }
0xf1: {  	v7, _, _ =	vpop (xrf0)  }
0xf2: {  	v8 =	vbroadcast v7, $0xF;
	_ =	sdelay $0x1  }
0xf3: {  	vm1 =	veq.f32 v15, v8;
	v8 =	vxor.u32 $0x80000000, v17  }
0xf4: {  	(v2sf) =	vpush v7, $0xF;
	v8 =	vnsel vm1, $0xC0000000, v8  }
0xf5: {  	(xrf0) =	vmin.scan.msk.u32 $0xffff, v8;
	_ =	sdelay $0x5  }
0xf6: {  	v7, _, _ =	vpop (xrf0)  }
0xf7: {  	(v2sf) =	vpush v7, $0xF;
	_ =	sdelay $0x2  }
0xf8: {  	v7 =	vadd.s32 v2, v13;
	_ =	sdelay $0x1  }
0xf9: {  	v8 =	vadd.s32 v4, v13;
	_ =	sdelay $0x1  }
0xfa: {  	v9 =	vadd.s32 v5, v13;
	p0 =	sgt.u32 s29, $0xC6;
	s0 =	spop (v2sf)  }
0xfb: {  	[tilespmem:v7+s2+$0x0] =	vst.idx.msk $0xffff, v3;
	p1 =	sgt.f32 @!p0 s0, $9.999999770e-03  }
0xfc: {  	[tilespmem:v7+s21+$0x0] =	vst.idx.msk $0xffff, v1;
	v7 =	vadd.s32 v6, v13  }
0xfd: {  	[tilespmem:v8+s2+$0x0] =	vst.idx.msk $0xffff, v3;
	p0 =	por p0, !p1  }
.Ltmp5:
0xfe: {  	[tilespmem:v8+s21+$0x0] =	vst.idx.msk $0xffff, v1;
	(pc) =	sbr.rel @p0 .LBB2_11-.Ltmp5, $4  }
0xff: {  	[tilespmem:v9+s2+$0x0] =	vst.idx.msk $0xffff, v3  }
0x100: {  	[tilespmem:v9+s21+$0x0] =	vst.idx.msk $0xffff, v1  }
0x101: {  	[tilespmem:v7+s2+$0x0] =	vst.idx.msk $0xffff, v3  }
0x102: {  	s29 =	sadd.s32 $0x1, s29;
	[tilespmem:v7+s21+$0x0] =	vst.idx.msk $0xffff, v1;
	s1 =	spop (v2sf)  }
.LBB2_5:
0x103: {  	v7 =	vxor.u32 $0x80000000, v13  }
0x104: {  	(xrf0) =	vmax.scan.msk.u32 $0xffff, v7;
	_ =	sdelay $0x5  }
0x105: {  	v7, _, _ =	vpop (xrf0)  }
0x106: {  	(v2sf) =	vpush v7, $0xF;
	_ =	sdelay $0xa  }
0x107: {  	s1 =	sxor.u32 $0x80000000, s1  }
0x108: {  	v7 =	vmov s1;
	_ =	sdelay $0x2  }
0x109: {  	s3 =	spop (v2sf)  }
0x10a: {  	s1 =	sadd.s32 $0x8000003F, s3  }
0x10b: {  	v10 =	vld.idx.msk [tilespmem:v7+s21+$0x0], $0xffff;
	s3 =	sand.u32 $0x3F, s1  }
0x10c: {  	s4 =	sshra.s32 s1, $0x1F;
	p0 =	slt.s32 s1, $0x1;
	p1 =	sne.s32 s3, $0x0  }
0x10d: {  	s4 =	sshrl.u32 s4, $0x1A;
	p0 =	por !p0, !p1  }
0x10e: {  	s3 =	simm.s32 $0x1;
	s1 =	sadd.s32 s4, s1;
	p0 =	por !p0, !p0  }
0x10f: {  	s1 =	sshra.s32 s1, $0x6;
	s3 =	simm.s32 @!p0 $0x0  }
0x110: {  	s30 =	ssub.s32 s1, s3  }
0x111: {  	v15 =	vimm.f32 $-1.000000000e+09;
	s1 =	smulhi.u32 $0x2AAAAAAB, s30;
	s3 =	sshra.s32 s30, $0x1F  }
0x112: {  	[tilespmem:v7+s2+$0x0] =	vst.idx.msk $0x1, v15;
	s3 =	smul.u32 $0x2AAAAAAB, s3  }
0x113: {  	v7 =	vld.idx.msk [tilespmem:v10+s16+$0x0], $0xffff  }
0x114: {  	v8 =	vld.idx.msk [tilespmem:v10+s17+$0x0], $0xffff;
	s1 =	sadd.s32 s3, s1  }
0x115: {  	v11 =	vmov s29;
	v9 =	vld.idx.msk [tilespmem:v10+s18+$0x0], $0xffff;
	s4 =	sshrl.u32 s1, $0x1F  }
0x116: {  	v12 =	vmov s0;
	v10 =	vld.idx.msk [tilespmem:v10+s19+$0x0], $0xffff;
	s0 =	sadd.s32 s4, s1  }
0x117: {  	s31 =	smul.u32 $0x6, s0;
	_ =	sdelay $0x1  }
0x118: {  	p0 =	slt.s32 s31, $0x1  }
.Ltmp6:
0x119: {  	[tilespmem:v11+s22+$0x0] =	vst.idx.msk $0x1, v12;
	(pc) =	sbr.rel @p0 .LBB2_6-.Ltmp6, $4  }
0x11a: {  	[tilespmem:v11+s23+$0x0] =	vst.idx.msk $0x1, v7;
	v12 =	vsub.f32 v9, v7;
	v13 =	vsub.f32 v10, v8  }
0x11b: {  	[tilespmem:v11+s24+$0x0] =	vst.idx.msk $0x1, v8  }
0x11c: {  	[tilespmem:v11+s25+$0x0] =	vst.idx.msk $0x1, v9;
	v12 =	vmax.f32 v12, $0.0e+00;
	v13 =	vmax.f32 v13, $0.0e+00  }
0x11d: {  	[tilespmem:v11+s26+$0x0] =	vst.idx.msk $0x1, v10;
	v11 =	vmul.f32 v13, v12  }
0x11e: {  	s1 =	simm.s32 $0x0;
	v15 =	vimm.f32 $-1.000000000e+09;
	v17 =	vimm.s32 $0x0;
	s0 =	simm.s32 $0xC0;
	s3 =	simm.s32 $0x14C0;
	v13 =	vimm.s32 $0x0  }
.LBB2_14:
0x11f: {  	v26 =	vld [tilespmem:s3+$0xFFFFFF40];
	_ =	sdelay $0x4  }
0x120: {  	v23 =	vld [tilespmem:s3+$0xFFFFFF50]  }
0x121: {  	v21 =	vld [tilespmem:s3+$0xFFFFFF60]  }
0x122: {  	v19 =	vld [tilespmem:s3+$0xFFFFFF70]  }
0x123: {  	v12 =	vld.idx.msk [tilespmem:v26+s16+$0x0], $0xffff  }
0x124: {  	v14 =	vld.idx.msk [tilespmem:v26+s17+$0x0], $0xffff  }
0x125: {  	v16 =	vld.idx.msk [tilespmem:v26+s18+$0x0], $0xffff  }
0x126: {  	v18 =	vld.idx.msk [tilespmem:v26+s19+$0x0], $0xffff  }
0x127: {  	v20 =	vld.idx.msk [tilespmem:v26+s20+$0x0], $0xffff  }
0x128: {  	v22 =	vld.idx.msk [tilespmem:v23+s16+$0x0], $0xffff  }
0x129: {  	v24 =	vld.idx.msk [tilespmem:v23+s17+$0x0], $0xffff  }
0x12a: {  	v25 =	vld.idx.msk [tilespmem:v23+s18+$0x0], $0xffff  }
0x12b: {  	v27 =	vld.idx.msk [tilespmem:v23+s19+$0x0], $0xffff  }
0x12c: {  	v29 =	vld.idx.msk [tilespmem:v21+s16+$0x0], $0xffff  }
0x12d: {  	v30 =	vld.idx.msk [tilespmem:v21+s17+$0x0], $0xffff  }
0x12e: {  	v35 =	vld.idx.msk [tilespmem:v21+s19+$0x0], $0xffff;
	v16 =	vmin.f32 v9, v16;
	v12 =	vmax.f32 v7, v12;
	v14 =	vmax.f32 v8, v14  }
0x12f: {  	v22 =	vmax.f32 v7, v22;
	v12 =	vsub.f32 v16, v12;
	v16 =	vmin.f32 v10, v18;
	v18 =	vld.idx.msk [tilespmem:v21+s18+$0x0], $0xffff  }
0x130: {  	v28 =	vld.idx.msk [tilespmem:v23+s20+$0x0], $0xffff;
	v36 =	vmin.f32 v10, v27;
	v14 =	vsub.f32 v16, v14;
	v16 =	vmin.f32 v9, v25  }
0x131: {  	v40 =	vld.idx.msk [tilespmem:v19+s17+$0x0], $0xffff;
	v24 =	vmax.f32 v8, v24;
	v29 =	vmax.f32 v7, v29;
	v16 =	vsub.f32 v16, v22  }
0x132: {  	v31 =	vld.idx.msk [tilespmem:v19+s18+$0x0], $0xffff;
	v12 =	vmax.f32 v12, $0.0e+00;
	v22 =	vsub.f32 v36, v24;
	v14 =	vmax.f32 v14, $0.0e+00  }
0x133: {  	v37 =	vld.idx.msk [tilespmem:v21+s20+$0x0], $0xffff;
	v30 =	vmax.f32 v8, v30;
	v25 =	vmin.f32 v10, v35;
	v12 =	vmul.f32 v14, v12  }
0x134: {  	v38 =	vld.idx.msk [tilespmem:v19+s16+$0x0], $0xffff;
	v16 =	vmax.f32 v16, $0.0e+00;
	v22 =	vmax.f32 v22, $0.0e+00;
	v18 =	vmin.f32 v9, v18  }
0x135: {  	v14 =	vadd.f32 v20, v11;
	v22 =	vmul.f32 v22, v16;
	v16 =	vsub.f32 v18, v29;
	v18 =	vld [tilespmem:s3+$0xFFFFFF80]  }
0x136: {  	v41 =	vld.idx.msk [tilespmem:v19+s19+$0x0], $0xffff;
	v39 =	vadd.f32 v28, v11;
	v25 =	vsub.f32 v25, v30  }
0x137: {  	v43 =	vmin.f32 v9, v31;
	v28 =	vmax.f32 v8, v40;
	v14 =	vsub.f32 v14, v12  }
0x138: {  	v25 =	vmax.f32 v25, $0.0e+00;
	v27 =	vsub.f32 v39, v22;
	v16 =	vmax.f32 v16, $0.0e+00  }
0x139: {  	v14 =	vmax.f32 v14, $9.999999930e-09;
	v25 =	vmul.f32 v25, v16;
	v16 =	vadd.f32 v37, v11  }
0x13a: {  	v42 =	vld.idx.msk [tilespmem:v19+s20+$0x0], $0xffff;
	v20 =	vmax.f32 v7, v38;
	(erf) = vrcp.f32 v14;
	v14 =	vmax.f32 v27, $9.999999930e-09  }
0x13b: {  	v29 =	vmin.f32 v10, v41;
	(erf) = vrcp.f32 v14;
	v14 =	vsub.f32 v16, v25;
	v16 =	vld [tilespmem:s3+$0xFFFFFF90]  }
0x13c: {  	v20 =	vsub.f32 v43, v20;
	v44 =	vsub.f32 v29, v28  }
0x13d: {  	v14 =	vmax.f32 v14, $9.999999930e-09;
	v46 =	vld.idx.msk [tilespmem:v18+s16+$0x0], $0xffff  }
0x13e: {  	v45 =	vmax.f32 v44, $0.0e+00;
	(erf) = vrcp.f32 v14;
	v14 =	vmax.f32 v20, $0.0e+00;
	v47 =	vld.idx.msk [tilespmem:v18+s17+$0x0], $0xffff  }
0x13f: {  	v48 =	vld.idx.msk [tilespmem:v18+s18+$0x0], $0xffff;
	v20 =	vmul.f32 v45, v14;
	v14 =	vadd.f32 v42, v11  }
0x140: {  	v50 =	vld.idx.msk [tilespmem:v18+s19+$0x0], $0xffff  }
0x141: {  	v49 =	vsub.f32 v14, v20;
	v14 =	vld [tilespmem:s3+$0xFFFFFFA0]  }
0x142: {  	v56 =	vld.idx.msk [tilespmem:v18+s20+$0x0], $0xffff  }
0x143: {  	v32 =	vld.idx.msk [tilespmem:v16+s16+$0x0], $0xffff  }
0x144: {  	v52 =	vld.idx.msk [tilespmem:v16+s17+$0x0], $0xffff  }
0x145: {  	v51 =	vpop (erf);
	v29 =	vmax.f32 v49, $9.999999930e-09;
	v53 =	vld.idx.msk [tilespmem:v16+s18+$0x0], $0xffff  }
0x146: {  	v33 =	vpop (erf);
	v12 =	vmul.f32 v51, v12;
	v54 =	vld.idx.msk [tilespmem:v16+s19+$0x0], $0xffff;
	v28 =	vmin.f32 v9, v48;
	(erf) = vrcp.f32 v29  }
0x147: {  	v27 =	vmax.f32 v7, v46;
	v57 =	vld.idx.msk [tilespmem:v16+s20+$0x0], $0xffff;
	v58 =	vmin.f32 v10, v50;
	v22 =	vmul.f32 v33, v22  }
0x148: {  	v24 =	vmax.f32 v8, v47;
	v27 =	vsub.f32 v28, v27;
	vm6 =	vlt.f32 v12, $4.499999880e-01;
	v12 =	vld [tilespmem:s3+$0xFFFFFFB0]  }
0x149: {  	v47 =	vadd.s32 $0xFFFFFFFF, v13;
	vm3 =	vlt.f32 v22, $4.499999880e-01;
	v34 =	vsel vm6, $0x1, v1;
	v59 =	vld.idx.msk [tilespmem:v14+s16+$0x0], $0xffff  }
0x14a: {  	v27 =	vmax.f32 v27, $0.0e+00;
	v39 =	vmpcnt.ones.xlane vm6;
	v55 =	vpop (erf);
	v36 =	vsel vm3, $0x1, v1;
	(xrf0) =	vadd.scan.msk.s32 $0xffff, v34;
	v61 =	vld.idx.msk [tilespmem:v14+s17+$0x0], $0xffff  }
0x14b: {  	v22 =	vmul.f32 v55, v25;
	v60 =	vmin.f32 v9, v53;
	v32 =	vmax.f32 v7, v32;
	v35 =	vld.idx.msk [tilespmem:v14+s18+$0x0], $0xffff  }
0x14c: {  	v33 =	vmin.f32 v10, v54;
	v29 =	vmax.f32 v8, v52;
	v25 =	vadd.f32 v56, v11;
	v62 =	vld.idx.msk [tilespmem:v14+s19+$0x0], $0xffff  }
0x14d: {  	v29 =	vsub.f32 v33, v29;
	v42 =	vld.idx.msk [tilespmem:v14+s20+$0x0], $0xffff;
	vm1 =	vlt.f32 v22, $4.499999880e-01;
	v22 =	vsub.f32 v58, v24  }
0x14e: {  	v44 =	vadd.f32 v57, v11;
	(xrf0) =	vadd.scan.msk.s32 $0xffff, v36;
	v53 =	vadd.s32 v47, v39;
	v24 =	vsub.f32 v60, v32  }
0x14f: {  	v63 =	vsel vm1, $0x1, v1;
	v29 =	vmax.f32 v29, $0.0e+00;
	v22 =	vmax.f32 v22, $0.0e+00;
	v37 =	vpop (erf)  }
0x150: {  	v24 =	vmax.f32 v24, $0.0e+00;
	v22 =	vmul.f32 v22, v27;
	v43 =	vld.idx.msk [tilespmem:v12+s16+$0x0], $0xffff;
	v20 =	vmul.f32 v37, v20  }
0x151: {  	v45 =	vld.idx.msk [tilespmem:v12+s17+$0x0], $0xffff;
	v52, _, _ =	vpop (xrf0);
	v35 =	vmin.f32 v9, v35;
	v30 =	vmax.f32 v7, v59;
	v32 =	vmin.f32 v10, v62  }
0x152: {  	v48 =	vld.idx.msk [tilespmem:v12+s18+$0x0], $0xffff;
	v31 =	vmax.f32 v8, v61;
	v27 =	vadd.f32 v42, v11;
	v41 =	vadd.s32 v47, v52  }
0x153: {  	v38 =	vld.idx.msk [tilespmem:v12+s19+$0x0], $0xffff;
	v59 =	vmpcnt.ones.xlane vm3;
	v13 =	vsub.f32 v25, v22;
	v30 =	vsub.f32 v35, v30  }
0x154: {  	v37 =	vld [tilespmem:s0+$0xFFFFFF50];
	v58, _, _ =	vpop (xrf0);
	v31 =	vsub.f32 v32, v31;
	vm4 =	vlt.f32 v20, $4.499999880e-01;
	v20 =	vmul.f32 v29, v24  }
0x155: {  	v35 =	vld [tilespmem:s0+$0xFFFFFF40];
	v40 =	vadd.s32 v58, v53;
	v46 =	vsel vm4, $0x1, v1;
	v13 =	vmax.f32 v13, $9.999999930e-09  }
0x156: {  	v30 =	vmax.f32 v30, $0.0e+00;
	v31 =	vmax.f32 v31, $0.0e+00;
	v24 =	vsub.f32 v44, v20  }
0x157: {  	(erf) = vrcp.f32 v13;
	v25 =	vmin.f32 v9, v48;
	v13 =	vld [tilespmem:s3+$0xFFFFFFC0];
	v50 =	vmax.f32 v7, v43  }
0x158: {  	v34 =	vld [tilespmem:s0+$0xFFFFFF60];
	v51 =	vmin.f32 v10, v38;
	v28 =	vmax.f32 v8, v45;
	v42 =	vmul.f32 v31, v30  }
0x159: {  	v49 =	vld.idx.msk [tilespmem:v12+s20+$0x0], $0xffff;
	v25 =	vsub.f32 v25, v50;
	v28 =	vsub.f32 v51, v28;
	v61 =	vnsel vm3, $0xCE6E6B28, v37  }
0x15a: {  	v24 =	vmax.f32 v24, $9.999999930e-09;
	v54 =	vsub.f32 v27, v42;
	v56 =	vnsel vm6, $0xCE6E6B28, v35  }
0x15b: {  	v55 =	vmax.f32 v28, $0.0e+00;
	vm2 =	vgt.f32 v56, v15;
	v28 =	vmax.f32 v15, v56  }
0x15c: {  	(xrf0) =	vadd.scan.msk.s32 $0xffff, v63;
	v31 =	vld [tilespmem:s0+$0xFFFFFF70];
	(erf) = vrcp.f32 v24;
	v17 =	vsel vm2, v41, v17;
	vm2 =	vgt.f32 v61, v28  }
0x15d: {  	v15 =	vld [tilespmem:s3+$0xFFFFFFD0];
	v27 =	vmax.f32 v28, v61;
	v43 =	vsel vm2, v40, v17;
	v17 =	vnsel vm1, $0xCE6E6B28, v34  }
0x15e: {  	(xrf0) =	vadd.scan.msk.s32 $0xffff, v46;
	v57 =	vadd.f32 v49, v11;
	vm2 =	vgt.f32 v17, v27;
	v27 =	vmax.f32 v27, v17;
	v17 =	vld [tilespmem:s3+$0xFFFFFFE0]  }
0x15f: {  	v49 =	vmpcnt.ones.xlane vm1;
	v25 =	vmax.f32 v25, $0.0e+00;
	v24 =	vmax.f32 v54, $9.999999930e-09;
	v62 =	vld.idx.msk [tilespmem:v13+s16+$0x0], $0xffff  }
0x160: {  	v25 =	vmul.f32 v55, v25;
	(erf) = vrcp.f32 v24;
	v63 =	vld.idx.msk [tilespmem:v13+s17+$0x0], $0xffff  }
0x161: {  	v32 =	vadd.s32 v53, v59;
	v44 =	vmpcnt.ones.xlane vm4;
	v50 =	vld.idx.msk [tilespmem:v13+s18+$0x0], $0xffff  }
0x162: {  	v48, _, _ =	vpop (xrf0);
	v28 =	vadd.s32 v32, v49;
	v60 =	vsub.f32 v57, v25;
	v52 =	vld.idx.msk [tilespmem:v13+s19+$0x0], $0xffff  }
0x163: {  	v39 =	vadd.s32 v48, v32;
	v47 =	vnsel vm4, $0xCE6E6B28, v31;
	v44 =	vadd.s32 v28, v44;
	v46 =	vld.idx.msk [tilespmem:v13+s20+$0x0], $0xffff;
	v53 =	vpop (erf)  }
0x164: {  	v30 =	vld [tilespmem:s0+$0xFFFFFF80];
	v51, _, _ =	vpop (xrf0);
	v43 =	vsel vm2, v39, v43;
	v24 =	vmax.f32 v60, $9.999999930e-09;
	v22 =	vmul.f32 v53, v22  }
0x165: {  	v38 =	vadd.s32 v28, v51;
	vm2 =	vgt.f32 v47, v27;
	(erf) = vrcp.f32 v24;
	v54 =	vld.idx.msk [tilespmem:v15+s16+$0x0], $0xffff  }
0x166: {  	v27 =	vmax.f32 v27, v47;
	v43 =	vsel vm2, v38, v43;
	v55 =	vld.idx.msk [tilespmem:v15+s17+$0x0], $0xffff;
	v45 =	vpop (erf);
	vm11 =	vlt.f32 v22, $4.499999880e-01  }
0x167: {  	v58 =	vld.idx.msk [tilespmem:v15+s18+$0x0], $0xffff;
	v20 =	vmul.f32 v45, v20;
	v24 =	vmin.f32 v9, v50;
	v59 =	vmax.f32 v7, v62  }
0x168: {  	v60 =	vld.idx.msk [tilespmem:v15+s19+$0x0], $0xffff;
	v36 =	vmin.f32 v10, v52;
	v33 =	vmax.f32 v8, v63;
	v56 =	vadd.f32 v46, v11  }
0x169: {  	v61 =	vsel vm11, $0x1, v1;
	v63 =	vld.idx.msk [tilespmem:v15+s20+$0x0], $0xffff;
	v57 =	vpop (erf);
	v24 =	vsub.f32 v24, v59;
	v33 =	vsub.f32 v36, v33  }
0x16a: {  	v46 =	vld.idx.msk [tilespmem:v17+s17+$0x0], $0xffff;
	v59 =	vmpcnt.ones.xlane vm11;
	vm7 =	vlt.f32 v20, $4.499999880e-01;
	v20 =	vmul.f32 v57, v42  }
0x16b: {  	v50 =	vld.idx.msk [tilespmem:v17+s19+$0x0], $0xffff;
	v62 =	vsel vm7, $0x1, v1;
	v24 =	vmax.f32 v24, $0.0e+00;
	v33 =	vmax.f32 v33, $0.0e+00  }
0x16c: {  	(xrf0) =	vadd.scan.msk.s32 $0xffff, v61;
	v22 =	vmin.f32 v9, v58;
	v32 =	vmax.f32 v7, v54;
	vm5 =	vlt.f32 v20, $4.499999880e-01;
	v20 =	vld [tilespmem:s3+$0xFFFFFFF0]  }
0x16d: {  	v29 =	vld [tilespmem:s0+$0xFFFFFF90];
	v45 =	vmin.f32 v10, v60;
	v28 =	vmax.f32 v8, v55;
	v33 =	vmul.f32 v33, v24  }
0x16e: {  	v58 =	vld.idx.msk [tilespmem:v17+s18+$0x0], $0xffff;
	v22 =	vsub.f32 v22, v32;
	v57 =	vsub.f32 v45, v28;
	v48 =	vpop (erf);
	v49 =	vsel vm5, $0x1, v1  }
0x16f: {  	v61 =	vadd.f32 v63, v11;
	v25 =	vmul.f32 v48, v25;
	v48 =	vld.idx.msk [tilespmem:v17+s16+$0x0], $0xffff;
	v51 =	vsub.f32 v56, v33  }
0x170: {  	v32 =	vld [tilespmem:s0+$0xFFFFFFA0];
	v22 =	vmax.f32 v22, $0.0e+00;
	v24 =	vmax.f32 v57, $0.0e+00;
	v56 =	vmin.f32 v10, v50  }
0x171: {  	v28 =	vld [tilespmem:s0+$0xFFFFFFB0];
	(xrf0) =	vadd.scan.msk.s32 $0xffff, v62;
	v46 =	vmax.f32 v8, v46;
	v57 =	vnsel vm11, $0xCE6E6B28, v30;
	v53 =	vmul.f32 v24, v22  }
0x172: {  	v60, _, _ =	vpop (xrf0);
	v22 =	vld [tilespmem:s3+$0x0];
	vm8 =	vgt.f32 v57, v27;
	v27 =	vmax.f32 v27, v57;
	vm2 =	vlt.f32 v25, $4.499999880e-01  }
0x173: {  	v63 =	vld.idx.msk [tilespmem:v17+s20+$0x0], $0xffff;
	v42 =	vadd.s32 v44, v60;
	v25 =	vadd.s32 v44, v59;
	v62 =	vmax.f32 v51, $9.999999930e-09  }
0x174: {  	v54 =	vmin.f32 v9, v58;
	v24 =	vsub.f32 v61, v53;
	v55 =	vmax.f32 v7, v48;
	v48 =	vld.idx.msk [tilespmem:v20+s16+$0x0], $0xffff  }
0x175: {  	v58 =	vsub.f32 v56, v46;
	v59 =	vmpcnt.ones.xlane vm7;
	(erf) = vrcp.f32 v62;
	v46 =	vld.idx.msk [tilespmem:v20+s17+$0x0], $0xffff  }
0x176: {  	(xrf0) =	vadd.scan.msk.s32 $0xffff, v49;
	v52 =	vsel vm2, $0x1, v1;
	v24 =	vmax.f32 v24, $9.999999930e-09;
	v44 =	vsub.f32 v54, v55;
	v49 =	vld.idx.msk [tilespmem:v20+s18+$0x0], $0xffff  }
0x177: {  	v61 =	vsel vm8, v42, v43;
	v62 =	vnsel vm7, $0xCE6E6B28, v29;
	v60, _, _ =	vpop (xrf0);
	(xrf0) =	vadd.scan.msk.s32 $0xffff, v52;
	(erf) = vrcp.f32 v24;
	v24 =	vld [tilespmem:s3+$0x10]  }
0x178: {  	v56 =	vnsel vm5, $0xCE6E6B28, v32;
	v45 =	vmax.f32 v58, $0.0e+00;
	v50 =	vld.idx.msk [tilespmem:v20+s19+$0x0], $0xffff;
	v44 =	vmax.f32 v44, $0.0e+00  }
0x179: {  	v36 =	vadd.f32 v63, v11;
	vm14 =	vgt.f32 v62, v27;
	v52 =	vld.idx.msk [tilespmem:v20+s20+$0x0], $0xffff;
	v44 =	vmul.f32 v45, v44  }
0x17a: {  	v27 =	vmax.f32 v27, v62;
	v43 =	vadd.s32 v60, v25;
	v25 =	vadd.s32 v25, v59;
	v54 =	vld.idx.msk [tilespmem:v22+s16+$0x0], $0xffff  }
0x17b: {  	v45 =	vsel vm14, v43, v61;
	v61 =	vmpcnt.ones.xlane vm5;
	v55 =	vld.idx.msk [tilespmem:v22+s17+$0x0], $0xffff;
	v63 =	vsub.f32 v36, v44  }
0x17c: {  	vm15 =	vgt.f32 v56, v27;
	v27 =	vmax.f32 v27, v56;
	v56 =	vmpcnt.ones.xlane vm2;
	v60, _, _ =	vpop (xrf0);
	v57 =	vld.idx.msk [tilespmem:v22+s18+$0x0], $0xffff  }
0x17d: {  	v58, _, _ =	vpop (xrf0);
	v36 =	vadd.s32 v60, v25;
	v51 =	vadd.s32 v25, v61;
	v25 =	vld [tilespmem:s3+$0x20];
	v47 =	vmax.f32 v63, $9.999999930e-09  }
0x17e: {  	[tilespmem:v41+s2+$0x0] =	vst.idx.msk vm6, v35;
	v49 =	vmin.f32 v9, v49;
	v62 =	vpop (erf);
	(erf) = vrcp.f32 v47;
	v47 =	vld.idx.msk [tilespmem:v22+s19+$0x0], $0xffff  }
0x17f: {  	v59 =	vmul.f32 v62, v33;
	v33 =	vadd.s32 v51, v58;
	v51 =	vadd.s32 v51, v56;
	v56 =	vld.idx.msk [tilespmem:v24+s16+$0x0], $0xffff  }
0x180: {  	v48 =	vmax.f32 v7, v48;
	v46 =	vmax.f32 v8, v46;
	v58 =	vnsel vm2, $0xCE6E6B28, v28;
	v61 =	vld.idx.msk [tilespmem:v24+s17+$0x0], $0xffff  }
0x181: {  	v63 =	vmin.f32 v10, v50;
	vm12 =	vgt.f32 v58, v27;
	v58 =	vmax.f32 v27, v58;
	v50 =	vld.idx.msk [tilespmem:v24+s18+$0x0], $0xffff;
	v27 =	vpop (erf)  }
0x182: {  	v45 =	vsel vm15, v36, v45;
	v48 =	vsub.f32 v49, v48;
	v53 =	vmul.f32 v27, v53;
	v27 =	vld [tilespmem:s3+$0x30]  }
0x183: {  	v46 =	vsub.f32 v63, v46;
	v62 =	vmin.f32 v9, v57;
	v54 =	vmax.f32 v7, v54;
	v57 =	vld.idx.msk [tilespmem:v24+s19+$0x0], $0xffff  }
0x184: {  	[tilespmem:v41+s21+$0x0] =	vst.idx.msk vm6, v26;
	v60 =	vld.idx.msk [tilespmem:v22+s20+$0x0], $0xffff;
	v48 =	vmax.f32 v48, $0.0e+00;
	v63 =	vadd.f32 v52, v11;
	vm9 =	vlt.f32 v59, $4.499999880e-01  }
0x185: {  	v49 =	vsub.f32 v62, v54;
	v54 =	vmax.f32 v8, v55;
	v55 =	vld.idx.msk [tilespmem:v24+s20+$0x0], $0xffff;
	v46 =	vmax.f32 v46, $0.0e+00  }
0x186: {  	v46 =	vmul.f32 v46, v48;
	vm10 =	vlt.f32 v53, $4.499999880e-01;
	v47 =	vmin.f32 v10, v47;
	v52 =	vld.idx.msk [tilespmem:v25+s17+$0x0], $0xffff  }
0x187: {  	v53 =	vld.idx.msk [tilespmem:v25+s18+$0x0], $0xffff;
	v50 =	vmin.f32 v9, v50;
	v56 =	vmax.f32 v7, v56;
	v47 =	vsub.f32 v47, v54  }
0x188: {  	v54 =	vld.idx.msk [tilespmem:v25+s16+$0x0], $0xffff;
	v50 =	vsub.f32 v50, v56;
	v56 =	vmin.f32 v10, v57;
	v57 =	vmax.f32 v8, v61  }
0x189: {  	[tilespmem:v40+s2+$0x0] =	vst.idx.msk vm3, v37;
	v49 =	vmax.f32 v49, $0.0e+00;
	v48 =	vld.idx.msk [tilespmem:v25+s19+$0x0], $0xffff;
	v56 =	vsub.f32 v56, v57;
	v47 =	vmax.f32 v47, $0.0e+00;
	v62 =	vpop (erf)  }
0x18a: {  	v47 =	vmul.f32 v47, v49;
	v49 =	vadd.f32 v60, v11;
	v44 =	vmul.f32 v62, v44;
	v60 =	vld.idx.msk [tilespmem:v27+s16+$0x0], $0xffff  }
0x18b: {  	[tilespmem:v40+s21+$0x0] =	vst.idx.msk vm3, v23;
	v59 =	vsel vm12, v33, v45;
	v45 =	vsel vm9, $0x1, v1;
	v56 =	vmax.f32 v56, $0.0e+00;
	v57 =	vld.idx.msk [tilespmem:v27+s18+$0x0], $0xffff  }
0x18c: {  	v61 =	vld.idx.msk [tilespmem:v27+s17+$0x0], $0xffff;
	v35 =	vsub.f32 v49, v47;
	vm8 =	vlt.f32 v44, $4.499999880e-01;
	v44 =	vsub.f32 v63, v46  }
0x18d: {  	v62 =	vsel vm10, $0x1, v1;
	v41 =	vmin.f32 v9, v53;
	v49 =	vld.idx.msk [tilespmem:v27+s19+$0x0], $0xffff;
	v63 =	vmax.f32 v7, v54  }
0x18e: {  	[tilespmem:v39+s2+$0x0] =	vst.idx.msk vm1, v34;
	v35 =	vmax.f32 v35, $9.999999930e-09;
	v26 =	vsub.f32 v41, v63;
	v44 =	vmax.f32 v44, $9.999999930e-09  }
0x18f: {  	[tilespmem:v39+s21+$0x0] =	vst.idx.msk vm1, v21;
	v54 =	vld.idx.msk [tilespmem:v25+s20+$0x0], $0xffff;
	v63 =	vmin.f32 v10, v48;
	(erf) = vrcp.f32 v44;
	v44 =	vmax.f32 v50, $0.0e+00  }
0x190: {  	v50 =	vadd.f32 v55, v11;
	v55 =	vmin.f32 v9, v57;
	v60 =	vmax.f32 v7, v60  }
0x191: {  	v21 =	vld [tilespmem:s3+$0x50];
	v61 =	vmax.f32 v8, v61;
	v53 =	vmul.f32 v56, v44;
	v56 =	vmax.f32 v8, v52  }
0x192: {  	(xrf0) =	vadd.scan.msk.s32 $0xffff, v45;
	v48 =	vld.idx.msk [tilespmem:v27+s20+$0x0], $0xffff;
	v57 =	vsel vm8, $0x1, v1;
	v49 =	vmin.f32 v10, v49;
	v63 =	vsub.f32 v63, v56  }
0x193: {  	(xrf0) =	vadd.scan.msk.s32 $0xffff, v62;
	v52 =	vmax.f32 v26, $0.0e+00;
	v44 =	vld [tilespmem:s0+$0xFFFFFFC0];
	v55 =	vsub.f32 v55, v60;
	v49 =	vsub.f32 v49, v61  }
0x194: {  	v26 =	vld [tilespmem:s3+$0x40];
	v60 =	vadd.f32 v54, v11;
	v61 =	vsub.f32 v50, v53;
	v63 =	vmax.f32 v63, $0.0e+00  }
0x195: {  	[tilespmem:v38+s2+$0x0] =	vst.idx.msk vm4, v31;
	(erf) = vrcp.f32 v35;
	v49 =	vmax.f32 v49, $0.0e+00;
	v23 =	vmul.f32 v63, v52  }
0x196: {  	v37 =	vld [tilespmem:s0+$0xFFFFFFE0];
	[tilespmem:v38+s21+$0x0] =	vst.idx.msk vm4, v19;
	v63 =	vmax.f32 v55, $0.0e+00;
	v45 =	vmax.f32 v61, $9.999999930e-09;
	v61 =	vmpcnt.ones.xlane vm9  }
0x197: {  	v34 =	vld [tilespmem:s0+$0x0];
	[tilespmem:v42+s2+$0x0] =	vst.idx.msk vm11, v30;
	v48 =	vadd.f32 v48, v11;
	v49 =	vmul.f32 v49, v63;
	(erf) = vrcp.f32 v45  }
0x198: {  	v41 =	vld [tilespmem:s0+$0xFFFFFFD0];
	(xrf0) =	vadd.scan.msk.s32 $0xffff, v57;
	v57 =	vnsel vm9, $0xCE6E6B28, v44;
	v40 =	vsub.f32 v60, v23;
	v60, _, _ =	vpop (xrf0);
	v63 =	vadd.s32 v51, v61  }
0x199: {  	v55 =	vld.idx.msk [tilespmem:v21+s16+$0x0], $0xffff;
	vm3 =	vgt.f32 v57, v58;
	v61 =	vmpcnt.ones.xlane vm10;
	v45 =	vadd.s32 v51, v60;
	v60, _, _ =	vpop (xrf0)  }
0x19a: {  	v31 =	vld [tilespmem:s0+$0x10];
	[tilespmem:v42+s21+$0x0] =	vst.idx.msk vm11, v18;
	v48 =	vsub.f32 v48, v49;
	v56 =	vpop (erf);
	v40 =	vmax.f32 v40, $9.999999930e-09;
	v54 =	vsel vm3, v45, v59  }
0x19b: {  	[tilespmem:v43+s2+$0x0] =	vst.idx.msk vm7, v29;
	v35 =	vld [tilespmem:s0+$0xFFFFFFF0];
	v39 =	vadd.s32 v60, v63;
	v46 =	vmul.f32 v56, v46;
	(erf) = vrcp.f32 v40  }
0x19c: {  	[tilespmem:v43+s21+$0x0] =	vst.idx.msk vm7, v16;
	v50 =	vld.idx.msk [tilespmem:v26+s18+$0x0], $0xffff;
	v30 =	vadd.s32 v63, v61;
	v63 =	vmpcnt.ones.xlane vm8;
	v62 =	vmax.f32 v48, $9.999999930e-09  }
0x19d: {  	[tilespmem:v36+s2+$0x0] =	vst.idx.msk vm5, v32;
	v52 =	vld.idx.msk [tilespmem:v26+s19+$0x0], $0xffff;
	v40 =	vmax.f32 v58, v57;
	(erf) = vrcp.f32 v62;
	vm1 =	vlt.f32 v46, $4.499999880e-01  }
0x19e: {  	[tilespmem:v36+s21+$0x0] =	vst.idx.msk vm5, v14;
	v59 =	vld.idx.msk [tilespmem:v21+s19+$0x0], $0xffff;
	v60 =	vpop (erf);
	v55 =	vmax.f32 v7, v55;
	v62 =	vnsel vm10, $0xCE6E6B28, v41;
	v19 =	vsel vm1, $0x1, v1  }
0x19f: {  	v61, _, _ =	vpop (xrf0);
	v47 =	vmul.f32 v60, v47;
	v51 =	vadd.s32 v30, v63;
	vm3 =	vgt.f32 v62, v40;
	(xrf0) =	vadd.scan.msk.s32 $0xffff, v19;
	v19 =	vld [tilespmem:s3+$0x60]  }
0x1a0: {  	v48 =	vld.idx.msk [tilespmem:v26+s17+$0x0], $0xffff;
	v40 =	vmax.f32 v40, v62;
	v38 =	vadd.s32 v61, v30;
	v62 =	vnsel vm8, $0xCE6E6B28, v37  }
0x1a1: {  	v56 =	vld.idx.msk [tilespmem:v26+s20+$0x0], $0xffff;
	v54 =	vsel vm3, v39, v54;
	vm3 =	vgt.f32 v62, v40;
	v58 =	vmax.f32 v40, v62  }
0x1a2: {  	[tilespmem:v33+s2+$0x0] =	vst.idx.msk vm2, v28;
	v57 =	vld.idx.msk [tilespmem:v21+s17+$0x0], $0xffff;
	vm6 =	vlt.f32 v47, $4.499999880e-01;
	v42 =	vmpcnt.ones.xlane vm1;
	v61 =	vnsel vm1, $0xCE6E6B28, v35  }
0x1a3: {  	v46 =	vld.idx.msk [tilespmem:v26+s16+$0x0], $0xffff;
	v40 =	vsel vm3, v38, v54;
	v18 =	vsel vm6, $0x1, v1;
	vm12 =	vgt.f32 v61, v58;
	v30 =	vpop (erf)  }
0x1a4: {  	v47 =	vld.idx.msk [tilespmem:v21+s18+$0x0], $0xffff;
	v43 =	vmax.f32 v58, v61;
	v58 =	vnsel vm6, $0xCE6E6B28, v34;
	v59 =	vmin.f32 v10, v59;
	v54 =	vpop (erf)  }
0x1a5: {  	v42 =	vadd.s32 v51, v42;
	v48 =	vmax.f32 v8, v48;
	v53 =	vmul.f32 v30, v53;
	v60, _, _ =	vpop (xrf0);
	(xrf0) =	vadd.scan.msk.s32 $0xffff, v18;
	v18 =	vld [tilespmem:s3+$0x70]  }
0x1a6: {  	vm14 =	vgt.f32 v58, v43;
	v56 =	vadd.f32 v56, v11;
	v23 =	vmul.f32 v54, v23;
	v63 =	vpop (erf);
	v54 =	vld.idx.msk [tilespmem:v21+s20+$0x0], $0xffff  }
0x1a7: {  	v57 =	vmax.f32 v8, v57;
	vm11 =	vlt.f32 v53, $4.499999880e-01;
	v29 =	vmul.f32 v63, v49;
	v49 =	vld.idx.msk [tilespmem:v19+s16+$0x0], $0xffff  }
0x1a8: {  	v43 =	vmax.f32 v43, v58;
	v16 =	vsel vm11, $0x1, v1;
	v30 =	vadd.s32 v51, v60;
	v53 =	vld.idx.msk [tilespmem:v19+s17+$0x0], $0xffff  }
0x1a9: {  	(xrf0) =	vadd.scan.msk.s32 $0xffff, v16;
	v16 =	vmin.f32 v9, v50;
	v60 =	vmax.f32 v7, v46;
	v50 =	vld.idx.msk [tilespmem:v19+s18+$0x0], $0xffff  }
0x1aa: {  	[tilespmem:v33+s21+$0x0] =	vst.idx.msk vm2, v12;
	v46 =	vmin.f32 v10, v52;
	vm13 =	vlt.f32 v23, $4.499999880e-01;
	v23 =	vmpcnt.ones.xlane vm6;
	v52 =	vld.idx.msk [tilespmem:v19+s19+$0x0], $0xffff  }
0x1ab: {  	[tilespmem:v45+s2+$0x0] =	vst.idx.msk vm9, v44;
	v60 =	vsub.f32 v16, v60;
	v46 =	vsub.f32 v46, v48;
	v16 =	vld [tilespmem:s3+$0x80];
	v51 =	vsel vm13, $0x1, v1;
	v32, _, _ =	vpop (xrf0)  }
0x1ac: {  	vm3 =	vlt.f32 v29, $4.499999880e-01;
	v23 =	vadd.s32 v42, v23;
	v29 =	vadd.s32 v42, v32;
	v42 =	vld.idx.msk [tilespmem:v19+s20+$0x0], $0xffff  }
0x1ad: {  	v57 =	vsub.f32 v59, v57;
	v14 =	vnsel vm11, $0xCE6E6B28, v31;
	v48 =	vmpcnt.ones.xlane vm11;
	(xrf0) =	vadd.scan.msk.s32 $0xffff, v51;
	v51 =	vld.idx.msk [tilespmem:v18+s16+$0x0], $0xffff  }
0x1ae: {  	[tilespmem:v45+s21+$0x0] =	vst.idx.msk vm9, v13;
	v61 =	vmax.f32 v60, $0.0e+00;
	v46 =	vmax.f32 v46, $0.0e+00;
	v32 =	vmin.f32 v9, v47;
	v47 =	vld.idx.msk [tilespmem:v18+s17+$0x0], $0xffff  }
0x1af: {  	[tilespmem:v39+s2+$0x0] =	vst.idx.msk vm10, v41;
	vm15 =	vgt.f32 v14, v43;
	v46 =	vmul.f32 v46, v61;
	v60 =	vld.idx.msk [tilespmem:v18+s18+$0x0], $0xffff  }
0x1b0: {  	v36 =	vmax.f32 v43, v14;
	v48 =	vadd.s32 v23, v48;
	v61 =	vmax.f32 v57, $0.0e+00;
	v62, _, _ =	vpop (xrf0);
	v59 =	vld.idx.msk [tilespmem:v18+s19+$0x0], $0xffff  }
0x1b1: {  	v56 =	vsub.f32 v56, v46;
	v55 =	vsub.f32 v32, v55;
	v32 =	vadd.s32 v62, v23;
	v23 =	vld [tilespmem:s3+$0x90]  }
0x1b2: {  	v54 =	vadd.f32 v54, v11;
	v50 =	vmin.f32 v9, v50;
	v49 =	vmax.f32 v7, v49;
	v57 =	vld.idx.msk [tilespmem:v18+s20+$0x0], $0xffff  }
0x1b3: {  	[tilespmem:v39+s21+$0x0] =	vst.idx.msk vm10, v15;
	v49 =	vsub.f32 v50, v49;
	v56 =	vmax.f32 v56, $9.999999930e-09;
	v63 =	vmax.f32 v55, $0.0e+00;
	v58 =	vld.idx.msk [tilespmem:v16+s16+$0x0], $0xffff  }
0x1b4: {  	v43 =	vld.idx.msk [tilespmem:v16+s17+$0x0], $0xffff;
	v55 =	vmul.f32 v61, v63;
	v63 =	vmin.f32 v10, v52;
	v61 =	vmax.f32 v8, v53  }
0x1b5: {  	[tilespmem:v38+s2+$0x0] =	vst.idx.msk vm8, v37;
	(erf) = vrcp.f32 v56;
	v56 =	vld.idx.msk [tilespmem:v16+s20+$0x0], $0xffff;
	v50 =	vsub.f32 v63, v61  }
0x1b6: {  	v12 =	vmax.f32 v49, $0.0e+00;
	v53 =	vld.idx.msk [tilespmem:v16+s19+$0x0], $0xffff;
	v62, _, _ =	vpop (xrf0);
	v42 =	vadd.f32 v42, v11;
	v14 =	vsub.f32 v54, v55  }
0x1b7: {  	v54 =	vld.idx.msk [tilespmem:v16+s18+$0x0], $0xffff;
	v28 =	vadd.s32 v62, v48;
	v63 =	vmin.f32 v9, v60;
	v51 =	vmax.f32 v7, v51  }
0x1b8: {  	[tilespmem:v38+s21+$0x0] =	vst.idx.msk vm8, v17;
	v47 =	vmax.f32 v8, v47;
	v60 =	vmax.f32 v50, $0.0e+00;
	v62 =	vmax.f32 v14, $9.999999930e-09;
	v14 =	vld [tilespmem:s3+$0xA0]  }
0x1b9: {  	v61 =	vsub.f32 v63, v51;
	v33 =	vmul.f32 v60, v12;
	v12 =	vmin.f32 v10, v59;
	v50 =	vld.idx.msk [tilespmem:v23+s16+$0x0], $0xffff  }
0x1ba: {  	v59 =	vmax.f32 v7, v58;
	v43 =	vmax.f32 v8, v43;
	(erf) = vrcp.f32 v62;
	v51 =	vld.idx.msk [tilespmem:v23+s17+$0x0], $0xffff  }
0x1bb: {  	[tilespmem:v30+s2+$0x0] =	vst.idx.msk vm1, v35;
	v62 =	vmax.f32 v61, $0.0e+00;
	v47 =	vsub.f32 v12, v47;
	v12 =	vld [tilespmem:s3+$0xB0];
	v53 =	vmin.f32 v10, v53  }
0x1bc: {  	v52 =	vld.idx.msk [tilespmem:v23+s19+$0x0], $0xffff;
	v61 =	vadd.f32 v57, v11;
	v43 =	vsub.f32 v53, v43;
	v63 =	vmin.f32 v9, v54  }
0x1bd: {  	v57 =	vld.idx.msk [tilespmem:v23+s20+$0x0], $0xffff;
	v42 =	vsub.f32 v42, v33;
	v47 =	vmax.f32 v47, $0.0e+00;
	v49 =	vsub.f32 v63, v59  }
0x1be: {  	v54 =	vld.idx.msk [tilespmem:v23+s18+$0x0], $0xffff;
	v60 =	vpop (erf);
	v44 =	vmul.f32 v47, v62;
	v43 =	vmax.f32 v43, $0.0e+00;
	v63 =	vadd.f32 v56, v11  }
0x1bf: {  	[tilespmem:v30+s21+$0x0] =	vst.idx.msk vm1, v20;
	v20 =	vld [tilespmem:s0+$0x30];
	v42 =	vmax.f32 v42, $9.999999930e-09;
	v13 =	vmul.f32 v60, v46;
	v60 =	vmpcnt.ones.xlane vm13  }
0x1c0: {  	(erf) = vrcp.f32 v42;
	v62 =	vmax.f32 v49, $0.0e+00;
	v47 =	vsub.f32 v61, v44;
	v46 =	vld.idx.msk [tilespmem:v14+s16+$0x0], $0xffff  }
0x1c1: {  	v50 =	vmax.f32 v7, v50;
	v52 =	vmin.f32 v10, v52;
	v51 =	vmax.f32 v8, v51;
	v45 =	vld.idx.msk [tilespmem:v14+s17+$0x0], $0xffff  }
0x1c2: {  	v57 =	vadd.f32 v57, v11;
	v43 =	vmul.f32 v43, v62;
	v51 =	vsub.f32 v52, v51;
	v59 =	vld.idx.msk [tilespmem:v14+s18+$0x0], $0xffff  }
0x1c3: {  	v17 =	vadd.s32 v48, v60;
	vm2 =	vlt.f32 v13, $4.499999880e-01;
	v58 =	vmin.f32 v9, v54;
	v53 =	vld.idx.msk [tilespmem:v14+s19+$0x0], $0xffff  }
0x1c4: {  	v15 =	vmax.f32 v47, $9.999999930e-09;
	v50 =	vsub.f32 v58, v50;
	v52 =	vld.idx.msk [tilespmem:v12+s16+$0x0], $0xffff;
	v61 =	vsub.f32 v63, v43  }
0x1c5: {  	v48 =	vmpcnt.ones.xlane vm3;
	v42 =	vld.idx.msk [tilespmem:v12+s17+$0x0], $0xffff;
	(erf) = vrcp.f32 v15;
	v62 =	vmax.f32 v51, $0.0e+00;
	v56 =	vpop (erf)  }
0x1c6: {  	v63 =	vld.idx.msk [tilespmem:v12+s18+$0x0], $0xffff;
	v15 =	vmax.f32 v50, $0.0e+00;
	v39 =	vmax.f32 v61, $9.999999930e-09;
	v38 =	vmul.f32 v56, v55  }
0x1c7: {  	v58 =	vld.idx.msk [tilespmem:v12+s19+$0x0], $0xffff;
	v55 =	vsel vm3, $0x1, v1;
	v50 =	vnsel vm3, $0xCE6E6B28, v20;
	v15 =	vmul.f32 v62, v15  }
0x1c8: {  	(erf) = vrcp.f32 v39;
	v39 =	vsel vm12, v30, v40;
	v62 =	vld.idx.msk [tilespmem:v14+s20+$0x0], $0xffff;
	v59 =	vmin.f32 v9, v59  }
0x1c9: {  	v60 =	vmax.f32 v7, v46;
	v61 =	vmin.f32 v10, v53;
	v45 =	vmax.f32 v8, v45  }
0x1ca: {  	vm1 =	vlt.f32 v38, $4.499999880e-01;
	v40 =	vsub.f32 v59, v60;
	v45 =	vsub.f32 v61, v45  }
0x1cb: {  	v56 =	vld.idx.msk [tilespmem:v12+s20+$0x0], $0xffff;
	v37 =	vsub.f32 v57, v15;
	v63 =	vmin.f32 v9, v63;
	v53 =	vmax.f32 v7, v52  }
0x1cc: {  	v54 =	vmin.f32 v10, v58;
	v40 =	vmax.f32 v40, $0.0e+00;
	v45 =	vmax.f32 v45, $0.0e+00  }
0x1cd: {  	v47 =	vld [tilespmem:s0+$0x20];
	(xrf0) =	vadd.scan.msk.s32 $0xffff, v55;
	v42 =	vmax.f32 v8, v42;
	v13 =	vmul.f32 v45, v40;
	v57 =	vadd.f32 v62, v11  }
0x1ce: {  	v60 =	vsel vm14, v29, v39;
	v46 =	vsub.f32 v63, v53;
	v42 =	vsub.f32 v54, v42  }
0x1cf: {  	v61 =	vsel vm2, $0x1, v1;
	v37 =	vmax.f32 v37, $9.999999930e-09;
	v30 =	vsub.f32 v57, v13  }
0x1d0: {  	[tilespmem:v29+s2+$0x0] =	vst.idx.msk vm6, v34;
	v63 =	vadd.f32 v56, v11;
	v58 =	vmax.f32 v46, $0.0e+00;
	v59 =	vmax.f32 v42, $0.0e+00  }
0x1d1: {  	(xrf0) =	vadd.scan.msk.s32 $0xffff, v61;
	(erf) = vrcp.f32 v37;
	v35 =	vmul.f32 v59, v58;
	v40 =	vmax.f32 v30, $9.999999930e-09  }
0x1d2: {  	[tilespmem:v29+s21+$0x0] =	vst.idx.msk vm6, v22;
	v62 =	vnsel vm13, $0xCE6E6B28, v47;
	v45 =	vsel vm1, $0x1, v1;
	v42 =	vpop (erf);
	(erf) = vrcp.f32 v40  }
0x1d3: {  	v34 =	vsel vm15, v32, v60;
	vm10 =	vgt.f32 v62, v36;
	v38, _, _ =	vpop (xrf0);
	(xrf0) =	vadd.scan.msk.s32 $0xffff, v45;
	v41 =	vsub.f32 v63, v35  }
0x1d4: {  	v52 =	vld [tilespmem:s0+$0x40];
	v36 =	vmax.f32 v36, v62;
	v22 =	vadd.s32 v17, v38;
	v46 =	vmul.f32 v42, v33  }
0x1d5: {  	[tilespmem:v32+s2+$0x0] =	vst.idx.msk vm11, v31;
	v49 =	vsel vm10, v28, v34;
	v17 =	vadd.s32 v17, v48;
	v51 =	vpop (erf);
	v30 =	vmax.f32 v41, $9.999999930e-09  }
0x1d6: {  	[tilespmem:v32+s21+$0x0] =	vst.idx.msk vm11, v24;
	v55 =	vmul.f32 v51, v44;
	vm5 =	vlt.f32 v46, $4.499999880e-01;
	(erf) = vrcp.f32 v30  }
0x1d7: {  	[tilespmem:v28+s2+$0x0] =	vst.idx.msk vm13, v47;
	vm11 =	vgt.f32 v50, v36;
	v57 =	vmpcnt.ones.xlane vm2;
	v53, _, _ =	vpop (xrf0);
	v59 =	vsel vm5, $0x1, v1  }
0x1d8: {  	v58 =	vmax.f32 v36, v50;
	v54 =	vpop (erf);
	v56 =	vadd.s32 v17, v53;
	vm4 =	vlt.f32 v55, $4.499999880e-01;
	(xrf0) =	vadd.scan.msk.s32 $0xffff, v59  }
0x1d9: {  	[tilespmem:v28+s21+$0x0] =	vst.idx.msk vm13, v25;
	v37 =	vnsel vm2, $0xCE6E6B28, v52;
	v29 =	vmul.f32 v54, v43;
	v62, _, _ =	vpop (xrf0);
	v36 =	vsel vm4, $0x1, v1  }
0x1da: {  	v24 =	vsel vm11, v22, v49;
	v17 =	vadd.s32 v17, v57;
	[tilespmem:v22+s2+$0x0] =	vst.idx.msk vm3, v20;
	(xrf0) =	vadd.scan.msk.s32 $0xffff, v36;
	v60 =	vpop (erf)  }
0x1db: {  	v61 =	vld [tilespmem:s0+$0x50];
	v40 =	vmpcnt.ones.xlane vm1;
	[tilespmem:v22+s21+$0x0] =	vst.idx.msk vm3, v27;
	vm3 =	vlt.f32 v29, $4.499999880e-01;
	v15 =	vmul.f32 v60, v15;
	v39 =	vpop (erf)  }
0x1dc: {  	v38 =	vld [tilespmem:s0+$0x70];
	v22 =	vadd.s32 v62, v17;
	v41 =	vsel vm3, $0x1, v1;
	v13 =	vmul.f32 v39, v13  }
0x1dd: {  	v63 =	vld [tilespmem:s0+$0x60];
	[tilespmem:v56+s2+$0x0] =	vst.idx.msk vm2, v52;
	vm13 =	vlt.f32 v15, $4.499999880e-01;
	v15 =	vadd.s32 v17, v40;
	v17 =	vmpcnt.ones.xlane vm5  }
0x1de: {  	(xrf0) =	vadd.scan.msk.s32 $0xffff, v41;
	[tilespmem:v56+s21+$0x0] =	vst.idx.msk vm2, v26;
	v42 =	vsel vm13, $0x1, v1;
	v44, _, _ =	vpop (xrf0);
	vm2 =	vlt.f32 v13, $4.499999880e-01  }
0x1df: {  	(xrf0) =	vadd.scan.msk.s32 $0xffff, v42;
	v46 =	vadd.s32 v44, v15;
	v15 =	vadd.s32 v15, v17;
	v43 =	vpop (erf);
	v17 =	vsel vm2, $0x1, v1  }
0x1e0: {  	vm12 =	vgt.f32 v37, v58;
	v47, _, _ =	vpop (xrf0);
	v45 =	vmul.f32 v43, v35;
	(xrf0) =	vadd.scan.msk.s32 $0xffff, v17;
	v17 =	vmpcnt.ones.xlane vm4  }
0x1e1: {  	v24 =	vsel vm12, v56, v24;
	v20 =	vmax.f32 v58, v37  }
0x1e2: {  	v50 =	vnsel vm5, $0xCE6E6B28, v63;
	v51 =	vmpcnt.ones.xlane vm3;
	[tilespmem:v22+s2+$0x0] =	vst.idx.msk vm1, v61;
	vm15 =	vlt.f32 v45, $4.499999880e-01  }
0x1e3: {  	[tilespmem:v22+s21+$0x0] =	vst.idx.msk vm1, v21;
	v48 =	vadd.s32 v15, v47;
	v13 =	vnsel vm1, $0xCE6E6B28, v61;
	v49 =	vsel vm15, $0x1, v1  }
0x1e4: {  	vm14 =	vgt.f32 v13, v20;
	v13 =	vmax.f32 v20, v13;
	v15 =	vadd.s32 v15, v17;
	v17, _, _ =	vpop (xrf0);
	(xrf0) =	vadd.scan.msk.s32 $0xffff, v49  }
0x1e5: {  	v52 =	vld [tilespmem:s0+$0x80];
	v22 =	vsel vm14, v22, v24;
	vm1 =	vgt.f32 v50, v13;
	v17 =	vadd.s32 v15, v17  }
0x1e6: {  	v54 =	vmpcnt.ones.xlane vm13;
	[tilespmem:v46+s2+$0x0] =	vst.idx.msk vm5, v63;
	v13 =	vmax.f32 v13, v50;
	v53, _, _ =	vpop (xrf0);
	v15 =	vadd.s32 v15, v51  }
0x1e7: {  	v55 =	vnsel vm4, $0xCE6E6B28, v38;
	v56 =	vld [tilespmem:s0+$0x90];
	[tilespmem:v46+s21+$0x0] =	vst.idx.msk vm5, v19;
	v19 =	vsel vm1, v46, v22;
	v57 =	vadd.s32 v53, v15  }
0x1e8: {  	v59 =	vld [tilespmem:s0+$0xA0];
	v60 =	vmpcnt.ones.xlane vm2;
	vm1 =	vgt.f32 v55, v13;
	[tilespmem:v48+s2+$0x0] =	vst.idx.msk vm4, v38;
	v58, _, _ =	vpop (xrf0);
	v15 =	vadd.s32 v15, v54  }
0x1e9: {  	v13 =	vmax.f32 v13, v55;
	[tilespmem:v48+s21+$0x0] =	vst.idx.msk vm4, v18;
	v61 =	vadd.s32 v58, v15  }
0x1ea: {  	v24 =	vnsel vm3, $0xCE6E6B28, v52;
	v18 =	vsel vm1, v48, v19;
	v19 =	vld [tilespmem:s0+$0xB0];
	v15 =	vadd.s32 v15, v60;
	v62, _, _ =	vpop (xrf0);
	[tilespmem:v17+s2+$0x0] =	vst.idx.msk vm3, v52  }
0x1eb: {  	s1 =	sadd.s32 $0x6, s1;
	vm1 =	vgt.f32 v24, v13;
	[tilespmem:v17+s21+$0x0] =	vst.idx.msk vm3, v16;
	v16 =	vadd.s32 v15, v62  }
0x1ec: {  	p0 =	slt.s32 s1, s31;
	v13 =	vmax.f32 v13, v24;
	v17 =	vsel vm1, v17, v18;
	v18 =	vnsel vm13, $0xCE6E6B28, v56;
	[tilespmem:v57+s2+$0x0] =	vst.idx.msk vm13, v56  }
.Ltmp7:
0x1ed: {  	vm1 =	vgt.f32 v18, v13;
	v13 =	vmax.f32 v13, v18;
	v18 =	vnsel vm2, $0xCE6E6B28, v59;
	[tilespmem:v57+s21+$0x0] =	vst.idx.msk vm13, v23;
	(pc) =	sbr.rel @p0 .LBB2_14-.Ltmp7, $4  }
0x1ee: {  	v63 =	vmpcnt.ones.xlane vm15;
	v17 =	vsel vm1, v57, v17;
	vm1 =	vgt.f32 v18, v13;
	[tilespmem:v61+s2+$0x0] =	vst.idx.msk vm2, v59  }
0x1ef: {  	v13 =	vmax.f32 v13, v18;
	[tilespmem:v61+s21+$0x0] =	vst.idx.msk vm2, v14;
	v14 =	vsel vm1, v61, v17;
	v17 =	vnsel vm15, $0xCE6E6B28, v19  }
0x1f0: {  	v18 =	vadd.s32 v63, v15;
	[tilespmem:v16+s2+$0x0] =	vst.idx.msk vm15, v19;
	vm1 =	vgt.f32 v17, v13  }
0x1f1: {  	s3 =	sadd.s32 $0x180, s3;
	s0 =	sadd.s32 $0x180, s0;
	v15 =	vmax.f32 v13, v17;
	v13 =	vadd.s32 $0x1, v18;
	[tilespmem:v16+s21+$0x0] =	vst.idx.msk vm15, v12;
	v17 =	vsel vm1, v16, v14  }
.Ltmp8:
0x1f2: {  	_ = 	snop;
	(pc) =	sbr.rel .LBB2_7-.Ltmp8, $1  }
0x1f3: {  	_ =	sdelay $0x3  }
.LBB2_6:
0x1f4: {  	v13 =	vimm.s32 $0x0;
	v17 =	vimm.s32 $0x0  }
.LBB2_7:
0x1f5: {  	s0 =	ssub.s32 s30, s31  }
0x1f6: {  	p0 =	slt.s32 s0, $0x1  }
.Ltmp9:
0x1f7: {  	_ = 	snop;
	(pc) =	sbr.rel @p0 .LBB2_10-.Ltmp9, $1  }
0x1f8: {  	_ =	sdelay $0x3  }
0x1f9: {  	s0 =	sshll.u32 s31, $0x8  }
0x1fa: {  	s1 =	sshra.s32 s0, $0x2  }
0x1fb: {  	s0 =	sadd.s32 $0x1420, s1;
	s1 =	sor.u32 $0x20, s1  }
.LBB2_9:
0x1fc: {  	v14 =	vld [tilespmem:s0+$0xFFFFFFE0];
	_ =	sdelay $0x4  }
0x1fd: {  	v16 =	vld [tilespmem:s0+$0xFFFFFFF0]  }
0x1fe: {  	v22 =	vld [tilespmem:s0+$0x0]  }
0x1ff: {  	v12 =	vld [tilespmem:s0+$0x10]  }
0x200: {  	v18 =	vld.idx.msk [tilespmem:v14+s16+$0x0], $0xffff  }
0x201: {  	v19 =	vld.idx.msk [tilespmem:v14+s17+$0x0], $0xffff  }
0x202: {  	v20 =	vld.idx.msk [tilespmem:v14+s18+$0x0], $0xffff  }
0x203: {  	v21 =	vld.idx.msk [tilespmem:v14+s19+$0x0], $0xffff  }
0x204: {  	v23 =	vld.idx.msk [tilespmem:v14+s20+$0x0], $0xffff  }
0x205: {  	v24 =	vld.idx.msk [tilespmem:v16+s16+$0x0], $0xffff  }
0x206: {  	v25 =	vld.idx.msk [tilespmem:v16+s17+$0x0], $0xffff  }
0x207: {  	v26 =	vld.idx.msk [tilespmem:v16+s18+$0x0], $0xffff  }
0x208: {  	v27 =	vld.idx.msk [tilespmem:v16+s19+$0x0], $0xffff  }
0x209: {  	v28 =	vld.idx.msk [tilespmem:v16+s20+$0x0], $0xffff  }
0x20a: {  	v39 =	vld.idx.msk [tilespmem:v22+s18+$0x0], $0xffff  }
0x20b: {  	v30 =	vld.idx.msk [tilespmem:v22+s19+$0x0], $0xffff  }
0x20c: {  	v45 =	vld.idx.msk [tilespmem:v22+s20+$0x0], $0xffff  }
0x20d: {  	v29 =	vld.idx.msk [tilespmem:v22+s17+$0x0], $0xffff;
	v20 =	vmin.f32 v9, v20  }
0x20e: {  	v37 =	vld.idx.msk [tilespmem:v22+s16+$0x0], $0xffff;
	v18 =	vmax.f32 v7, v18;
	v21 =	vmin.f32 v10, v21;
	v19 =	vmax.f32 v8, v19  }
0x20f: {  	v43 =	vld.idx.msk [tilespmem:v12+s18+$0x0], $0xffff;
	v38 =	vmin.f32 v9, v26;
	v24 =	vmax.f32 v7, v24;
	v27 =	vmin.f32 v10, v27  }
0x210: {  	v41 =	vld.idx.msk [tilespmem:v12+s16+$0x0], $0xffff;
	v25 =	vmax.f32 v8, v25;
	v28 =	vadd.f32 v28, v11;
	v26 =	vmin.f32 v9, v39  }
0x211: {  	v30 =	vmin.f32 v10, v30;
	v47 =	vadd.f32 v45, v11;
	v18 =	vsub.f32 v20, v18  }
0x212: {  	v42 =	vld.idx.msk [tilespmem:v12+s17+$0x0], $0xffff;
	v29 =	vmax.f32 v8, v29;
	v19 =	vsub.f32 v21, v19;
	v21 =	vsub.f32 v38, v24  }
0x213: {  	v44 =	vld.idx.msk [tilespmem:v12+s19+$0x0], $0xffff;
	v40 =	vsub.f32 v27, v25;
	v20 =	vmax.f32 v7, v37;
	v29 =	vsub.f32 v30, v29  }
0x214: {  	v27 =	vmin.f32 v9, v43;
	v18 =	vmax.f32 v18, $0.0e+00;
	v19 =	vmax.f32 v19, $0.0e+00  }
0x215: {  	v25 =	vmax.f32 v7, v41;
	v18 =	vmul.f32 v19, v18;
	v19 =	vadd.f32 v23, v11  }
0x216: {  	v46 =	vld.idx.msk [tilespmem:v12+s20+$0x0], $0xffff;
	v20 =	vsub.f32 v26, v20;
	v25 =	vsub.f32 v27, v25;
	v21 =	vmax.f32 v21, $0.0e+00  }
0x217: {  	v24 =	vmax.f32 v40, $0.0e+00;
	v29 =	vmax.f32 v29, $0.0e+00;
	v19 =	vsub.f32 v19, v18  }
0x218: {  	v21 =	vmul.f32 v24, v21;
	v24 =	vmin.f32 v10, v44;
	v23 =	vmax.f32 v8, v42  }
0x219: {  	v20 =	vmax.f32 v20, $0.0e+00;
	v23 =	vsub.f32 v24, v23;
	v19 =	vmax.f32 v19, $9.999999930e-09  }
0x21a: {  	v28 =	vsub.f32 v28, v21;
	(erf) = vrcp.f32 v19;
	v19 =	vmul.f32 v29, v20  }
0x21b: {  	v49 =	vadd.f32 v46, v11;
	v25 =	vmax.f32 v25, $0.0e+00;
	v23 =	vmax.f32 v23, $0.0e+00  }
0x21c: {  	v48 =	vmax.f32 v28, $9.999999930e-09;
	v23 =	vmul.f32 v23, v25;
	v20 =	vsub.f32 v47, v19  }
0x21d: {  	(erf) = vrcp.f32 v48  }
0x21e: {  	v50 =	vsub.f32 v49, v23;
	v20 =	vmax.f32 v20, $9.999999930e-09  }
0x21f: {  	(erf) = vrcp.f32 v20  }
0x220: {  	v51 =	vmax.f32 v50, $9.999999930e-09  }
0x221: {  	(erf) = vrcp.f32 v51;
	_ =	sdelay $0x2  }
0x222: {  	v52 =	vpop (erf)  }
0x223: {  	v18 =	vmul.f32 v52, v18  }
0x224: {  	v53 =	vpop (erf)  }
0x225: {  	vm4 =	vlt.f32 v18, $4.499999880e-01;
	v18 =	vmul.f32 v53, v21  }
0x226: {  	v55 =	vsel vm4, $0x1, v1;
	v54 =	vpop (erf)  }
0x227: {  	(xrf0) =	vadd.scan.msk.s32 $0xffff, v55;
	vm3 =	vlt.f32 v18, $4.499999880e-01;
	v18 =	vmul.f32 v54, v19  }
0x228: {  	v19 =	vsel vm3, $0x1, v1;
	v56 =	vpop (erf)  }
0x229: {  	(xrf0) =	vadd.scan.msk.s32 $0xffff, v19;
	vm2 =	vlt.f32 v18, $4.499999880e-01;
	v18 =	vmul.f32 v56, v23  }
0x22a: {  	v19 =	vsel vm2, $0x1, v1  }
0x22b: {  	(xrf0) =	vadd.scan.msk.s32 $0xffff, v19;
	vm1 =	vlt.f32 v18, $4.499999880e-01  }
0x22c: {  	v18 =	vsel vm1, $0x1, v1  }
0x22d: {  	v13 =	vadd.s32 $0xFFFFFFFF, v13;
	v19, _, _ =	vpop (xrf0);
	(xrf0) =	vadd.scan.msk.s32 $0xffff, v18;
	v18 =	vmpcnt.ones.xlane vm4  }
0x22e: {  	v57 =	vld [tilespmem:s1+$0xFFFFFFE0];
	v19 =	vadd.s32 v13, v19  }
0x22f: {  	v58, _, _ =	vpop (xrf0);
	v13 =	vadd.s32 v13, v18;
	v18 =	vmpcnt.ones.xlane vm3  }
0x230: {  	v59 =	vld [tilespmem:s1+$0xFFFFFFF0];
	v21 =	vadd.s32 v58, v13  }
0x231: {  	v61 =	vld [tilespmem:s1+$0x0];
	v60, _, _ =	vpop (xrf0);
	v13 =	vadd.s32 v13, v18;
	v18 =	vmpcnt.ones.xlane vm2  }
0x232: {  	v24 =	vadd.s32 v60, v13  }
0x233: {  	v62 =	vld [tilespmem:s1+$0x10];
	v20 =	vnsel vm4, $0xCE6E6B28, v57;
	v63, _, _ =	vpop (xrf0);
	[tilespmem:v19+s2+$0x0] =	vst.idx.msk vm4, v57;
	v13 =	vadd.s32 v13, v18  }
0x234: {  	s31 =	sadd.s32 $0x1, s31;
	vm15 =	vgt.f32 v20, v15;
	[tilespmem:v19+s21+$0x0] =	vst.idx.msk vm4, v14;
	v14 =	vadd.s32 v13, v63  }
0x235: {  	p0 =	slt.s32 s31, s30;
	v15 =	vmax.f32 v15, v20;
	v17 =	vsel vm15, v19, v17;
	v18 =	vnsel vm3, $0xCE6E6B28, v59;
	[tilespmem:v21+s2+$0x0] =	vst.idx.msk vm3, v59  }
.Ltmp10:
0x236: {  	[tilespmem:v21+s21+$0x0] =	vst.idx.msk vm3, v16;
	vm3 =	vgt.f32 v18, v15;
	v15 =	vmax.f32 v15, v18;
	v16 =	vnsel vm2, $0xCE6E6B28, v61;
	(pc) =	sbr.rel @p0 .LBB2_9-.Ltmp10, $4  }
0x237: {  	v18 =	vmpcnt.ones.xlane vm1;
	v17 =	vsel vm3, v21, v17;
	[tilespmem:v24+s2+$0x0] =	vst.idx.msk vm2, v61;
	vm3 =	vgt.f32 v16, v15  }
0x238: {  	v15 =	vmax.f32 v15, v16;
	[tilespmem:v24+s21+$0x0] =	vst.idx.msk vm2, v22;
	v16 =	vsel vm3, v24, v17;
	v17 =	vnsel vm1, $0xCE6E6B28, v62  }
0x239: {  	v13 =	vadd.s32 v18, v13;
	[tilespmem:v14+s2+$0x0] =	vst.idx.msk vm1, v62;
	vm2 =	vgt.f32 v17, v15  }
0x23a: {  	s0 =	sadd.s32 $0x40, s0;
	s1 =	sadd.s32 $0x40, s1;
	v15 =	vmax.f32 v15, v17;
	v13 =	vadd.s32 $0x1, v13;
	[tilespmem:v14+s21+$0x0] =	vst.idx.msk vm1, v12;
	v17 =	vsel vm2, v14, v16  }
.Ltmp11:
0x23b: {  	_ = 	snop;
	(pc) =	sbr.rel .LBB2_10-.Ltmp11, $1  }
0x23c: {  	_ =	sdelay $0x3  }
.LBB2_12:
0x23d: {  	_ =	sfence.sel $0x180000  }
0x23e: {  	[bflag:$0x0] =	sbarrier.arrive $0xFFFF  }
0x23f: {  	_ =	strace $0x90000047  }
0x240: {  	s0 =	stileid.u32;
	[bflag:$0x2] =	sbarrier.arrive $0xFFFF  }
0x241: {  	p0 =	sne.s32 s0, $0x0;
	s0 =	rddreg [dreg:$0x1]  }
0x242: {  	s0 =	sadd.s32 @!p0 $0x100000, s0  }
0x243: {  	[sflag:s0] =	ssyncadd.tile.s32 @!p0 $0x1;
	_ =	shalt  }
.Lfunc_end2:
_tile_overlayer_lowered:
.L_overlay_start_2:
0x244: {  	(tag) =	ssettag $0x2  }
0x245: {  	s0 =	rddreg [dreg:$0x0];
	s2 =	stileid.u32  }
0x246: {  	s1 =	rddreg [dreg:$0x1];
	p0 =	sne.s32 s2, $0x0  }
0x247: {  	s3 =	rddreg [dreg:$0x2];
	[bflag:$0x3] =	sbarrier.arrive $0xFFFF;
	s2 =	simm.s32 @!p0 $0x1C01  }
0x248: {  	[timem:s3], [sflag:s2] =	dma.local @!p0 [hbm:s0], s1  }
0x249: {  	s0 =	simm.s32 @!p0 $0x1  }
0x24a: {  	_ =	swait.ge @!p0 [sflag:s0], s1  }
0x24b: {  	s1 =	ssub.s32 @!p0 $0x0, s1;
	[sflag:s0] =	ssyncset.done @!p0 $0x0  }
0x24c: {  	[sflag:s0] =	ssyncadd.s32 @!p0 s1  }
0x24d: {  	[bflag:$0x3] =	sbarrier.arrive $0xFFFF  }
0x24e: {  	_ =	shalt  }

// kernel: kernel.9.cloned.1.call-start
scs
__scs_entry_jumppad:
0x0: {  	(pc) =	sbr.rel $0x88, $3  }
0x1: {  	(tag) =	ssettag $0x0;
	lr =	simm.s32 $0x1  }
0x2: {  	[smem:$0x3FA0] =	sst lr;
	_ =	strace $0xD0000000  }
0x3: {  	_ = 	snop  }
0x4: {  	_ = 	snop  }
0x5: {  	_ = 	snop  }
0x6: {  	_ = 	snop  }
0x7: {  	_ = 	snop  }
__scs_overlays_trampoline_lowered:
0x8: {  	[smem:$0x3FAF] =	sst s0  }
0x9: {  	[smem:$0x3FB0] =	sst s1  }
0xa: {  	[smem:$0x3FB1] =	sst s2  }
0xb: {  	[smem:$0x3FB2] =	sst s3  }
0xc: {  	[smem:$0x3FB3] =	sst s4  }
0xd: {  	[smem:$0x3FB4] =	sst s5  }
0xe: {  	[smem:$0x3FB5] =	sst s6  }
0xf: {  	[smem:$0x3FB6] =	sst s7  }
0x10: {  	[smem:$0x3FB7] =	sst s8  }
0x11: {  	[smem:$0x3FB8] =	sst s9;
	s0 =	simm.s32 @!p0 $0x0  }
0x12: {  	s1 =	sld [smem:$0x3F9E];
	s0 =	simm.s32 @p0 $0x1  }
0x13: {  	[smem:$0x3FB9] =	sst s0;
	s0 =	simm.s32 @!p1 $0x0  }
0x14: {  	s2 =	sld [smem:$0x3F9D];
	s0 =	simm.s32 @p1 $0x1  }
0x15: {  	[smem:$0x3FBA] =	sst s0;
	s0 =	simm.s32 @!p2 $0x0  }
0x16: {  	s3 =	sld [smem:$0x3FDB];
	s0 =	simm.s32 @p2 $0x1  }
0x17: {  	s4 =	simm.s32 $0x1BF5;
	[smem:$0x3FBC] =	sst s0  }
0x18: {  	s0 =	sld [smem:$0x3F9F];
	_ =	swait.ge [sflag:s4], $0x0  }
0x19: {  	s7 =	sld [smem:$0x3FA0]  }
0x1a: {  	s8 =	sadd.s32 $0xFFFFE003, lr  }
0x1b: {  	s9 =	sadd.s32 $0xFFFFFEF7, lr;
	s5 =	simm.s32 $0xFFFFFFFF;
	p2 =	slt.u32 s8, $0xFFFFF086  }
0x1c: {  	p1 =	slt.u32 s9, $0xF7A;
	s5 =	simm.s32 @!p2 $0x0  }
0x1d: {  	s5 =	simm.s32 @p1 $0x1;
	p0 =	seq.s32 s7, s2  }
0x1e: {  	s7 =	smul.u32 @!p0 $0xF7A, s2;
	p2 =	seq.s32 @!p0 s5, $0x0  }
0x1f: {  	s9 =	smul.u32 $0xF7A, s1;
	s8 =	simm.s32 @!p0 $0x1BF5;
	p2 =	por !p2, p0  }
0x20: {  	[sflag:s8] =	ssyncset.s32 @!p0 $0xFFFFF086;
	s6 =	sadd.s32 @!p0 s3, s7;
	s7 =	simm.s32 @!p0 $0x108  }
0x21: {  	s3 =	sadd.s32 s3, s9;
	s6 =	sadd.s32 @!p0 $0x88, s6;
	s7 =	simm.s32 @p2 $0x1082  }
0x22: {  	[simem:s7], [sflag:s8] =	dma.local @!p0 [hbm:s6], $0xF7A  }
0x23: {  	s9 =	sor.u32 $0xD0000000, s2;
	s6 =	simm.s32 $0x108;
	_ =	swait.ge @!p0 [sflag:s8], $0x0  }
0x24: {  	s3 =	sadd.s32 $0x88, s3;
	s6 =	simm.s32 @!p1 $0x1082;
	[sflag:s4] =	ssyncset.s32 $0xFFFFF086  }
0x25: {  	[simem:s6], [sflag:s4] =	dma.local [hbm:s3], $0xF7A  }
0x26: {  	[smem:$0x3FA0] =	sst s1;
	(tag) =	ssettag s2;
	_ =	strace s9  }
0x27: {  	s1 =	sld [smem:$0x3FB0]  }
0x28: {  	s2 =	sld [smem:$0x3FB1]  }
0x29: {  	s4 =	sld [smem:$0x3FB3]  }
0x2a: {  	p0 =	seq.s32 s5, $0x0;
	s5 =	sld [smem:$0x3FB4]  }
0x2b: {  	s6 =	sld [smem:$0x3FB5]  }
0x2c: {  	s7 =	sld [smem:$0x3FB6]  }
0x2d: {  	s3 =	simm.s32 $0x108;
	s8 =	sld [smem:$0x3FB7]  }
0x2e: {  	s3 =	simm.s32 @!p0 $0x1082;
	s9 =	sld [smem:$0x3FB8]  }
0x2f: {  	lr =	sadd.s32 s0, s3;
	s0 =	sld [smem:$0x3FAF]  }
0x30: {  	s3 =	sld [smem:$0x3FB2]  }
0x31: {  	[smem:$0x3FBB] =	sst s10  }
0x32: {  	s10 =	sld [smem:$0x3FB9];
	_ =	sdelay $0x3  }
0x33: {  	p0 =	seq.s32 s10, $0x1;
	s10 =	sld [smem:$0x3FBB];
	_ =	sdelay $0x3  }
0x34: {  	[smem:$0x3FBB] =	sst s10  }
0x35: {  	s10 =	sld [smem:$0x3FBA];
	_ =	sdelay $0x3  }
0x36: {  	p1 =	seq.s32 s10, $0x1;
	s10 =	sld [smem:$0x3FBB];
	_ =	sdelay $0x3  }
0x37: {  	[smem:$0x3FBB] =	sst s10  }
0x38: {  	s10 =	sld [smem:$0x3FBC]  }
0x39: {  	_ = 	snop;
	(pc) =	sbr.ind lr, $3  }
0x3a: {  	_ = 	snop  }
0x3b: {  	_ = 	snop  }
0x3c: {  	p2 =	seq.s32 s10, $0x1;
	s10 =	sld [smem:$0x3FBB]  }
0x3d: {  	_ =	shalt  }
0x3e: {  	_ =	shalt  }
0x3f: {  	_ =	shalt  }
0x40: {  	_ =	shalt  }
0x41: {  	_ =	shalt  }
0x42: {  	_ =	shalt  }
0x43: {  	_ =	shalt  }
0x44: {  	_ =	shalt  }
0x45: {  	_ =	shalt  }
0x46: {  	_ =	shalt  }
0x47: {  	_ =	shalt  }
0x48: {  	_ =	shalt  }
0x49: {  	_ =	shalt  }
0x4a: {  	_ =	shalt  }
0x4b: {  	_ =	shalt  }
0x4c: {  	_ =	shalt  }
0x4d: {  	_ =	shalt  }
0x4e: {  	_ =	shalt  }
0x4f: {  	_ =	shalt  }
0x50: {  	_ =	shalt  }
0x51: {  	_ =	shalt  }
0x52: {  	_ =	shalt  }
0x53: {  	_ =	shalt  }
0x54: {  	_ =	shalt  }
0x55: {  	_ =	shalt  }
0x56: {  	_ =	shalt  }
0x57: {  	_ =	shalt  }
0x58: {  	_ =	shalt  }
0x59: {  	_ =	shalt  }
0x5a: {  	_ =	shalt  }
0x5b: {  	_ =	shalt  }
0x5c: {  	_ =	shalt  }
0x5d: {  	_ =	shalt  }
0x5e: {  	_ =	shalt  }
0x5f: {  	_ =	shalt  }
0x60: {  	_ =	shalt  }
0x61: {  	_ =	shalt  }
0x62: {  	_ =	shalt  }
0x63: {  	_ =	shalt  }
0x64: {  	_ =	shalt  }
0x65: {  	_ =	shalt  }
0x66: {  	_ =	shalt  }
0x67: {  	_ =	shalt  }
0x68: {  	_ =	shalt  }
0x69: {  	_ =	shalt  }
0x6a: {  	_ =	shalt  }
0x6b: {  	_ =	shalt  }
0x6c: {  	_ =	shalt  }
0x6d: {  	_ =	shalt  }
0x6e: {  	_ =	shalt  }
0x6f: {  	_ =	shalt  }
0x70: {  	_ =	shalt  }
0x71: {  	_ =	shalt  }
0x72: {  	_ =	shalt  }
0x73: {  	_ =	shalt  }
0x74: {  	_ =	shalt  }
0x75: {  	_ =	shalt  }
0x76: {  	_ =	shalt  }
0x77: {  	_ =	shalt  }
0x78: {  	_ =	shalt  }
0x79: {  	_ =	shalt  }
0x7a: {  	_ =	shalt  }
0x7b: {  	_ =	shalt  }
0x7c: {  	_ =	shalt  }
0x7d: {  	_ =	shalt  }
0x7e: {  	_ =	shalt  }
0x7f: {  	_ =	shalt  }
0x80: {  	_ =	shalt  }
0x81: {  	_ =	shalt  }
0x82: {  	_ =	shalt  }
0x83: {  	_ =	shalt  }
0x84: {  	_ =	shalt  }
0x85: {  	_ =	shalt  }
0x86: {  	_ =	shalt  }
0x87: {  	_ =	shalt  }
.Lfunc_end0:
.L_simem_size_0:
called_computation.1_lowered:
.L_overlay_start_0:
0x88: {  	s2 =	sld [smem:$0x3FD9]  }
0x89: {  	s3 =	sld [smem:$0x3FFE];
	_ =	sdelay $0x1  }
0x8a: {  	s1 =	srdreg.scid  }
0x8b: {  	s0 =	sand.u32 $0x1, s1  }
0x8c: {  	s17 =	sshll.u32 s0, $0xA;
	s2 =	sadd.s32 s3, s2  }
0x8d: {  	s2 =	sadd.s32 s2, s17  }
0x8e: {  	[smem:$0x3FC7] =	sst s2  }
0x8f: {  	_ = 	snop  }
0x90: {  	s2 =	sld [smem:$0x3FD0];
	(tm) =	ssettm $0x1  }
0x91: {  	s18 =	sld [smem:$0x3FFB];
	_ =	sdelay $0x3  }
0x92: {  	_ =	strace s18  }
0x93: {  	s3 =	sld [smem:$0x3FFC];
	_ =	sdelay $0x3  }
0x94: {  	_ =	strace s3  }
0x95: {  	s3 =	sld [smem:$0x3FFD];
	_ =	sdelay $0x3  }
0x96: {  	_ =	strace s3  }
0x97: {  	_ =	strace $0x8FFFFFFF  }
0x98: {  	s19 =	sld [smem:$0x3FDB];
	_ =	sdelay $0x1  }
0x99: {  	s4 =	simm.s32 $_scs_section_size  }
0x9a: {  	s5 =	simm.s32 $_size__tile_overlayer_lowered;
	s6 =	simm.s32 $_tile_overlayer_lowered  }
0x9b: {  	s22 =	simm.s32 $0x1BFF;
	s21 =	sshll.u32 s6, $0x1;
	s3 =	sadd.s32 s4, s19  }
0x9c: {  	s7 =	simm.s32 $0x0;
	s20 =	sshll.u32 s5, $0x1;
	s5 =	sadd.s32 s21, s3  }
0x9d: {  	[timem:s7], [sflag:s22] =	dma.local [hbm:s5], s20  }
0x9e: {  	_ =	swait.ge [sflag:s22], s20  }
0x9f: {  	s4 =	ssub.s32 $0x0, s20;
	[sflag:s22] =	ssyncset.done $0x0  }
0xa0: {  	[sflag:s22] =	ssyncadd.s32 s4;
	_ =	sdelay $0x1  }
0xa1: {  	s23 =	simm.s32 $0x1B8B  }
0xa2: {  	_ =	swait.ge [sflag:s23], $0x1  }
0xa3: {  	[sflag:s23] =	ssyncset.done $0x0  }
0xa4: {  	s25 =	simm.s32 $0x1B8E;
	s24 =	sld [smem:$0x3FFE];
	[sflag:s23] =	ssyncadd.s32 $0xFFFFFFFF  }
0xa5: {  	s26 =	simm.s32 $execute0_lowered;
	[smem:$0x3FD2] =	sst s25  }
0xa6: {  	s5 =	sshll.u32 s26, $0x1;
	_ =	strace $0x80000049;
	[dreg:$0x1] =	wrdreg $0xFFFFFFFF  }
0xa7: {  	s28 =	simm.s32 $_size_execute0_lowered;
	s3 =	sadd.s32 s3, s5;
	[dreg:$0x0] =	wrdreg $0x0  }
0xa8: {  	s5 =	sshll.u32 s28, $0x1;
	[dreg:$0x2] =	wrdreg s3  }
0xa9: {  	[dreg:$0x3] =	wrdreg s5  }
0xaa: {  	[dreg:$0x4] =	wrdreg $0xC0  }
0xab: {  	_ =	task [dreg:s7], $0x5FFFF  }
0xac: {  	[dreg:$0x1] =	wrdreg $0xFFFFFFFF  }
0xad: {  	[dreg:$0x0] =	wrdreg $0x60  }
0xae: {  	[dreg:$0x2] =	wrdreg s24  }
0xaf: {  	[dreg:$0x3] =	wrdreg s2  }
0xb0: {  	[dreg:$0x4] =	wrdreg $0x9  }
0xb1: {  	_ =	task.clear_ibuf [dreg:s7], $0x5FFFF;
	_ =	strace $0x90000049  }
0xb2: {  	s29 =	simm.s32 $0x9;
	_ =	strace $0x8000004B  }
0xb3: {  	_ =	swait.ge [sflag:s29], $0x1  }
0xb4: {  	[sflag:s29] =	ssyncadd.s32 $0xFFFFFFFF  }
0xb5: {  	_ =	strace $0x9000004B  }
0xb6: {  	_ =	sfence  }
0xb7: {  	s30 =	sld [smem:$0x0];
	_ =	sdelay $0x2  }
0xb8: {  	s31 =	sshll.u32 s1, $0xD;
	s1 =	sshrl.u32 s1, $0x2  }
0xb9: {  	s3 =	sand.u32 $0x4000, s31;
	s1 =	sadd.s32 s1, s30  }
0xba: {  	s0 =	sor.u32 s3, s0;
	s1 =	sshll.u32 s1, $0x11  }
0xbb: {  	s0 =	sor.u32 s1, s0  }
0xbc: {  	s0 =	sadd.s32 $0x8F2B, s0  }
0xbd: {  	[sflag:s0] =	ssyncadd.remote.s32 $0x1  }
0xbe: {  	_ =	sfence.sel $0xFFFF  }
0xbf: {  	[dreg:$0x0] =	wrdreg $0xFFFFFFFF;
	(pc) =	sbr.abs _section_cstart, $3  }
0xc0: {  	[dreg:$0x1] =	wrdreg $0xFFFFFFFF  }
0xc1: {  	_ =	task.clear_ibuf [dreg:s7], $0x2FFFF;
	_ =	strace $0x9FFFFFFF  }
0xc2: {  	(tm) =	ssettm $0x7FFFFFFF  }
0xc3: {  	_ =	shalt  }
tec
execute0_lowered:
.L_overlay_start_1:
0x0: {  	(tag) =	ssettag $0x1  }
0x1: {  	s3 =	stileid.u32  }
0x2: {  	p0 =	sne.s32 s3, $0x0  }
.Ltmp0:
0x3: {  	_ = 	snop;
	(pc) =	sbr.rel @p0 .LBB2_5-.Ltmp0, $4  }
0x4: {  	_ = 	snop  }
0x5: {  	s2 =	rddreg [dreg:$0x0];
	s1 =	simm.s32 $0x0  }
0x6: {  	[smem:$0x7FF] =	sst s1  }
0x7: {  	s6 =	rddreg [dreg:$0x1];
	_ =	strace $0x8000004A  }
0x8: {  	s3 =	srdreg.scid;
	s13 =	sadd.s32 $0x2000, s2  }
0x9: {  	s16 =	simm.s32 $0x1;
	s17 =	simm.s32 $0x3C00;
	s19 =	simm.f32 $1.000000000e+00  }
0xa: {  	s18 =	simm.s32 $0x5000;
	s20 =	simm.s32 $0x6500;
	s21 =	simm.s32 $0x6600  }
0xb: {  	s22 =	simm.s32 $0x6700;
	s23 =	simm.s32 $0x6800;
	s24 =	simm.s32 $0x6900  }
0xc: {  	s25 =	simm.s32 $0x0;
	s9 =	sand.u32 $0x1, s3;
	[dreg:$0x3] =	wrdreg s19  }
0xd: {  	s19 =	simm.s32 $0x6400;
	s12 =	smul.u32 $0x280, s9;
	s7 =	sshll.u32 s9, $0x5  }
0xe: {  	v1 =	vimm.s32 $0x1300;
	vm1 =	vcmask $0x300;
	s14 =	ssub.s32 $0x2, s9;
	s11 =	sadd.s32 s7, s2;
	s6 =	sadd.s32 s6, s7  }
0xf: {  	v0 =	vlaneseq.u32;
	vm2 =	vcmask $0x704;
	vm3 =	vcmask $0xB08;
	s15 =	sshrl.u32 s14, $0x1;
	s5 =	sadd.s32 s12, s2;
	s7 =	sadd.s32 $0x3800, s11  }
0x10: {  	v3 =	vimm.s32 $0xED8;
	v4 =	vimm.s32 $0x13121110;
	vm0 =	vmmov $0xf;
	s8 =	sadd.s32 $0x3A00, s11;
	s9 =	sadd.s32 $0x3C00, s11;
	s10 =	sadd.s32 $0x3E00, s11  }
0x11: {  	v2 =	vsel vm1, $0x1000, v1;
	v1 =	vmul.u32 $0x100, v0;
	v5 =	vsel vm1, $0xC80, v3;
	s11 =	sadd.s32 $0x4000, s11;
	s14 =	ssub.s32 s14, s15;
	s12 =	sadd.s32 s13, s12  }
0x12: {  	v6 =	vunpack.c.0.s8.s32 v4;
	v3 =	vmul.u32 $0xC8, v0;
	vm1 =	vcmask $0xF00;
	s15 =	simm.s32 $0x2800;
	s0 =	sadd.s32 $0x2600, s5;
	s31 =	sadd.s32 $0x2C00, s5  }
0x13: {  	v2 =	vsel vm2, $0x1100, v2;
	v4 =	vsel vm2, $0xD48, v5;
	v5 =	vimm.s32 $0x0;
	s4 =	sadd.s32 $0x3200, s5;
	s5 =	sadd.s32 $0x1A00, s5;
	[dreg:$0x4] =	wrdreg s0  }
0x14: {  	v2 =	vsel vm3, $0x1200, v2;
	v4 =	vsel vm3, $0xE10, v4;
	v6 =	vnsel vm1, $0x13, v6;
	s13 =	smax.u32 s14, $0x1;
	s14 =	simm.s32 $0x1400;
	[dreg:$0x5] =	wrdreg s31  }
.LBB2_2:
0x15: {  	s26 =	simm.s32 $0x0  }
0x16: {  	[tilespmem:s26], [sflag:$0x1] =	stream.linear.gather [hbm4b:s12+s26], $0x1400, $0x38;
	[tilespmem:$0x6A00] =	vst v63  }
0x17: {  	_ =	swait.ge [sflag:s16], $0x1400  }
0x18: {  	[sflag:s16] =	ssyncset.done $0x0  }
0x19: {  	s0 =	rddreg [dreg:$0x4];
	[sflag:s16] =	ssyncadd.s32 $0xFFFFEC00  }
0x1a: {  	[tilespmem:s14], [sflag:$0x1] =	stream.linear.gather [hbm4b:s0+s26], $0x1400, $0x38;
	[tilespmem:$0x6A00] =	vst v63  }
0x1b: {  	_ =	swait.ge [sflag:s16], $0x1400  }
0x1c: {  	[sflag:s16] =	ssyncset.done $0x0  }
0x1d: {  	s2 =	rddreg [dreg:$0x5];
	[sflag:s16] =	ssyncadd.s32 $0xFFFFEC00  }
0x1e: {  	[tilespmem:s15], [sflag:$0x1] =	stream.linear.gather [hbm4b:s2+s26], $0x1400, $0x38;
	[tilespmem:$0x6A00] =	vst v63  }
0x1f: {  	_ =	swait.ge [sflag:s16], $0x1400  }
0x20: {  	[sflag:s16] =	ssyncset.done $0x0  }
0x21: {  	[sflag:s16] =	ssyncadd.s32 $0xFFFFEC00  }
0x22: {  	[tilespmem:s17], [sflag:$0x1] =	stream.linear.gather [hbm4b:s4+s26], $0x1400, $0x38;
	[tilespmem:$0x6A00] =	vst v63  }
0x23: {  	_ =	swait.ge [sflag:s16], $0x1400  }
0x24: {  	[sflag:s16] =	ssyncset.done $0x0  }
0x25: {  	v7 =	vadd.s32 v2, v5;
	[sflag:s16] =	ssyncadd.s32 $0xFFFFEC00  }
0x26: {  	[tilespmem:s18], [sflag:$0x1] =	stream.linear.gather [hbm4b:s5+s26], $0x1400, $0x38;
	[tilespmem:$0x6A00] =	vst v63  }
0x27: {  	v8 =	vadd.s32 v1, v5;
	_ =	swait.ge [sflag:s16], $0x1400  }
0x28: {  	[sflag:s16] =	ssyncset.done $0x0  }
0x29: {  	[sflag:s16] =	ssyncadd.s32 $0xFFFFEC00  }
0x2a: {  	v7 =	vld.idx.msk [tilespmem:v7+s1+$0x0], $0xffff;
	_ =	sdelay $0x1  }
0x2b: {  	v8 =	vld.idx.msk [tilespmem:v8+s1+$0x0], $0xffff;
	_ =	sdelay $0x2  }
0x2c: {  	v7 =	vnsel vm0, $0xCE6E6B28, v7  }
0x2d: {  	(xrf0) =	vmax.scan.msk.f32 $0xffff, v7  }
0x2e: {  	(xrf0) =	vmax.scan.msk.f32 $0xffff, v8;
	_ =	sdelay $0x4  }
0x2f: {  	v9, _, _ =	vpop (xrf0)  }
0x30: {  	v10, _, _ =	vpop (xrf0);
	(v2sf) =	vpush v9, $0xF  }
0x31: {  	(v2sf) =	vpush v10, $0xF;
	_ =	sdelay $0xd  }
0x32: {  	s28 =	spop (v2sf)  }
0x33: {  	s29 =	spop (v2sf)  }
0x34: {  	v9 =	vadd.s32 v3, v5;
	v10 =	vadd.s32 v4, v5;
	s28 =	smax.f32 s29, s28  }
0x35: {  	vm1 =	veq.f32 v8, s28;
	vm2 =	veq.f32 v7, s28;
	v7 =	vxor.u32 $0x80000000, v9  }
0x36: {  	v8 =	vxor.u32 $0x80000000, v10;
	vm2 =	vmand vm2, vm0;
	v7 =	vnsel vm1, $0xC0000000, v7  }
0x37: {  	v8 =	vnsel vm2, $0xC0000000, v8;
	(xrf0) =	vmin.scan.msk.u32 $0xffff, v7  }
0x38: {  	(xrf0) =	vmin.scan.msk.u32 $0xffff, v8;
	_ =	sdelay $0x4  }
0x39: {  	v7, _, _ =	vpop (xrf0)  }
0x3a: {  	(v2sf) =	vpush v7, $0xF;
	v7, _, _ =	vpop (xrf0)  }
0x3b: {  	(v2sf) =	vpush v7, $0xF;
	_ =	sdelay $0xd  }
0x3c: {  	s29 =	spop (v2sf)  }
0x3d: {  	s30 =	spop (v2sf)  }
0x3e: {  	s29 =	sxor.u32 $0x80000000, s29;
	s30 =	sxor.u32 $0x80000000, s30  }
0x3f: {  	p1 =	slt.s32 s29, s30  }
0x40: {  	s30 =	smov.u32 @p1 s29  }
0x41: {  	s29 =	smulhi.u32 $0x51EB851F, s30;
	s31 =	sshra.s32 s30, $0x1F  }
0x42: {  	s31 =	smul.u32 $0x51EB851F, s31;
	_ =	sdelay $0x1  }
0x43: {  	s29 =	sadd.s32 s31, s29  }
0x44: {  	s31 =	sshrl.u32 s29, $0x1F;
	s29 =	sshra.s32 s29, $0x6  }
0x45: {  	s29 =	sadd.s32 s31, s29  }
0x46: {  	s31 =	smul.u32 $0xFFFFFF38, s29  }
0x47: {  	s3 =	ssub.s32 $0x0, s30  }
0x48: {  	p1 =	slt.s32 s30, $0x1;
	p2 =	sne.s32 s31, s3  }
0x49: {  	p1 =	por !p1, !p2  }
0x4a: {  	s0 =	simm.s32 $0x1;
	p1 =	por !p1, !p1  }
0x4b: {  	s0 =	simm.s32 @!p1 $0x0  }
0x4c: {  	s0 =	ssub.s32 s29, s0  }
0x4d: {  	s29 =	smul.u32 $0xFFFFFF38, s0  }
0x4e: {  	v7 =	vmov s0  }
0x4f: {  	v8 =	vshll.u32 v7, $0x8;
	s29 =	sadd.s32 s30, s29  }
0x50: {  	v8 =	vadd.s32 s29, v8;
	_ =	sdelay $0x4  }
0x51: {  	v11 =	vmov s26;
	s0 =	sadd.s32 $0x1, s0;
	v10 =	vld.idx.msk [tilespmem:v8+s14+$0x0], $0xffff  }
0x52: {  	p1 =	sgt.f32 s28, $9.999999770e-03;
	s0 =	scvt.s32.f32 s0;
	vm1 =	veq.s32 v7, v0;
	v14 =	vld.idx.msk [tilespmem:v8+s15+$0x0], $0xffff  }
0x53: {  	vm2 =	veq.s32 v7, v6;
	v7 =	vsel vm1, $0x1, v5;
	v16 =	vld.idx.msk [tilespmem:v8+s17+$0x0], $0xffff  }
0x54: {  	vm1 =	vmand vm2, vm0;
	s29 =	rddreg [dreg:$0x3];
	s0 =	simm.s32 @!p1 $0x0;
	v7 =	vadd.s32 v7, v5  }
0x55: {  	s28 =	simm.s32 @!p1 $0x0;
	v13 =	vsel vm1, $0x1, v5;
	v9 =	vadd.s32 v3, v7;
	v15 =	vmov s0;
	s29 =	simm.s32 @!p1 $0x0  }
0x56: {  	v12 =	vld.idx.msk [tilespmem:v8+s18+$0x0], $0xffff;
	v8 =	vadd.s32 v13, v5;
	[tilespmem:v11+s19+$0x0] =	vst.idx.msk $0x1, v15;
	v13 =	vmov s28;
	v17 =	vmul.f32 s29, v10  }
0x57: {  	[tilespmem:v11+s20+$0x0] =	vst.idx.msk $0x1, v13;
	v13 =	vadd.s32 v2, v8;
	v10 =	vadd.s32 v4, v8  }
0x58: {  	s26 =	simm.s32 $0x1;
	s28 =	simm.s32 $0x2;
	v15 =	vmul.f32 s29, v14;
	v14 =	vadd.s32 v1, v7;
	v16 =	vmul.f32 s29, v16;
	[tilespmem:v11+s21+$0x0] =	vst.idx.msk $0x1, v17  }
.LBB2_3:
0x59: {  	_ =	sdelay $0x1  }
0x5a: {  	[tilespmem:v11+s22+$0x0] =	vst.idx.msk $0x1, v15;
	v12 =	vmul.f32 s29, v12  }
0x5b: {  	[tilespmem:v11+s23+$0x0] =	vst.idx.msk $0x1, v16  }
0x5c: {  	[tilespmem:v11+s24+$0x0] =	vst.idx.msk $0x1, v12  }
0x5d: {  	v11 =	vld.idx.msk [tilespmem:v13+s1+$0x0], $0xffff;
	_ =	sdelay $0x1  }
0x5e: {  	v12 =	vld.idx.msk [tilespmem:v14+s1+$0x0], $0xffff;
	_ =	sdelay $0x2  }
0x5f: {  	v11 =	vnsel vm0, $0xCE6E6B28, v11  }
0x60: {  	(xrf0) =	vmax.scan.msk.f32 $0xffff, v11  }
0x61: {  	(xrf0) =	vmax.scan.msk.f32 $0xffff, v12;
	_ =	sdelay $0x4  }
0x62: {  	v13, _, _ =	vpop (xrf0)  }
0x63: {  	v14, _, _ =	vpop (xrf0);
	(v2sf) =	vpush v13, $0xF  }
0x64: {  	(v2sf) =	vpush v14, $0xF;
	_ =	sdelay $0xd  }
0x65: {  	s0 =	spop (v2sf)  }
0x66: {  	s30 =	spop (v2sf)  }
0x67: {  	s30 =	smax.f32 s30, s0  }
0x68: {  	v9 =	vxor.u32 $0x80000000, v9;
	vm1 =	veq.f32 v12, s30;
	vm2 =	veq.f32 v11, s30  }
0x69: {  	v10 =	vxor.u32 $0x80000000, v10;
	vm2 =	vmand vm2, vm0;
	v9 =	vnsel vm1, $0xC0000000, v9  }
0x6a: {  	v10 =	vnsel vm2, $0xC0000000, v10;
	(xrf0) =	vmin.scan.msk.u32 $0xffff, v9  }
0x6b: {  	(xrf0) =	vmin.scan.msk.u32 $0xffff, v10;
	_ =	sdelay $0x4  }
0x6c: {  	v9, _, _ =	vpop (xrf0)  }
0x6d: {  	(v2sf) =	vpush v9, $0xF;
	v9, _, _ =	vpop (xrf0)  }
0x6e: {  	(v2sf) =	vpush v9, $0xF;
	_ =	sdelay $0xd  }
0x6f: {  	s3 =	spop (v2sf)  }
0x70: {  	s31 =	spop (v2sf)  }
0x71: {  	s0 =	sxor.u32 $0x80000000, s3;
	s31 =	sxor.u32 $0x80000000, s31  }
0x72: {  	p2 =	slt.s32 s0, s31  }
0x73: {  	s31 =	smov.u32 @p2 s0  }
0x74: {  	s0 =	smulhi.u32 $0x51EB851F, s31;
	s2 =	sshra.s32 s31, $0x1F  }
0x75: {  	s2 =	smul.u32 $0x51EB851F, s2;
	_ =	sdelay $0x1  }
0x76: {  	s0 =	sadd.s32 s2, s0  }
0x77: {  	s2 =	sshrl.u32 s0, $0x1F;
	s0 =	sshra.s32 s0, $0x6  }
0x78: {  	s0 =	sadd.s32 s2, s0  }
0x79: {  	s2 =	smul.u32 $0xFFFFFF38, s0  }
0x7a: {  	s3 =	ssub.s32 $0x0, s31  }
0x7b: {  	p2 =	slt.s32 s31, $0x1;
	p3 =	sne.s32 s2, s3  }
0x7c: {  	p2 =	por !p2, !p3  }
0x7d: {  	s2 =	simm.s32 $0x1;
	p2 =	por !p2, !p2  }
0x7e: {  	s2 =	simm.s32 @!p2 $0x0  }
0x7f: {  	s0 =	ssub.s32 s0, s2  }
0x80: {  	s2 =	smul.u32 $0xFFFFFF38, s0  }
0x81: {  	v9 =	vmov s0  }
0x82: {  	vm1 =	veq.s32 v9, v0;
	vm2 =	veq.s32 v9, v6;
	v9 =	vshll.u32 v9, $0x8;
	s2 =	sadd.s32 s31, s2  }
0x83: {  	v12 =	vadd.s32 s2, v9;
	_ =	sdelay $0x4  }
0x84: {  	v11 =	vmov s26;
	s0 =	sadd.s32 $0x1, s0;
	v14 =	vld.idx.msk [tilespmem:v12+s14+$0x0], $0xffff  }
0x85: {  	s29 =	smov.u32 s28;
	p2 =	sgt.f32 s30, $9.999999770e-03;
	s0 =	scvt.s32.f32 s0;
	v15 =	vld.idx.msk [tilespmem:v12+s15+$0x0], $0xffff  }
0x86: {  	p1 =	sne.s32 s28, $0xC7;
	s26 =	smov.u32 s29;
	v10 =	vsel vm1, $0x1, v5;
	v16 =	vld.idx.msk [tilespmem:v12+s17+$0x0], $0xffff  }
.Ltmp1:
0x87: {  	s29 =	rddreg [dreg:$0x3];
	vm1 =	vmand vm2, vm0;
	s0 =	simm.s32 @!p2 $0x0;
	v7 =	vadd.s32 v10, v7;
	(pc) =	sbr.rel @p1 .LBB2_3-.Ltmp1, $4  }
0x88: {  	s30 =	simm.s32 @!p2 $0x0;
	s29 =	simm.s32 @!p2 $0x0;
	v10 =	vsel vm1, $0x1, v5;
	v9 =	vadd.s32 v3, v7;
	v13 =	vmov s0  }
0x89: {  	v8 =	vadd.s32 v10, v8;
	v12 =	vld.idx.msk [tilespmem:v12+s18+$0x0], $0xffff;
	[tilespmem:v11+s19+$0x0] =	vst.idx.msk $0x1, v13;
	v13 =	vmov s30;
	v17 =	vmul.f32 s29, v14  }
0x8a: {  	v10 =	vadd.s32 v4, v8;
	[tilespmem:v11+s20+$0x0] =	vst.idx.msk $0x1, v13;
	v13 =	vadd.s32 v2, v8  }
0x8b: {  	s28 =	sadd.s32 $0x1, s28;
	v15 =	vmul.f32 s29, v15;
	v14 =	vadd.s32 v1, v7;
	v16 =	vmul.f32 s29, v16;
	[tilespmem:v11+s21+$0x0] =	vst.idx.msk $0x1, v17  }
0x8c: {  	_ =	sdelay $0x3  }
0x8d: {  	[tilespmem:v11+s22+$0x0] =	vst.idx.msk $0x1, v15;
	v7 =	vmul.f32 s29, v12  }
0x8e: {  	[tilespmem:v11+s23+$0x0] =	vst.idx.msk $0x1, v16  }
0x8f: {  	[tilespmem:v11+s24+$0x0] =	vst.idx.msk $0x1, v7  }
0x90: {  	v7 =	vld.idx.msk [tilespmem:v13+s1+$0x0], $0xffff;
	_ =	sdelay $0x1  }
0x91: {  	v8 =	vld.idx.msk [tilespmem:v14+s1+$0x0], $0xffff;
	_ =	sdelay $0x2  }
0x92: {  	v7 =	vnsel vm0, $0xCE6E6B28, v7  }
0x93: {  	(xrf0) =	vmax.scan.msk.f32 $0xffff, v7  }
0x94: {  	(xrf0) =	vmax.scan.msk.f32 $0xffff, v8;
	_ =	sdelay $0x4  }
0x95: {  	v57, _, _ =	vpop (xrf0)  }
0x96: {  	v58, _, _ =	vpop (xrf0);
	(v2sf) =	vpush v57, $0xF  }
0x97: {  	(v2sf) =	vpush v58, $0xF;
	_ =	sdelay $0xd  }
0x98: {  	s0 =	spop (v2sf)  }
0x99: {  	s2 =	spop (v2sf)  }
0x9a: {  	s0 =	smax.f32 s2, s0  }
0x9b: {  	vm1 =	veq.f32 v8, s0;
	vm2 =	veq.f32 v7, s0;
	v7 =	vxor.u32 $0x80000000, v9  }
0x9c: {  	v8 =	vxor.u32 $0x80000000, v10;
	vm2 =	vmand vm2, vm0;
	v7 =	vnsel vm1, $0xC0000000, v7  }
0x9d: {  	v8 =	vnsel vm2, $0xC0000000, v8;
	(xrf0) =	vmin.scan.msk.u32 $0xffff, v7  }
0x9e: {  	(xrf0) =	vmin.scan.msk.u32 $0xffff, v8;
	_ =	sdelay $0x4  }
0x9f: {  	v7, _, _ =	vpop (xrf0)  }
0xa0: {  	(v2sf) =	vpush v7, $0xF;
	v7, _, _ =	vpop (xrf0)  }
0xa1: {  	(v2sf) =	vpush v7, $0xF;
	_ =	sdelay $0xd  }
0xa2: {  	s30 =	spop (v2sf)  }
0xa3: {  	s3 =	spop (v2sf)  }
0xa4: {  	s2 =	sxor.u32 $0x80000000, s30;
	s3 =	sxor.u32 $0x80000000, s3  }
0xa5: {  	p1 =	slt.s32 s2, s3  }
0xa6: {  	s3 =	smov.u32 @p1 s2  }
0xa7: {  	s2 =	smulhi.u32 $0x51EB851F, s3;
	s28 =	sshra.s32 s3, $0x1F  }
0xa8: {  	s28 =	smul.u32 $0x51EB851F, s28;
	_ =	sdelay $0x1  }
0xa9: {  	s2 =	sadd.s32 s28, s2  }
0xaa: {  	s28 =	sshrl.u32 s2, $0x1F;
	s2 =	sshra.s32 s2, $0x6  }
0xab: {  	s2 =	sadd.s32 s28, s2  }
0xac: {  	s28 =	smul.u32 $0xFFFFFF38, s2  }
0xad: {  	s31 =	ssub.s32 $0x0, s3  }
0xae: {  	p1 =	slt.s32 s3, $0x1;
	p2 =	sne.s32 s28, s31  }
0xaf: {  	p1 =	por !p1, !p2  }
0xb0: {  	s28 =	simm.s32 $0x1;
	p1 =	por !p1, !p1  }
0xb1: {  	s28 =	simm.s32 @!p1 $0x0  }
0xb2: {  	s2 =	ssub.s32 s2, s28  }
0xb3: {  	s28 =	smul.u32 $0xFFFFFF38, s2  }
0xb4: {  	v7 =	vmov s2  }
0xb5: {  	v7 =	vshll.u32 v7, $0x8;
	s3 =	sadd.s32 s3, s28  }
0xb6: {  	v7 =	vadd.s32 s3, v7;
	_ =	sdelay $0x4  }
0xb7: {  	v8 =	vmov s26;
	s2 =	sadd.s32 $0x1, s2;
	v59 =	vld.idx.msk [tilespmem:v7+s14+$0x0], $0xffff  }
0xb8: {  	p1 =	sgt.f32 s0, $9.999999770e-03;
	s2 =	scvt.s32.f32 s2;
	v60 =	vld.idx.msk [tilespmem:v7+s15+$0x0], $0xffff  }
0xb9: {  	v61 =	vld.idx.msk [tilespmem:v7+s17+$0x0], $0xffff  }
0xba: {  	s3 =	rddreg [dreg:$0x3];
	s2 =	simm.s32 @!p1 $0x0;
	v7 =	vld.idx.msk [tilespmem:v7+s18+$0x0], $0xffff  }
0xbb: {  	s0 =	simm.s32 @!p1 $0x0;
	v62 =	vmov s2;
	s3 =	simm.s32 @!p1 $0x0  }
0xbc: {  	v63 =	vmov s0;
	[tilespmem:v8+s19+$0x0] =	vst.idx.msk $0x1, v62;
	v9 =	vmul.f32 s3, v59  }
0xbd: {  	[tilespmem:v8+s20+$0x0] =	vst.idx.msk $0x1, v63;
	v10 =	vmul.f32 s3, v60  }
0xbe: {  	v11 =	vmul.f32 s3, v61;
	[tilespmem:v8+s21+$0x0] =	vst.idx.msk $0x1, v9  }
0xbf: {  	v7 =	vmul.f32 s3, v7;
	[tilespmem:v8+s22+$0x0] =	vst.idx.msk $0x1, v10  }
0xc0: {  	[tilespmem:v8+s23+$0x0] =	vst.idx.msk $0x1, v11  }
0xc1: {  	[tilespmem:v8+s24+$0x0] =	vst.idx.msk $0x1, v7  }
0xc2: {  	[hbm4b:s6+s1] =	stream.linear.scatter [tilespmem:s19], [sflag:$0x1], $0x100, $0x38;
	[tilespmem:$0x6A00] =	vst v63  }
0xc3: {  	_ =	swait.ge [sflag:s16], $0x100  }
0xc4: {  	[sflag:s16] =	ssyncset.done $0x0  }
0xc5: {  	[sflag:s16] =	ssyncadd.s32 $0xFFFFFF00  }
0xc6: {  	[hbm4b:s7+s1] =	stream.linear.scatter [tilespmem:s20], [sflag:$0x1], $0x100, $0x38;
	[tilespmem:$0x6A00] =	vst v63  }
0xc7: {  	_ =	swait.ge [sflag:s16], $0x100  }
0xc8: {  	[sflag:s16] =	ssyncset.done $0x0  }
0xc9: {  	[sflag:s16] =	ssyncadd.s32 $0xFFFFFF00  }
0xca: {  	[hbm4b:s8+s1] =	stream.linear.scatter [tilespmem:s21], [sflag:$0x1], $0x100, $0x38;
	[tilespmem:$0x6A00] =	vst v63  }
0xcb: {  	_ =	swait.ge [sflag:s16], $0x100  }
0xcc: {  	[sflag:s16] =	ssyncset.done $0x0  }
0xcd: {  	[sflag:s16] =	ssyncadd.s32 $0xFFFFFF00  }
0xce: {  	[hbm4b:s9+s1] =	stream.linear.scatter [tilespmem:s22], [sflag:$0x1], $0x100, $0x38;
	[tilespmem:$0x6A00] =	vst v63  }
0xcf: {  	_ =	swait.ge [sflag:s16], $0x100  }
0xd0: {  	[sflag:s16] =	ssyncset.done $0x0  }
0xd1: {  	[sflag:s16] =	ssyncadd.s32 $0xFFFFFF00  }
0xd2: {  	[hbm4b:s10+s1] =	stream.linear.scatter [tilespmem:s23], [sflag:$0x1], $0x100, $0x38;
	[tilespmem:$0x6A00] =	vst v63  }
0xd3: {  	s25 =	sadd.s32 $0x1, s25;
	_ =	swait.ge [sflag:s16], $0x100  }
0xd4: {  	p1 =	sne.s32 s25, s13;
	[sflag:s16] =	ssyncset.done $0x0  }
.Ltmp2:
0xd5: {  	[sflag:s16] =	ssyncadd.s32 $0xFFFFFF00;
	(pc) =	sbr.rel @p1 .LBB2_2-.Ltmp2, $4  }
0xd6: {  	[hbm4b:s11+s1] =	stream.linear.scatter [tilespmem:s24], [sflag:$0x1], $0x100, $0x38;
	[tilespmem:$0x6A00] =	vst v63  }
0xd7: {  	_ =	swait.ge [sflag:s16], $0x100  }
0xd8: {  	[sflag:s16] =	ssyncset.done $0x0  }
0xd9: {  	[sflag:s16] =	ssyncadd.s32 $0xFFFFFF00  }
.LBB2_5:
0xda: {  	_ =	sfence.sel $0x180000  }
0xdb: {  	[bflag:$0x0] =	sbarrier.arrive $0xFFFF  }
0xdc: {  	_ =	strace $0x9000004A  }
0xdd: {  	[bflag:$0x2] =	sbarrier.arrive $0xFFFF  }
0xde: {  	s0 =	rddreg [dreg:$0x2]  }
0xdf: {  	s0 =	sadd.s32 @!p0 $0x100000, s0  }
0xe0: {  	[sflag:s0] =	ssyncadd.tile.s32 @!p0 $0x1;
	_ =	shalt  }
.Lfunc_end2:
_tile_overlayer_lowered:
.L_overlay_start_2:
0xe1: {  	(tag) =	ssettag $0x2  }
0xe2: {  	s0 =	rddreg [dreg:$0x0];
	s2 =	stileid.u32  }
0xe3: {  	s1 =	rddreg [dreg:$0x1];
	p0 =	sne.s32 s2, $0x0  }
0xe4: {  	s3 =	rddreg [dreg:$0x2];
	[bflag:$0x3] =	sbarrier.arrive $0xFFFF;
	s2 =	simm.s32 @!p0 $0x1C01  }
0xe5: {  	[timem:s3], [sflag:s2] =	dma.local @!p0 [hbm:s0], s1  }
0xe6: {  	s0 =	simm.s32 @!p0 $0x1  }
0xe7: {  	_ =	swait.ge @!p0 [sflag:s0], s1  }
0xe8: {  	s1 =	ssub.s32 @!p0 $0x0, s1;
	[sflag:s0] =	ssyncset.done @!p0 $0x0  }
0xe9: {  	[sflag:s0] =	ssyncadd.s32 @!p0 s1  }
0xea: {  	[bflag:$0x3] =	sbarrier.arrive $0xFFFF  }
0xeb: {  	_ =	shalt  }

</sc_bundles>
